<compile_context>
chip_gen: v7x
topology: tpu7x:2x2x1
jax: 0.10.2.dev20260603
libtpu: 0.0.44.dev20260713+nightly
codegen_flags: <defaults>
</compile_context>

<pallas_src>
import functools

import jax
import jax.numpy as jnp
from jax import lax
from jax.experimental import pallas as pl
from jax.experimental.pallas import tpu as pltpu
from jax.experimental.pallas import tpu_sc as plsc

B = 4
S = 2048
D = 1024
OFFSET = 2
LANES = 16

_info = plsc.get_sparse_core_info()
NC = _info.num_cores
NS = _info.num_subcores
NW = NC * NS

S_PER_W = S // NW
CHUNK = 16
NSUB = S_PER_W // CHUNK
NCHUNK = B * NSUB
VPR = D // LANES
NBUF = 3


def _body(ids_hbm, tok_hbm, pos_hbm, out_hbm,
          idx_v, pidx_v, pos_v, tok_a, tok_b, tok_c,
          psem, gsem_a, gsem_b, gsem_c, ssem_a, ssem_b, ssem_c):
    c = lax.axis_index("c")
    s = lax.axis_index("s")
    wid = s * NC + c
    s0 = wid * S_PER_W

    toks = (tok_a, tok_b, tok_c)
    gsems = (gsem_a, gsem_b, gsem_c)
    ssems = (ssem_a, ssem_b, ssem_c)

    for t in range(S_PER_W // LANES):
        pidx_v[pl.ds(t * LANES, LANES)] = (
            lax.iota(jnp.int32, LANES) + (s0 + OFFSET + t * LANES))
    pos_cp = pltpu.async_copy(pos_hbm.at[pidx_v], pos_v, psem)
    col0 = (wid // 2) * (2 * S_PER_W)
    coff = (wid % 2) * S_PER_W
    pltpu.sync_copy(ids_hbm.at[:, pl.ds(col0, 2 * S_PER_W)], idx_v)

    def issue_gather(k, p):
        b = k // NSUB
        sub = k % NSUB
        pltpu.async_copy(
            tok_hbm.at[idx_v.at[b, pl.ds(coff + sub * CHUNK, CHUNK)]],
            toks[p], gsems[p])

    issue_gather(0, 0)
    issue_gather(1, 1)
    pos_cp.wait()

    def wait_gather(p):
        pltpu.make_async_copy(tok_hbm.at[idx_v.at[0, pl.ds(0, CHUNK)]],
                              toks[p], gsems[p]).wait()

    def wait_store(p):
        pltpu.make_async_copy(toks[p], out_hbm.at[0, pl.ds(0, CHUNK)],
                              ssems[p]).wait()

    def run_group(g, _):
        for p in range(NBUF):
            k = g * NBUF + p

            @pl.when(k < NCHUNK)
            def _():
                wait_gather(p)
                tok = toks[p]
                row0 = (k % NSUB) * CHUNK

                def add_row(r, __):
                    for gg in range(VPR // 8):
                        sls = [pl.ds((gg * 8 + j) * LANES, LANES)
                               for j in range(8)]
                        vals = [pos_v[row0 + r, sl] for sl in sls]
                        for sl, v in zip(sls, vals):
                            plsc.addupdate(tok.at[r, sl], v)
                    return 0

                lax.fori_loop(0, CHUNK, add_row, 0)
                pltpu.async_copy(
                    tok, out_hbm.at[k // NSUB, pl.ds(s0 + row0, CHUNK)],
                    ssems[p])

            @pl.when(jnp.logical_and(k >= 1, k + 2 < NCHUNK))
            def _():
                wait_store((p + 2) % NBUF)

            @pl.when(k + 2 < NCHUNK)
            def _():
                issue_gather(k + 2, (p + 2) % NBUF)
        return 0

    lax.fori_loop(0, (NCHUNK + NBUF - 1) // NBUF, run_group, 0)

    wait_store((NCHUNK - 3) % NBUF)
    wait_store((NCHUNK - 2) % NBUF)
    wait_store((NCHUNK - 1) % NBUF)


_sc_call = functools.partial(
    pl.kernel,
    out_type=jax.ShapeDtypeStruct((B, S, D), jnp.float32),
    mesh=plsc.VectorSubcoreMesh(core_axis_name="c", subcore_axis_name="s"),
    scratch_types=[
        pltpu.VMEM((B, 2 * S_PER_W), jnp.int32),
        pltpu.VMEM((S_PER_W,), jnp.int32),
        pltpu.VMEM((S_PER_W, D), jnp.float32),
        pltpu.VMEM((CHUNK, D), jnp.float32),
        pltpu.VMEM((CHUNK, D), jnp.float32),
        pltpu.VMEM((CHUNK, D), jnp.float32),
        pltpu.SemaphoreType.DMA,
        pltpu.SemaphoreType.DMA,
        pltpu.SemaphoreType.DMA,
        pltpu.SemaphoreType.DMA,
        pltpu.SemaphoreType.DMA,
        pltpu.SemaphoreType.DMA,
        pltpu.SemaphoreType.DMA,
    ],
)(_body)


def kernel(input_ids, embed_tokens_weight, embed_positions_weight):
    return _sc_call(input_ids, embed_tokens_weight, embed_positions_weight)

# --- scband reference (transcript-rebuilt; emitter-appended) ---
"""Pipeline reference for scband-gptembeddings-16441134809744 (READ-ONLY COPY).

The authoritative reference and input builder live on the scoring server;
editing this copy changes nothing except your own understanding.
"""

import jax, jax.numpy as jnp
import numpy as np

VOCAB = 50272
D = 1024
MAX_POS = 2048
OFFSET = 2  # OPTLearnedPositionalEmbedding offset
PAD = 1
B = 4
S = 2048


def setup_inputs(seed: int = 0) -> dict:
    key = jax.random.key(seed)
    k1, k2, k3 = jax.random.split(key, 3)
    input_ids = jax.random.randint(k1, (B, S), 0, VOCAB)
    embed_tokens_weight = jax.random.normal(k2, (VOCAB, D), dtype=jnp.float32) * 0.02
    embed_tokens_weight = embed_tokens_weight.at[PAD].set(0.0)  # padding_idx row zeroed
    embed_positions_weight = jax.random.normal(k3, (MAX_POS + OFFSET, D), dtype=jnp.float32) * 0.02
    return {
        "input_ids": input_ids,
        "embed_tokens_weight": embed_tokens_weight,
        "embed_positions_weight": embed_positions_weight,
    }


def reference(input_ids, embed_tokens_weight, embed_positions_weight):
    # past_layer=None, mask=None -> past_length = 0
    input_shape = input_ids.shape
    input_ids = input_ids.reshape(-1, input_shape[-1])
    # token embedding gather
    inputs_embeds = jnp.take(embed_tokens_weight, input_ids, axis=0)
    # position ids: arange + past_length(0) + offset(2)
    position_ids = jnp.arange(0, input_shape[-1], dtype=jnp.int32)[None, :].reshape(-1, input_shape[-1])
    position_ids = position_ids + 0 + OFFSET
    position_ids = jnp.where(position_ids < 0, 0, position_ids)
    position_embeds = jnp.take(embed_positions_weight, position_ids, axis=0)
    # project_in is None since word_embed_proj_dim == hidden_size
    hidden_states = inputs_embeds + position_embeds
    return hidden_states

if __name__ == "__main__":
    import jax
    _d = setup_inputs()
    print(jax.jit(kernel)(*tuple(_d.values())))

</pallas_src>

<mosaic_0001>
#map = affine_map<(d0, d1) -> (0, 0)>
#map1 = affine_map<(d0, d1) -> (0, 0, 0)>
module attributes {stable_mosaic.version = 14 : i64} {
  func.func @_body(%arg0: i32, %arg1: i32, %arg2: memref<4x2048xi32, #tpu.memory_space<hbm>>, %arg3: memref<50272x1024xf32, #tpu.memory_space<hbm>>, %arg4: memref<2050x1024xf32, #tpu.memory_space<hbm>>, %arg5: memref<4x2048x1024xf32, #tpu.memory_space<hbm>>, %arg6: memref<4x128xi32, #tpu.memory_space<vmem>>, %arg7: memref<64xi32, #tpu.memory_space<vmem>>, %arg8: memref<64x1024xf32, #tpu.memory_space<vmem>>, %arg9: memref<16x1024xf32, #tpu.memory_space<vmem>>, %arg10: memref<16x1024xf32, #tpu.memory_space<vmem>>, %arg11: memref<16x1024xf32, #tpu.memory_space<vmem>>, %arg12: memref<!tpu.dma_semaphore, #tpu.memory_space<semaphore_mem>>, %arg13: memref<!tpu.dma_semaphore, #tpu.memory_space<semaphore_mem>>, %arg14: memref<!tpu.dma_semaphore, #tpu.memory_space<semaphore_mem>>, %arg15: memref<!tpu.dma_semaphore, #tpu.memory_space<semaphore_mem>>, %arg16: memref<!tpu.dma_semaphore, #tpu.memory_space<semaphore_mem>>, %arg17: memref<!tpu.dma_semaphore, #tpu.memory_space<semaphore_mem>>, %arg18: memref<!tpu.dma_semaphore, #tpu.memory_space<semaphore_mem>>) attributes {dimension_semantics = [#tpu.dimension_semantics<core_parallel>, #tpu.dimension_semantics<subcore_parallel>], iteration_bounds = array<i64: 2, 16>, scalar_prefetch = 0 : i64, scratch_operands = 13 : i64, tpu.core_type = #tpu.core_type<sc_vector_subcore>, window_params = [{transform_indices = #map}, {transform_indices = #map}, {transform_indices = #map}, {transform_indices = #map1}]} {
    %mul3A = arith.constant 2 : i32
    %mul3A_0 = arith.muli %arg1, %mul3A : i32
    %add3A = arith.addi %mul3A_0, %arg0 : i32
    %mul3A_1 = arith.constant 64 : i32
    %mul3A_2 = arith.muli %add3A, %mul3A_1 : i32
    %iota3A = tpu.iota {dimensions = array<i32: 0>} : vector<16xi32>
    %add3A_3 = arith.constant 2 : i32
    %add3A_4 = arith.addi %mul3A_2, %add3A_3 : i32
    %add3A_5 = arith.constant 0 : i32
    %add3A_6 = arith.addi %add3A_4, %add3A_5 : i32
    %add3A_7 = vector.broadcast %add3A_6 : i32 to vector<16xi32>
    %add3A_8 = arith.addi %iota3A, %add3A_7 : vector<16xi32>
    %swap3A = arith.constant 0 : index
    %swap3A_9 = tpu.vector_load %arg7[%swap3A] {strides = array<i32>} : memref<64xi32, #tpu.memory_space<vmem>>, vector<16xi32>,
    %swap3A_10 = vector.shape_cast %swap3A_9 : vector<16xi32> to vector<16xi32>
    %swap3A_11 = vector.shape_cast %add3A_8 : vector<16xi32> to vector<16xi32>
    tpu.vector_store %arg7[%swap3A], %swap3A_11 {strides = array<i32>} : memref<64xi32, #tpu.memory_space<vmem>>, vector<16xi32>,
    %iota3A_12 = tpu.iota {dimensions = array<i32: 0>} : vector<16xi32>
    %add3A_13 = arith.constant 2 : i32
    %add3A_14 = arith.addi %mul3A_2, %add3A_13 : i32
    %add3A_15 = arith.constant 16 : i32
    %add3A_16 = arith.addi %add3A_14, %add3A_15 : i32
    %add3A_17 = vector.broadcast %add3A_16 : i32 to vector<16xi32>
    %add3A_18 = arith.addi %iota3A_12, %add3A_17 : vector<16xi32>
    %swap3A_19 = arith.constant 16 : index
    %swap3A_20 = tpu.vector_load %arg7[%swap3A_19] {strides = array<i32>} : memref<64xi32, #tpu.memory_space<vmem>>, vector<16xi32>,
    %swap3A_21 = vector.shape_cast %swap3A_20 : vector<16xi32> to vector<16xi32>
    %swap3A_22 = vector.shape_cast %add3A_18 : vector<16xi32> to vector<16xi32>
    tpu.vector_store %arg7[%swap3A_19], %swap3A_22 {strides = array<i32>} : memref<64xi32, #tpu.memory_space<vmem>>, vector<16xi32>,
    %iota3A_23 = tpu.iota {dimensions = array<i32: 0>} : vector<16xi32>
    %add3A_24 = arith.constant 2 : i32
    %add3A_25 = arith.addi %mul3A_2, %add3A_24 : i32
    %add3A_26 = arith.constant 32 : i32
    %add3A_27 = arith.addi %add3A_25, %add3A_26 : i32
    %add3A_28 = vector.broadcast %add3A_27 : i32 to vector<16xi32>
    %add3A_29 = arith.addi %iota3A_23, %add3A_28 : vector<16xi32>
    %swap3A_30 = arith.constant 32 : index
    %swap3A_31 = tpu.vector_load %arg7[%swap3A_30] {strides = array<i32>} : memref<64xi32, #tpu.memory_space<vmem>>, vector<16xi32>,
    %swap3A_32 = vector.shape_cast %swap3A_31 : vector<16xi32> to vector<16xi32>
    %swap3A_33 = vector.shape_cast %add3A_29 : vector<16xi32> to vector<16xi32>
    tpu.vector_store %arg7[%swap3A_30], %swap3A_33 {strides = array<i32>} : memref<64xi32, #tpu.memory_space<vmem>>, vector<16xi32>,
    %iota3A_34 = tpu.iota {dimensions = array<i32: 0>} : vector<16xi32>
    %add3A_35 = arith.constant 2 : i32
    %add3A_36 = arith.addi %mul3A_2, %add3A_35 : i32
    %add3A_37 = arith.constant 48 : i32
    %add3A_38 = arith.addi %add3A_36, %add3A_37 : i32
    %add3A_39 = vector.broadcast %add3A_38 : i32 to vector<16xi32>
    %add3A_40 = arith.addi %iota3A_34, %add3A_39 : vector<16xi32>
    %swap3A_41 = arith.constant 48 : index
    %swap3A_42 = tpu.vector_load %arg7[%swap3A_41] {strides = array<i32>} : memref<64xi32, #tpu.memory_space<vmem>>, vector<16xi32>,
    %swap3A_43 = vector.shape_cast %swap3A_42 : vector<16xi32> to vector<16xi32>
    %swap3A_44 = vector.shape_cast %add3A_40 : vector<16xi32> to vector<16xi32>
    tpu.vector_store %arg7[%swap3A_41], %swap3A_44 {strides = array<i32>} : memref<64xi32, #tpu.memory_space<vmem>>, vector<16xi32>,
    %dma_start3A = arith.constant 0 : i32
    %dma_start3A_45 = arith.constant 0 : i32
    %dma_start3A_46 = tpu.memref_slice %arg4[%dma_start3A, %dma_start3A_45] : memref<2050x1024xf32, #tpu.memory_space<hbm>> -> memref<2050x1024xf32, #tpu.memory_space<hbm>>
    tpu.enqueue_indirect_dma source(%dma_start3A_46 : memref<2050x1024xf32, #tpu.memory_space<hbm>>) target(%arg8 : memref<64x1024xf32, #tpu.memory_space<vmem>>) offsets(%arg7 : memref<64xi32, #tpu.memory_space<vmem>>) semaphore(%arg12 : memref<!tpu.dma_semaphore, #tpu.memory_space<semaphore_mem>>)
    %jit3A = arith.constant 2 : i32
    %div3A = arith.divsi %add3A, %jit3A : i32
    %sign3A = arith.constant 0 : i32
    %sign3A_47 = arith.cmpi sgt, %add3A, %sign3A : i32
    %sign3A_48 = arith.extui %sign3A_47 : i1 to i32
    %sign3A_49 = arith.constant 0 : i32
    %sign3A_50 = arith.cmpi slt, %add3A, %sign3A_49 : i32
    %sign3A_51 = arith.extui %sign3A_50 : i1 to i32
    %sign3A_52 = arith.subi %sign3A_48, %sign3A_51 : i32
    %sign3A_53 = arith.constant 0 : i32
    %sign3A_54 = arith.cmpi sgt, %jit3A, %sign3A_53 : i32
    %sign3A_55 = arith.extui %sign3A_54 : i1 to i32
    %sign3A_56 = arith.constant 0 : i32
    %sign3A_57 = arith.cmpi slt, %jit3A, %sign3A_56 : i32
    %sign3A_58 = arith.extui %sign3A_57 : i1 to i32
    %sign3A_59 = arith.subi %sign3A_55, %sign3A_58 : i32
    %ne3A = arith.cmpi ne, %sign3A_52, %sign3A_59 : i32
    %rem3A = arith.remsi %add3A, %jit3A : i32
    %ne3A_60 = arith.constant 0 : i32
    %ne3A_61 = arith.cmpi ne, %rem3A, %ne3A_60 : i32
    %and3A = arith.andi %ne3A, %ne3A_61 : i1
    %sub3A = arith.constant 1 : i32
    %sub3A_62 = arith.subi %div3A, %sub3A : i32
    %select_n3A = arith.select %and3A, %sub3A_62, %div3A : i32
    %mul3A_63 = arith.constant 128 : i32
    %mul3A_64 = arith.muli %select_n3A, %mul3A_63 : i32
    %jit3A_65 = arith.constant 2 : i32
    %eq3A = arith.constant 0 : i32
    %eq3A_66 = arith.cmpi eq, %jit3A_65, %eq3A : i32
    %jit3A_67 = arith.constant 1 : i32
    %select_n3A_68 = arith.select %eq3A_66, %jit3A_67, %jit3A_65 : i32
    %rem3A_69 = arith.remsi %add3A, %select_n3A_68 : i32
    %ne3A_70 = arith.constant 0 : i32
    %ne3A_71 = arith.cmpi ne, %rem3A_69, %ne3A_70 : i32
    %lt3A = arith.constant 0 : i32
    %lt3A_72 = arith.cmpi slt, %rem3A_69, %lt3A : i32
    %lt3A_73 = arith.constant 0 : i32
    %lt3A_74 = arith.cmpi slt, %select_n3A_68, %lt3A_73 : i32
    %ne3A_75 = arith.xori %lt3A_72, %lt3A_74 : i1
    %and3A_76 = arith.andi %ne3A_75, %ne3A_71 : i1
    %add3A_77 = arith.addi %rem3A_69, %select_n3A_68 : i32
    %select_n3A_78 = arith.select %and3A_76, %add3A_77, %rem3A_69 : i32
    %mul3A_79 = arith.constant 64 : i32
    %mul3A_80 = arith.muli %select_n3A_78, %mul3A_79 : i32
    "tpu.region"() ({
      %run_scoped3A = tpu.sem_alloc : memref<!tpu.dma_semaphore, #tpu.memory_space<semaphore_mem>>
      %dma_start3A_132 = arith.constant 0 : i32
      %dma_start3A_133 = tpu.memref_slice %arg2[%dma_start3A_132, %mul3A_64] : memref<4x2048xi32, #tpu.memory_space<hbm>> -> memref<4x128xi32, #tpu.memory_space<hbm>>
      %dma_start3A_134 = arith.constant 0 : i32
      %dma_start3A_135 = tpu.memref_slice %arg2[%dma_start3A_134, %mul3A_64] : memref<4x2048xi32, #tpu.memory_space<hbm>> -> memref<4x128xi32, #tpu.memory_space<hbm>>
      tpu.enqueue_dma source(%dma_start3A_135 : memref<4x128xi32, #tpu.memory_space<hbm>>) target(%arg6 : memref<4x128xi32, #tpu.memory_space<vmem>>) target_semaphore(%run_scoped3A : memref<!tpu.dma_semaphore, #tpu.memory_space<semaphore_mem>>)
      %dma_wait3A_136 = arith.constant 0 : i32
      %dma_wait3A_137 = tpu.memref_slice %arg2[%dma_wait3A_136, %mul3A_64] : memref<4x2048xi32, #tpu.memory_space<hbm>> -> memref<4x128xi32, #tpu.memory_space<hbm>>
      %dma_wait3A_138 = arith.constant 0 : i32
      %dma_wait3A_139 = tpu.memref_slice %arg2[%dma_wait3A_138, %mul3A_64] : memref<4x2048xi32, #tpu.memory_space<hbm>> -> memref<4x128xi32, #tpu.memory_space<hbm>>
      tpu.wait_dma2 semaphore(%run_scoped3A : memref<!tpu.dma_semaphore, #tpu.memory_space<semaphore_mem>>) src(%dma_wait3A_139 : memref<4x128xi32, #tpu.memory_space<hbm>>) dst(%arg6 : memref<4x128xi32, #tpu.memory_space<vmem>>)
      tpu.yield
    }) : () -> ()
    %add3A_81 = arith.constant 0 : i32
    %add3A_82 = arith.addi %mul3A_80, %add3A_81 : i32
    %dma_start3A_83 = arith.constant 0 : i32
    %dma_start3A_84 = tpu.memref_slice %arg6[%dma_start3A_83, %add3A_82] : memref<4x128xi32, #tpu.memory_space<vmem>> -> memref<1x16xi32, #tpu.memory_space<vmem>>
    %dma_start3A_85 = tpu.memref_squeeze %dma_start3A_84 : memref<1x16xi32, #tpu.memory_space<vmem>> -> memref<16xi32, #tpu.memory_space<vmem>>
    %dma_start3A_86 = arith.constant 0 : i32
    %dma_start3A_87 = arith.constant 0 : i32
    %dma_start3A_88 = tpu.memref_slice %arg3[%dma_start3A_86, %dma_start3A_87] : memref<50272x1024xf32, #tpu.memory_space<hbm>> -> memref<50272x1024xf32, #tpu.memory_space<hbm>>
    tpu.enqueue_indirect_dma source(%dma_start3A_88 : memref<50272x1024xf32, #tpu.memory_space<hbm>>) target(%arg9 : memref<16x1024xf32, #tpu.memory_space<vmem>>) offsets(%dma_start3A_85 : memref<16xi32, #tpu.memory_space<vmem>>) semaphore(%arg13 : memref<!tpu.dma_semaphore, #tpu.memory_space<semaphore_mem>>)
    %add3A_89 = arith.constant 16 : i32
    %add3A_90 = arith.addi %mul3A_80, %add3A_89 : i32
    %dma_start3A_91 = arith.constant 0 : i32
    %dma_start3A_92 = tpu.memref_slice %arg6[%dma_start3A_91, %add3A_90] : memref<4x128xi32, #tpu.memory_space<vmem>> -> memref<1x16xi32, #tpu.memory_space<vmem>>
    %dma_start3A_93 = tpu.memref_squeeze %dma_start3A_92 : memref<1x16xi32, #tpu.memory_space<vmem>> -> memref<16xi32, #tpu.memory_space<vmem>>
    %dma_start3A_94 = arith.constant 0 : i32
    %dma_start3A_95 = arith.constant 0 : i32
    %dma_start3A_96 = tpu.memref_slice %arg3[%dma_start3A_94, %dma_start3A_95] : memref<50272x1024xf32, #tpu.memory_space<hbm>> -> memref<50272x1024xf32, #tpu.memory_space<hbm>>
    tpu.enqueue_indirect_dma source(%dma_start3A_96 : memref<50272x1024xf32, #tpu.memory_space<hbm>>) target(%arg10 : memref<16x1024xf32, #tpu.memory_space<vmem>>) offsets(%dma_start3A_93 : memref<16xi32, #tpu.memory_space<vmem>>) semaphore(%arg14 : memref<!tpu.dma_semaphore, #tpu.memory_space<semaphore_mem>>)
    %dma_wait3A = arith.constant 0 : i32
    %dma_wait3A_97 = arith.constant 0 : i32
    %dma_wait3A_98 = tpu.memref_slice %arg4[%dma_wait3A, %dma_wait3A_97] : memref<2050x1024xf32, #tpu.memory_space<hbm>> -> memref<2050x1024xf32, #tpu.memory_space<hbm>>
    tpu.wait_indirect_dma semaphore(%arg12 : memref<!tpu.dma_semaphore, #tpu.memory_space<semaphore_mem>>) src(%dma_wait3A_98 : memref<2050x1024xf32, #tpu.memory_space<hbm>>) dst(%arg8 : memref<64x1024xf32, #tpu.memory_space<vmem>>)
    %scan3A = arith.constant 0 : i32
    %scan3A_99 = arith.constant 0 : i32
    %scan3A_100 = arith.constant 6 : i32
    %scan3A_101 = arith.addi %scan3A_99, %scan3A_100 : i32
    %scan3A_102 = arith.constant 1 : i32
    %scan3A_103 = scf.for %scan3A_132 = %scan3A_99 to %scan3A_101 step %scan3A_102 iter_args(%scan3A_133 = %scan3A) -> (i32)  : i32 {
      %mul3A_134 = arith.constant 3 : i32
      %mul3A_135 = arith.muli %scan3A_132, %mul3A_134 : i32
      %add3A_136 = arith.constant 0 : i32
      %add3A_137 = arith.addi %mul3A_135, %add3A_136 : i32
      %lt3A_138 = arith.constant 16 : i32
      %lt3A_139 = arith.cmpi slt, %add3A_137, %lt3A_138 : i32
      %convert_element_type3A = arith.extui %lt3A_139 : i1 to i32
      %cond3A = arith.constant 0 : i32
      %cond3A_140 = arith.cmpi ne, %convert_element_type3A, %cond3A : i32
      scf.if %cond3A_140 {
        %dma_wait3A_210 = arith.constant 0 : i32
        %dma_wait3A_211 = arith.constant 0 : i32
        %dma_wait3A_212 = tpu.memref_slice %arg6[%dma_wait3A_210, %dma_wait3A_211] : memref<4x128xi32, #tpu.memory_space<vmem>> -> memref<1x16xi32, #tpu.memory_space<vmem>>
        %dma_wait3A_213 = tpu.memref_squeeze %dma_wait3A_212 : memref<1x16xi32, #tpu.memory_space<vmem>> -> memref<16xi32, #tpu.memory_space<vmem>>
        %dma_wait3A_214 = arith.constant 0 : i32
        %dma_wait3A_215 = arith.constant 0 : i32
        %dma_wait3A_216 = tpu.memref_slice %arg3[%dma_wait3A_214, %dma_wait3A_215] : memref<50272x1024xf32, #tpu.memory_space<hbm>> -> memref<50272x1024xf32, #tpu.memory_space<hbm>>
        tpu.wait_indirect_dma semaphore(%arg13 : memref<!tpu.dma_semaphore, #tpu.memory_space<semaphore_mem>>) src(%dma_wait3A_216 : memref<50272x1024xf32, #tpu.memory_space<hbm>>) dst(%arg9 : memref<16x1024xf32, #tpu.memory_space<vmem>>)
        %jit3A_217 = arith.constant 4 : i32
        %eq3A_218 = arith.constant 0 : i32
        %eq3A_219 = arith.cmpi eq, %jit3A_217, %eq3A_218 : i32
        %jit3A_220 = arith.constant 1 : i32
        %select_n3A_221 = arith.select %eq3A_219, %jit3A_220, %jit3A_217 : i32
        %rem3A_222 = arith.remsi %add3A_137, %select_n3A_221 : i32
        %ne3A_223 = arith.constant 0 : i32
        %ne3A_224 = arith.cmpi ne, %rem3A_222, %ne3A_223 : i32
        %lt3A_225 = arith.constant 0 : i32
        %lt3A_226 = arith.cmpi slt, %rem3A_222, %lt3A_225 : i32
        %lt3A_227 = arith.constant 0 : i32
        %lt3A_228 = arith.cmpi slt, %select_n3A_221, %lt3A_227 : i32
        %ne3A_229 = arith.xori %lt3A_226, %lt3A_228 : i1
        %and3A_230 = arith.andi %ne3A_229, %ne3A_224 : i1
        %add3A_231 = arith.addi %rem3A_222, %select_n3A_221 : i32
        %select_n3A_232 = arith.select %and3A_230, %add3A_231, %rem3A_222 : i32
        %mul3A_233 = arith.constant 16 : i32
        %mul3A_234 = arith.muli %select_n3A_232, %mul3A_233 : i32
        %scan3A_235 = arith.constant 0 : i32
        %scan3A_236 = arith.constant 0 : i32
        %scan3A_237 = arith.constant 16 : i32
        %scan3A_238 = arith.addi %scan3A_236, %scan3A_237 : i32
        %scan3A_239 = arith.constant 1 : i32
        %scan3A_240 = scf.for %scan3A_273 = %scan3A_236 to %scan3A_238 step %scan3A_239 iter_args(%scan3A_274 = %scan3A_235) -> (i32)  : i32 {
          %add3A_275 = arith.addi %mul3A_234, %scan3A_273 : i32
          %get3A = arith.index_cast %add3A_275 : i32 to index
          %get3A_276 = arith.constant 0 : index
          %get3A_277 = tpu.vector_load %arg8[%get3A, %get3A_276] {strides = array<i32>} : memref<64x1024xf32, #tpu.memory_space<vmem>>, vector<1x16xf32>,
          %get3A_278 = vector.shape_cast %get3A_277 : vector<1x16xf32> to vector<16xf32>
          %add3A_279 = arith.addi %mul3A_234, %scan3A_273 : i32
          %get3A_280 = arith.index_cast %add3A_279 : i32 to index
          %get3A_281 = arith.constant 16 : index
          %get3A_282 = tpu.vector_load %arg8[%get3A_280, %get3A_281] {strides = array<i32>} : memref<64x1024xf32, #tpu.memory_space<vmem>>, vector<1x16xf32>,
          %get3A_283 = vector.shape_cast %get3A_282 : vector<1x16xf32> to vector<16xf32>
          %add3A_284 = arith.addi %mul3A_234, %scan3A_273 : i32
          %get3A_285 = arith.index_cast %add3A_284 : i32 to index
          %get3A_286 = arith.constant 32 : index
          %get3A_287 = tpu.vector_load %arg8[%get3A_285, %get3A_286] {strides = array<i32>} : memref<64x1024xf32, #tpu.memory_space<vmem>>, vector<1x16xf32>,
          %get3A_288 = vector.shape_cast %get3A_287 : vector<1x16xf32> to vector<16xf32>
          %add3A_289 = arith.addi %mul3A_234, %scan3A_273 : i32
          %get3A_290 = arith.index_cast %add3A_289 : i32 to index
          %get3A_291 = arith.constant 48 : index
          %get3A_292 = tpu.vector_load %arg8[%get3A_290, %get3A_291] {strides = array<i32>} : memref<64x1024xf32, #tpu.memory_space<vmem>>, vector<1x16xf32>,
          %get3A_293 = vector.shape_cast %get3A_292 : vector<1x16xf32> to vector<16xf32>
          %add3A_294 = arith.addi %mul3A_234, %scan3A_273 : i32
          %get3A_295 = arith.index_cast %add3A_294 : i32 to index
          %get3A_296 = arith.constant 64 : index
          %get3A_297 = tpu.vector_load %arg8[%get3A_295, %get3A_296] {strides = array<i32>} : memref<64x1024xf32, #tpu.memory_space<vmem>>, vector<1x16xf32>,
          %get3A_298 = vector.shape_cast %get3A_297 : vector<1x16xf32> to vector<16xf32>
          %add3A_299 = arith.addi %mul3A_234, %scan3A_273 : i32
          %get3A_300 = arith.index_cast %add3A_299 : i32 to index
          %get3A_301 = arith.constant 80 : index
          %get3A_302 = tpu.vector_load %arg8[%get3A_300, %get3A_301] {strides = array<i32>} : memref<64x1024xf32, #tpu.memory_space<vmem>>, vector<1x16xf32>,
          %get3A_303 = vector.shape_cast %get3A_302 : vector<1x16xf32> to vector<16xf32>
          %add3A_304 = arith.addi %mul3A_234, %scan3A_273 : i32
          %get3A_305 = arith.index_cast %add3A_304 : i32 to index
          %get3A_306 = arith.constant 96 : index
          %get3A_307 = tpu.vector_load %arg8[%get3A_305, %get3A_306] {strides = array<i32>} : memref<64x1024xf32, #tpu.memory_space<vmem>>, vector<1x16xf32>,
          %get3A_308 = vector.shape_cast %get3A_307 : vector<1x16xf32> to vector<16xf32>
          %add3A_309 = arith.addi %mul3A_234, %scan3A_273 : i32
          %get3A_310 = arith.index_cast %add3A_309 : i32 to index
          %get3A_311 = arith.constant 112 : index
          %get3A_312 = tpu.vector_load %arg8[%get3A_310, %get3A_311] {strides = array<i32>} : memref<64x1024xf32, #tpu.memory_space<vmem>>, vector<1x16xf32>,
          %get3A_313 = vector.shape_cast %get3A_312 : vector<1x16xf32> to vector<16xf32>
          %swap3A_314 = arith.index_cast %scan3A_273 : i32 to index
          %swap3A_315 = arith.constant 0 : index
          %swap3A_316 = tpu.vector_load %arg9[%swap3A_314, %swap3A_315] {strides = array<i32>} : memref<16x1024xf32, #tpu.memory_space<vmem>>, vector<1x16xf32>,
          %swap3A_317 = vector.shape_cast %swap3A_316 : vector<1x16xf32> to vector<16xf32>
          %swap3A_318 = vector.shape_cast %get3A_278 : vector<16xf32> to vector<1x16xf32>
          tpu.vector_store %arg9[%swap3A_314, %swap3A_315], %swap3A_318 {add = true, strides = array<i32>} : memref<16x1024xf32, #tpu.memory_space<vmem>>, vector<1x16xf32>,
          %swap3A_319 = arith.index_cast %scan3A_273 : i32 to index
          %swap3A_320 = arith.constant 16 : index
          %swap3A_321 = tpu.vector_load %arg9[%swap3A_319, %swap3A_320] {strides = array<i32>} : memref<16x1024xf32, #tpu.memory_space<vmem>>, vector<1x16xf32>,
          %swap3A_322 = vector.shape_cast %swap3A_321 : vector<1x16xf32> to vector<16xf32>
          %swap3A_323 = vector.shape_cast %get3A_283 : vector<16xf32> to vector<1x16xf32>
          tpu.vector_store %arg9[%swap3A_319, %swap3A_320], %swap3A_323 {add = true, strides = array<i32>} : memref<16x1024xf32, #tpu.memory_space<vmem>>, vector<1x16xf32>,
          %swap3A_324 = arith.index_cast %scan3A_273 : i32 to index
          %swap3A_325 = arith.constant 32 : index
          %swap3A_326 = tpu.vector_load %arg9[%swap3A_324, %swap3A_325] {strides = array<i32>} : memref<16x1024xf32, #tpu.memory_space<vmem>>, vector<1x16xf32>,
          %swap3A_327 = vector.shape_cast %swap3A_326 : vector<1x16xf32> to vector<16xf32>
          %swap3A_328 = vector.shape_cast %get3A_288 : vector<16xf32> to vector<1x16xf32>
          tpu.vector_store %arg9[%swap3A_324, %swap3A_325], %swap3A_328 {add = true, strides = array<i32>} : memref<16x1024xf32, #tpu.memory_space<vmem>>, vector<1x16xf32>,
          %swap3A_329 = arith.index_cast %scan3A_273 : i32 to index
          %swap3A_330 = arith.constant 48 : index
          %swap3A_331 = tpu.vector_load %arg9[%swap3A_329, %swap3A_330] {strides = array<i32>} : memref<16x1024xf32, #tpu.memory_space<vmem>>, vector<1x16xf32>,
          %swap3A_332 = vector.shape_cast %swap3A_331 : vector<1x16xf32> to vector<16xf32>
          %swap3A_333 = vector.shape_cast %get3A_293 : vector<16xf32> to vector<1x16xf32>
          tpu.vector_store %arg9[%swap3A_329, %swap3A_330], %swap3A_333 {add = true, strides = array<i32>} : memref<16x1024xf32, #tpu.memory_space<vmem>>, vector<1x16xf32>,
          %swap3A_334 = arith.index_cast %scan3A_273 : i32 to index
          %swap3A_335 = arith.constant 64 : index
          %swap3A_336 = tpu.vector_load %arg9[%swap3A_334, %swap3A_335] {strides = array<i32>} : memref<16x1024xf32, #tpu.memory_space<vmem>>, vector<1x16xf32>,
          %swap3A_337 = vector.shape_cast %swap3A_336 : vector<1x16xf32> to vector<16xf32>
          %swap3A_338 = vector.shape_cast %get3A_298 : vector<16xf32> to vector<1x16xf32>
          tpu.vector_store %arg9[%swap3A_334, %swap3A_335], %swap3A_338 {add = true, strides = array<i32>} : memref<16x1024xf32, #tpu.memory_space<vmem>>, vector<1x16xf32>,
          %swap3A_339 = arith.index_cast %scan3A_273 : i32 to index
          %swap3A_340 = arith.constant 80 : index
          %swap3A_341 = tpu.vector_load %arg9[%swap3A_339, %swap3A_340] {strides = array<i32>} : memref<16x1024xf32, #tpu.memory_space<vmem>>, vector<1x16xf32>,
          %swap3A_342 = vector.shape_cast %swap3A_341 : vector<1x16xf32> to vector<16xf32>
          %swap3A_343 = vector.shape_cast %get3A_303 : vector<16xf32> to vector<1x16xf32>
          tpu.vector_store %arg9[%swap3A_339, %swap3A_340], %swap3A_343 {add = true, strides = array<i32>} : memref<16x1024xf32, #tpu.memory_space<vmem>>, vector<1x16xf32>,
          %swap3A_344 = arith.index_cast %scan3A_273 : i32 to index
          %swap3A_345 = arith.constant 96 : index
          %swap3A_346 = tpu.vector_load %arg9[%swap3A_344, %swap3A_345] {strides = array<i32>} : memref<16x1024xf32, #tpu.memory_space<vmem>>, vector<1x16xf32>,
          %swap3A_347 = vector.shape_cast %swap3A_346 : vector<1x16xf32> to vector<16xf32>
          %swap3A_348 = vector.shape_cast %get3A_308 : vector<16xf32> to vector<1x16xf32>
          tpu.vector_store %arg9[%swap3A_344, %swap3A_345], %swap3A_348 {add = true, strides = array<i32>} : memref<16x1024xf32, #tpu.memory_space<vmem>>, vector<1x16xf32>,
          %swap3A_349 = arith.index_cast %scan3A_273 : i32 to index
          %swap3A_350 = arith.constant 112 : index
          %swap3A_351 = tpu.vector_load %arg9[%swap3A_349, %swap3A_350] {strides = array<i32>} : memref<16x1024xf32, #tpu.memory_space<vmem>>, vector<1x16xf32>,
          %swap3A_352 = vector.shape_cast %swap3A_351 : vector<1x16xf32> to vector<16xf32>
          %swap3A_353 = vector.shape_cast %get3A_313 : vector<16xf32> to vector<1x16xf32>
          tpu.vector_store %arg9[%swap3A_349, %swap3A_350], %swap3A_353 {add = true, strides = array<i32>} : memref<16x1024xf32, #tpu.memory_space<vmem>>, vector<1x16xf32>,
          %add3A_354 = arith.addi %mul3A_234, %scan3A_273 : i32
          %get3A_355 = arith.index_cast %add3A_354 : i32 to index
          %get3A_356 = arith.constant 128 : index
          %get3A_357 = tpu.vector_load %arg8[%get3A_355, %get3A_356] {strides = array<i32>} : memref<64x1024xf32, #tpu.memory_space<vmem>>, vector<1x16xf32>,
          %get3A_358 = vector.shape_cast %get3A_357 : vector<1x16xf32> to vector<16xf32>
          %add3A_359 = arith.addi %mul3A_234, %scan3A_273 : i32
          %get3A_360 = arith.index_cast %add3A_359 : i32 to index
          %get3A_361 = arith.constant 144 : index
          %get3A_362 = tpu.vector_load %arg8[%get3A_360, %get3A_361] {strides = array<i32>} : memref<64x1024xf32, #tpu.memory_space<vmem>>, vector<1x16xf32>,
          %get3A_363 = vector.shape_cast %get3A_362 : vector<1x16xf32> to vector<16xf32>
          %add3A_364 = arith.addi %mul3A_234, %scan3A_273 : i32
          %get3A_365 = arith.index_cast %add3A_364 : i32 to index
          %get3A_366 = arith.constant 160 : index
          %get3A_367 = tpu.vector_load %arg8[%get3A_365, %get3A_366] {strides = array<i32>} : memref<64x1024xf32, #tpu.memory_space<vmem>>, vector<1x16xf32>,
          %get3A_368 = vector.shape_cast %get3A_367 : vector<1x16xf32> to vector<16xf32>
          %add3A_369 = arith.addi %mul3A_234, %scan3A_273 : i32
          %get3A_370 = arith.index_cast %add3A_369 : i32 to index
          %get3A_371 = arith.constant 176 : index
          %get3A_372 = tpu.vector_load %arg8[%get3A_370, %get3A_371] {strides = array<i32>} : memref<64x1024xf32, #tpu.memory_space<vmem>>, vector<1x16xf32>,
          %get3A_373 = vector.shape_cast %get3A_372 : vector<1x16xf32> to vector<16xf32>
          %add3A_374 = arith.addi %mul3A_234, %scan3A_273 : i32
          %get3A_375 = arith.index_cast %add3A_374 : i32 to index
          %get3A_376 = arith.constant 192 : index
          %get3A_377 = tpu.vector_load %arg8[%get3A_375, %get3A_376] {strides = array<i32>} : memref<64x1024xf32, #tpu.memory_space<vmem>>, vector<1x16xf32>,
          %get3A_378 = vector.shape_cast %get3A_377 : vector<1x16xf32> to vector<16xf32>
          %add3A_379 = arith.addi %mul3A_234, %scan3A_273 : i32
          %get3A_380 = arith.index_cast %add3A_379 : i32 to index
          %get3A_381 = arith.constant 208 : index
          %get3A_382 = tpu.vector_load %arg8[%get3A_380, %get3A_381] {strides = array<i32>} : memref<64x1024xf32, #tpu.memory_space<vmem>>, vector<1x16xf32>,
          %get3A_383 = vector.shape_cast %get3A_382 : vector<1x16xf32> to vector<16xf32>
          %add3A_384 = arith.addi %mul3A_234, %scan3A_273 : i32
          %get3A_385 = arith.index_cast %add3A_384 : i32 to index
          %get3A_386 = arith.constant 224 : index
          %get3A_387 = tpu.vector_load %arg8[%get3A_385, %get3A_386] {strides = array<i32>} : memref<64x1024xf32, #tpu.memory_space<vmem>>, vector<1x16xf32>,
          %get3A_388 = vector.shape_cast %get3A_387 : vector<1x16xf32> to vector<16xf32>
          %add3A_389 = arith.addi %mul3A_234, %scan3A_273 : i32
          %get3A_390 = arith.index_cast %add3A_389 : i32 to index
          %get3A_391 = arith.constant 240 : index
          %get3A_392 = tpu.vector_load %arg8[%get3A_390, %get3A_391] {strides = array<i32>} : memref<64x1024xf32, #tpu.memory_space<vmem>>, vector<1x16xf32>,
          %get3A_393 = vector.shape_cast %get3A_392 : vector<1x16xf32> to vector<16xf32>
          %swap3A_394 = arith.index_cast %scan3A_273 : i32 to index
          %swap3A_395 = arith.constant 128 : index
          %swap3A_396 = tpu.vector_load %arg9[%swap3A_394, %swap3A_395] {strides = array<i32>} : memref<16x1024xf32, #tpu.memory_space<vmem>>, vector<1x16xf32>,
          %swap3A_397 = vector.shape_cast %swap3A_396 : vector<1x16xf32> to vector<16xf32>
          %swap3A_398 = vector.shape_cast %get3A_358 : vector<16xf32> to vector<1x16xf32>
          tpu.vector_store %arg9[%swap3A_394, %swap3A_395], %swap3A_398 {add = true, strides = array<i32>} : memref<16x1024xf32, #tpu.memory_space<vmem>>, vector<1x16xf32>,
          %swap3A_399 = arith.index_cast %scan3A_273 : i32 to index
          %swap3A_400 = arith.constant 144 : index
          %swap3A_401 = tpu.vector_load %arg9[%swap3A_399, %swap3A_400] {strides = array<i32>} : memref<16x1024xf32, #tpu.memory_space<vmem>>, vector<1x16xf32>,
          %swap3A_402 = vector.shape_cast %swap3A_401 : vector<1x16xf32> to vector<16xf32>
          %swap3A_403 = vector.shape_cast %get3A_363 : vector<16xf32> to vector<1x16xf32>
          tpu.vector_store %arg9[%swap3A_399, %swap3A_400], %swap3A_403 {add = true, strides = array<i32>} : memref<16x1024xf32, #tpu.memory_space<vmem>>, vector<1x16xf32>,
          %swap3A_404 = arith.index_cast %scan3A_273 : i32 to index
          %swap3A_405 = arith.constant 160 : index
          %swap3A_406 = tpu.vector_load %arg9[%swap3A_404, %swap3A_405] {strides = array<i32>} : memref<16x1024xf32, #tpu.memory_space<vmem>>, vector<1x16xf32>,
          %swap3A_407 = vector.shape_cast %swap3A_406 : vector<1x16xf32> to vector<16xf32>
          %swap3A_408 = vector.shape_cast %get3A_368 : vector<16xf32> to vector<1x16xf32>
          tpu.vector_store %arg9[%swap3A_404, %swap3A_405], %swap3A_408 {add = true, strides = array<i32>} : memref<16x1024xf32, #tpu.memory_space<vmem>>, vector<1x16xf32>,
          %swap3A_409 = arith.index_cast %scan3A_273 : i32 to index
          %swap3A_410 = arith.constant 176 : index
          %swap3A_411 = tpu.vector_load %arg9[%swap3A_409, %swap3A_410] {strides = array<i32>} : memref<16x1024xf32, #tpu.memory_space<vmem>>, vector<1x16xf32>,
          %swap3A_412 = vector.shape_cast %swap3A_411 : vector<1x16xf32> to vector<16xf32>
          %swap3A_413 = vector.shape_cast %get3A_373 : vector<16xf32> to vector<1x16xf32>
          tpu.vector_store %arg9[%swap3A_409, %swap3A_410], %swap3A_413 {add = true, strides = array<i32>} : memref<16x1024xf32, #tpu.memory_space<vmem>>, vector<1x16xf32>,
          %swap3A_414 = arith.index_cast %scan3A_273 : i32 to index
          %swap3A_415 = arith.constant 192 : index
          %swap3A_416 = tpu.vector_load %arg9[%swap3A_414, %swap3A_415] {strides = array<i32>} : memref<16x1024xf32, #tpu.memory_space<vmem>>, vector<1x16xf32>,
          %swap3A_417 = vector.shape_cast %swap3A_416 : vector<1x16xf32> to vector<16xf32>
          %swap3A_418 = vector.shape_cast %get3A_378 : vector<16xf32> to vector<1x16xf32>
          tpu.vector_store %arg9[%swap3A_414, %swap3A_415], %swap3A_418 {add = true, strides = array<i32>} : memref<16x1024xf32, #tpu.memory_space<vmem>>, vector<1x16xf32>,
          %swap3A_419 = arith.index_cast %scan3A_273 : i32 to index
          %swap3A_420 = arith.constant 208 : index
          %swap3A_421 = tpu.vector_load %arg9[%swap3A_419, %swap3A_420] {strides = array<i32>} : memref<16x1024xf32, #tpu.memory_space<vmem>>, vector<1x16xf32>,
          %swap3A_422 = vector.shape_cast %swap3A_421 : vector<1x16xf32> to vector<16xf32>
          %swap3A_423 = vector.shape_cast %get3A_383 : vector<16xf32> to vector<1x16xf32>
          tpu.vector_store %arg9[%swap3A_419, %swap3A_420], %swap3A_423 {add = true, strides = array<i32>} : memref<16x1024xf32, #tpu.memory_space<vmem>>, vector<1x16xf32>,
          %swap3A_424 = arith.index_cast %scan3A_273 : i32 to index
          %swap3A_425 = arith.constant 224 : index
          %swap3A_426 = tpu.vector_load %arg9[%swap3A_424, %swap3A_425] {strides = array<i32>} : memref<16x1024xf32, #tpu.memory_space<vmem>>, vector<1x16xf32>,
          %swap3A_427 = vector.shape_cast %swap3A_426 : vector<1x16xf32> to vector<16xf32>
          %swap3A_428 = vector.shape_cast %get3A_388 : vector<16xf32> to vector<1x16xf32>
          tpu.vector_store %arg9[%swap3A_424, %swap3A_425], %swap3A_428 {add = true, strides = array<i32>} : memref<16x1024xf32, #tpu.memory_space<vmem>>, vector<1x16xf32>,
          %swap3A_429 = arith.index_cast %scan3A_273 : i32 to index
          %swap3A_430 = arith.constant 240 : index
          %swap3A_431 = tpu.vector_load %arg9[%swap3A_429, %swap3A_430] {strides = array<i32>} : memref<16x1024xf32, #tpu.memory_space<vmem>>, vector<1x16xf32>,
          %swap3A_432 = vector.shape_cast %swap3A_431 : vector<1x16xf32> to vector<16xf32>
          %swap3A_433 = vector.shape_cast %get3A_393 : vector<16xf32> to vector<1x16xf32>
          tpu.vector_store %arg9[%swap3A_429, %swap3A_430], %swap3A_433 {add = true, strides = array<i32>} : memref<16x1024xf32, #tpu.memory_space<vmem>>, vector<1x16xf32>,
          %add3A_434 = arith.addi %mul3A_234, %scan3A_273 : i32
          %get3A_435 = arith.index_cast %add3A_434 : i32 to index
          %get3A_436 = arith.constant 256 : index
          %get3A_437 = tpu.vector_load %arg8[%get3A_435, %get3A_436] {strides = array<i32>} : memref<64x1024xf32, #tpu.memory_space<vmem>>, vector<1x16xf32>,
          %get3A_438 = vector.shape_cast %get3A_437 : vector<1x16xf32> to vector<16xf32>
          %add3A_439 = arith.addi %mul3A_234, %scan3A_273 : i32
          %get3A_440 = arith.index_cast %add3A_439 : i32 to index
          %get3A_441 = arith.constant 272 : index
          %get3A_442 = tpu.vector_load %arg8[%get3A_440, %get3A_441] {strides = array<i32>} : memref<64x1024xf32, #tpu.memory_space<vmem>>, vector<1x16xf32>,
          %get3A_443 = vector.shape_cast %get3A_442 : vector<1x16xf32> to vector<16xf32>
          %add3A_444 = arith.addi %mul3A_234, %scan3A_273 : i32
          %get3A_445 = arith.index_cast %add3A_444 : i32 to index
          %get3A_446 = arith.constant 288 : index
          %get3A_447 = tpu.vector_load %arg8[%get3A_445, %get3A_446] {strides = array<i32>} : memref<64x1024xf32, #tpu.memory_space<vmem>>, vector<1x16xf32>,
          %get3A_448 = vector.shape_cast %get3A_447 : vector<1x16xf32> to vector<16xf32>
          %add3A_449 = arith.addi %mul3A_234, %scan3A_273 : i32
          %get3A_450 = arith.index_cast %add3A_449 : i32 to index
          %get3A_451 = arith.constant 304 : index
          %get3A_452 = tpu.vector_load %arg8[%get3A_450, %get3A_451] {strides = array<i32>} : memref<64x1024xf32, #tpu.memory_space<vmem>>, vector<1x16xf32>,
          %get3A_453 = vector.shape_cast %get3A_452 : vector<1x16xf32> to vector<16xf32>
          %add3A_454 = arith.addi %mul3A_234, %scan3A_273 : i32
          %get3A_455 = arith.index_cast %add3A_454 : i32 to index
          %get3A_456 = arith.constant 320 : index
          %get3A_457 = tpu.vector_load %arg8[%get3A_455, %get3A_456] {strides = array<i32>} : memref<64x1024xf32, #tpu.memory_space<vmem>>, vector<1x16xf32>,
          %get3A_458 = vector.shape_cast %get3A_457 : vector<1x16xf32> to vector<16xf32>
          %add3A_459 = arith.addi %mul3A_234, %scan3A_273 : i32
          %get3A_460 = arith.index_cast %add3A_459 : i32 to index
          %get3A_461 = arith.constant 336 : index
          %get3A_462 = tpu.vector_load %arg8[%get3A_460, %get3A_461] {strides = array<i32>} : memref<64x1024xf32, #tpu.memory_space<vmem>>, vector<1x16xf32>,
          %get3A_463 = vector.shape_cast %get3A_462 : vector<1x16xf32> to vector<16xf32>
          %add3A_464 = arith.addi %mul3A_234, %scan3A_273 : i32
          %get3A_465 = arith.index_cast %add3A_464 : i32 to index
          %get3A_466 = arith.constant 352 : index
          %get3A_467 = tpu.vector_load %arg8[%get3A_465, %get3A_466] {strides = array<i32>} : memref<64x1024xf32, #tpu.memory_space<vmem>>, vector<1x16xf32>,
          %get3A_468 = vector.shape_cast %get3A_467 : vector<1x16xf32> to vector<16xf32>
          %add3A_469 = arith.addi %mul3A_234, %scan3A_273 : i32
          %get3A_470 = arith.index_cast %add3A_469 : i32 to index
          %get3A_471 = arith.constant 368 : index
          %get3A_472 = tpu.vector_load %arg8[%get3A_470, %get3A_471] {strides = array<i32>} : memref<64x1024xf32, #tpu.memory_space<vmem>>, vector<1x16xf32>,
          %get3A_473 = vector.shape_cast %get3A_472 : vector<1x16xf32> to vector<16xf32>
          %swap3A_474 = arith.index_cast %scan3A_273 : i32 to index
          %swap3A_475 = arith.constant 256 : index
          %swap3A_476 = tpu.vector_load %arg9[%swap3A_474, %swap3A_475] {strides = array<i32>} : memref<16x1024xf32, #tpu.memory_space<vmem>>, vector<1x16xf32>,
          %swap3A_477 = vector.shape_cast %swap3A_476 : vector<1x16xf32> to vector<16xf32>
          %swap3A_478 = vector.shape_cast %get3A_438 : vector<16xf32> to vector<1x16xf32>
          tpu.vector_store %arg9[%swap3A_474, %swap3A_475], %swap3A_478 {add = true, strides = array<i32>} : memref<16x1024xf32, #tpu.memory_space<vmem>>, vector<1x16xf32>,
          %swap3A_479 = arith.index_cast %scan3A_273 : i32 to index
          %swap3A_480 = arith.constant 272 : index
          %swap3A_481 = tpu.vector_load %arg9[%swap3A_479, %swap3A_480] {strides = array<i32>} : memref<16x1024xf32, #tpu.memory_space<vmem>>, vector<1x16xf32>,
          %swap3A_482 = vector.shape_cast %swap3A_481 : vector<1x16xf32> to vector<16xf32>
          %swap3A_483 = vector.shape_cast %get3A_443 : vector<16xf32> to vector<1x16xf32>
          tpu.vector_store %arg9[%swap3A_479, %swap3A_480], %swap3A_483 {add = true, strides = array<i32>} : memref<16x1024xf32, #tpu.memory_space<vmem>>, vector<1x16xf32>,
          %swap3A_484 = arith.index_cast %scan3A_273 : i32 to index
          %swap3A_485 = arith.constant 288 : index
          %swap3A_486 = tpu.vector_load %arg9[%swap3A_484, %swap3A_485] {strides = array<i32>} : memref<16x1024xf32, #tpu.memory_space<vmem>>, vector<1x16xf32>,
          %swap3A_487 = vector.shape_cast %swap3A_486 : vector<1x16xf32> to vector<16xf32>
          %swap3A_488 = vector.shape_cast %get3A_448 : vector<16xf32> to vector<1x16xf32>
          tpu.vector_store %arg9[%swap3A_484, %swap3A_485], %swap3A_488 {add = true, strides = array<i32>} : memref<16x1024xf32, #tpu.memory_space<vmem>>, vector<1x16xf32>,
          %swap3A_489 = arith.index_cast %scan3A_273 : i32 to index
          %swap3A_490 = arith.constant 304 : index
          %swap3A_491 = tpu.vector_load %arg9[%swap3A_489, %swap3A_490] {strides = array<i32>} : memref<16x1024xf32, #tpu.memory_space<vmem>>, vector<1x16xf32>,
          %swap3A_492 = vector.shape_cast %swap3A_491 : vector<1x16xf32> to vector<16xf32>
          %swap3A_493 = vector.shape_cast %get3A_453 : vector<16xf32> to vector<1x16xf32>
          tpu.vector_store %arg9[%swap3A_489, %swap3A_490], %swap3A_493 {add = true, strides = array<i32>} : memref<16x1024xf32, #tpu.memory_space<vmem>>, vector<1x16xf32>,
          %swap3A_494 = arith.index_cast %scan3A_273 : i32 to index
          %swap3A_495 = arith.constant 320 : index
          %swap3A_496 = tpu.vector_load %arg9[%swap3A_494, %swap3A_495] {strides = array<i32>} : memref<16x1024xf32, #tpu.memory_space<vmem>>, vector<1x16xf32>,
          %swap3A_497 = vector.shape_cast %swap3A_496 : vector<1x16xf32> to vector<16xf32>
          %swap3A_498 = vector.shape_cast %get3A_458 : vector<16xf32> to vector<1x16xf32>
          tpu.vector_store %arg9[%swap3A_494, %swap3A_495], %swap3A_498 {add = true, strides = array<i32>} : memref<16x1024xf32, #tpu.memory_space<vmem>>, vector<1x16xf32>,
          %swap3A_499 = arith.index_cast %scan3A_273 : i32 to index
          %swap3A_500 = arith.constant 336 : index
          %swap3A_501 = tpu.vector_load %arg9[%swap3A_499, %swap3A_500] {strides = array<i32>} : memref<16x1024xf32, #tpu.memory_space<vmem>>, vector<1x16xf32>,
          %swap3A_502 = vector.shape_cast %swap3A_501 : vector<1x16xf32> to vector<16xf32>
          %swap3A_503 = vector.shape_cast %get3A_463 : vector<16xf32> to vector<1x16xf32>
          tpu.vector_store %arg9[%swap3A_499, %swap3A_500], %swap3A_503 {add = true, strides = array<i32>} : memref<16x1024xf32, #tpu.memory_space<vmem>>, vector<1x16xf32>,
          %swap3A_504 = arith.index_cast %scan3A_273 : i32 to index
          %swap3A_505 = arith.constant 352 : index
          %swap3A_506 = tpu.vector_load %arg9[%swap3A_504, %swap3A_505] {strides = array<i32>} : memref<16x1024xf32, #tpu.memory_space<vmem>>, vector<1x16xf32>,
          %swap3A_507 = vector.shape_cast %swap3A_506 : vector<1x16xf32> to vector<16xf32>
          %swap3A_508 = vector.shape_cast %get3A_468 : vector<16xf32> to vector<1x16xf32>
          tpu.vector_store %arg9[%swap3A_504, %swap3A_505], %swap3A_508 {add = true, strides = array<i32>} : memref<16x1024xf32, #tpu.memory_space<vmem>>, vector<1x16xf32>,
          %swap3A_509 = arith.index_cast %scan3A_273 : i32 to index
          %swap3A_510 = arith.constant 368 : index
          %swap3A_511 = tpu.vector_load %arg9[%swap3A_509, %swap3A_510] {strides = array<i32>} : memref<16x1024xf32, #tpu.memory_space<vmem>>, vector<1x16xf32>,
          %swap3A_512 = vector.shape_cast %swap3A_511 : vector<1x16xf32> to vector<16xf32>
          %swap3A_513 = vector.shape_cast %get3A_473 : vector<16xf32> to vector<1x16xf32>
          tpu.vector_store %arg9[%swap3A_509, %swap3A_510], %swap3A_513 {add = true, strides = array<i32>} : memref<16x1024xf32, #tpu.memory_space<vmem>>, vector<1x16xf32>,
          %add3A_514 = arith.addi %mul3A_234, %scan3A_273 : i32
          %get3A_515 = arith.index_cast %add3A_514 : i32 to index
          %get3A_516 = arith.constant 384 : index
          %get3A_517 = tpu.vector_load %arg8[%get3A_515, %get3A_516] {strides = array<i32>} : memref<64x1024xf32, #tpu.memory_space<vmem>>, vector<1x16xf32>,
          %get3A_518 = vector.shape_cast %get3A_517 : vector<1x16xf32> to vector<16xf32>
          %add3A_519 = arith.addi %mul3A_234, %scan3A_273 : i32
          %get3A_520 = arith.index_cast %add3A_519 : i32 to index
          %get3A_521 = arith.constant 400 : index
          %get3A_522 = tpu.vector_load %arg8[%get3A_520, %get3A_521] {strides = array<i32>} : memref<64x1024xf32, #tpu.memory_space<vmem>>, vector<1x16xf32>,
          %get3A_523 = vector.shape_cast %get3A_522 : vector<1x16xf32> to vector<16xf32>
          %add3A_524 = arith.addi %mul3A_234, %scan3A_273 : i32
          %get3A_525 = arith.index_cast %add3A_524 : i32 to index
          %get3A_526 = arith.constant 416 : index
          %get3A_527 = tpu.vector_load %arg8[%get3A_525, %get3A_526] {strides = array<i32>} : memref<64x1024xf32, #tpu.memory_space<vmem>>, vector<1x16xf32>,
          %get3A_528 = vector.shape_cast %get3A_527 : vector<1x16xf32> to vector<16xf32>
          %add3A_529 = arith.addi %mul3A_234, %scan3A_273 : i32
          %get3A_530 = arith.index_cast %add3A_529 : i32 to index
          %get3A_531 = arith.constant 432 : index
          %get3A_532 = tpu.vector_load %arg8[%get3A_530, %get3A_531] {strides = array<i32>} : memref<64x1024xf32, #tpu.memory_space<vmem>>, vector<1x16xf32>,
          %get3A_533 = vector.shape_cast %get3A_532 : vector<1x16xf32> to vector<16xf32>
          %add3A_534 = arith.addi %mul3A_234, %scan3A_273 : i32
          %get3A_535 = arith.index_cast %add3A_534 : i32 to index
          %get3A_536 = arith.constant 448 : index
          %get3A_537 = tpu.vector_load %arg8[%get3A_535, %get3A_536] {strides = array<i32>} : memref<64x1024xf32, #tpu.memory_space<vmem>>, vector<1x16xf32>,
          %get3A_538 = vector.shape_cast %get3A_537 : vector<1x16xf32> to vector<16xf32>
          %add3A_539 = arith.addi %mul3A_234, %scan3A_273 : i32
          %get3A_540 = arith.index_cast %add3A_539 : i32 to index
          %get3A_541 = arith.constant 464 : index
          %get3A_542 = tpu.vector_load %arg8[%get3A_540, %get3A_541] {strides = array<i32>} : memref<64x1024xf32, #tpu.memory_space<vmem>>, vector<1x16xf32>,
          %get3A_543 = vector.shape_cast %get3A_542 : vector<1x16xf32> to vector<16xf32>
          %add3A_544 = arith.addi %mul3A_234, %scan3A_273 : i32
          %get3A_545 = arith.index_cast %add3A_544 : i32 to index
          %get3A_546 = arith.constant 480 : index
          %get3A_547 = tpu.vector_load %arg8[%get3A_545, %get3A_546] {strides = array<i32>} : memref<64x1024xf32, #tpu.memory_space<vmem>>, vector<1x16xf32>,
          %get3A_548 = vector.shape_cast %get3A_547 : vector<1x16xf32> to vector<16xf32>
          %add3A_549 = arith.addi %mul3A_234, %scan3A_273 : i32
          %get3A_550 = arith.index_cast %add3A_549 : i32 to index
          %get3A_551 = arith.constant 496 : index
          %get3A_552 = tpu.vector_load %arg8[%get3A_550, %get3A_551] {strides = array<i32>} : memref<64x1024xf32, #tpu.memory_space<vmem>>, vector<1x16xf32>,
          %get3A_553 = vector.shape_cast %get3A_552 : vector<1x16xf32> to vector<16xf32>
          %swap3A_554 = arith.index_cast %scan3A_273 : i32 to index
          %swap3A_555 = arith.constant 384 : index
          %swap3A_556 = tpu.vector_load %arg9[%swap3A_554, %swap3A_555] {strides = array<i32>} : memref<16x1024xf32, #tpu.memory_space<vmem>>, vector<1x16xf32>,
          %swap3A_557 = vector.shape_cast %swap3A_556 : vector<1x16xf32> to vector<16xf32>
          %swap3A_558 = vector.shape_cast %get3A_518 : vector<16xf32> to vector<1x16xf32>
          tpu.vector_store %arg9[%swap3A_554, %swap3A_555], %swap3A_558 {add = true, strides = array<i32>} : memref<16x1024xf32, #tpu.memory_space<vmem>>, vector<1x16xf32>,
          %swap3A_559 = arith.index_cast %scan3A_273 : i32 to index
          %swap3A_560 = arith.constant 400 : index
          %swap3A_561 = tpu.vector_load %arg9[%swap3A_559, %swap3A_560] {strides = array<i32>} : memref<16x1024xf32, #tpu.memory_space<vmem>>, vector<1x16xf32>,
          %swap3A_562 = vector.shape_cast %swap3A_561 : vector<1x16xf32> to vector<16xf32>
          %swap3A_563 = vector.shape_cast %get3A_523 : vector<16xf32> to vector<1x16xf32>
          tpu.vector_store %arg9[%swap3A_559, %swap3A_560], %swap3A_563 {add = true, strides = array<i32>} : memref<16x1024xf32, #tpu.memory_space<vmem>>, vector<1x16xf32>,
          %swap3A_564 = arith.index_cast %scan3A_273 : i32 to index
          %swap3A_565 = arith.constant 416 : index
          %swap3A_566 = tpu.vector_load %arg9[%swap3A_564, %swap3A_565] {strides = array<i32>} : memref<16x1024xf32, #tpu.memory_space<vmem>>, vector<1x16xf32>,
          %swap3A_567 = vector.shape_cast %swap3A_566 : vector<1x16xf32> to vector<16xf32>
          %swap3A_568 = vector.shape_cast %get3A_528 : vector<16xf32> to vector<1x16xf32>
          tpu.vector_store %arg9[%swap3A_564, %swap3A_565], %swap3A_568 {add = true, strides = array<i32>} : memref<16x1024xf32, #tpu.memory_space<vmem>>, vector<1x16xf32>,
          %swap3A_569 = arith.index_cast %scan3A_273 : i32 to index
          %swap3A_570 = arith.constant 432 : index
          %swap3A_571 = tpu.vector_load %arg9[%swap3A_569, %swap3A_570] {strides = array<i32>} : memref<16x1024xf32, #tpu.memory_space<vmem>>, vector<1x16xf32>,
          %swap3A_572 = vector.shape_cast %swap3A_571 : vector<1x16xf32> to vector<16xf32>
          %swap3A_573 = vector.shape_cast %get3A_533 : vector<16xf32> to vector<1x16xf32>
          tpu.vector_store %arg9[%swap3A_569, %swap3A_570], %swap3A_573 {add = true, strides = array<i32>} : memref<16x1024xf32, #tpu.memory_space<vmem>>, vector<1x16xf32>,
          %swap3A_574 = arith.index_cast %scan3A_273 : i32 to index
          %swap3A_575 = arith.constant 448 : index
          %swap3A_576 = tpu.vector_load %arg9[%swap3A_574, %swap3A_575] {strides = array<i32>} : memref<16x1024xf32, #tpu.memory_space<vmem>>, vector<1x16xf32>,
          %swap3A_577 = vector.shape_cast %swap3A_576 : vector<1x16xf32> to vector<16xf32>
          %swap3A_578 = vector.shape_cast %get3A_538 : vector<16xf32> to vector<1x16xf32>
          tpu.vector_store %arg9[%swap3A_574, %swap3A_575], %swap3A_578 {add = true, strides = array<i32>} : memref<16x1024xf32, #tpu.memory_space<vmem>>, vector<1x16xf32>,
          %swap3A_579 = arith.index_cast %scan3A_273 : i32 to index
          %swap3A_580 = arith.constant 464 : index
          %swap3A_581 = tpu.vector_load %arg9[%swap3A_579, %swap3A_580] {strides = array<i32>} : memref<16x1024xf32, #tpu.memory_space<vmem>>, vector<1x16xf32>,
          %swap3A_582 = vector.shape_cast %swap3A_581 : vector<1x16xf32> to vector<16xf32>
          %swap3A_583 = vector.shape_cast %get3A_543 : vector<16xf32> to vector<1x16xf32>
          tpu.vector_store %arg9[%swap3A_579, %swap3A_580], %swap3A_583 {add = true, strides = array<i32>} : memref<16x1024xf32, #tpu.memory_space<vmem>>, vector<1x16xf32>,
          %swap3A_584 = arith.index_cast %scan3A_273 : i32 to index
          %swap3A_585 = arith.constant 480 : index
          %swap3A_586 = tpu.vector_load %arg9[%swap3A_584, %swap3A_585] {strides = array<i32>} : memref<16x1024xf32, #tpu.memory_space<vmem>>, vector<1x16xf32>,
          %swap3A_587 = vector.shape_cast %swap3A_586 : vector<1x16xf32> to vector<16xf32>
          %swap3A_588 = vector.shape_cast %get3A_548 : vector<16xf32> to vector<1x16xf32>
          tpu.vector_store %arg9[%swap3A_584, %swap3A_585], %swap3A_588 {add = true, strides = array<i32>} : memref<16x1024xf32, #tpu.memory_space<vmem>>, vector<1x16xf32>,
          %swap3A_589 = arith.index_cast %scan3A_273 : i32 to index
          %swap3A_590 = arith.constant 496 : index
          %swap3A_591 = tpu.vector_load %arg9[%swap3A_589, %swap3A_590] {strides = array<i32>} : memref<16x1024xf32, #tpu.memory_space<vmem>>, vector<1x16xf32>,
          %swap3A_592 = vector.shape_cast %swap3A_591 : vector<1x16xf32> to vector<16xf32>
          %swap3A_593 = vector.shape_cast %get3A_553 : vector<16xf32> to vector<1x16xf32>
          tpu.vector_store %arg9[%swap3A_589, %swap3A_590], %swap3A_593 {add = true, strides = array<i32>} : memref<16x1024xf32, #tpu.memory_space<vmem>>, vector<1x16xf32>,
          %add3A_594 = arith.addi %mul3A_234, %scan3A_273 : i32
          %get3A_595 = arith.index_cast %add3A_594 : i32 to index
          %get3A_596 = arith.constant 512 : index
          %get3A_597 = tpu.vector_load %arg8[%get3A_595, %get3A_596] {strides = array<i32>} : memref<64x1024xf32, #tpu.memory_space<vmem>>, vector<1x16xf32>,
          %get3A_598 = vector.shape_cast %get3A_597 : vector<1x16xf32> to vector<16xf32>
          %add3A_599 = arith.addi %mul3A_234, %scan3A_273 : i32
          %get3A_600 = arith.index_cast %add3A_599 : i32 to index
          %get3A_601 = arith.constant 528 : index
          %get3A_602 = tpu.vector_load %arg8[%get3A_600, %get3A_601] {strides = array<i32>} : memref<64x1024xf32, #tpu.memory_space<vmem>>, vector<1x16xf32>,
          %get3A_603 = vector.shape_cast %get3A_602 : vector<1x16xf32> to vector<16xf32>
          %add3A_604 = arith.addi %mul3A_234, %scan3A_273 : i32
          %get3A_605 = arith.index_cast %add3A_604 : i32 to index
          %get3A_606 = arith.constant 544 : index
          %get3A_607 = tpu.vector_load %arg8[%get3A_605, %get3A_606] {strides = array<i32>} : memref<64x1024xf32, #tpu.memory_space<vmem>>, vector<1x16xf32>,
          %get3A_608 = vector.shape_cast %get3A_607 : vector<1x16xf32> to vector<16xf32>
          %add3A_609 = arith.addi %mul3A_234, %scan3A_273 : i32
          %get3A_610 = arith.index_cast %add3A_609 : i32 to index
          %get3A_611 = arith.constant 560 : index
          %get3A_612 = tpu.vector_load %arg8[%get3A_610, %get3A_611] {strides = array<i32>} : memref<64x1024xf32, #tpu.memory_space<vmem>>, vector<1x16xf32>,
          %get3A_613 = vector.shape_cast %get3A_612 : vector<1x16xf32> to vector<16xf32>
          %add3A_614 = arith.addi %mul3A_234, %scan3A_273 : i32
          %get3A_615 = arith.index_cast %add3A_614 : i32 to index
          %get3A_616 = arith.constant 576 : index
          %get3A_617 = tpu.vector_load %arg8[%get3A_615, %get3A_616] {strides = array<i32>} : memref<64x1024xf32, #tpu.memory_space<vmem>>, vector<1x16xf32>,
          %get3A_618 = vector.shape_cast %get3A_617 : vector<1x16xf32> to vector<16xf32>
          %add3A_619 = arith.addi %mul3A_234, %scan3A_273 : i32
          %get3A_620 = arith.index_cast %add3A_619 : i32 to index
          %get3A_621 = arith.constant 592 : index
          %get3A_622 = tpu.vector_load %arg8[%get3A_620, %get3A_621] {strides = array<i32>} : memref<64x1024xf32, #tpu.memory_space<vmem>>, vector<1x16xf32>,
          %get3A_623 = vector.shape_cast %get3A_622 : vector<1x16xf32> to vector<16xf32>
          %add3A_624 = arith.addi %mul3A_234, %scan3A_273 : i32
          %get3A_625 = arith.index_cast %add3A_624 : i32 to index
          %get3A_626 = arith.constant 608 : index
          %get3A_627 = tpu.vector_load %arg8[%get3A_625, %get3A_626] {strides = array<i32>} : memref<64x1024xf32, #tpu.memory_space<vmem>>, vector<1x16xf32>,
          %get3A_628 = vector.shape_cast %get3A_627 : vector<1x16xf32> to vector<16xf32>
          %add3A_629 = arith.addi %mul3A_234, %scan3A_273 : i32
          %get3A_630 = arith.index_cast %add3A_629 : i32 to index
          %get3A_631 = arith.constant 624 : index
          %get3A_632 = tpu.vector_load %arg8[%get3A_630, %get3A_631] {strides = array<i32>} : memref<64x1024xf32, #tpu.memory_space<vmem>>, vector<1x16xf32>,
          %get3A_633 = vector.shape_cast %get3A_632 : vector<1x16xf32> to vector<16xf32>
          %swap3A_634 = arith.index_cast %scan3A_273 : i32 to index
          %swap3A_635 = arith.constant 512 : index
          %swap3A_636 = tpu.vector_load %arg9[%swap3A_634, %swap3A_635] {strides = array<i32>} : memref<16x1024xf32, #tpu.memory_space<vmem>>, vector<1x16xf32>,
          %swap3A_637 = vector.shape_cast %swap3A_636 : vector<1x16xf32> to vector<16xf32>
          %swap3A_638 = vector.shape_cast %get3A_598 : vector<16xf32> to vector<1x16xf32>
          tpu.vector_store %arg9[%swap3A_634, %swap3A_635], %swap3A_638 {add = true, strides = array<i32>} : memref<16x1024xf32, #tpu.memory_space<vmem>>, vector<1x16xf32>,
          %swap3A_639 = arith.index_cast %scan3A_273 : i32 to index
          %swap3A_640 = arith.constant 528 : index
          %swap3A_641 = tpu.vector_load %arg9[%swap3A_639, %swap3A_640] {strides = array<i32>} : memref<16x1024xf32, #tpu.memory_space<vmem>>, vector<1x16xf32>,
          %swap3A_642 = vector.shape_cast %swap3A_641 : vector<1x16xf32> to vector<16xf32>
          %swap3A_643 = vector.shape_cast %get3A_603 : vector<16xf32> to vector<1x16xf32>
          tpu.vector_store %arg9[%swap3A_639, %swap3A_640], %swap3A_643 {add = true, strides = array<i32>} : memref<16x1024xf32, #tpu.memory_space<vmem>>, vector<1x16xf32>,
          %swap3A_644 = arith.index_cast %scan3A_273 : i32 to index
          %swap3A_645 = arith.constant 544 : index
          %swap3A_646 = tpu.vector_load %arg9[%swap3A_644, %swap3A_645] {strides = array<i32>} : memref<16x1024xf32, #tpu.memory_space<vmem>>, vector<1x16xf32>,
          %swap3A_647 = vector.shape_cast %swap3A_646 : vector<1x16xf32> to vector<16xf32>
          %swap3A_648 = vector.shape_cast %get3A_608 : vector<16xf32> to vector<1x16xf32>
          tpu.vector_store %arg9[%swap3A_644, %swap3A_645], %swap3A_648 {add = true, strides = array<i32>} : memref<16x1024xf32, #tpu.memory_space<vmem>>, vector<1x16xf32>,
          %swap3A_649 = arith.index_cast %scan3A_273 : i32 to index
          %swap3A_650 = arith.constant 560 : index
          %swap3A_651 = tpu.vector_load %arg9[%swap3A_649, %swap3A_650] {strides = array<i32>} : memref<16x1024xf32, #tpu.memory_space<vmem>>, vector<1x16xf32>,
          %swap3A_652 = vector.shape_cast %swap3A_651 : vector<1x16xf32> to vector<16xf32>
          %swap3A_653 = vector.shape_cast %get3A_613 : vector<16xf32> to vector<1x16xf32>
          tpu.vector_store %arg9[%swap3A_649, %swap3A_650], %swap3A_653 {add = true, strides = array<i32>} : memref<16x1024xf32, #tpu.memory_space<vmem>>, vector<1x16xf32>,
          %swap3A_654 = arith.index_cast %scan3A_273 : i32 to index
          %swap3A_655 = arith.constant 576 : index
          %swap3A_656 = tpu.vector_load %arg9[%swap3A_654, %swap3A_655] {strides = array<i32>} : memref<16x1024xf32, #tpu.memory_space<vmem>>, vector<1x16xf32>,
          %swap3A_657 = vector.shape_cast %swap3A_656 : vector<1x16xf32> to vector<16xf32>
          %swap3A_658 = vector.shape_cast %get3A_618 : vector<16xf32> to vector<1x16xf32>
          tpu.vector_store %arg9[%swap3A_654, %swap3A_655], %swap3A_658 {add = true, strides = array<i32>} : memref<16x1024xf32, #tpu.memory_space<vmem>>, vector<1x16xf32>,
          %swap3A_659 = arith.index_cast %scan3A_273 : i32 to index
          %swap3A_660 = arith.constant 592 : index
          %swap3A_661 = tpu.vector_load %arg9[%swap3A_659, %swap3A_660] {strides = array<i32>} : memref<16x1024xf32, #tpu.memory_space<vmem>>, vector<1x16xf32>,
          %swap3A_662 = vector.shape_cast %swap3A_661 : vector<1x16xf32> to vector<16xf32>
          %swap3A_663 = vector.shape_cast %get3A_623 : vector<16xf32> to vector<1x16xf32>
          tpu.vector_store %arg9[%swap3A_659, %swap3A_660], %swap3A_663 {add = true, strides = array<i32>} : memref<16x1024xf32, #tpu.memory_space<vmem>>, vector<1x16xf32>,
          %swap3A_664 = arith.index_cast %scan3A_273 : i32 to index
          %swap3A_665 = arith.constant 608 : index
          %swap3A_666 = tpu.vector_load %arg9[%swap3A_664, %swap3A_665] {strides = array<i32>} : memref<16x1024xf32, #tpu.memory_space<vmem>>, vector<1x16xf32>,
          %swap3A_667 = vector.shape_cast %swap3A_666 : vector<1x16xf32> to vector<16xf32>
          %swap3A_668 = vector.shape_cast %get3A_628 : vector<16xf32> to vector<1x16xf32>
          tpu.vector_store %arg9[%swap3A_664, %swap3A_665], %swap3A_668 {add = true, strides = array<i32>} : memref<16x1024xf32, #tpu.memory_space<vmem>>, vector<1x16xf32>,
          %swap3A_669 = arith.index_cast %scan3A_273 : i32 to index
          %swap3A_670 = arith.constant 624 : index
          %swap3A_671 = tpu.vector_load %arg9[%swap3A_669, %swap3A_670] {strides = array<i32>} : memref<16x1024xf32, #tpu.memory_space<vmem>>, vector<1x16xf32>,
          %swap3A_672 = vector.shape_cast %swap3A_671 : vector<1x16xf32> to vector<16xf32>
          %swap3A_673 = vector.shape_cast %get3A_633 : vector<16xf32> to vector<1x16xf32>
          tpu.vector_store %arg9[%swap3A_669, %swap3A_670], %swap3A_673 {add = true, strides = array<i32>} : memref<16x1024xf32, #tpu.memory_space<vmem>>, vector<1x16xf32>,
          %add3A_674 = arith.addi %mul3A_234, %scan3A_273 : i32
          %get3A_675 = arith.index_cast %add3A_674 : i32 to index
          %get3A_676 = arith.constant 640 : index
          %get3A_677 = tpu.vector_load %arg8[%get3A_675, %get3A_676] {strides = array<i32>} : memref<64x1024xf32, #tpu.memory_space<vmem>>, vector<1x16xf32>,
          %get3A_678 = vector.shape_cast %get3A_677 : vector<1x16xf32> to vector<16xf32>
          %add3A_679 = arith.addi %mul3A_234, %scan3A_273 : i32
          %get3A_680 = arith.index_cast %add3A_679 : i32 to index
          %get3A_681 = arith.constant 656 : index
          %get3A_682 = tpu.vector_load %arg8[%get3A_680, %get3A_681] {strides = array<i32>} : memref<64x1024xf32, #tpu.memory_space<vmem>>, vector<1x16xf32>,
          %get3A_683 = vector.shape_cast %get3A_682 : vector<1x16xf32> to vector<16xf32>
          %add3A_684 = arith.addi %mul3A_234, %scan3A_273 : i32
          %get3A_685 = arith.index_cast %add3A_684 : i32 to index
          %get3A_686 = arith.constant 672 : index
          %get3A_687 = tpu.vector_load %arg8[%get3A_685, %get3A_686] {strides = array<i32>} : memref<64x1024xf32, #tpu.memory_space<vmem>>, vector<1x16xf32>,
          %get3A_688 = vector.shape_cast %get3A_687 : vector<1x16xf32> to vector<16xf32>
          %add3A_689 = arith.addi %mul3A_234, %scan3A_273 : i32
          %get3A_690 = arith.index_cast %add3A_689 : i32 to index
          %get3A_691 = arith.constant 688 : index
          %get3A_692 = tpu.vector_load %arg8[%get3A_690, %get3A_691] {strides = array<i32>} : memref<64x1024xf32, #tpu.memory_space<vmem>>, vector<1x16xf32>,
          %get3A_693 = vector.shape_cast %get3A_692 : vector<1x16xf32> to vector<16xf32>
          %add3A_694 = arith.addi %mul3A_234, %scan3A_273 : i32
          %get3A_695 = arith.index_cast %add3A_694 : i32 to index
          %get3A_696 = arith.constant 704 : index
          %get3A_697 = tpu.vector_load %arg8[%get3A_695, %get3A_696] {strides = array<i32>} : memref<64x1024xf32, #tpu.memory_space<vmem>>, vector<1x16xf32>,
          %get3A_698 = vector.shape_cast %get3A_697 : vector<1x16xf32> to vector<16xf32>
          %add3A_699 = arith.addi %mul3A_234, %scan3A_273 : i32
          %get3A_700 = arith.index_cast %add3A_699 : i32 to index
          %get3A_701 = arith.constant 720 : index
          %get3A_702 = tpu.vector_load %arg8[%get3A_700, %get3A_701] {strides = array<i32>} : memref<64x1024xf32, #tpu.memory_space<vmem>>, vector<1x16xf32>,
          %get3A_703 = vector.shape_cast %get3A_702 : vector<1x16xf32> to vector<16xf32>
          %add3A_704 = arith.addi %mul3A_234, %scan3A_273 : i32
          %get3A_705 = arith.index_cast %add3A_704 : i32 to index
          %get3A_706 = arith.constant 736 : index
          %get3A_707 = tpu.vector_load %arg8[%get3A_705, %get3A_706] {strides = array<i32>} : memref<64x1024xf32, #tpu.memory_space<vmem>>, vector<1x16xf32>,
          %get3A_708 = vector.shape_cast %get3A_707 : vector<1x16xf32> to vector<16xf32>
          %add3A_709 = arith.addi %mul3A_234, %scan3A_273 : i32
          %get3A_710 = arith.index_cast %add3A_709 : i32 to index
          %get3A_711 = arith.constant 752 : index
          %get3A_712 = tpu.vector_load %arg8[%get3A_710, %get3A_711] {strides = array<i32>} : memref<64x1024xf32, #tpu.memory_space<vmem>>, vector<1x16xf32>,
          %get3A_713 = vector.shape_cast %get3A_712 : vector<1x16xf32> to vector<16xf32>
          %swap3A_714 = arith.index_cast %scan3A_273 : i32 to index
          %swap3A_715 = arith.constant 640 : index
          %swap3A_716 = tpu.vector_load %arg9[%swap3A_714, %swap3A_715] {strides = array<i32>} : memref<16x1024xf32, #tpu.memory_space<vmem>>, vector<1x16xf32>,
          %swap3A_717 = vector.shape_cast %swap3A_716 : vector<1x16xf32> to vector<16xf32>
          %swap3A_718 = vector.shape_cast %get3A_678 : vector<16xf32> to vector<1x16xf32>
          tpu.vector_store %arg9[%swap3A_714, %swap3A_715], %swap3A_718 {add = true, strides = array<i32>} : memref<16x1024xf32, #tpu.memory_space<vmem>>, vector<1x16xf32>,
          %swap3A_719 = arith.index_cast %scan3A_273 : i32 to index
          %swap3A_720 = arith.constant 656 : index
          %swap3A_721 = tpu.vector_load %arg9[%swap3A_719, %swap3A_720] {strides = array<i32>} : memref<16x1024xf32, #tpu.memory_space<vmem>>, vector<1x16xf32>,
          %swap3A_722 = vector.shape_cast %swap3A_721 : vector<1x16xf32> to vector<16xf32>
          %swap3A_723 = vector.shape_cast %get3A_683 : vector<16xf32> to vector<1x16xf32>
          tpu.vector_store %arg9[%swap3A_719, %swap3A_720], %swap3A_723 {add = true, strides = array<i32>} : memref<16x1024xf32, #tpu.memory_space<vmem>>, vector<1x16xf32>,
          %swap3A_724 = arith.index_cast %scan3A_273 : i32 to index
          %swap3A_725 = arith.constant 672 : index
          %swap3A_726 = tpu.vector_load %arg9[%swap3A_724, %swap3A_725] {strides = array<i32>} : memref<16x1024xf32, #tpu.memory_space<vmem>>, vector<1x16xf32>,
          %swap3A_727 = vector.shape_cast %swap3A_726 : vector<1x16xf32> to vector<16xf32>
          %swap3A_728 = vector.shape_cast %get3A_688 : vector<16xf32> to vector<1x16xf32>
          tpu.vector_store %arg9[%swap3A_724, %swap3A_725], %swap3A_728 {add = true, strides = array<i32>} : memref<16x1024xf32, #tpu.memory_space<vmem>>, vector<1x16xf32>,
          %swap3A_729 = arith.index_cast %scan3A_273 : i32 to index
          %swap3A_730 = arith.constant 688 : index
          %swap3A_731 = tpu.vector_load %arg9[%swap3A_729, %swap3A_730] {strides = array<i32>} : memref<16x1024xf32, #tpu.memory_space<vmem>>, vector<1x16xf32>,
          %swap3A_732 = vector.shape_cast %swap3A_731 : vector<1x16xf32> to vector<16xf32>
          %swap3A_733 = vector.shape_cast %get3A_693 : vector<16xf32> to vector<1x16xf32>
          tpu.vector_store %arg9[%swap3A_729, %swap3A_730], %swap3A_733 {add = true, strides = array<i32>} : memref<16x1024xf32, #tpu.memory_space<vmem>>, vector<1x16xf32>,
          %swap3A_734 = arith.index_cast %scan3A_273 : i32 to index
          %swap3A_735 = arith.constant 704 : index
          %swap3A_736 = tpu.vector_load %arg9[%swap3A_734, %swap3A_735] {strides = array<i32>} : memref<16x1024xf32, #tpu.memory_space<vmem>>, vector<1x16xf32>,
          %swap3A_737 = vector.shape_cast %swap3A_736 : vector<1x16xf32> to vector<16xf32>
          %swap3A_738 = vector.shape_cast %get3A_698 : vector<16xf32> to vector<1x16xf32>
          tpu.vector_store %arg9[%swap3A_734, %swap3A_735], %swap3A_738 {add = true, strides = array<i32>} : memref<16x1024xf32, #tpu.memory_space<vmem>>, vector<1x16xf32>,
          %swap3A_739 = arith.index_cast %scan3A_273 : i32 to index
          %swap3A_740 = arith.constant 720 : index
          %swap3A_741 = tpu.vector_load %arg9[%swap3A_739, %swap3A_740] {strides = array<i32>} : memref<16x1024xf32, #tpu.memory_space<vmem>>, vector<1x16xf32>,
          %swap3A_742 = vector.shape_cast %swap3A_741 : vector<1x16xf32> to vector<16xf32>
          %swap3A_743 = vector.shape_cast %get3A_703 : vector<16xf32> to vector<1x16xf32>
          tpu.vector_store %arg9[%swap3A_739, %swap3A_740], %swap3A_743 {add = true, strides = array<i32>} : memref<16x1024xf32, #tpu.memory_space<vmem>>, vector<1x16xf32>,
          %swap3A_744 = arith.index_cast %scan3A_273 : i32 to index
          %swap3A_745 = arith.constant 736 : index
          %swap3A_746 = tpu.vector_load %arg9[%swap3A_744, %swap3A_745] {strides = array<i32>} : memref<16x1024xf32, #tpu.memory_space<vmem>>, vector<1x16xf32>,
          %swap3A_747 = vector.shape_cast %swap3A_746 : vector<1x16xf32> to vector<16xf32>
          %swap3A_748 = vector.shape_cast %get3A_708 : vector<16xf32> to vector<1x16xf32>
          tpu.vector_store %arg9[%swap3A_744, %swap3A_745], %swap3A_748 {add = true, strides = array<i32>} : memref<16x1024xf32, #tpu.memory_space<vmem>>, vector<1x16xf32>,
          %swap3A_749 = arith.index_cast %scan3A_273 : i32 to index
          %swap3A_750 = arith.constant 752 : index
          %swap3A_751 = tpu.vector_load %arg9[%swap3A_749, %swap3A_750] {strides = array<i32>} : memref<16x1024xf32, #tpu.memory_space<vmem>>, vector<1x16xf32>,
          %swap3A_752 = vector.shape_cast %swap3A_751 : vector<1x16xf32> to vector<16xf32>
          %swap3A_753 = vector.shape_cast %get3A_713 : vector<16xf32> to vector<1x16xf32>
          tpu.vector_store %arg9[%swap3A_749, %swap3A_750], %swap3A_753 {add = true, strides = array<i32>} : memref<16x1024xf32, #tpu.memory_space<vmem>>, vector<1x16xf32>,
          %add3A_754 = arith.addi %mul3A_234, %scan3A_273 : i32
          %get3A_755 = arith.index_cast %add3A_754 : i32 to index
          %get3A_756 = arith.constant 768 : index
          %get3A_757 = tpu.vector_load %arg8[%get3A_755, %get3A_756] {strides = array<i32>} : memref<64x1024xf32, #tpu.memory_space<vmem>>, vector<1x16xf32>,
          %get3A_758 = vector.shape_cast %get3A_757 : vector<1x16xf32> to vector<16xf32>
          %add3A_759 = arith.addi %mul3A_234, %scan3A_273 : i32
          %get3A_760 = arith.index_cast %add3A_759 : i32 to index
          %get3A_761 = arith.constant 784 : index
          %get3A_762 = tpu.vector_load %arg8[%get3A_760, %get3A_761] {strides = array<i32>} : memref<64x1024xf32, #tpu.memory_space<vmem>>, vector<1x16xf32>,
          %get3A_763 = vector.shape_cast %get3A_762 : vector<1x16xf32> to vector<16xf32>
          %add3A_764 = arith.addi %mul3A_234, %scan3A_273 : i32
          %get3A_765 = arith.index_cast %add3A_764 : i32 to index
          %get3A_766 = arith.constant 800 : index
          %get3A_767 = tpu.vector_load %arg8[%get3A_765, %get3A_766] {strides = array<i32>} : memref<64x1024xf32, #tpu.memory_space<vmem>>, vector<1x16xf32>,
          %get3A_768 = vector.shape_cast %get3A_767 : vector<1x16xf32> to vector<16xf32>
          %add3A_769 = arith.addi %mul3A_234, %scan3A_273 : i32
          %get3A_770 = arith.index_cast %add3A_769 : i32 to index
          %get3A_771 = arith.constant 816 : index
          %get3A_772 = tpu.vector_load %arg8[%get3A_770, %get3A_771] {strides = array<i32>} : memref<64x1024xf32, #tpu.memory_space<vmem>>, vector<1x16xf32>,
          %get3A_773 = vector.shape_cast %get3A_772 : vector<1x16xf32> to vector<16xf32>
          %add3A_774 = arith.addi %mul3A_234, %scan3A_273 : i32
          %get3A_775 = arith.index_cast %add3A_774 : i32 to index
          %get3A_776 = arith.constant 832 : index
          %get3A_777 = tpu.vector_load %arg8[%get3A_775, %get3A_776] {strides = array<i32>} : memref<64x1024xf32, #tpu.memory_space<vmem>>, vector<1x16xf32>,
          %get3A_778 = vector.shape_cast %get3A_777 : vector<1x16xf32> to vector<16xf32>
          %add3A_779 = arith.addi %mul3A_234, %scan3A_273 : i32
          %get3A_780 = arith.index_cast %add3A_779 : i32 to index
          %get3A_781 = arith.constant 848 : index
          %get3A_782 = tpu.vector_load %arg8[%get3A_780, %get3A_781] {strides = array<i32>} : memref<64x1024xf32, #tpu.memory_space<vmem>>, vector<1x16xf32>,
          %get3A_783 = vector.shape_cast %get3A_782 : vector<1x16xf32> to vector<16xf32>
          %add3A_784 = arith.addi %mul3A_234, %scan3A_273 : i32
          %get3A_785 = arith.index_cast %add3A_784 : i32 to index
          %get3A_786 = arith.constant 864 : index
          %get3A_787 = tpu.vector_load %arg8[%get3A_785, %get3A_786] {strides = array<i32>} : memref<64x1024xf32, #tpu.memory_space<vmem>>, vector<1x16xf32>,
          %get3A_788 = vector.shape_cast %get3A_787 : vector<1x16xf32> to vector<16xf32>
          %add3A_789 = arith.addi %mul3A_234, %scan3A_273 : i32
          %get3A_790 = arith.index_cast %add3A_789 : i32 to index
          %get3A_791 = arith.constant 880 : index
          %get3A_792 = tpu.vector_load %arg8[%get3A_790, %get3A_791] {strides = array<i32>} : memref<64x1024xf32, #tpu.memory_space<vmem>>, vector<1x16xf32>,
          %get3A_793 = vector.shape_cast %get3A_792 : vector<1x16xf32> to vector<16xf32>
          %swap3A_794 = arith.index_cast %scan3A_273 : i32 to index
          %swap3A_795 = arith.constant 768 : index
          %swap3A_796 = tpu.vector_load %arg9[%swap3A_794, %swap3A_795] {strides = array<i32>} : memref<16x1024xf32, #tpu.memory_space<vmem>>, vector<1x16xf32>,
          %swap3A_797 = vector.shape_cast %swap3A_796 : vector<1x16xf32> to vector<16xf32>
          %swap3A_798 = vector.shape_cast %get3A_758 : vector<16xf32> to vector<1x16xf32>
          tpu.vector_store %arg9[%swap3A_794, %swap3A_795], %swap3A_798 {add = true, strides = array<i32>} : memref<16x1024xf32, #tpu.memory_space<vmem>>, vector<1x16xf32>,
          %swap3A_799 = arith.index_cast %scan3A_273 : i32 to index
          %swap3A_800 = arith.constant 784 : index
          %swap3A_801 = tpu.vector_load %arg9[%swap3A_799, %swap3A_800] {strides = array<i32>} : memref<16x1024xf32, #tpu.memory_space<vmem>>, vector<1x16xf32>,
          %swap3A_802 = vector.shape_cast %swap3A_801 : vector<1x16xf32> to vector<16xf32>
          %swap3A_803 = vector.shape_cast %get3A_763 : vector<16xf32> to vector<1x16xf32>
          tpu.vector_store %arg9[%swap3A_799, %swap3A_800], %swap3A_803 {add = true, strides = array<i32>} : memref<16x1024xf32, #tpu.memory_space<vmem>>, vector<1x16xf32>,
          %swap3A_804 = arith.index_cast %scan3A_273 : i32 to index
          %swap3A_805 = arith.constant 800 : index
          %swap3A_806 = tpu.vector_load %arg9[%swap3A_804, %swap3A_805] {strides = array<i32>} : memref<16x1024xf32, #tpu.memory_space<vmem>>, vector<1x16xf32>,
          %swap3A_807 = vector.shape_cast %swap3A_806 : vector<1x16xf32> to vector<16xf32>
          %swap3A_808 = vector.shape_cast %get3A_768 : vector<16xf32> to vector<1x16xf32>
          tpu.vector_store %arg9[%swap3A_804, %swap3A_805], %swap3A_808 {add = true, strides = array<i32>} : memref<16x1024xf32, #tpu.memory_space<vmem>>, vector<1x16xf32>,
          %swap3A_809 = arith.index_cast %scan3A_273 : i32 to index
          %swap3A_810 = arith.constant 816 : index
          %swap3A_811 = tpu.vector_load %arg9[%swap3A_809, %swap3A_810] {strides = array<i32>} : memref<16x1024xf32, #tpu.memory_space<vmem>>, vector<1x16xf32>,
          %swap3A_812 = vector.shape_cast %swap3A_811 : vector<1x16xf32> to vector<16xf32>
          %swap3A_813 = vector.shape_cast %get3A_773 : vector<16xf32> to vector<1x16xf32>
          tpu.vector_store %arg9[%swap3A_809, %swap3A_810], %swap3A_813 {add = true, strides = array<i32>} : memref<16x1024xf32, #tpu.memory_space<vmem>>, vector<1x16xf32>,
          %swap3A_814 = arith.index_cast %scan3A_273 : i32 to index
          %swap3A_815 = arith.constant 832 : index
          %swap3A_816 = tpu.vector_load %arg9[%swap3A_814, %swap3A_815] {strides = array<i32>} : memref<16x1024xf32, #tpu.memory_space<vmem>>, vector<1x16xf32>,
          %swap3A_817 = vector.shape_cast %swap3A_816 : vector<1x16xf32> to vector<16xf32>
          %swap3A_818 = vector.shape_cast %get3A_778 : vector<16xf32> to vector<1x16xf32>
          tpu.vector_store %arg9[%swap3A_814, %swap3A_815], %swap3A_818 {add = true, strides = array<i32>} : memref<16x1024xf32, #tpu.memory_space<vmem>>, vector<1x16xf32>,
          %swap3A_819 = arith.index_cast %scan3A_273 : i32 to index
          %swap3A_820 = arith.constant 848 : index
          %swap3A_821 = tpu.vector_load %arg9[%swap3A_819, %swap3A_820] {strides = array<i32>} : memref<16x1024xf32, #tpu.memory_space<vmem>>, vector<1x16xf32>,
          %swap3A_822 = vector.shape_cast %swap3A_821 : vector<1x16xf32> to vector<16xf32>
          %swap3A_823 = vector.shape_cast %get3A_783 : vector<16xf32> to vector<1x16xf32>
          tpu.vector_store %arg9[%swap3A_819, %swap3A_820], %swap3A_823 {add = true, strides = array<i32>} : memref<16x1024xf32, #tpu.memory_space<vmem>>, vector<1x16xf32>,
          %swap3A_824 = arith.index_cast %scan3A_273 : i32 to index
          %swap3A_825 = arith.constant 864 : index
          %swap3A_826 = tpu.vector_load %arg9[%swap3A_824, %swap3A_825] {strides = array<i32>} : memref<16x1024xf32, #tpu.memory_space<vmem>>, vector<1x16xf32>,
          %swap3A_827 = vector.shape_cast %swap3A_826 : vector<1x16xf32> to vector<16xf32>
          %swap3A_828 = vector.shape_cast %get3A_788 : vector<16xf32> to vector<1x16xf32>
          tpu.vector_store %arg9[%swap3A_824, %swap3A_825], %swap3A_828 {add = true, strides = array<i32>} : memref<16x1024xf32, #tpu.memory_space<vmem>>, vector<1x16xf32>,
          %swap3A_829 = arith.index_cast %scan3A_273 : i32 to index
          %swap3A_830 = arith.constant 880 : index
          %swap3A_831 = tpu.vector_load %arg9[%swap3A_829, %swap3A_830] {strides = array<i32>} : memref<16x1024xf32, #tpu.memory_space<vmem>>, vector<1x16xf32>,
          %swap3A_832 = vector.shape_cast %swap3A_831 : vector<1x16xf32> to vector<16xf32>
          %swap3A_833 = vector.shape_cast %get3A_793 : vector<16xf32> to vector<1x16xf32>
          tpu.vector_store %arg9[%swap3A_829, %swap3A_830], %swap3A_833 {add = true, strides = array<i32>} : memref<16x1024xf32, #tpu.memory_space<vmem>>, vector<1x16xf32>,
          %add3A_834 = arith.addi %mul3A_234, %scan3A_273 : i32
          %get3A_835 = arith.index_cast %add3A_834 : i32 to index
          %get3A_836 = arith.constant 896 : index
          %get3A_837 = tpu.vector_load %arg8[%get3A_835, %get3A_836] {strides = array<i32>} : memref<64x1024xf32, #tpu.memory_space<vmem>>, vector<1x16xf32>,
          %get3A_838 = vector.shape_cast %get3A_837 : vector<1x16xf32> to vector<16xf32>
          %add3A_839 = arith.addi %mul3A_234, %scan3A_273 : i32
          %get3A_840 = arith.index_cast %add3A_839 : i32 to index
          %get3A_841 = arith.constant 912 : index
          %get3A_842 = tpu.vector_load %arg8[%get3A_840, %get3A_841] {strides = array<i32>} : memref<64x1024xf32, #tpu.memory_space<vmem>>, vector<1x16xf32>,
          %get3A_843 = vector.shape_cast %get3A_842 : vector<1x16xf32> to vector<16xf32>
          %add3A_844 = arith.addi %mul3A_234, %scan3A_273 : i32
          %get3A_845 = arith.index_cast %add3A_844 : i32 to index
          %get3A_846 = arith.constant 928 : index
          %get3A_847 = tpu.vector_load %arg8[%get3A_845, %get3A_846] {strides = array<i32>} : memref<64x1024xf32, #tpu.memory_space<vmem>>, vector<1x16xf32>,
          %get3A_848 = vector.shape_cast %get3A_847 : vector<1x16xf32> to vector<16xf32>
          %add3A_849 = arith.addi %mul3A_234, %scan3A_273 : i32
          %get3A_850 = arith.index_cast %add3A_849 : i32 to index
          %get3A_851 = arith.constant 944 : index
          %get3A_852 = tpu.vector_load %arg8[%get3A_850, %get3A_851] {strides = array<i32>} : memref<64x1024xf32, #tpu.memory_space<vmem>>, vector<1x16xf32>,
          %get3A_853 = vector.shape_cast %get3A_852 : vector<1x16xf32> to vector<16xf32>
          %add3A_854 = arith.addi %mul3A_234, %scan3A_273 : i32
          %get3A_855 = arith.index_cast %add3A_854 : i32 to index
          %get3A_856 = arith.constant 960 : index
          %get3A_857 = tpu.vector_load %arg8[%get3A_855, %get3A_856] {strides = array<i32>} : memref<64x1024xf32, #tpu.memory_space<vmem>>, vector<1x16xf32>,
          %get3A_858 = vector.shape_cast %get3A_857 : vector<1x16xf32> to vector<16xf32>
          %add3A_859 = arith.addi %mul3A_234, %scan3A_273 : i32
          %get3A_860 = arith.index_cast %add3A_859 : i32 to index
          %get3A_861 = arith.constant 976 : index
          %get3A_862 = tpu.vector_load %arg8[%get3A_860, %get3A_861] {strides = array<i32>} : memref<64x1024xf32, #tpu.memory_space<vmem>>, vector<1x16xf32>,
          %get3A_863 = vector.shape_cast %get3A_862 : vector<1x16xf32> to vector<16xf32>
          %add3A_864 = arith.addi %mul3A_234, %scan3A_273 : i32
          %get3A_865 = arith.index_cast %add3A_864 : i32 to index
          %get3A_866 = arith.constant 992 : index
          %get3A_867 = tpu.vector_load %arg8[%get3A_865, %get3A_866] {strides = array<i32>} : memref<64x1024xf32, #tpu.memory_space<vmem>>, vector<1x16xf32>,
          %get3A_868 = vector.shape_cast %get3A_867 : vector<1x16xf32> to vector<16xf32>
          %add3A_869 = arith.addi %mul3A_234, %scan3A_273 : i32
          %get3A_870 = arith.index_cast %add3A_869 : i32 to index
          %get3A_871 = arith.constant 1008 : index
          %get3A_872 = tpu.vector_load %arg8[%get3A_870, %get3A_871] {strides = array<i32>} : memref<64x1024xf32, #tpu.memory_space<vmem>>, vector<1x16xf32>,
          %get3A_873 = vector.shape_cast %get3A_872 : vector<1x16xf32> to vector<16xf32>
          %swap3A_874 = arith.index_cast %scan3A_273 : i32 to index
          %swap3A_875 = arith.constant 896 : index
          %swap3A_876 = tpu.vector_load %arg9[%swap3A_874, %swap3A_875] {strides = array<i32>} : memref<16x1024xf32, #tpu.memory_space<vmem>>, vector<1x16xf32>,
          %swap3A_877 = vector.shape_cast %swap3A_876 : vector<1x16xf32> to vector<16xf32>
          %swap3A_878 = vector.shape_cast %get3A_838 : vector<16xf32> to vector<1x16xf32>
          tpu.vector_store %arg9[%swap3A_874, %swap3A_875], %swap3A_878 {add = true, strides = array<i32>} : memref<16x1024xf32, #tpu.memory_space<vmem>>, vector<1x16xf32>,
          %swap3A_879 = arith.index_cast %scan3A_273 : i32 to index
          %swap3A_880 = arith.constant 912 : index
          %swap3A_881 = tpu.vector_load %arg9[%swap3A_879, %swap3A_880] {strides = array<i32>} : memref<16x1024xf32, #tpu.memory_space<vmem>>, vector<1x16xf32>,
          %swap3A_882 = vector.shape_cast %swap3A_881 : vector<1x16xf32> to vector<16xf32>
          %swap3A_883 = vector.shape_cast %get3A_843 : vector<16xf32> to vector<1x16xf32>
          tpu.vector_store %arg9[%swap3A_879, %swap3A_880], %swap3A_883 {add = true, strides = array<i32>} : memref<16x1024xf32, #tpu.memory_space<vmem>>, vector<1x16xf32>,
          %swap3A_884 = arith.index_cast %scan3A_273 : i32 to index
          %swap3A_885 = arith.constant 928 : index
          %swap3A_886 = tpu.vector_load %arg9[%swap3A_884, %swap3A_885] {strides = array<i32>} : memref<16x1024xf32, #tpu.memory_space<vmem>>, vector<1x16xf32>,
          %swap3A_887 = vector.shape_cast %swap3A_886 : vector<1x16xf32> to vector<16xf32>
          %swap3A_888 = vector.shape_cast %get3A_848 : vector<16xf32> to vector<1x16xf32>
          tpu.vector_store %arg9[%swap3A_884, %swap3A_885], %swap3A_888 {add = true, strides = array<i32>} : memref<16x1024xf32, #tpu.memory_space<vmem>>, vector<1x16xf32>,
          %swap3A_889 = arith.index_cast %scan3A_273 : i32 to index
          %swap3A_890 = arith.constant 944 : index
          %swap3A_891 = tpu.vector_load %arg9[%swap3A_889, %swap3A_890] {strides = array<i32>} : memref<16x1024xf32, #tpu.memory_space<vmem>>, vector<1x16xf32>,
          %swap3A_892 = vector.shape_cast %swap3A_891 : vector<1x16xf32> to vector<16xf32>
          %swap3A_893 = vector.shape_cast %get3A_853 : vector<16xf32> to vector<1x16xf32>
          tpu.vector_store %arg9[%swap3A_889, %swap3A_890], %swap3A_893 {add = true, strides = array<i32>} : memref<16x1024xf32, #tpu.memory_space<vmem>>, vector<1x16xf32>,
          %swap3A_894 = arith.index_cast %scan3A_273 : i32 to index
          %swap3A_895 = arith.constant 960 : index
          %swap3A_896 = tpu.vector_load %arg9[%swap3A_894, %swap3A_895] {strides = array<i32>} : memref<16x1024xf32, #tpu.memory_space<vmem>>, vector<1x16xf32>,
          %swap3A_897 = vector.shape_cast %swap3A_896 : vector<1x16xf32> to vector<16xf32>
          %swap3A_898 = vector.shape_cast %get3A_858 : vector<16xf32> to vector<1x16xf32>
          tpu.vector_store %arg9[%swap3A_894, %swap3A_895], %swap3A_898 {add = true, strides = array<i32>} : memref<16x1024xf32, #tpu.memory_space<vmem>>, vector<1x16xf32>,
          %swap3A_899 = arith.index_cast %scan3A_273 : i32 to index
          %swap3A_900 = arith.constant 976 : index
          %swap3A_901 = tpu.vector_load %arg9[%swap3A_899, %swap3A_900] {strides = array<i32>} : memref<16x1024xf32, #tpu.memory_space<vmem>>, vector<1x16xf32>,
          %swap3A_902 = vector.shape_cast %swap3A_901 : vector<1x16xf32> to vector<16xf32>
          %swap3A_903 = vector.shape_cast %get3A_863 : vector<16xf32> to vector<1x16xf32>
          tpu.vector_store %arg9[%swap3A_899, %swap3A_900], %swap3A_903 {add = true, strides = array<i32>} : memref<16x1024xf32, #tpu.memory_space<vmem>>, vector<1x16xf32>,
          %swap3A_904 = arith.index_cast %scan3A_273 : i32 to index
          %swap3A_905 = arith.constant 992 : index
          %swap3A_906 = tpu.vector_load %arg9[%swap3A_904, %swap3A_905] {strides = array<i32>} : memref<16x1024xf32, #tpu.memory_space<vmem>>, vector<1x16xf32>,
          %swap3A_907 = vector.shape_cast %swap3A_906 : vector<1x16xf32> to vector<16xf32>
          %swap3A_908 = vector.shape_cast %get3A_868 : vector<16xf32> to vector<1x16xf32>
          tpu.vector_store %arg9[%swap3A_904, %swap3A_905], %swap3A_908 {add = true, strides = array<i32>} : memref<16x1024xf32, #tpu.memory_space<vmem>>, vector<1x16xf32>,
          %swap3A_909 = arith.index_cast %scan3A_273 : i32 to index
          %swap3A_910 = arith.constant 1008 : index
          %swap3A_911 = tpu.vector_load %arg9[%swap3A_909, %swap3A_910] {strides = array<i32>} : memref<16x1024xf32, #tpu.memory_space<vmem>>, vector<1x16xf32>,
          %swap3A_912 = vector.shape_cast %swap3A_911 : vector<1x16xf32> to vector<16xf32>
          %swap3A_913 = vector.shape_cast %get3A_873 : vector<16xf32> to vector<1x16xf32>
          tpu.vector_store %arg9[%swap3A_909, %swap3A_910], %swap3A_913 {add = true, strides = array<i32>} : memref<16x1024xf32, #tpu.memory_space<vmem>>, vector<1x16xf32>,
          %scan3A_914 = arith.constant 0 : i32
          scf.yield %scan3A_914 : i32
        }
        %scan3A_241 = arith.constant 16 : i32
        %jit3A_242 = arith.constant 4 : i32
        %div3A_243 = arith.divsi %add3A_137, %jit3A_242 : i32
        %sign3A_244 = arith.constant 0 : i32
        %sign3A_245 = arith.cmpi sgt, %add3A_137, %sign3A_244 : i32
        %sign3A_246 = arith.extui %sign3A_245 : i1 to i32
        %sign3A_247 = arith.constant 0 : i32
        %sign3A_248 = arith.cmpi slt, %add3A_137, %sign3A_247 : i32
        %sign3A_249 = arith.extui %sign3A_248 : i1 to i32
        %sign3A_250 = arith.subi %sign3A_246, %sign3A_249 : i32
        %sign3A_251 = arith.constant 0 : i32
        %sign3A_252 = arith.cmpi sgt, %jit3A_242, %sign3A_251 : i32
        %sign3A_253 = arith.extui %sign3A_252 : i1 to i32
        %sign3A_254 = arith.constant 0 : i32
        %sign3A_255 = arith.cmpi slt, %jit3A_242, %sign3A_254 : i32
        %sign3A_256 = arith.extui %sign3A_255 : i1 to i32
        %sign3A_257 = arith.subi %sign3A_253, %sign3A_256 : i32
        %ne3A_258 = arith.cmpi ne, %sign3A_250, %sign3A_257 : i32
        %rem3A_259 = arith.remsi %add3A_137, %jit3A_242 : i32
        %ne3A_260 = arith.constant 0 : i32
        %ne3A_261 = arith.cmpi ne, %rem3A_259, %ne3A_260 : i32
        %and3A_262 = arith.andi %ne3A_258, %ne3A_261 : i1
        %sub3A_263 = arith.constant 1 : i32
        %sub3A_264 = arith.subi %div3A_243, %sub3A_263 : i32
        %select_n3A_265 = arith.select %and3A_262, %sub3A_264, %div3A_243 : i32
        %add3A_266 = arith.addi %mul3A_2, %mul3A_234 : i32
        %dma_start3A_267 = arith.constant 0 : i32
        %dma_start3A_268 = tpu.memref_slice %arg5[%select_n3A_265, %add3A_266, %dma_start3A_267] : memref<4x2048x1024xf32, #tpu.memory_space<hbm>> -> memref<1x16x1024xf32, #tpu.memory_space<hbm>>
        %dma_start3A_269 = tpu.memref_squeeze %dma_start3A_268 : memref<1x16x1024xf32, #tpu.memory_space<hbm>> -> memref<16x1024xf32, #tpu.memory_space<hbm>>
        %dma_start3A_270 = arith.constant 0 : i32
        %dma_start3A_271 = tpu.memref_slice %arg5[%select_n3A_265, %add3A_266, %dma_start3A_270] : memref<4x2048x1024xf32, #tpu.memory_space<hbm>> -> memref<1x16x1024xf32, #tpu.memory_space<hbm>>
        %dma_start3A_272 = tpu.memref_squeeze %dma_start3A_271 : memref<1x16x1024xf32, #tpu.memory_space<hbm>> -> memref<16x1024xf32, #tpu.memory_space<hbm>>
        tpu.enqueue_dma source(%arg9 : memref<16x1024xf32, #tpu.memory_space<vmem>>) target(%dma_start3A_272 : memref<16x1024xf32, #tpu.memory_space<hbm>>) target_semaphore(%arg16 : memref<!tpu.dma_semaphore, #tpu.memory_space<semaphore_mem>>)
      } else {
      }
      %ge3A = arith.constant 1 : i32
      %ge3A_141 = arith.cmpi sge, %add3A_137, %ge3A : i32
      %add3A_142 = arith.constant 2 : i32
      %add3A_143 = arith.addi %add3A_137, %add3A_142 : i32
      %lt3A_144 = arith.constant 16 : i32
      %lt3A_145 = arith.cmpi slt, %add3A_143, %lt3A_144 : i32
      %and3A_146 = arith.andi %ge3A_141, %lt3A_145 : i1
      %convert_element_type3A_147 = arith.extui %and3A_146 : i1 to i32
      %cond3A_148 = arith.constant 0 : i32
      %cond3A_149 = arith.cmpi ne, %convert_element_type3A_147, %cond3A_148 : i32
      scf.if %cond3A_149 {
        %dma_wait3A_210 = arith.constant 0 : i32
        %dma_wait3A_211 = arith.constant 0 : i32
        %dma_wait3A_212 = arith.constant 0 : i32
        %dma_wait3A_213 = tpu.memref_slice %arg5[%dma_wait3A_210, %dma_wait3A_211, %dma_wait3A_212] : memref<4x2048x1024xf32, #tpu.memory_space<hbm>> -> memref<1x16x1024xf32, #tpu.memory_space<hbm>>
        %dma_wait3A_214 = tpu.memref_squeeze %dma_wait3A_213 : memref<1x16x1024xf32, #tpu.memory_space<hbm>> -> memref<16x1024xf32, #tpu.memory_space<hbm>>
        %dma_wait3A_215 = arith.constant 0 : i32
        %dma_wait3A_216 = arith.constant 0 : i32
        %dma_wait3A_217 = tpu.memref_slice %arg5[%dma_wait3A_210, %dma_wait3A_215, %dma_wait3A_216] : memref<4x2048x1024xf32, #tpu.memory_space<hbm>> -> memref<1x16x1024xf32, #tpu.memory_space<hbm>>
        %dma_wait3A_218 = tpu.memref_squeeze %dma_wait3A_217 : memref<1x16x1024xf32, #tpu.memory_space<hbm>> -> memref<16x1024xf32, #tpu.memory_space<hbm>>
        tpu.wait_dma2 semaphore(%arg18 : memref<!tpu.dma_semaphore, #tpu.memory_space<semaphore_mem>>) src(%arg11 : memref<16x1024xf32, #tpu.memory_space<vmem>>) dst(%dma_wait3A_218 : memref<16x1024xf32, #tpu.memory_space<hbm>>)
      } else {
      }
      %add3A_150 = arith.constant 2 : i32
      %add3A_151 = arith.addi %add3A_137, %add3A_150 : i32
      %lt3A_152 = arith.constant 16 : i32
      %lt3A_153 = arith.cmpi slt, %add3A_151, %lt3A_152 : i32
      %convert_element_type3A_154 = arith.extui %lt3A_153 : i1 to i32
      %cond3A_155 = arith.constant 0 : i32
      %cond3A_156 = arith.cmpi ne, %convert_element_type3A_154, %cond3A_155 : i32
      scf.if %cond3A_156 {
        %add3A_210 = arith.constant 2 : i32
        %add3A_211 = arith.addi %add3A_137, %add3A_210 : i32
        %jit3A_212 = arith.constant 4 : i32
        %div3A_213 = arith.divsi %add3A_211, %jit3A_212 : i32
        %sign3A_214 = arith.constant 0 : i32
        %sign3A_215 = arith.cmpi sgt, %add3A_211, %sign3A_214 : i32
        %sign3A_216 = arith.extui %sign3A_215 : i1 to i32
        %sign3A_217 = arith.constant 0 : i32
        %sign3A_218 = arith.cmpi slt, %add3A_211, %sign3A_217 : i32
        %sign3A_219 = arith.extui %sign3A_218 : i1 to i32
        %sign3A_220 = arith.subi %sign3A_216, %sign3A_219 : i32
        %sign3A_221 = arith.constant 0 : i32
        %sign3A_222 = arith.cmpi sgt, %jit3A_212, %sign3A_221 : i32
        %sign3A_223 = arith.extui %sign3A_222 : i1 to i32
        %sign3A_224 = arith.constant 0 : i32
        %sign3A_225 = arith.cmpi slt, %jit3A_212, %sign3A_224 : i32
        %sign3A_226 = arith.extui %sign3A_225 : i1 to i32
        %sign3A_227 = arith.subi %sign3A_223, %sign3A_226 : i32
        %ne3A_228 = arith.cmpi ne, %sign3A_220, %sign3A_227 : i32
        %rem3A_229 = arith.remsi %add3A_211, %jit3A_212 : i32
        %ne3A_230 = arith.constant 0 : i32
        %ne3A_231 = arith.cmpi ne, %rem3A_229, %ne3A_230 : i32
        %and3A_232 = arith.andi %ne3A_228, %ne3A_231 : i1
        %sub3A_233 = arith.constant 1 : i32
        %sub3A_234 = arith.subi %div3A_213, %sub3A_233 : i32
        %select_n3A_235 = arith.select %and3A_232, %sub3A_234, %div3A_213 : i32
        %jit3A_236 = arith.constant 4 : i32
        %eq3A_237 = arith.constant 0 : i32
        %eq3A_238 = arith.cmpi eq, %jit3A_236, %eq3A_237 : i32
        %jit3A_239 = arith.constant 1 : i32
        %select_n3A_240 = arith.select %eq3A_238, %jit3A_239, %jit3A_236 : i32
        %rem3A_241 = arith.remsi %add3A_211, %select_n3A_240 : i32
        %ne3A_242 = arith.constant 0 : i32
        %ne3A_243 = arith.cmpi ne, %rem3A_241, %ne3A_242 : i32
        %lt3A_244 = arith.constant 0 : i32
        %lt3A_245 = arith.cmpi slt, %rem3A_241, %lt3A_244 : i32
        %lt3A_246 = arith.constant 0 : i32
        %lt3A_247 = arith.cmpi slt, %select_n3A_240, %lt3A_246 : i32
        %ne3A_248 = arith.xori %lt3A_245, %lt3A_247 : i1
        %and3A_249 = arith.andi %ne3A_248, %ne3A_243 : i1
        %add3A_250 = arith.addi %rem3A_241, %select_n3A_240 : i32
        %select_n3A_251 = arith.select %and3A_249, %add3A_250, %rem3A_241 : i32
        %mul3A_252 = arith.constant 16 : i32
        %mul3A_253 = arith.muli %select_n3A_251, %mul3A_252 : i32
        %add3A_254 = arith.addi %mul3A_80, %mul3A_253 : i32
        %dma_start3A_255 = tpu.memref_slice %arg6[%select_n3A_235, %add3A_254] : memref<4x128xi32, #tpu.memory_space<vmem>> -> memref<1x16xi32, #tpu.memory_space<vmem>>
        %dma_start3A_256 = tpu.memref_squeeze %dma_start3A_255 : memref<1x16xi32, #tpu.memory_space<vmem>> -> memref<16xi32, #tpu.memory_space<vmem>>
        %dma_start3A_257 = arith.constant 0 : i32
        %dma_start3A_258 = arith.constant 0 : i32
        %dma_start3A_259 = tpu.memref_slice %arg3[%dma_start3A_257, %dma_start3A_258] : memref<50272x1024xf32, #tpu.memory_space<hbm>> -> memref<50272x1024xf32, #tpu.memory_space<hbm>>
        tpu.enqueue_indirect_dma source(%dma_start3A_259 : memref<50272x1024xf32, #tpu.memory_space<hbm>>) target(%arg11 : memref<16x1024xf32, #tpu.memory_space<vmem>>) offsets(%dma_start3A_256 : memref<16xi32, #tpu.memory_space<vmem>>) semaphore(%arg15 : memref<!tpu.dma_semaphore, #tpu.memory_space<semaphore_mem>>)
      } else {
      }
      %mul3A_157 = arith.constant 3 : i32
      %mul3A_158 = arith.muli %scan3A_132, %mul3A_157 : i32
      %add3A_159 = arith.constant 1 : i32
      %add3A_160 = arith.addi %mul3A_158, %add3A_159 : i32
      %lt3A_161 = arith.constant 16 : i32
      %lt3A_162 = arith.cmpi slt, %add3A_160, %lt3A_161 : i32
      %convert_element_type3A_163 = arith.extui %lt3A_162 : i1 to i32
      %cond3A_164 = arith.constant 0 : i32
      %cond3A_165 = arith.cmpi ne, %convert_element_type3A_163, %cond3A_164 : i32
      scf.if %cond3A_165 {
        %dma_wait3A_210 = arith.constant 0 : i32
        %dma_wait3A_211 = arith.constant 0 : i32
        %dma_wait3A_212 = tpu.memref_slice %arg6[%dma_wait3A_210, %dma_wait3A_211] : memref<4x128xi32, #tpu.memory_space<vmem>> -> memref<1x16xi32, #tpu.memory_space<vmem>>
        %dma_wait3A_213 = tpu.memref_squeeze %dma_wait3A_212 : memref<1x16xi32, #tpu.memory_space<vmem>> -> memref<16xi32, #tpu.memory_space<vmem>>
        %dma_wait3A_214 = arith.constant 0 : i32
        %dma_wait3A_215 = arith.constant 0 : i32
        %dma_wait3A_216 = tpu.memref_slice %arg3[%dma_wait3A_214, %dma_wait3A_215] : memref<50272x1024xf32, #tpu.memory_space<hbm>> -> memref<50272x1024xf32, #tpu.memory_space<hbm>>
        tpu.wait_indirect_dma semaphore(%arg14 : memref<!tpu.dma_semaphore, #tpu.memory_space<semaphore_mem>>) src(%dma_wait3A_216 : memref<50272x1024xf32, #tpu.memory_space<hbm>>) dst(%arg10 : memref<16x1024xf32, #tpu.memory_space<vmem>>)
        %jit3A_217 = arith.constant 4 : i32
        %eq3A_218 = arith.constant 0 : i32
        %eq3A_219 = arith.cmpi eq, %jit3A_217, %eq3A_218 : i32
        %jit3A_220 = arith.constant 1 : i32
        %select_n3A_221 = arith.select %eq3A_219, %jit3A_220, %jit3A_217 : i32
        %rem3A_222 = arith.remsi %add3A_160, %select_n3A_221 : i32
        %ne3A_223 = arith.constant 0 : i32
        %ne3A_224 = arith.cmpi ne, %rem3A_222, %ne3A_223 : i32
        %lt3A_225 = arith.constant 0 : i32
        %lt3A_226 = arith.cmpi slt, %rem3A_222, %lt3A_225 : i32
        %lt3A_227 = arith.constant 0 : i32
        %lt3A_228 = arith.cmpi slt, %select_n3A_221, %lt3A_227 : i32
        %ne3A_229 = arith.xori %lt3A_226, %lt3A_228 : i1
        %and3A_230 = arith.andi %ne3A_229, %ne3A_224 : i1
        %add3A_231 = arith.addi %rem3A_222, %select_n3A_221 : i32
        %select_n3A_232 = arith.select %and3A_230, %add3A_231, %rem3A_222 : i32
        %mul3A_233 = arith.constant 16 : i32
        %mul3A_234 = arith.muli %select_n3A_232, %mul3A_233 : i32
        %scan3A_235 = arith.constant 0 : i32
        %scan3A_236 = arith.constant 0 : i32
        %scan3A_237 = arith.constant 16 : i32
        %scan3A_238 = arith.addi %scan3A_236, %scan3A_237 : i32
        %scan3A_239 = arith.constant 1 : i32
        %scan3A_240 = scf.for %scan3A_273 = %scan3A_236 to %scan3A_238 step %scan3A_239 iter_args(%scan3A_274 = %scan3A_235) -> (i32)  : i32 {
          %add3A_275 = arith.addi %mul3A_234, %scan3A_273 : i32
          %get3A = arith.index_cast %add3A_275 : i32 to index
          %get3A_276 = arith.constant 0 : index
          %get3A_277 = tpu.vector_load %arg8[%get3A, %get3A_276] {strides = array<i32>} : memref<64x1024xf32, #tpu.memory_space<vmem>>, vector<1x16xf32>,
          %get3A_278 = vector.shape_cast %get3A_277 : vector<1x16xf32> to vector<16xf32>
          %add3A_279 = arith.addi %mul3A_234, %scan3A_273 : i32
          %get3A_280 = arith.index_cast %add3A_279 : i32 to index
          %get3A_281 = arith.constant 16 : index
          %get3A_282 = tpu.vector_load %arg8[%get3A_280, %get3A_281] {strides = array<i32>} : memref<64x1024xf32, #tpu.memory_space<vmem>>, vector<1x16xf32>,
          %get3A_283 = vector.shape_cast %get3A_282 : vector<1x16xf32> to vector<16xf32>
          %add3A_284 = arith.addi %mul3A_234, %scan3A_273 : i32
          %get3A_285 = arith.index_cast %add3A_284 : i32 to index
          %get3A_286 = arith.constant 32 : index
          %get3A_287 = tpu.vector_load %arg8[%get3A_285, %get3A_286] {strides = array<i32>} : memref<64x1024xf32, #tpu.memory_space<vmem>>, vector<1x16xf32>,
          %get3A_288 = vector.shape_cast %get3A_287 : vector<1x16xf32> to vector<16xf32>
          %add3A_289 = arith.addi %mul3A_234, %scan3A_273 : i32
          %get3A_290 = arith.index_cast %add3A_289 : i32 to index
          %get3A_291 = arith.constant 48 : index
          %get3A_292 = tpu.vector_load %arg8[%get3A_290, %get3A_291] {strides = array<i32>} : memref<64x1024xf32, #tpu.memory_space<vmem>>, vector<1x16xf32>,
          %get3A_293 = vector.shape_cast %get3A_292 : vector<1x16xf32> to vector<16xf32>
          %add3A_294 = arith.addi %mul3A_234, %scan3A_273 : i32
          %get3A_295 = arith.index_cast %add3A_294 : i32 to index
          %get3A_296 = arith.constant 64 : index
          %get3A_297 = tpu.vector_load %arg8[%get3A_295, %get3A_296] {strides = array<i32>} : memref<64x1024xf32, #tpu.memory_space<vmem>>, vector<1x16xf32>,
          %get3A_298 = vector.shape_cast %get3A_297 : vector<1x16xf32> to vector<16xf32>
          %add3A_299 = arith.addi %mul3A_234, %scan3A_273 : i32
          %get3A_300 = arith.index_cast %add3A_299 : i32 to index
          %get3A_301 = arith.constant 80 : index
          %get3A_302 = tpu.vector_load %arg8[%get3A_300, %get3A_301] {strides = array<i32>} : memref<64x1024xf32, #tpu.memory_space<vmem>>, vector<1x16xf32>,
          %get3A_303 = vector.shape_cast %get3A_302 : vector<1x16xf32> to vector<16xf32>
          %add3A_304 = arith.addi %mul3A_234, %scan3A_273 : i32
          %get3A_305 = arith.index_cast %add3A_304 : i32 to index
          %get3A_306 = arith.constant 96 : index
          %get3A_307 = tpu.vector_load %arg8[%get3A_305, %get3A_306] {strides = array<i32>} : memref<64x1024xf32, #tpu.memory_space<vmem>>, vector<1x16xf32>,
          %get3A_308 = vector.shape_cast %get3A_307 : vector<1x16xf32> to vector<16xf32>
          %add3A_309 = arith.addi %mul3A_234, %scan3A_273 : i32
          %get3A_310 = arith.index_cast %add3A_309 : i32 to index
          %get3A_311 = arith.constant 112 : index
          %get3A_312 = tpu.vector_load %arg8[%get3A_310, %get3A_311] {strides = array<i32>} : memref<64x1024xf32, #tpu.memory_space<vmem>>, vector<1x16xf32>,
          %get3A_313 = vector.shape_cast %get3A_312 : vector<1x16xf32> to vector<16xf32>
          %swap3A_314 = arith.index_cast %scan3A_273 : i32 to index
          %swap3A_315 = arith.constant 0 : index
          %swap3A_316 = tpu.vector_load %arg10[%swap3A_314, %swap3A_315] {strides = array<i32>} : memref<16x1024xf32, #tpu.memory_space<vmem>>, vector<1x16xf32>,
          %swap3A_317 = vector.shape_cast %swap3A_316 : vector<1x16xf32> to vector<16xf32>
          %swap3A_318 = vector.shape_cast %get3A_278 : vector<16xf32> to vector<1x16xf32>
          tpu.vector_store %arg10[%swap3A_314, %swap3A_315], %swap3A_318 {add = true, strides = array<i32>} : memref<16x1024xf32, #tpu.memory_space<vmem>>, vector<1x16xf32>,
          %swap3A_319 = arith.index_cast %scan3A_273 : i32 to index
          %swap3A_320 = arith.constant 16 : index
          %swap3A_321 = tpu.vector_load %arg10[%swap3A_319, %swap3A_320] {strides = array<i32>} : memref<16x1024xf32, #tpu.memory_space<vmem>>, vector<1x16xf32>,
          %swap3A_322 = vector.shape_cast %swap3A_321 : vector<1x16xf32> to vector<16xf32>
          %swap3A_323 = vector.shape_cast %get3A_283 : vector<16xf32> to vector<1x16xf32>
          tpu.vector_store %arg10[%swap3A_319, %swap3A_320], %swap3A_323 {add = true, strides = array<i32>} : memref<16x1024xf32, #tpu.memory_space<vmem>>, vector<1x16xf32>,
          %swap3A_324 = arith.index_cast %scan3A_273 : i32 to index
          %swap3A_325 = arith.constant 32 : index
          %swap3A_326 = tpu.vector_load %arg10[%swap3A_324, %swap3A_325] {strides = array<i32>} : memref<16x1024xf32, #tpu.memory_space<vmem>>, vector<1x16xf32>,
          %swap3A_327 = vector.shape_cast %swap3A_326 : vector<1x16xf32> to vector<16xf32>
          %swap3A_328 = vector.shape_cast %get3A_288 : vector<16xf32> to vector<1x16xf32>
          tpu.vector_store %arg10[%swap3A_324, %swap3A_325], %swap3A_328 {add = true, strides = array<i32>} : memref<16x1024xf32, #tpu.memory_space<vmem>>, vector<1x16xf32>,
          %swap3A_329 = arith.index_cast %scan3A_273 : i32 to index
          %swap3A_330 = arith.constant 48 : index
          %swap3A_331 = tpu.vector_load %arg10[%swap3A_329, %swap3A_330] {strides = array<i32>} : memref<16x1024xf32, #tpu.memory_space<vmem>>, vector<1x16xf32>,
          %swap3A_332 = vector.shape_cast %swap3A_331 : vector<1x16xf32> to vector<16xf32>
          %swap3A_333 = vector.shape_cast %get3A_293 : vector<16xf32> to vector<1x16xf32>
          tpu.vector_store %arg10[%swap3A_329, %swap3A_330], %swap3A_333 {add = true, strides = array<i32>} : memref<16x1024xf32, #tpu.memory_space<vmem>>, vector<1x16xf32>,
          %swap3A_334 = arith.index_cast %scan3A_273 : i32 to index
          %swap3A_335 = arith.constant 64 : index
          %swap3A_336 = tpu.vector_load %arg10[%swap3A_334, %swap3A_335] {strides = array<i32>} : memref<16x1024xf32, #tpu.memory_space<vmem>>, vector<1x16xf32>,
          %swap3A_337 = vector.shape_cast %swap3A_336 : vector<1x16xf32> to vector<16xf32>
          %swap3A_338 = vector.shape_cast %get3A_298 : vector<16xf32> to vector<1x16xf32>
          tpu.vector_store %arg10[%swap3A_334, %swap3A_335], %swap3A_338 {add = true, strides = array<i32>} : memref<16x1024xf32, #tpu.memory_space<vmem>>, vector<1x16xf32>,
          %swap3A_339 = arith.index_cast %scan3A_273 : i32 to index
          %swap3A_340 = arith.constant 80 : index
          %swap3A_341 = tpu.vector_load %arg10[%swap3A_339, %swap3A_340] {strides = array<i32>} : memref<16x1024xf32, #tpu.memory_space<vmem>>, vector<1x16xf32>,
          %swap3A_342 = vector.shape_cast %swap3A_341 : vector<1x16xf32> to vector<16xf32>
          %swap3A_343 = vector.shape_cast %get3A_303 : vector<16xf32> to vector<1x16xf32>
          tpu.vector_store %arg10[%swap3A_339, %swap3A_340], %swap3A_343 {add = true, strides = array<i32>} : memref<16x1024xf32, #tpu.memory_space<vmem>>, vector<1x16xf32>,
          %swap3A_344 = arith.index_cast %scan3A_273 : i32 to index
          %swap3A_345 = arith.constant 96 : index
          %swap3A_346 = tpu.vector_load %arg10[%swap3A_344, %swap3A_345] {strides = array<i32>} : memref<16x1024xf32, #tpu.memory_space<vmem>>, vector<1x16xf32>,
          %swap3A_347 = vector.shape_cast %swap3A_346 : vector<1x16xf32> to vector<16xf32>
          %swap3A_348 = vector.shape_cast %get3A_308 : vector<16xf32> to vector<1x16xf32>
          tpu.vector_store %arg10[%swap3A_344, %swap3A_345], %swap3A_348 {add = true, strides = array<i32>} : memref<16x1024xf32, #tpu.memory_space<vmem>>, vector<1x16xf32>,
          %swap3A_349 = arith.index_cast %scan3A_273 : i32 to index
          %swap3A_350 = arith.constant 112 : index
          %swap3A_351 = tpu.vector_load %arg10[%swap3A_349, %swap3A_350] {strides = array<i32>} : memref<16x1024xf32, #tpu.memory_space<vmem>>, vector<1x16xf32>,
          %swap3A_352 = vector.shape_cast %swap3A_351 : vector<1x16xf32> to vector<16xf32>
          %swap3A_353 = vector.shape_cast %get3A_313 : vector<16xf32> to vector<1x16xf32>
          tpu.vector_store %arg10[%swap3A_349, %swap3A_350], %swap3A_353 {add = true, strides = array<i32>} : memref<16x1024xf32, #tpu.memory_space<vmem>>, vector<1x16xf32>,
          %add3A_354 = arith.addi %mul3A_234, %scan3A_273 : i32
          %get3A_355 = arith.index_cast %add3A_354 : i32 to index
          %get3A_356 = arith.constant 128 : index
          %get3A_357 = tpu.vector_load %arg8[%get3A_355, %get3A_356] {strides = array<i32>} : memref<64x1024xf32, #tpu.memory_space<vmem>>, vector<1x16xf32>,
          %get3A_358 = vector.shape_cast %get3A_357 : vector<1x16xf32> to vector<16xf32>
          %add3A_359 = arith.addi %mul3A_234, %scan3A_273 : i32
          %get3A_360 = arith.index_cast %add3A_359 : i32 to index
          %get3A_361 = arith.constant 144 : index
          %get3A_362 = tpu.vector_load %arg8[%get3A_360, %get3A_361] {strides = array<i32>} : memref<64x1024xf32, #tpu.memory_space<vmem>>, vector<1x16xf32>,
          %get3A_363 = vector.shape_cast %get3A_362 : vector<1x16xf32> to vector<16xf32>
          %add3A_364 = arith.addi %mul3A_234, %scan3A_273 : i32
          %get3A_365 = arith.index_cast %add3A_364 : i32 to index
          %get3A_366 = arith.constant 160 : index
          %get3A_367 = tpu.vector_load %arg8[%get3A_365, %get3A_366] {strides = array<i32>} : memref<64x1024xf32, #tpu.memory_space<vmem>>, vector<1x16xf32>,
          %get3A_368 = vector.shape_cast %get3A_367 : vector<1x16xf32> to vector<16xf32>
          %add3A_369 = arith.addi %mul3A_234, %scan3A_273 : i32
          %get3A_370 = arith.index_cast %add3A_369 : i32 to index
          %get3A_371 = arith.constant 176 : index
          %get3A_372 = tpu.vector_load %arg8[%get3A_370, %get3A_371] {strides = array<i32>} : memref<64x1024xf32, #tpu.memory_space<vmem>>, vector<1x16xf32>,
          %get3A_373 = vector.shape_cast %get3A_372 : vector<1x16xf32> to vector<16xf32>
          %add3A_374 = arith.addi %mul3A_234, %scan3A_273 : i32
          %get3A_375 = arith.index_cast %add3A_374 : i32 to index
          %get3A_376 = arith.constant 192 : index
          %get3A_377 = tpu.vector_load %arg8[%get3A_375, %get3A_376] {strides = array<i32>} : memref<64x1024xf32, #tpu.memory_space<vmem>>, vector<1x16xf32>,
          %get3A_378 = vector.shape_cast %get3A_377 : vector<1x16xf32> to vector<16xf32>
          %add3A_379 = arith.addi %mul3A_234, %scan3A_273 : i32
          %get3A_380 = arith.index_cast %add3A_379 : i32 to index
          %get3A_381 = arith.constant 208 : index
          %get3A_382 = tpu.vector_load %arg8[%get3A_380, %get3A_381] {strides = array<i32>} : memref<64x1024xf32, #tpu.memory_space<vmem>>, vector<1x16xf32>,
          %get3A_383 = vector.shape_cast %get3A_382 : vector<1x16xf32> to vector<16xf32>
          %add3A_384 = arith.addi %mul3A_234, %scan3A_273 : i32
          %get3A_385 = arith.index_cast %add3A_384 : i32 to index
          %get3A_386 = arith.constant 224 : index
          %get3A_387 = tpu.vector_load %arg8[%get3A_385, %get3A_386] {strides = array<i32>} : memref<64x1024xf32, #tpu.memory_space<vmem>>, vector<1x16xf32>,
          %get3A_388 = vector.shape_cast %get3A_387 : vector<1x16xf32> to vector<16xf32>
          %add3A_389 = arith.addi %mul3A_234, %scan3A_273 : i32
          %get3A_390 = arith.index_cast %add3A_389 : i32 to index
          %get3A_391 = arith.constant 240 : index
          %get3A_392 = tpu.vector_load %arg8[%get3A_390, %get3A_391] {strides = array<i32>} : memref<64x1024xf32, #tpu.memory_space<vmem>>, vector<1x16xf32>,
          %get3A_393 = vector.shape_cast %get3A_392 : vector<1x16xf32> to vector<16xf32>
          %swap3A_394 = arith.index_cast %scan3A_273 : i32 to index
          %swap3A_395 = arith.constant 128 : index
          %swap3A_396 = tpu.vector_load %arg10[%swap3A_394, %swap3A_395] {strides = array<i32>} : memref<16x1024xf32, #tpu.memory_space<vmem>>, vector<1x16xf32>,
          %swap3A_397 = vector.shape_cast %swap3A_396 : vector<1x16xf32> to vector<16xf32>
          %swap3A_398 = vector.shape_cast %get3A_358 : vector<16xf32> to vector<1x16xf32>
          tpu.vector_store %arg10[%swap3A_394, %swap3A_395], %swap3A_398 {add = true, strides = array<i32>} : memref<16x1024xf32, #tpu.memory_space<vmem>>, vector<1x16xf32>,
          %swap3A_399 = arith.index_cast %scan3A_273 : i32 to index
          %swap3A_400 = arith.constant 144 : index
          %swap3A_401 = tpu.vector_load %arg10[%swap3A_399, %swap3A_400] {strides = array<i32>} : memref<16x1024xf32, #tpu.memory_space<vmem>>, vector<1x16xf32>,
          %swap3A_402 = vector.shape_cast %swap3A_401 : vector<1x16xf32> to vector<16xf32>
          %swap3A_403 = vector.shape_cast %get3A_363 : vector<16xf32> to vector<1x16xf32>
          tpu.vector_store %arg10[%swap3A_399, %swap3A_400], %swap3A_403 {add = true, strides = array<i32>} : memref<16x1024xf32, #tpu.memory_space<vmem>>, vector<1x16xf32>,
          %swap3A_404 = arith.index_cast %scan3A_273 : i32 to index
          %swap3A_405 = arith.constant 160 : index
          %swap3A_406 = tpu.vector_load %arg10[%swap3A_404, %swap3A_405] {strides = array<i32>} : memref<16x1024xf32, #tpu.memory_space<vmem>>, vector<1x16xf32>,
          %swap3A_407 = vector.shape_cast %swap3A_406 : vector<1x16xf32> to vector<16xf32>
          %swap3A_408 = vector.shape_cast %get3A_368 : vector<16xf32> to vector<1x16xf32>
          tpu.vector_store %arg10[%swap3A_404, %swap3A_405], %swap3A_408 {add = true, strides = array<i32>} : memref<16x1024xf32, #tpu.memory_space<vmem>>, vector<1x16xf32>,
          %swap3A_409 = arith.index_cast %scan3A_273 : i32 to index
          %swap3A_410 = arith.constant 176 : index
          %swap3A_411 = tpu.vector_load %arg10[%swap3A_409, %swap3A_410] {strides = array<i32>} : memref<16x1024xf32, #tpu.memory_space<vmem>>, vector<1x16xf32>,
          %swap3A_412 = vector.shape_cast %swap3A_411 : vector<1x16xf32> to vector<16xf32>
          %swap3A_413 = vector.shape_cast %get3A_373 : vector<16xf32> to vector<1x16xf32>
          tpu.vector_store %arg10[%swap3A_409, %swap3A_410], %swap3A_413 {add = true, strides = array<i32>} : memref<16x1024xf32, #tpu.memory_space<vmem>>, vector<1x16xf32>,
          %swap3A_414 = arith.index_cast %scan3A_273 : i32 to index
          %swap3A_415 = arith.constant 192 : index
          %swap3A_416 = tpu.vector_load %arg10[%swap3A_414, %swap3A_415] {strides = array<i32>} : memref<16x1024xf32, #tpu.memory_space<vmem>>, vector<1x16xf32>,
          %swap3A_417 = vector.shape_cast %swap3A_416 : vector<1x16xf32> to vector<16xf32>
          %swap3A_418 = vector.shape_cast %get3A_378 : vector<16xf32> to vector<1x16xf32>
          tpu.vector_store %arg10[%swap3A_414, %swap3A_415], %swap3A_418 {add = true, strides = array<i32>} : memref<16x1024xf32, #tpu.memory_space<vmem>>, vector<1x16xf32>,
          %swap3A_419 = arith.index_cast %scan3A_273 : i32 to index
          %swap3A_420 = arith.constant 208 : index
          %swap3A_421 = tpu.vector_load %arg10[%swap3A_419, %swap3A_420] {strides = array<i32>} : memref<16x1024xf32, #tpu.memory_space<vmem>>, vector<1x16xf32>,
          %swap3A_422 = vector.shape_cast %swap3A_421 : vector<1x16xf32> to vector<16xf32>
          %swap3A_423 = vector.shape_cast %get3A_383 : vector<16xf32> to vector<1x16xf32>
          tpu.vector_store %arg10[%swap3A_419, %swap3A_420], %swap3A_423 {add = true, strides = array<i32>} : memref<16x1024xf32, #tpu.memory_space<vmem>>, vector<1x16xf32>,
          %swap3A_424 = arith.index_cast %scan3A_273 : i32 to index
          %swap3A_425 = arith.constant 224 : index
          %swap3A_426 = tpu.vector_load %arg10[%swap3A_424, %swap3A_425] {strides = array<i32>} : memref<16x1024xf32, #tpu.memory_space<vmem>>, vector<1x16xf32>,
          %swap3A_427 = vector.shape_cast %swap3A_426 : vector<1x16xf32> to vector<16xf32>
          %swap3A_428 = vector.shape_cast %get3A_388 : vector<16xf32> to vector<1x16xf32>
          tpu.vector_store %arg10[%swap3A_424, %swap3A_425], %swap3A_428 {add = true, strides = array<i32>} : memref<16x1024xf32, #tpu.memory_space<vmem>>, vector<1x16xf32>,
          %swap3A_429 = arith.index_cast %scan3A_273 : i32 to index
          %swap3A_430 = arith.constant 240 : index
          %swap3A_431 = tpu.vector_load %arg10[%swap3A_429, %swap3A_430] {strides = array<i32>} : memref<16x1024xf32, #tpu.memory_space<vmem>>, vector<1x16xf32>,
          %swap3A_432 = vector.shape_cast %swap3A_431 : vector<1x16xf32> to vector<16xf32>
          %swap3A_433 = vector.shape_cast %get3A_393 : vector<16xf32> to vector<1x16xf32>
          tpu.vector_store %arg10[%swap3A_429, %swap3A_430], %swap3A_433 {add = true, strides = array<i32>} : memref<16x1024xf32, #tpu.memory_space<vmem>>, vector<1x16xf32>,
          %add3A_434 = arith.addi %mul3A_234, %scan3A_273 : i32
          %get3A_435 = arith.index_cast %add3A_434 : i32 to index
          %get3A_436 = arith.constant 256 : index
          %get3A_437 = tpu.vector_load %arg8[%get3A_435, %get3A_436] {strides = array<i32>} : memref<64x1024xf32, #tpu.memory_space<vmem>>, vector<1x16xf32>,
          %get3A_438 = vector.shape_cast %get3A_437 : vector<1x16xf32> to vector<16xf32>
          %add3A_439 = arith.addi %mul3A_234, %scan3A_273 : i32
          %get3A_440 = arith.index_cast %add3A_439 : i32 to index
          %get3A_441 = arith.constant 272 : index
          %get3A_442 = tpu.vector_load %arg8[%get3A_440, %get3A_441] {strides = array<i32>} : memref<64x1024xf32, #tpu.memory_space<vmem>>, vector<1x16xf32>,
          %get3A_443 = vector.shape_cast %get3A_442 : vector<1x16xf32> to vector<16xf32>
          %add3A_444 = arith.addi %mul3A_234, %scan3A_273 : i32
          %get3A_445 = arith.index_cast %add3A_444 : i32 to index
          %get3A_446 = arith.constant 288 : index
          %get3A_447 = tpu.vector_load %arg8[%get3A_445, %get3A_446] {strides = array<i32>} : memref<64x1024xf32, #tpu.memory_space<vmem>>, vector<1x16xf32>,
          %get3A_448 = vector.shape_cast %get3A_447 : vector<1x16xf32> to vector<16xf32>
          %add3A_449 = arith.addi %mul3A_234, %scan3A_273 : i32
          %get3A_450 = arith.index_cast %add3A_449 : i32 to index
          %get3A_451 = arith.constant 304 : index
          %get3A_452 = tpu.vector_load %arg8[%get3A_450, %get3A_451] {strides = array<i32>} : memref<64x1024xf32, #tpu.memory_space<vmem>>, vector<1x16xf32>,
          %get3A_453 = vector.shape_cast %get3A_452 : vector<1x16xf32> to vector<16xf32>
          %add3A_454 = arith.addi %mul3A_234, %scan3A_273 : i32
          %get3A_455 = arith.index_cast %add3A_454 : i32 to index
          %get3A_456 = arith.constant 320 : index
          %get3A_457 = tpu.vector_load %arg8[%get3A_455, %get3A_456] {strides = array<i32>} : memref<64x1024xf32, #tpu.memory_space<vmem>>, vector<1x16xf32>,
          %get3A_458 = vector.shape_cast %get3A_457 : vector<1x16xf32> to vector<16xf32>
          %add3A_459 = arith.addi %mul3A_234, %scan3A_273 : i32
          %get3A_460 = arith.index_cast %add3A_459 : i32 to index
          %get3A_461 = arith.constant 336 : index
          %get3A_462 = tpu.vector_load %arg8[%get3A_460, %get3A_461] {strides = array<i32>} : memref<64x1024xf32, #tpu.memory_space<vmem>>, vector<1x16xf32>,
          %get3A_463 = vector.shape_cast %get3A_462 : vector<1x16xf32> to vector<16xf32>
          %add3A_464 = arith.addi %mul3A_234, %scan3A_273 : i32
          %get3A_465 = arith.index_cast %add3A_464 : i32 to index
          %get3A_466 = arith.constant 352 : index
          %get3A_467 = tpu.vector_load %arg8[%get3A_465, %get3A_466] {strides = array<i32>} : memref<64x1024xf32, #tpu.memory_space<vmem>>, vector<1x16xf32>,
          %get3A_468 = vector.shape_cast %get3A_467 : vector<1x16xf32> to vector<16xf32>
          %add3A_469 = arith.addi %mul3A_234, %scan3A_273 : i32
          %get3A_470 = arith.index_cast %add3A_469 : i32 to index
          %get3A_471 = arith.constant 368 : index
          %get3A_472 = tpu.vector_load %arg8[%get3A_470, %get3A_471] {strides = array<i32>} : memref<64x1024xf32, #tpu.memory_space<vmem>>, vector<1x16xf32>,
          %get3A_473 = vector.shape_cast %get3A_472 : vector<1x16xf32> to vector<16xf32>
          %swap3A_474 = arith.index_cast %scan3A_273 : i32 to index
          %swap3A_475 = arith.constant 256 : index
          %swap3A_476 = tpu.vector_load %arg10[%swap3A_474, %swap3A_475] {strides = array<i32>} : memref<16x1024xf32, #tpu.memory_space<vmem>>, vector<1x16xf32>,
          %swap3A_477 = vector.shape_cast %swap3A_476 : vector<1x16xf32> to vector<16xf32>
          %swap3A_478 = vector.shape_cast %get3A_438 : vector<16xf32> to vector<1x16xf32>
          tpu.vector_store %arg10[%swap3A_474, %swap3A_475], %swap3A_478 {add = true, strides = array<i32>} : memref<16x1024xf32, #tpu.memory_space<vmem>>, vector<1x16xf32>,
          %swap3A_479 = arith.index_cast %scan3A_273 : i32 to index
          %swap3A_480 = arith.constant 272 : index
          %swap3A_481 = tpu.vector_load %arg10[%swap3A_479, %swap3A_480] {strides = array<i32>} : memref<16x1024xf32, #tpu.memory_space<vmem>>, vector<1x16xf32>,
          %swap3A_482 = vector.shape_cast %swap3A_481 : vector<1x16xf32> to vector<16xf32>
          %swap3A_483 = vector.shape_cast %get3A_443 : vector<16xf32> to vector<1x16xf32>
          tpu.vector_store %arg10[%swap3A_479, %swap3A_480], %swap3A_483 {add = true, strides = array<i32>} : memref<16x1024xf32, #tpu.memory_space<vmem>>, vector<1x16xf32>,
          %swap3A_484 = arith.index_cast %scan3A_273 : i32 to index
          %swap3A_485 = arith.constant 288 : index
          %swap3A_486 = tpu.vector_load %arg10[%swap3A_484, %swap3A_485] {strides = array<i32>} : memref<16x1024xf32, #tpu.memory_space<vmem>>, vector<1x16xf32>,
          %swap3A_487 = vector.shape_cast %swap3A_486 : vector<1x16xf32> to vector<16xf32>
          %swap3A_488 = vector.shape_cast %get3A_448 : vector<16xf32> to vector<1x16xf32>
          tpu.vector_store %arg10[%swap3A_484, %swap3A_485], %swap3A_488 {add = true, strides = array<i32>} : memref<16x1024xf32, #tpu.memory_space<vmem>>, vector<1x16xf32>,
          %swap3A_489 = arith.index_cast %scan3A_273 : i32 to index
          %swap3A_490 = arith.constant 304 : index
          %swap3A_491 = tpu.vector_load %arg10[%swap3A_489, %swap3A_490] {strides = array<i32>} : memref<16x1024xf32, #tpu.memory_space<vmem>>, vector<1x16xf32>,
          %swap3A_492 = vector.shape_cast %swap3A_491 : vector<1x16xf32> to vector<16xf32>
          %swap3A_493 = vector.shape_cast %get3A_453 : vector<16xf32> to vector<1x16xf32>
          tpu.vector_store %arg10[%swap3A_489, %swap3A_490], %swap3A_493 {add = true, strides = array<i32>} : memref<16x1024xf32, #tpu.memory_space<vmem>>, vector<1x16xf32>,
          %swap3A_494 = arith.index_cast %scan3A_273 : i32 to index
          %swap3A_495 = arith.constant 320 : index
          %swap3A_496 = tpu.vector_load %arg10[%swap3A_494, %swap3A_495] {strides = array<i32>} : memref<16x1024xf32, #tpu.memory_space<vmem>>, vector<1x16xf32>,
          %swap3A_497 = vector.shape_cast %swap3A_496 : vector<1x16xf32> to vector<16xf32>
          %swap3A_498 = vector.shape_cast %get3A_458 : vector<16xf32> to vector<1x16xf32>
          tpu.vector_store %arg10[%swap3A_494, %swap3A_495], %swap3A_498 {add = true, strides = array<i32>} : memref<16x1024xf32, #tpu.memory_space<vmem>>, vector<1x16xf32>,
          %swap3A_499 = arith.index_cast %scan3A_273 : i32 to index
          %swap3A_500 = arith.constant 336 : index
          %swap3A_501 = tpu.vector_load %arg10[%swap3A_499, %swap3A_500] {strides = array<i32>} : memref<16x1024xf32, #tpu.memory_space<vmem>>, vector<1x16xf32>,
          %swap3A_502 = vector.shape_cast %swap3A_501 : vector<1x16xf32> to vector<16xf32>
          %swap3A_503 = vector.shape_cast %get3A_463 : vector<16xf32> to vector<1x16xf32>
          tpu.vector_store %arg10[%swap3A_499, %swap3A_500], %swap3A_503 {add = true, strides = array<i32>} : memref<16x1024xf32, #tpu.memory_space<vmem>>, vector<1x16xf32>,
          %swap3A_504 = arith.index_cast %scan3A_273 : i32 to index
          %swap3A_505 = arith.constant 352 : index
          %swap3A_506 = tpu.vector_load %arg10[%swap3A_504, %swap3A_505] {strides = array<i32>} : memref<16x1024xf32, #tpu.memory_space<vmem>>, vector<1x16xf32>,
          %swap3A_507 = vector.shape_cast %swap3A_506 : vector<1x16xf32> to vector<16xf32>
          %swap3A_508 = vector.shape_cast %get3A_468 : vector<16xf32> to vector<1x16xf32>
          tpu.vector_store %arg10[%swap3A_504, %swap3A_505], %swap3A_508 {add = true, strides = array<i32>} : memref<16x1024xf32, #tpu.memory_space<vmem>>, vector<1x16xf32>,
          %swap3A_509 = arith.index_cast %scan3A_273 : i32 to index
          %swap3A_510 = arith.constant 368 : index
          %swap3A_511 = tpu.vector_load %arg10[%swap3A_509, %swap3A_510] {strides = array<i32>} : memref<16x1024xf32, #tpu.memory_space<vmem>>, vector<1x16xf32>,
          %swap3A_512 = vector.shape_cast %swap3A_511 : vector<1x16xf32> to vector<16xf32>
          %swap3A_513 = vector.shape_cast %get3A_473 : vector<16xf32> to vector<1x16xf32>
          tpu.vector_store %arg10[%swap3A_509, %swap3A_510], %swap3A_513 {add = true, strides = array<i32>} : memref<16x1024xf32, #tpu.memory_space<vmem>>, vector<1x16xf32>,
          %add3A_514 = arith.addi %mul3A_234, %scan3A_273 : i32
          %get3A_515 = arith.index_cast %add3A_514 : i32 to index
          %get3A_516 = arith.constant 384 : index
          %get3A_517 = tpu.vector_load %arg8[%get3A_515, %get3A_516] {strides = array<i32>} : memref<64x1024xf32, #tpu.memory_space<vmem>>, vector<1x16xf32>,
          %get3A_518 = vector.shape_cast %get3A_517 : vector<1x16xf32> to vector<16xf32>
          %add3A_519 = arith.addi %mul3A_234, %scan3A_273 : i32
          %get3A_520 = arith.index_cast %add3A_519 : i32 to index
          %get3A_521 = arith.constant 400 : index
          %get3A_522 = tpu.vector_load %arg8[%get3A_520, %get3A_521] {strides = array<i32>} : memref<64x1024xf32, #tpu.memory_space<vmem>>, vector<1x16xf32>,
          %get3A_523 = vector.shape_cast %get3A_522 : vector<1x16xf32> to vector<16xf32>
          %add3A_524 = arith.addi %mul3A_234, %scan3A_273 : i32
          %get3A_525 = arith.index_cast %add3A_524 : i32 to index
          %get3A_526 = arith.constant 416 : index
          %get3A_527 = tpu.vector_load %arg8[%get3A_525, %get3A_526] {strides = array<i32>} : memref<64x1024xf32, #tpu.memory_space<vmem>>, vector<1x16xf32>,
          %get3A_528 = vector.shape_cast %get3A_527 : vector<1x16xf32> to vector<16xf32>
          %add3A_529 = arith.addi %mul3A_234, %scan3A_273 : i32
          %get3A_530 = arith.index_cast %add3A_529 : i32 to index
          %get3A_531 = arith.constant 432 : index
          %get3A_532 = tpu.vector_load %arg8[%get3A_530, %get3A_531] {strides = array<i32>} : memref<64x1024xf32, #tpu.memory_space<vmem>>, vector<1x16xf32>,
          %get3A_533 = vector.shape_cast %get3A_532 : vector<1x16xf32> to vector<16xf32>
          %add3A_534 = arith.addi %mul3A_234, %scan3A_273 : i32
          %get3A_535 = arith.index_cast %add3A_534 : i32 to index
          %get3A_536 = arith.constant 448 : index
          %get3A_537 = tpu.vector_load %arg8[%get3A_535, %get3A_536] {strides = array<i32>} : memref<64x1024xf32, #tpu.memory_space<vmem>>, vector<1x16xf32>,
          %get3A_538 = vector.shape_cast %get3A_537 : vector<1x16xf32> to vector<16xf32>
          %add3A_539 = arith.addi %mul3A_234, %scan3A_273 : i32
          %get3A_540 = arith.index_cast %add3A_539 : i32 to index
          %get3A_541 = arith.constant 464 : index
          %get3A_542 = tpu.vector_load %arg8[%get3A_540, %get3A_541] {strides = array<i32>} : memref<64x1024xf32, #tpu.memory_space<vmem>>, vector<1x16xf32>,
          %get3A_543 = vector.shape_cast %get3A_542 : vector<1x16xf32> to vector<16xf32>
          %add3A_544 = arith.addi %mul3A_234, %scan3A_273 : i32
          %get3A_545 = arith.index_cast %add3A_544 : i32 to index
          %get3A_546 = arith.constant 480 : index
          %get3A_547 = tpu.vector_load %arg8[%get3A_545, %get3A_546] {strides = array<i32>} : memref<64x1024xf32, #tpu.memory_space<vmem>>, vector<1x16xf32>,
          %get3A_548 = vector.shape_cast %get3A_547 : vector<1x16xf32> to vector<16xf32>
          %add3A_549 = arith.addi %mul3A_234, %scan3A_273 : i32
          %get3A_550 = arith.index_cast %add3A_549 : i32 to index
          %get3A_551 = arith.constant 496 : index
          %get3A_552 = tpu.vector_load %arg8[%get3A_550, %get3A_551] {strides = array<i32>} : memref<64x1024xf32, #tpu.memory_space<vmem>>, vector<1x16xf32>,
          %get3A_553 = vector.shape_cast %get3A_552 : vector<1x16xf32> to vector<16xf32>
          %swap3A_554 = arith.index_cast %scan3A_273 : i32 to index
          %swap3A_555 = arith.constant 384 : index
          %swap3A_556 = tpu.vector_load %arg10[%swap3A_554, %swap3A_555] {strides = array<i32>} : memref<16x1024xf32, #tpu.memory_space<vmem>>, vector<1x16xf32>,
          %swap3A_557 = vector.shape_cast %swap3A_556 : vector<1x16xf32> to vector<16xf32>
          %swap3A_558 = vector.shape_cast %get3A_518 : vector<16xf32> to vector<1x16xf32>
          tpu.vector_store %arg10[%swap3A_554, %swap3A_555], %swap3A_558 {add = true, strides = array<i32>} : memref<16x1024xf32, #tpu.memory_space<vmem>>, vector<1x16xf32>,
          %swap3A_559 = arith.index_cast %scan3A_273 : i32 to index
          %swap3A_560 = arith.constant 400 : index
          %swap3A_561 = tpu.vector_load %arg10[%swap3A_559, %swap3A_560] {strides = array<i32>} : memref<16x1024xf32, #tpu.memory_space<vmem>>, vector<1x16xf32>,
          %swap3A_562 = vector.shape_cast %swap3A_561 : vector<1x16xf32> to vector<16xf32>
          %swap3A_563 = vector.shape_cast %get3A_523 : vector<16xf32> to vector<1x16xf32>
          tpu.vector_store %arg10[%swap3A_559, %swap3A_560], %swap3A_563 {add = true, strides = array<i32>} : memref<16x1024xf32, #tpu.memory_space<vmem>>, vector<1x16xf32>,
          %swap3A_564 = arith.index_cast %scan3A_273 : i32 to index
          %swap3A_565 = arith.constant 416 : index
          %swap3A_566 = tpu.vector_load %arg10[%swap3A_564, %swap3A_565] {strides = array<i32>} : memref<16x1024xf32, #tpu.memory_space<vmem>>, vector<1x16xf32>,
          %swap3A_567 = vector.shape_cast %swap3A_566 : vector<1x16xf32> to vector<16xf32>
          %swap3A_568 = vector.shape_cast %get3A_528 : vector<16xf32> to vector<1x16xf32>
          tpu.vector_store %arg10[%swap3A_564, %swap3A_565], %swap3A_568 {add = true, strides = array<i32>} : memref<16x1024xf32, #tpu.memory_space<vmem>>, vector<1x16xf32>,
          %swap3A_569 = arith.index_cast %scan3A_273 : i32 to index
          %swap3A_570 = arith.constant 432 : index
          %swap3A_571 = tpu.vector_load %arg10[%swap3A_569, %swap3A_570] {strides = array<i32>} : memref<16x1024xf32, #tpu.memory_space<vmem>>, vector<1x16xf32>,
          %swap3A_572 = vector.shape_cast %swap3A_571 : vector<1x16xf32> to vector<16xf32>
          %swap3A_573 = vector.shape_cast %get3A_533 : vector<16xf32> to vector<1x16xf32>
          tpu.vector_store %arg10[%swap3A_569, %swap3A_570], %swap3A_573 {add = true, strides = array<i32>} : memref<16x1024xf32, #tpu.memory_space<vmem>>, vector<1x16xf32>,
          %swap3A_574 = arith.index_cast %scan3A_273 : i32 to index
          %swap3A_575 = arith.constant 448 : index
          %swap3A_576 = tpu.vector_load %arg10[%swap3A_574, %swap3A_575] {strides = array<i32>} : memref<16x1024xf32, #tpu.memory_space<vmem>>, vector<1x16xf32>,
          %swap3A_577 = vector.shape_cast %swap3A_576 : vector<1x16xf32> to vector<16xf32>
          %swap3A_578 = vector.shape_cast %get3A_538 : vector<16xf32> to vector<1x16xf32>
          tpu.vector_store %arg10[%swap3A_574, %swap3A_575], %swap3A_578 {add = true, strides = array<i32>} : memref<16x1024xf32, #tpu.memory_space<vmem>>, vector<1x16xf32>,
          %swap3A_579 = arith.index_cast %scan3A_273 : i32 to index
          %swap3A_580 = arith.constant 464 : index
          %swap3A_581 = tpu.vector_load %arg10[%swap3A_579, %swap3A_580] {strides = array<i32>} : memref<16x1024xf32, #tpu.memory_space<vmem>>, vector<1x16xf32>,
          %swap3A_582 = vector.shape_cast %swap3A_581 : vector<1x16xf32> to vector<16xf32>
          %swap3A_583 = vector.shape_cast %get3A_543 : vector<16xf32> to vector<1x16xf32>
          tpu.vector_store %arg10[%swap3A_579, %swap3A_580], %swap3A_583 {add = true, strides = array<i32>} : memref<16x1024xf32, #tpu.memory_space<vmem>>, vector<1x16xf32>,
          %swap3A_584 = arith.index_cast %scan3A_273 : i32 to index
          %swap3A_585 = arith.constant 480 : index
          %swap3A_586 = tpu.vector_load %arg10[%swap3A_584, %swap3A_585] {strides = array<i32>} : memref<16x1024xf32, #tpu.memory_space<vmem>>, vector<1x16xf32>,
          %swap3A_587 = vector.shape_cast %swap3A_586 : vector<1x16xf32> to vector<16xf32>
          %swap3A_588 = vector.shape_cast %get3A_548 : vector<16xf32> to vector<1x16xf32>
          tpu.vector_store %arg10[%swap3A_584, %swap3A_585], %swap3A_588 {add = true, strides = array<i32>} : memref<16x1024xf32, #tpu.memory_space<vmem>>, vector<1x16xf32>,
          %swap3A_589 = arith.index_cast %scan3A_273 : i32 to index
          %swap3A_590 = arith.constant 496 : index
          %swap3A_591 = tpu.vector_load %arg10[%swap3A_589, %swap3A_590] {strides = array<i32>} : memref<16x1024xf32, #tpu.memory_space<vmem>>, vector<1x16xf32>,
          %swap3A_592 = vector.shape_cast %swap3A_591 : vector<1x16xf32> to vector<16xf32>
          %swap3A_593 = vector.shape_cast %get3A_553 : vector<16xf32> to vector<1x16xf32>
          tpu.vector_store %arg10[%swap3A_589, %swap3A_590], %swap3A_593 {add = true, strides = array<i32>} : memref<16x1024xf32, #tpu.memory_space<vmem>>, vector<1x16xf32>,
          %add3A_594 = arith.addi %mul3A_234, %scan3A_273 : i32
          %get3A_595 = arith.index_cast %add3A_594 : i32 to index
          %get3A_596 = arith.constant 512 : index
          %get3A_597 = tpu.vector_load %arg8[%get3A_595, %get3A_596] {strides = array<i32>} : memref<64x1024xf32, #tpu.memory_space<vmem>>, vector<1x16xf32>,
          %get3A_598 = vector.shape_cast %get3A_597 : vector<1x16xf32> to vector<16xf32>
          %add3A_599 = arith.addi %mul3A_234, %scan3A_273 : i32
          %get3A_600 = arith.index_cast %add3A_599 : i32 to index
          %get3A_601 = arith.constant 528 : index
          %get3A_602 = tpu.vector_load %arg8[%get3A_600, %get3A_601] {strides = array<i32>} : memref<64x1024xf32, #tpu.memory_space<vmem>>, vector<1x16xf32>,
          %get3A_603 = vector.shape_cast %get3A_602 : vector<1x16xf32> to vector<16xf32>
          %add3A_604 = arith.addi %mul3A_234, %scan3A_273 : i32
          %get3A_605 = arith.index_cast %add3A_604 : i32 to index
          %get3A_606 = arith.constant 544 : index
          %get3A_607 = tpu.vector_load %arg8[%get3A_605, %get3A_606] {strides = array<i32>} : memref<64x1024xf32, #tpu.memory_space<vmem>>, vector<1x16xf32>,
          %get3A_608 = vector.shape_cast %get3A_607 : vector<1x16xf32> to vector<16xf32>
          %add3A_609 = arith.addi %mul3A_234, %scan3A_273 : i32
          %get3A_610 = arith.index_cast %add3A_609 : i32 to index
          %get3A_611 = arith.constant 560 : index
          %get3A_612 = tpu.vector_load %arg8[%get3A_610, %get3A_611] {strides = array<i32>} : memref<64x1024xf32, #tpu.memory_space<vmem>>, vector<1x16xf32>,
          %get3A_613 = vector.shape_cast %get3A_612 : vector<1x16xf32> to vector<16xf32>
          %add3A_614 = arith.addi %mul3A_234, %scan3A_273 : i32
          %get3A_615 = arith.index_cast %add3A_614 : i32 to index
          %get3A_616 = arith.constant 576 : index
          %get3A_617 = tpu.vector_load %arg8[%get3A_615, %get3A_616] {strides = array<i32>} : memref<64x1024xf32, #tpu.memory_space<vmem>>, vector<1x16xf32>,
          %get3A_618 = vector.shape_cast %get3A_617 : vector<1x16xf32> to vector<16xf32>
          %add3A_619 = arith.addi %mul3A_234, %scan3A_273 : i32
          %get3A_620 = arith.index_cast %add3A_619 : i32 to index
          %get3A_621 = arith.constant 592 : index
          %get3A_622 = tpu.vector_load %arg8[%get3A_620, %get3A_621] {strides = array<i32>} : memref<64x1024xf32, #tpu.memory_space<vmem>>, vector<1x16xf32>,
          %get3A_623 = vector.shape_cast %get3A_622 : vector<1x16xf32> to vector<16xf32>
          %add3A_624 = arith.addi %mul3A_234, %scan3A_273 : i32
          %get3A_625 = arith.index_cast %add3A_624 : i32 to index
          %get3A_626 = arith.constant 608 : index
          %get3A_627 = tpu.vector_load %arg8[%get3A_625, %get3A_626] {strides = array<i32>} : memref<64x1024xf32, #tpu.memory_space<vmem>>, vector<1x16xf32>,
          %get3A_628 = vector.shape_cast %get3A_627 : vector<1x16xf32> to vector<16xf32>
          %add3A_629 = arith.addi %mul3A_234, %scan3A_273 : i32
          %get3A_630 = arith.index_cast %add3A_629 : i32 to index
          %get3A_631 = arith.constant 624 : index
          %get3A_632 = tpu.vector_load %arg8[%get3A_630, %get3A_631] {strides = array<i32>} : memref<64x1024xf32, #tpu.memory_space<vmem>>, vector<1x16xf32>,
          %get3A_633 = vector.shape_cast %get3A_632 : vector<1x16xf32> to vector<16xf32>
          %swap3A_634 = arith.index_cast %scan3A_273 : i32 to index
          %swap3A_635 = arith.constant 512 : index
          %swap3A_636 = tpu.vector_load %arg10[%swap3A_634, %swap3A_635] {strides = array<i32>} : memref<16x1024xf32, #tpu.memory_space<vmem>>, vector<1x16xf32>,
          %swap3A_637 = vector.shape_cast %swap3A_636 : vector<1x16xf32> to vector<16xf32>
          %swap3A_638 = vector.shape_cast %get3A_598 : vector<16xf32> to vector<1x16xf32>
          tpu.vector_store %arg10[%swap3A_634, %swap3A_635], %swap3A_638 {add = true, strides = array<i32>} : memref<16x1024xf32, #tpu.memory_space<vmem>>, vector<1x16xf32>,
          %swap3A_639 = arith.index_cast %scan3A_273 : i32 to index
          %swap3A_640 = arith.constant 528 : index
          %swap3A_641 = tpu.vector_load %arg10[%swap3A_639, %swap3A_640] {strides = array<i32>} : memref<16x1024xf32, #tpu.memory_space<vmem>>, vector<1x16xf32>,
          %swap3A_642 = vector.shape_cast %swap3A_641 : vector<1x16xf32> to vector<16xf32>
          %swap3A_643 = vector.shape_cast %get3A_603 : vector<16xf32> to vector<1x16xf32>
          tpu.vector_store %arg10[%swap3A_639, %swap3A_640], %swap3A_643 {add = true, strides = array<i32>} : memref<16x1024xf32, #tpu.memory_space<vmem>>, vector<1x16xf32>,
          %swap3A_644 = arith.index_cast %scan3A_273 : i32 to index
          %swap3A_645 = arith.constant 544 : index
          %swap3A_646 = tpu.vector_load %arg10[%swap3A_644, %swap3A_645] {strides = array<i32>} : memref<16x1024xf32, #tpu.memory_space<vmem>>, vector<1x16xf32>,
          %swap3A_647 = vector.shape_cast %swap3A_646 : vector<1x16xf32> to vector<16xf32>
          %swap3A_648 = vector.shape_cast %get3A_608 : vector<16xf32> to vector<1x16xf32>
          tpu.vector_store %arg10[%swap3A_644, %swap3A_645], %swap3A_648 {add = true, strides = array<i32>} : memref<16x1024xf32, #tpu.memory_space<vmem>>, vector<1x16xf32>,
          %swap3A_649 = arith.index_cast %scan3A_273 : i32 to index
          %swap3A_650 = arith.constant 560 : index
          %swap3A_651 = tpu.vector_load %arg10[%swap3A_649, %swap3A_650] {strides = array<i32>} : memref<16x1024xf32, #tpu.memory_space<vmem>>, vector<1x16xf32>,
          %swap3A_652 = vector.shape_cast %swap3A_651 : vector<1x16xf32> to vector<16xf32>
          %swap3A_653 = vector.shape_cast %get3A_613 : vector<16xf32> to vector<1x16xf32>
          tpu.vector_store %arg10[%swap3A_649, %swap3A_650], %swap3A_653 {add = true, strides = array<i32>} : memref<16x1024xf32, #tpu.memory_space<vmem>>, vector<1x16xf32>,
          %swap3A_654 = arith.index_cast %scan3A_273 : i32 to index
          %swap3A_655 = arith.constant 576 : index
          %swap3A_656 = tpu.vector_load %arg10[%swap3A_654, %swap3A_655] {strides = array<i32>} : memref<16x1024xf32, #tpu.memory_space<vmem>>, vector<1x16xf32>,
          %swap3A_657 = vector.shape_cast %swap3A_656 : vector<1x16xf32> to vector<16xf32>
          %swap3A_658 = vector.shape_cast %get3A_618 : vector<16xf32> to vector<1x16xf32>
          tpu.vector_store %arg10[%swap3A_654, %swap3A_655], %swap3A_658 {add = true, strides = array<i32>} : memref<16x1024xf32, #tpu.memory_space<vmem>>, vector<1x16xf32>,
          %swap3A_659 = arith.index_cast %scan3A_273 : i32 to index
          %swap3A_660 = arith.constant 592 : index
          %swap3A_661 = tpu.vector_load %arg10[%swap3A_659, %swap3A_660] {strides = array<i32>} : memref<16x1024xf32, #tpu.memory_space<vmem>>, vector<1x16xf32>,
          %swap3A_662 = vector.shape_cast %swap3A_661 : vector<1x16xf32> to vector<16xf32>
          %swap3A_663 = vector.shape_cast %get3A_623 : vector<16xf32> to vector<1x16xf32>
          tpu.vector_store %arg10[%swap3A_659, %swap3A_660], %swap3A_663 {add = true, strides = array<i32>} : memref<16x1024xf32, #tpu.memory_space<vmem>>, vector<1x16xf32>,
          %swap3A_664 = arith.index_cast %scan3A_273 : i32 to index
          %swap3A_665 = arith.constant 608 : index
          %swap3A_666 = tpu.vector_load %arg10[%swap3A_664, %swap3A_665] {strides = array<i32>} : memref<16x1024xf32, #tpu.memory_space<vmem>>, vector<1x16xf32>,
          %swap3A_667 = vector.shape_cast %swap3A_666 : vector<1x16xf32> to vector<16xf32>
          %swap3A_668 = vector.shape_cast %get3A_628 : vector<16xf32> to vector<1x16xf32>
          tpu.vector_store %arg10[%swap3A_664, %swap3A_665], %swap3A_668 {add = true, strides = array<i32>} : memref<16x1024xf32, #tpu.memory_space<vmem>>, vector<1x16xf32>,
          %swap3A_669 = arith.index_cast %scan3A_273 : i32 to index
          %swap3A_670 = arith.constant 624 : index
          %swap3A_671 = tpu.vector_load %arg10[%swap3A_669, %swap3A_670] {strides = array<i32>} : memref<16x1024xf32, #tpu.memory_space<vmem>>, vector<1x16xf32>,
          %swap3A_672 = vector.shape_cast %swap3A_671 : vector<1x16xf32> to vector<16xf32>
          %swap3A_673 = vector.shape_cast %get3A_633 : vector<16xf32> to vector<1x16xf32>
          tpu.vector_store %arg10[%swap3A_669, %swap3A_670], %swap3A_673 {add = true, strides = array<i32>} : memref<16x1024xf32, #tpu.memory_space<vmem>>, vector<1x16xf32>,
          %add3A_674 = arith.addi %mul3A_234, %scan3A_273 : i32
          %get3A_675 = arith.index_cast %add3A_674 : i32 to index
          %get3A_676 = arith.constant 640 : index
          %get3A_677 = tpu.vector_load %arg8[%get3A_675, %get3A_676] {strides = array<i32>} : memref<64x1024xf32, #tpu.memory_space<vmem>>, vector<1x16xf32>,
          %get3A_678 = vector.shape_cast %get3A_677 : vector<1x16xf32> to vector<16xf32>
          %add3A_679 = arith.addi %mul3A_234, %scan3A_273 : i32
          %get3A_680 = arith.index_cast %add3A_679 : i32 to index
          %get3A_681 = arith.constant 656 : index
          %get3A_682 = tpu.vector_load %arg8[%get3A_680, %get3A_681] {strides = array<i32>} : memref<64x1024xf32, #tpu.memory_space<vmem>>, vector<1x16xf32>,
          %get3A_683 = vector.shape_cast %get3A_682 : vector<1x16xf32> to vector<16xf32>
          %add3A_684 = arith.addi %mul3A_234, %scan3A_273 : i32
          %get3A_685 = arith.index_cast %add3A_684 : i32 to index
          %get3A_686 = arith.constant 672 : index
          %get3A_687 = tpu.vector_load %arg8[%get3A_685, %get3A_686] {strides = array<i32>} : memref<64x1024xf32, #tpu.memory_space<vmem>>, vector<1x16xf32>,
          %get3A_688 = vector.shape_cast %get3A_687 : vector<1x16xf32> to vector<16xf32>
          %add3A_689 = arith.addi %mul3A_234, %scan3A_273 : i32
          %get3A_690 = arith.index_cast %add3A_689 : i32 to index
          %get3A_691 = arith.constant 688 : index
          %get3A_692 = tpu.vector_load %arg8[%get3A_690, %get3A_691] {strides = array<i32>} : memref<64x1024xf32, #tpu.memory_space<vmem>>, vector<1x16xf32>,
          %get3A_693 = vector.shape_cast %get3A_692 : vector<1x16xf32> to vector<16xf32>
          %add3A_694 = arith.addi %mul3A_234, %scan3A_273 : i32
          %get3A_695 = arith.index_cast %add3A_694 : i32 to index
          %get3A_696 = arith.constant 704 : index
          %get3A_697 = tpu.vector_load %arg8[%get3A_695, %get3A_696] {strides = array<i32>} : memref<64x1024xf32, #tpu.memory_space<vmem>>, vector<1x16xf32>,
          %get3A_698 = vector.shape_cast %get3A_697 : vector<1x16xf32> to vector<16xf32>
          %add3A_699 = arith.addi %mul3A_234, %scan3A_273 : i32
          %get3A_700 = arith.index_cast %add3A_699 : i32 to index
          %get3A_701 = arith.constant 720 : index
          %get3A_702 = tpu.vector_load %arg8[%get3A_700, %get3A_701] {strides = array<i32>} : memref<64x1024xf32, #tpu.memory_space<vmem>>, vector<1x16xf32>,
          %get3A_703 = vector.shape_cast %get3A_702 : vector<1x16xf32> to vector<16xf32>
          %add3A_704 = arith.addi %mul3A_234, %scan3A_273 : i32
          %get3A_705 = arith.index_cast %add3A_704 : i32 to index
          %get3A_706 = arith.constant 736 : index
          %get3A_707 = tpu.vector_load %arg8[%get3A_705, %get3A_706] {strides = array<i32>} : memref<64x1024xf32, #tpu.memory_space<vmem>>, vector<1x16xf32>,
          %get3A_708 = vector.shape_cast %get3A_707 : vector<1x16xf32> to vector<16xf32>
          %add3A_709 = arith.addi %mul3A_234, %scan3A_273 : i32
          %get3A_710 = arith.index_cast %add3A_709 : i32 to index
          %get3A_711 = arith.constant 752 : index
          %get3A_712 = tpu.vector_load %arg8[%get3A_710, %get3A_711] {strides = array<i32>} : memref<64x1024xf32, #tpu.memory_space<vmem>>, vector<1x16xf32>,
          %get3A_713 = vector.shape_cast %get3A_712 : vector<1x16xf32> to vector<16xf32>
          %swap3A_714 = arith.index_cast %scan3A_273 : i32 to index
          %swap3A_715 = arith.constant 640 : index
          %swap3A_716 = tpu.vector_load %arg10[%swap3A_714, %swap3A_715] {strides = array<i32>} : memref<16x1024xf32, #tpu.memory_space<vmem>>, vector<1x16xf32>,
          %swap3A_717 = vector.shape_cast %swap3A_716 : vector<1x16xf32> to vector<16xf32>
          %swap3A_718 = vector.shape_cast %get3A_678 : vector<16xf32> to vector<1x16xf32>
          tpu.vector_store %arg10[%swap3A_714, %swap3A_715], %swap3A_718 {add = true, strides = array<i32>} : memref<16x1024xf32, #tpu.memory_space<vmem>>, vector<1x16xf32>,
          %swap3A_719 = arith.index_cast %scan3A_273 : i32 to index
          %swap3A_720 = arith.constant 656 : index
          %swap3A_721 = tpu.vector_load %arg10[%swap3A_719, %swap3A_720] {strides = array<i32>} : memref<16x1024xf32, #tpu.memory_space<vmem>>, vector<1x16xf32>,
          %swap3A_722 = vector.shape_cast %swap3A_721 : vector<1x16xf32> to vector<16xf32>
          %swap3A_723 = vector.shape_cast %get3A_683 : vector<16xf32> to vector<1x16xf32>
          tpu.vector_store %arg10[%swap3A_719, %swap3A_720], %swap3A_723 {add = true, strides = array<i32>} : memref<16x1024xf32, #tpu.memory_space<vmem>>, vector<1x16xf32>,
          %swap3A_724 = arith.index_cast %scan3A_273 : i32 to index
          %swap3A_725 = arith.constant 672 : index
          %swap3A_726 = tpu.vector_load %arg10[%swap3A_724, %swap3A_725] {strides = array<i32>} : memref<16x1024xf32, #tpu.memory_space<vmem>>, vector<1x16xf32>,
          %swap3A_727 = vector.shape_cast %swap3A_726 : vector<1x16xf32> to vector<16xf32>
          %swap3A_728 = vector.shape_cast %get3A_688 : vector<16xf32> to vector<1x16xf32>
          tpu.vector_store %arg10[%swap3A_724, %swap3A_725], %swap3A_728 {add = true, strides = array<i32>} : memref<16x1024xf32, #tpu.memory_space<vmem>>, vector<1x16xf32>,
          %swap3A_729 = arith.index_cast %scan3A_273 : i32 to index
          %swap3A_730 = arith.constant 688 : index
          %swap3A_731 = tpu.vector_load %arg10[%swap3A_729, %swap3A_730] {strides = array<i32>} : memref<16x1024xf32, #tpu.memory_space<vmem>>, vector<1x16xf32>,
          %swap3A_732 = vector.shape_cast %swap3A_731 : vector<1x16xf32> to vector<16xf32>
          %swap3A_733 = vector.shape_cast %get3A_693 : vector<16xf32> to vector<1x16xf32>
          tpu.vector_store %arg10[%swap3A_729, %swap3A_730], %swap3A_733 {add = true, strides = array<i32>} : memref<16x1024xf32, #tpu.memory_space<vmem>>, vector<1x16xf32>,
          %swap3A_734 = arith.index_cast %scan3A_273 : i32 to index
          %swap3A_735 = arith.constant 704 : index
          %swap3A_736 = tpu.vector_load %arg10[%swap3A_734, %swap3A_735] {strides = array<i32>} : memref<16x1024xf32, #tpu.memory_space<vmem>>, vector<1x16xf32>,
          %swap3A_737 = vector.shape_cast %swap3A_736 : vector<1x16xf32> to vector<16xf32>
          %swap3A_738 = vector.shape_cast %get3A_698 : vector<16xf32> to vector<1x16xf32>
          tpu.vector_store %arg10[%swap3A_734, %swap3A_735], %swap3A_738 {add = true, strides = array<i32>} : memref<16x1024xf32, #tpu.memory_space<vmem>>, vector<1x16xf32>,
          %swap3A_739 = arith.index_cast %scan3A_273 : i32 to index
          %swap3A_740 = arith.constant 720 : index
          %swap3A_741 = tpu.vector_load %arg10[%swap3A_739, %swap3A_740] {strides = array<i32>} : memref<16x1024xf32, #tpu.memory_space<vmem>>, vector<1x16xf32>,
          %swap3A_742 = vector.shape_cast %swap3A_741 : vector<1x16xf32> to vector<16xf32>
          %swap3A_743 = vector.shape_cast %get3A_703 : vector<16xf32> to vector<1x16xf32>
          tpu.vector_store %arg10[%swap3A_739, %swap3A_740], %swap3A_743 {add = true, strides = array<i32>} : memref<16x1024xf32, #tpu.memory_space<vmem>>, vector<1x16xf32>,
          %swap3A_744 = arith.index_cast %scan3A_273 : i32 to index
          %swap3A_745 = arith.constant 736 : index
          %swap3A_746 = tpu.vector_load %arg10[%swap3A_744, %swap3A_745] {strides = array<i32>} : memref<16x1024xf32, #tpu.memory_space<vmem>>, vector<1x16xf32>,
          %swap3A_747 = vector.shape_cast %swap3A_746 : vector<1x16xf32> to vector<16xf32>
          %swap3A_748 = vector.shape_cast %get3A_708 : vector<16xf32> to vector<1x16xf32>
          tpu.vector_store %arg10[%swap3A_744, %swap3A_745], %swap3A_748 {add = true, strides = array<i32>} : memref<16x1024xf32, #tpu.memory_space<vmem>>, vector<1x16xf32>,
          %swap3A_749 = arith.index_cast %scan3A_273 : i32 to index
          %swap3A_750 = arith.constant 752 : index
          %swap3A_751 = tpu.vector_load %arg10[%swap3A_749, %swap3A_750] {strides = array<i32>} : memref<16x1024xf32, #tpu.memory_space<vmem>>, vector<1x16xf32>,
          %swap3A_752 = vector.shape_cast %swap3A_751 : vector<1x16xf32> to vector<16xf32>
          %swap3A_753 = vector.shape_cast %get3A_713 : vector<16xf32> to vector<1x16xf32>
          tpu.vector_store %arg10[%swap3A_749, %swap3A_750], %swap3A_753 {add = true, strides = array<i32>} : memref<16x1024xf32, #tpu.memory_space<vmem>>, vector<1x16xf32>,
          %add3A_754 = arith.addi %mul3A_234, %scan3A_273 : i32
          %get3A_755 = arith.index_cast %add3A_754 : i32 to index
          %get3A_756 = arith.constant 768 : index
          %get3A_757 = tpu.vector_load %arg8[%get3A_755, %get3A_756] {strides = array<i32>} : memref<64x1024xf32, #tpu.memory_space<vmem>>, vector<1x16xf32>,
          %get3A_758 = vector.shape_cast %get3A_757 : vector<1x16xf32> to vector<16xf32>
          %add3A_759 = arith.addi %mul3A_234, %scan3A_273 : i32
          %get3A_760 = arith.index_cast %add3A_759 : i32 to index
          %get3A_761 = arith.constant 784 : index
          %get3A_762 = tpu.vector_load %arg8[%get3A_760, %get3A_761] {strides = array<i32>} : memref<64x1024xf32, #tpu.memory_space<vmem>>, vector<1x16xf32>,
          %get3A_763 = vector.shape_cast %get3A_762 : vector<1x16xf32> to vector<16xf32>
          %add3A_764 = arith.addi %mul3A_234, %scan3A_273 : i32
          %get3A_765 = arith.index_cast %add3A_764 : i32 to index
          %get3A_766 = arith.constant 800 : index
          %get3A_767 = tpu.vector_load %arg8[%get3A_765, %get3A_766] {strides = array<i32>} : memref<64x1024xf32, #tpu.memory_space<vmem>>, vector<1x16xf32>,
          %get3A_768 = vector.shape_cast %get3A_767 : vector<1x16xf32> to vector<16xf32>
          %add3A_769 = arith.addi %mul3A_234, %scan3A_273 : i32
          %get3A_770 = arith.index_cast %add3A_769 : i32 to index
          %get3A_771 = arith.constant 816 : index
          %get3A_772 = tpu.vector_load %arg8[%get3A_770, %get3A_771] {strides = array<i32>} : memref<64x1024xf32, #tpu.memory_space<vmem>>, vector<1x16xf32>,
          %get3A_773 = vector.shape_cast %get3A_772 : vector<1x16xf32> to vector<16xf32>
          %add3A_774 = arith.addi %mul3A_234, %scan3A_273 : i32
          %get3A_775 = arith.index_cast %add3A_774 : i32 to index
          %get3A_776 = arith.constant 832 : index
          %get3A_777 = tpu.vector_load %arg8[%get3A_775, %get3A_776] {strides = array<i32>} : memref<64x1024xf32, #tpu.memory_space<vmem>>, vector<1x16xf32>,
          %get3A_778 = vector.shape_cast %get3A_777 : vector<1x16xf32> to vector<16xf32>
          %add3A_779 = arith.addi %mul3A_234, %scan3A_273 : i32
          %get3A_780 = arith.index_cast %add3A_779 : i32 to index
          %get3A_781 = arith.constant 848 : index
          %get3A_782 = tpu.vector_load %arg8[%get3A_780, %get3A_781] {strides = array<i32>} : memref<64x1024xf32, #tpu.memory_space<vmem>>, vector<1x16xf32>,
          %get3A_783 = vector.shape_cast %get3A_782 : vector<1x16xf32> to vector<16xf32>
          %add3A_784 = arith.addi %mul3A_234, %scan3A_273 : i32
          %get3A_785 = arith.index_cast %add3A_784 : i32 to index
          %get3A_786 = arith.constant 864 : index
          %get3A_787 = tpu.vector_load %arg8[%get3A_785, %get3A_786] {strides = array<i32>} : memref<64x1024xf32, #tpu.memory_space<vmem>>, vector<1x16xf32>,
          %get3A_788 = vector.shape_cast %get3A_787 : vector<1x16xf32> to vector<16xf32>
          %add3A_789 = arith.addi %mul3A_234, %scan3A_273 : i32
          %get3A_790 = arith.index_cast %add3A_789 : i32 to index
          %get3A_791 = arith.constant 880 : index
          %get3A_792 = tpu.vector_load %arg8[%get3A_790, %get3A_791] {strides = array<i32>} : memref<64x1024xf32, #tpu.memory_space<vmem>>, vector<1x16xf32>,
          %get3A_793 = vector.shape_cast %get3A_792 : vector<1x16xf32> to vector<16xf32>
          %swap3A_794 = arith.index_cast %scan3A_273 : i32 to index
          %swap3A_795 = arith.constant 768 : index
          %swap3A_796 = tpu.vector_load %arg10[%swap3A_794, %swap3A_795] {strides = array<i32>} : memref<16x1024xf32, #tpu.memory_space<vmem>>, vector<1x16xf32>,
          %swap3A_797 = vector.shape_cast %swap3A_796 : vector<1x16xf32> to vector<16xf32>
          %swap3A_798 = vector.shape_cast %get3A_758 : vector<16xf32> to vector<1x16xf32>
          tpu.vector_store %arg10[%swap3A_794, %swap3A_795], %swap3A_798 {add = true, strides = array<i32>} : memref<16x1024xf32, #tpu.memory_space<vmem>>, vector<1x16xf32>,
          %swap3A_799 = arith.index_cast %scan3A_273 : i32 to index
          %swap3A_800 = arith.constant 784 : index
          %swap3A_801 = tpu.vector_load %arg10[%swap3A_799, %swap3A_800] {strides = array<i32>} : memref<16x1024xf32, #tpu.memory_space<vmem>>, vector<1x16xf32>,
          %swap3A_802 = vector.shape_cast %swap3A_801 : vector<1x16xf32> to vector<16xf32>
          %swap3A_803 = vector.shape_cast %get3A_763 : vector<16xf32> to vector<1x16xf32>
          tpu.vector_store %arg10[%swap3A_799, %swap3A_800], %swap3A_803 {add = true, strides = array<i32>} : memref<16x1024xf32, #tpu.memory_space<vmem>>, vector<1x16xf32>,
          %swap3A_804 = arith.index_cast %scan3A_273 : i32 to index
          %swap3A_805 = arith.constant 800 : index
          %swap3A_806 = tpu.vector_load %arg10[%swap3A_804, %swap3A_805] {strides = array<i32>} : memref<16x1024xf32, #tpu.memory_space<vmem>>, vector<1x16xf32>,
          %swap3A_807 = vector.shape_cast %swap3A_806 : vector<1x16xf32> to vector<16xf32>
          %swap3A_808 = vector.shape_cast %get3A_768 : vector<16xf32> to vector<1x16xf32>
          tpu.vector_store %arg10[%swap3A_804, %swap3A_805], %swap3A_808 {add = true, strides = array<i32>} : memref<16x1024xf32, #tpu.memory_space<vmem>>, vector<1x16xf32>,
          %swap3A_809 = arith.index_cast %scan3A_273 : i32 to index
          %swap3A_810 = arith.constant 816 : index
          %swap3A_811 = tpu.vector_load %arg10[%swap3A_809, %swap3A_810] {strides = array<i32>} : memref<16x1024xf32, #tpu.memory_space<vmem>>, vector<1x16xf32>,
          %swap3A_812 = vector.shape_cast %swap3A_811 : vector<1x16xf32> to vector<16xf32>
          %swap3A_813 = vector.shape_cast %get3A_773 : vector<16xf32> to vector<1x16xf32>
          tpu.vector_store %arg10[%swap3A_809, %swap3A_810], %swap3A_813 {add = true, strides = array<i32>} : memref<16x1024xf32, #tpu.memory_space<vmem>>, vector<1x16xf32>,
          %swap3A_814 = arith.index_cast %scan3A_273 : i32 to index
          %swap3A_815 = arith.constant 832 : index
          %swap3A_816 = tpu.vector_load %arg10[%swap3A_814, %swap3A_815] {strides = array<i32>} : memref<16x1024xf32, #tpu.memory_space<vmem>>, vector<1x16xf32>,
          %swap3A_817 = vector.shape_cast %swap3A_816 : vector<1x16xf32> to vector<16xf32>
          %swap3A_818 = vector.shape_cast %get3A_778 : vector<16xf32> to vector<1x16xf32>
          tpu.vector_store %arg10[%swap3A_814, %swap3A_815], %swap3A_818 {add = true, strides = array<i32>} : memref<16x1024xf32, #tpu.memory_space<vmem>>, vector<1x16xf32>,
          %swap3A_819 = arith.index_cast %scan3A_273 : i32 to index
          %swap3A_820 = arith.constant 848 : index
          %swap3A_821 = tpu.vector_load %arg10[%swap3A_819, %swap3A_820] {strides = array<i32>} : memref<16x1024xf32, #tpu.memory_space<vmem>>, vector<1x16xf32>,
          %swap3A_822 = vector.shape_cast %swap3A_821 : vector<1x16xf32> to vector<16xf32>
          %swap3A_823 = vector.shape_cast %get3A_783 : vector<16xf32> to vector<1x16xf32>
          tpu.vector_store %arg10[%swap3A_819, %swap3A_820], %swap3A_823 {add = true, strides = array<i32>} : memref<16x1024xf32, #tpu.memory_space<vmem>>, vector<1x16xf32>,
          %swap3A_824 = arith.index_cast %scan3A_273 : i32 to index
          %swap3A_825 = arith.constant 864 : index
          %swap3A_826 = tpu.vector_load %arg10[%swap3A_824, %swap3A_825] {strides = array<i32>} : memref<16x1024xf32, #tpu.memory_space<vmem>>, vector<1x16xf32>,
          %swap3A_827 = vector.shape_cast %swap3A_826 : vector<1x16xf32> to vector<16xf32>
          %swap3A_828 = vector.shape_cast %get3A_788 : vector<16xf32> to vector<1x16xf32>
          tpu.vector_store %arg10[%swap3A_824, %swap3A_825], %swap3A_828 {add = true, strides = array<i32>} : memref<16x1024xf32, #tpu.memory_space<vmem>>, vector<1x16xf32>,
          %swap3A_829 = arith.index_cast %scan3A_273 : i32 to index
          %swap3A_830 = arith.constant 880 : index
          %swap3A_831 = tpu.vector_load %arg10[%swap3A_829, %swap3A_830] {strides = array<i32>} : memref<16x1024xf32, #tpu.memory_space<vmem>>, vector<1x16xf32>,
          %swap3A_832 = vector.shape_cast %swap3A_831 : vector<1x16xf32> to vector<16xf32>
          %swap3A_833 = vector.shape_cast %get3A_793 : vector<16xf32> to vector<1x16xf32>
          tpu.vector_store %arg10[%swap3A_829, %swap3A_830], %swap3A_833 {add = true, strides = array<i32>} : memref<16x1024xf32, #tpu.memory_space<vmem>>, vector<1x16xf32>,
          %add3A_834 = arith.addi %mul3A_234, %scan3A_273 : i32
          %get3A_835 = arith.index_cast %add3A_834 : i32 to index
          %get3A_836 = arith.constant 896 : index
          %get3A_837 = tpu.vector_load %arg8[%get3A_835, %get3A_836] {strides = array<i32>} : memref<64x1024xf32, #tpu.memory_space<vmem>>, vector<1x16xf32>,
          %get3A_838 = vector.shape_cast %get3A_837 : vector<1x16xf32> to vector<16xf32>
          %add3A_839 = arith.addi %mul3A_234, %scan3A_273 : i32
          %get3A_840 = arith.index_cast %add3A_839 : i32 to index
          %get3A_841 = arith.constant 912 : index
          %get3A_842 = tpu.vector_load %arg8[%get3A_840, %get3A_841] {strides = array<i32>} : memref<64x1024xf32, #tpu.memory_space<vmem>>, vector<1x16xf32>,
          %get3A_843 = vector.shape_cast %get3A_842 : vector<1x16xf32> to vector<16xf32>
          %add3A_844 = arith.addi %mul3A_234, %scan3A_273 : i32
          %get3A_845 = arith.index_cast %add3A_844 : i32 to index
          %get3A_846 = arith.constant 928 : index
          %get3A_847 = tpu.vector_load %arg8[%get3A_845, %get3A_846] {strides = array<i32>} : memref<64x1024xf32, #tpu.memory_space<vmem>>, vector<1x16xf32>,
          %get3A_848 = vector.shape_cast %get3A_847 : vector<1x16xf32> to vector<16xf32>
          %add3A_849 = arith.addi %mul3A_234, %scan3A_273 : i32
          %get3A_850 = arith.index_cast %add3A_849 : i32 to index
          %get3A_851 = arith.constant 944 : index
          %get3A_852 = tpu.vector_load %arg8[%get3A_850, %get3A_851] {strides = array<i32>} : memref<64x1024xf32, #tpu.memory_space<vmem>>, vector<1x16xf32>,
          %get3A_853 = vector.shape_cast %get3A_852 : vector<1x16xf32> to vector<16xf32>
          %add3A_854 = arith.addi %mul3A_234, %scan3A_273 : i32
          %get3A_855 = arith.index_cast %add3A_854 : i32 to index
          %get3A_856 = arith.constant 960 : index
          %get3A_857 = tpu.vector_load %arg8[%get3A_855, %get3A_856] {strides = array<i32>} : memref<64x1024xf32, #tpu.memory_space<vmem>>, vector<1x16xf32>,
          %get3A_858 = vector.shape_cast %get3A_857 : vector<1x16xf32> to vector<16xf32>
          %add3A_859 = arith.addi %mul3A_234, %scan3A_273 : i32
          %get3A_860 = arith.index_cast %add3A_859 : i32 to index
          %get3A_861 = arith.constant 976 : index
          %get3A_862 = tpu.vector_load %arg8[%get3A_860, %get3A_861] {strides = array<i32>} : memref<64x1024xf32, #tpu.memory_space<vmem>>, vector<1x16xf32>,
          %get3A_863 = vector.shape_cast %get3A_862 : vector<1x16xf32> to vector<16xf32>
          %add3A_864 = arith.addi %mul3A_234, %scan3A_273 : i32
          %get3A_865 = arith.index_cast %add3A_864 : i32 to index
          %get3A_866 = arith.constant 992 : index
          %get3A_867 = tpu.vector_load %arg8[%get3A_865, %get3A_866] {strides = array<i32>} : memref<64x1024xf32, #tpu.memory_space<vmem>>, vector<1x16xf32>,
          %get3A_868 = vector.shape_cast %get3A_867 : vector<1x16xf32> to vector<16xf32>
          %add3A_869 = arith.addi %mul3A_234, %scan3A_273 : i32
          %get3A_870 = arith.index_cast %add3A_869 : i32 to index
          %get3A_871 = arith.constant 1008 : index
          %get3A_872 = tpu.vector_load %arg8[%get3A_870, %get3A_871] {strides = array<i32>} : memref<64x1024xf32, #tpu.memory_space<vmem>>, vector<1x16xf32>,
          %get3A_873 = vector.shape_cast %get3A_872 : vector<1x16xf32> to vector<16xf32>
          %swap3A_874 = arith.index_cast %scan3A_273 : i32 to index
          %swap3A_875 = arith.constant 896 : index
          %swap3A_876 = tpu.vector_load %arg10[%swap3A_874, %swap3A_875] {strides = array<i32>} : memref<16x1024xf32, #tpu.memory_space<vmem>>, vector<1x16xf32>,
          %swap3A_877 = vector.shape_cast %swap3A_876 : vector<1x16xf32> to vector<16xf32>
          %swap3A_878 = vector.shape_cast %get3A_838 : vector<16xf32> to vector<1x16xf32>
          tpu.vector_store %arg10[%swap3A_874, %swap3A_875], %swap3A_878 {add = true, strides = array<i32>} : memref<16x1024xf32, #tpu.memory_space<vmem>>, vector<1x16xf32>,
          %swap3A_879 = arith.index_cast %scan3A_273 : i32 to index
          %swap3A_880 = arith.constant 912 : index
          %swap3A_881 = tpu.vector_load %arg10[%swap3A_879, %swap3A_880] {strides = array<i32>} : memref<16x1024xf32, #tpu.memory_space<vmem>>, vector<1x16xf32>,
          %swap3A_882 = vector.shape_cast %swap3A_881 : vector<1x16xf32> to vector<16xf32>
          %swap3A_883 = vector.shape_cast %get3A_843 : vector<16xf32> to vector<1x16xf32>
          tpu.vector_store %arg10[%swap3A_879, %swap3A_880], %swap3A_883 {add = true, strides = array<i32>} : memref<16x1024xf32, #tpu.memory_space<vmem>>, vector<1x16xf32>,
          %swap3A_884 = arith.index_cast %scan3A_273 : i32 to index
          %swap3A_885 = arith.constant 928 : index
          %swap3A_886 = tpu.vector_load %arg10[%swap3A_884, %swap3A_885] {strides = array<i32>} : memref<16x1024xf32, #tpu.memory_space<vmem>>, vector<1x16xf32>,
          %swap3A_887 = vector.shape_cast %swap3A_886 : vector<1x16xf32> to vector<16xf32>
          %swap3A_888 = vector.shape_cast %get3A_848 : vector<16xf32> to vector<1x16xf32>
          tpu.vector_store %arg10[%swap3A_884, %swap3A_885], %swap3A_888 {add = true, strides = array<i32>} : memref<16x1024xf32, #tpu.memory_space<vmem>>, vector<1x16xf32>,
          %swap3A_889 = arith.index_cast %scan3A_273 : i32 to index
          %swap3A_890 = arith.constant 944 : index
          %swap3A_891 = tpu.vector_load %arg10[%swap3A_889, %swap3A_890] {strides = array<i32>} : memref<16x1024xf32, #tpu.memory_space<vmem>>, vector<1x16xf32>,
          %swap3A_892 = vector.shape_cast %swap3A_891 : vector<1x16xf32> to vector<16xf32>
          %swap3A_893 = vector.shape_cast %get3A_853 : vector<16xf32> to vector<1x16xf32>
          tpu.vector_store %arg10[%swap3A_889, %swap3A_890], %swap3A_893 {add = true, strides = array<i32>} : memref<16x1024xf32, #tpu.memory_space<vmem>>, vector<1x16xf32>,
          %swap3A_894 = arith.index_cast %scan3A_273 : i32 to index
          %swap3A_895 = arith.constant 960 : index
          %swap3A_896 = tpu.vector_load %arg10[%swap3A_894, %swap3A_895] {strides = array<i32>} : memref<16x1024xf32, #tpu.memory_space<vmem>>, vector<1x16xf32>,
          %swap3A_897 = vector.shape_cast %swap3A_896 : vector<1x16xf32> to vector<16xf32>
          %swap3A_898 = vector.shape_cast %get3A_858 : vector<16xf32> to vector<1x16xf32>
          tpu.vector_store %arg10[%swap3A_894, %swap3A_895], %swap3A_898 {add = true, strides = array<i32>} : memref<16x1024xf32, #tpu.memory_space<vmem>>, vector<1x16xf32>,
          %swap3A_899 = arith.index_cast %scan3A_273 : i32 to index
          %swap3A_900 = arith.constant 976 : index
          %swap3A_901 = tpu.vector_load %arg10[%swap3A_899, %swap3A_900] {strides = array<i32>} : memref<16x1024xf32, #tpu.memory_space<vmem>>, vector<1x16xf32>,
          %swap3A_902 = vector.shape_cast %swap3A_901 : vector<1x16xf32> to vector<16xf32>
          %swap3A_903 = vector.shape_cast %get3A_863 : vector<16xf32> to vector<1x16xf32>
          tpu.vector_store %arg10[%swap3A_899, %swap3A_900], %swap3A_903 {add = true, strides = array<i32>} : memref<16x1024xf32, #tpu.memory_space<vmem>>, vector<1x16xf32>,
          %swap3A_904 = arith.index_cast %scan3A_273 : i32 to index
          %swap3A_905 = arith.constant 992 : index
          %swap3A_906 = tpu.vector_load %arg10[%swap3A_904, %swap3A_905] {strides = array<i32>} : memref<16x1024xf32, #tpu.memory_space<vmem>>, vector<1x16xf32>,
          %swap3A_907 = vector.shape_cast %swap3A_906 : vector<1x16xf32> to vector<16xf32>
          %swap3A_908 = vector.shape_cast %get3A_868 : vector<16xf32> to vector<1x16xf32>
          tpu.vector_store %arg10[%swap3A_904, %swap3A_905], %swap3A_908 {add = true, strides = array<i32>} : memref<16x1024xf32, #tpu.memory_space<vmem>>, vector<1x16xf32>,
          %swap3A_909 = arith.index_cast %scan3A_273 : i32 to index
          %swap3A_910 = arith.constant 1008 : index
          %swap3A_911 = tpu.vector_load %arg10[%swap3A_909, %swap3A_910] {strides = array<i32>} : memref<16x1024xf32, #tpu.memory_space<vmem>>, vector<1x16xf32>,
          %swap3A_912 = vector.shape_cast %swap3A_911 : vector<1x16xf32> to vector<16xf32>
          %swap3A_913 = vector.shape_cast %get3A_873 : vector<16xf32> to vector<1x16xf32>
          tpu.vector_store %arg10[%swap3A_909, %swap3A_910], %swap3A_913 {add = true, strides = array<i32>} : memref<16x1024xf32, #tpu.memory_space<vmem>>, vector<1x16xf32>,
          %scan3A_914 = arith.constant 0 : i32
          scf.yield %scan3A_914 : i32
        }
        %scan3A_241 = arith.constant 16 : i32
        %jit3A_242 = arith.constant 4 : i32
        %div3A_243 = arith.divsi %add3A_160, %jit3A_242 : i32
        %sign3A_244 = arith.constant 0 : i32
        %sign3A_245 = arith.cmpi sgt, %add3A_160, %sign3A_244 : i32
        %sign3A_246 = arith.extui %sign3A_245 : i1 to i32
        %sign3A_247 = arith.constant 0 : i32
        %sign3A_248 = arith.cmpi slt, %add3A_160, %sign3A_247 : i32
        %sign3A_249 = arith.extui %sign3A_248 : i1 to i32
        %sign3A_250 = arith.subi %sign3A_246, %sign3A_249 : i32
        %sign3A_251 = arith.constant 0 : i32
        %sign3A_252 = arith.cmpi sgt, %jit3A_242, %sign3A_251 : i32
        %sign3A_253 = arith.extui %sign3A_252 : i1 to i32
        %sign3A_254 = arith.constant 0 : i32
        %sign3A_255 = arith.cmpi slt, %jit3A_242, %sign3A_254 : i32
        %sign3A_256 = arith.extui %sign3A_255 : i1 to i32
        %sign3A_257 = arith.subi %sign3A_253, %sign3A_256 : i32
        %ne3A_258 = arith.cmpi ne, %sign3A_250, %sign3A_257 : i32
        %rem3A_259 = arith.remsi %add3A_160, %jit3A_242 : i32
        %ne3A_260 = arith.constant 0 : i32
        %ne3A_261 = arith.cmpi ne, %rem3A_259, %ne3A_260 : i32
        %and3A_262 = arith.andi %ne3A_258, %ne3A_261 : i1
        %sub3A_263 = arith.constant 1 : i32
        %sub3A_264 = arith.subi %div3A_243, %sub3A_263 : i32
        %select_n3A_265 = arith.select %and3A_262, %sub3A_264, %div3A_243 : i32
        %add3A_266 = arith.addi %mul3A_2, %mul3A_234 : i32
        %dma_start3A_267 = arith.constant 0 : i32
        %dma_start3A_268 = tpu.memref_slice %arg5[%select_n3A_265, %add3A_266, %dma_start3A_267] : memref<4x2048x1024xf32, #tpu.memory_space<hbm>> -> memref<1x16x1024xf32, #tpu.memory_space<hbm>>
        %dma_start3A_269 = tpu.memref_squeeze %dma_start3A_268 : memref<1x16x1024xf32, #tpu.memory_space<hbm>> -> memref<16x1024xf32, #tpu.memory_space<hbm>>
        %dma_start3A_270 = arith.constant 0 : i32
        %dma_start3A_271 = tpu.memref_slice %arg5[%select_n3A_265, %add3A_266, %dma_start3A_270] : memref<4x2048x1024xf32, #tpu.memory_space<hbm>> -> memref<1x16x1024xf32, #tpu.memory_space<hbm>>
        %dma_start3A_272 = tpu.memref_squeeze %dma_start3A_271 : memref<1x16x1024xf32, #tpu.memory_space<hbm>> -> memref<16x1024xf32, #tpu.memory_space<hbm>>
        tpu.enqueue_dma source(%arg10 : memref<16x1024xf32, #tpu.memory_space<vmem>>) target(%dma_start3A_272 : memref<16x1024xf32, #tpu.memory_space<hbm>>) target_semaphore(%arg17 : memref<!tpu.dma_semaphore, #tpu.memory_space<semaphore_mem>>)
      } else {
      }
      %ge3A_166 = arith.constant 1 : i32
      %ge3A_167 = arith.cmpi sge, %add3A_160, %ge3A_166 : i32
      %add3A_168 = arith.constant 2 : i32
      %add3A_169 = arith.addi %add3A_160, %add3A_168 : i32
      %lt3A_170 = arith.constant 16 : i32
      %lt3A_171 = arith.cmpi slt, %add3A_169, %lt3A_170 : i32
      %and3A_172 = arith.andi %ge3A_167, %lt3A_171 : i1
      %convert_element_type3A_173 = arith.extui %and3A_172 : i1 to i32
      %cond3A_174 = arith.constant 0 : i32
      %cond3A_175 = arith.cmpi ne, %convert_element_type3A_173, %cond3A_174 : i32
      scf.if %cond3A_175 {
        %dma_wait3A_210 = arith.constant 0 : i32
        %dma_wait3A_211 = arith.constant 0 : i32
        %dma_wait3A_212 = arith.constant 0 : i32
        %dma_wait3A_213 = tpu.memref_slice %arg5[%dma_wait3A_210, %dma_wait3A_211, %dma_wait3A_212] : memref<4x2048x1024xf32, #tpu.memory_space<hbm>> -> memref<1x16x1024xf32, #tpu.memory_space<hbm>>
        %dma_wait3A_214 = tpu.memref_squeeze %dma_wait3A_213 : memref<1x16x1024xf32, #tpu.memory_space<hbm>> -> memref<16x1024xf32, #tpu.memory_space<hbm>>
        %dma_wait3A_215 = arith.constant 0 : i32
        %dma_wait3A_216 = arith.constant 0 : i32
        %dma_wait3A_217 = tpu.memref_slice %arg5[%dma_wait3A_210, %dma_wait3A_215, %dma_wait3A_216] : memref<4x2048x1024xf32, #tpu.memory_space<hbm>> -> memref<1x16x1024xf32, #tpu.memory_space<hbm>>
        %dma_wait3A_218 = tpu.memref_squeeze %dma_wait3A_217 : memref<1x16x1024xf32, #tpu.memory_space<hbm>> -> memref<16x1024xf32, #tpu.memory_space<hbm>>
        tpu.wait_dma2 semaphore(%arg16 : memref<!tpu.dma_semaphore, #tpu.memory_space<semaphore_mem>>) src(%arg9 : memref<16x1024xf32, #tpu.memory_space<vmem>>) dst(%dma_wait3A_218 : memref<16x1024xf32, #tpu.memory_space<hbm>>)
      } else {
      }
      %add3A_176 = arith.constant 2 : i32
      %add3A_177 = arith.addi %add3A_160, %add3A_176 : i32
      %lt3A_178 = arith.constant 16 : i32
      %lt3A_179 = arith.cmpi slt, %add3A_177, %lt3A_178 : i32
      %convert_element_type3A_180 = arith.extui %lt3A_179 : i1 to i32
      %cond3A_181 = arith.constant 0 : i32
      %cond3A_182 = arith.cmpi ne, %convert_element_type3A_180, %cond3A_181 : i32
      scf.if %cond3A_182 {
        %add3A_210 = arith.constant 2 : i32
        %add3A_211 = arith.addi %add3A_160, %add3A_210 : i32
        %jit3A_212 = arith.constant 4 : i32
        %div3A_213 = arith.divsi %add3A_211, %jit3A_212 : i32
        %sign3A_214 = arith.constant 0 : i32
        %sign3A_215 = arith.cmpi sgt, %add3A_211, %sign3A_214 : i32
        %sign3A_216 = arith.extui %sign3A_215 : i1 to i32
        %sign3A_217 = arith.constant 0 : i32
        %sign3A_218 = arith.cmpi slt, %add3A_211, %sign3A_217 : i32
        %sign3A_219 = arith.extui %sign3A_218 : i1 to i32
        %sign3A_220 = arith.subi %sign3A_216, %sign3A_219 : i32
        %sign3A_221 = arith.constant 0 : i32
        %sign3A_222 = arith.cmpi sgt, %jit3A_212, %sign3A_221 : i32
        %sign3A_223 = arith.extui %sign3A_222 : i1 to i32
        %sign3A_224 = arith.constant 0 : i32
        %sign3A_225 = arith.cmpi slt, %jit3A_212, %sign3A_224 : i32
        %sign3A_226 = arith.extui %sign3A_225 : i1 to i32
        %sign3A_227 = arith.subi %sign3A_223, %sign3A_226 : i32
        %ne3A_228 = arith.cmpi ne, %sign3A_220, %sign3A_227 : i32
        %rem3A_229 = arith.remsi %add3A_211, %jit3A_212 : i32
        %ne3A_230 = arith.constant 0 : i32
        %ne3A_231 = arith.cmpi ne, %rem3A_229, %ne3A_230 : i32
        %and3A_232 = arith.andi %ne3A_228, %ne3A_231 : i1
        %sub3A_233 = arith.constant 1 : i32
        %sub3A_234 = arith.subi %div3A_213, %sub3A_233 : i32
        %select_n3A_235 = arith.select %and3A_232, %sub3A_234, %div3A_213 : i32
        %jit3A_236 = arith.constant 4 : i32
        %eq3A_237 = arith.constant 0 : i32
        %eq3A_238 = arith.cmpi eq, %jit3A_236, %eq3A_237 : i32
        %jit3A_239 = arith.constant 1 : i32
        %select_n3A_240 = arith.select %eq3A_238, %jit3A_239, %jit3A_236 : i32
        %rem3A_241 = arith.remsi %add3A_211, %select_n3A_240 : i32
        %ne3A_242 = arith.constant 0 : i32
        %ne3A_243 = arith.cmpi ne, %rem3A_241, %ne3A_242 : i32
        %lt3A_244 = arith.constant 0 : i32
        %lt3A_245 = arith.cmpi slt, %rem3A_241, %lt3A_244 : i32
        %lt3A_246 = arith.constant 0 : i32
        %lt3A_247 = arith.cmpi slt, %select_n3A_240, %lt3A_246 : i32
        %ne3A_248 = arith.xori %lt3A_245, %lt3A_247 : i1
        %and3A_249 = arith.andi %ne3A_248, %ne3A_243 : i1
        %add3A_250 = arith.addi %rem3A_241, %select_n3A_240 : i32
        %select_n3A_251 = arith.select %and3A_249, %add3A_250, %rem3A_241 : i32
        %mul3A_252 = arith.constant 16 : i32
        %mul3A_253 = arith.muli %select_n3A_251, %mul3A_252 : i32
        %add3A_254 = arith.addi %mul3A_80, %mul3A_253 : i32
        %dma_start3A_255 = tpu.memref_slice %arg6[%select_n3A_235, %add3A_254] : memref<4x128xi32, #tpu.memory_space<vmem>> -> memref<1x16xi32, #tpu.memory_space<vmem>>
        %dma_start3A_256 = tpu.memref_squeeze %dma_start3A_255 : memref<1x16xi32, #tpu.memory_space<vmem>> -> memref<16xi32, #tpu.memory_space<vmem>>
        %dma_start3A_257 = arith.constant 0 : i32
        %dma_start3A_258 = arith.constant 0 : i32
        %dma_start3A_259 = tpu.memref_slice %arg3[%dma_start3A_257, %dma_start3A_258] : memref<50272x1024xf32, #tpu.memory_space<hbm>> -> memref<50272x1024xf32, #tpu.memory_space<hbm>>
        tpu.enqueue_indirect_dma source(%dma_start3A_259 : memref<50272x1024xf32, #tpu.memory_space<hbm>>) target(%arg9 : memref<16x1024xf32, #tpu.memory_space<vmem>>) offsets(%dma_start3A_256 : memref<16xi32, #tpu.memory_space<vmem>>) semaphore(%arg13 : memref<!tpu.dma_semaphore, #tpu.memory_space<semaphore_mem>>)
      } else {
      }
      %mul3A_183 = arith.constant 3 : i32
      %mul3A_184 = arith.muli %scan3A_132, %mul3A_183 : i32
      %add3A_185 = arith.constant 2 : i32
      %add3A_186 = arith.addi %mul3A_184, %add3A_185 : i32
      %lt3A_187 = arith.constant 16 : i32
      %lt3A_188 = arith.cmpi slt, %add3A_186, %lt3A_187 : i32
      %convert_element_type3A_189 = arith.extui %lt3A_188 : i1 to i32
      %cond3A_190 = arith.constant 0 : i32
      %cond3A_191 = arith.cmpi ne, %convert_element_type3A_189, %cond3A_190 : i32
      scf.if %cond3A_191 {
        %dma_wait3A_210 = arith.constant 0 : i32
        %dma_wait3A_211 = arith.constant 0 : i32
        %dma_wait3A_212 = tpu.memref_slice %arg6[%dma_wait3A_210, %dma_wait3A_211] : memref<4x128xi32, #tpu.memory_space<vmem>> -> memref<1x16xi32, #tpu.memory_space<vmem>>
        %dma_wait3A_213 = tpu.memref_squeeze %dma_wait3A_212 : memref<1x16xi32, #tpu.memory_space<vmem>> -> memref<16xi32, #tpu.memory_space<vmem>>
        %dma_wait3A_214 = arith.constant 0 : i32
        %dma_wait3A_215 = arith.constant 0 : i32
        %dma_wait3A_216 = tpu.memref_slice %arg3[%dma_wait3A_214, %dma_wait3A_215] : memref<50272x1024xf32, #tpu.memory_space<hbm>> -> memref<50272x1024xf32, #tpu.memory_space<hbm>>
        tpu.wait_indirect_dma semaphore(%arg15 : memref<!tpu.dma_semaphore, #tpu.memory_space<semaphore_mem>>) src(%dma_wait3A_216 : memref<50272x1024xf32, #tpu.memory_space<hbm>>) dst(%arg11 : memref<16x1024xf32, #tpu.memory_space<vmem>>)
        %jit3A_217 = arith.constant 4 : i32
        %eq3A_218 = arith.constant 0 : i32
        %eq3A_219 = arith.cmpi eq, %jit3A_217, %eq3A_218 : i32
        %jit3A_220 = arith.constant 1 : i32
        %select_n3A_221 = arith.select %eq3A_219, %jit3A_220, %jit3A_217 : i32
        %rem3A_222 = arith.remsi %add3A_186, %select_n3A_221 : i32
        %ne3A_223 = arith.constant 0 : i32
        %ne3A_224 = arith.cmpi ne, %rem3A_222, %ne3A_223 : i32
        %lt3A_225 = arith.constant 0 : i32
        %lt3A_226 = arith.cmpi slt, %rem3A_222, %lt3A_225 : i32
        %lt3A_227 = arith.constant 0 : i32
        %lt3A_228 = arith.cmpi slt, %select_n3A_221, %lt3A_227 : i32
        %ne3A_229 = arith.xori %lt3A_226, %lt3A_228 : i1
        %and3A_230 = arith.andi %ne3A_229, %ne3A_224 : i1
        %add3A_231 = arith.addi %rem3A_222, %select_n3A_221 : i32
        %select_n3A_232 = arith.select %and3A_230, %add3A_231, %rem3A_222 : i32
        %mul3A_233 = arith.constant 16 : i32
        %mul3A_234 = arith.muli %select_n3A_232, %mul3A_233 : i32
        %scan3A_235 = arith.constant 0 : i32
        %scan3A_236 = arith.constant 0 : i32
        %scan3A_237 = arith.constant 16 : i32
        %scan3A_238 = arith.addi %scan3A_236, %scan3A_237 : i32
        %scan3A_239 = arith.constant 1 : i32
        %scan3A_240 = scf.for %scan3A_273 = %scan3A_236 to %scan3A_238 step %scan3A_239 iter_args(%scan3A_274 = %scan3A_235) -> (i32)  : i32 {
          %add3A_275 = arith.addi %mul3A_234, %scan3A_273 : i32
          %get3A = arith.index_cast %add3A_275 : i32 to index
          %get3A_276 = arith.constant 0 : index
          %get3A_277 = tpu.vector_load %arg8[%get3A, %get3A_276] {strides = array<i32>} : memref<64x1024xf32, #tpu.memory_space<vmem>>, vector<1x16xf32>,
          %get3A_278 = vector.shape_cast %get3A_277 : vector<1x16xf32> to vector<16xf32>
          %add3A_279 = arith.addi %mul3A_234, %scan3A_273 : i32
          %get3A_280 = arith.index_cast %add3A_279 : i32 to index
          %get3A_281 = arith.constant 16 : index
          %get3A_282 = tpu.vector_load %arg8[%get3A_280, %get3A_281] {strides = array<i32>} : memref<64x1024xf32, #tpu.memory_space<vmem>>, vector<1x16xf32>,
          %get3A_283 = vector.shape_cast %get3A_282 : vector<1x16xf32> to vector<16xf32>
          %add3A_284 = arith.addi %mul3A_234, %scan3A_273 : i32
          %get3A_285 = arith.index_cast %add3A_284 : i32 to index
          %get3A_286 = arith.constant 32 : index
          %get3A_287 = tpu.vector_load %arg8[%get3A_285, %get3A_286] {strides = array<i32>} : memref<64x1024xf32, #tpu.memory_space<vmem>>, vector<1x16xf32>,
          %get3A_288 = vector.shape_cast %get3A_287 : vector<1x16xf32> to vector<16xf32>
          %add3A_289 = arith.addi %mul3A_234, %scan3A_273 : i32
          %get3A_290 = arith.index_cast %add3A_289 : i32 to index
          %get3A_291 = arith.constant 48 : index
          %get3A_292 = tpu.vector_load %arg8[%get3A_290, %get3A_291] {strides = array<i32>} : memref<64x1024xf32, #tpu.memory_space<vmem>>, vector<1x16xf32>,
          %get3A_293 = vector.shape_cast %get3A_292 : vector<1x16xf32> to vector<16xf32>
          %add3A_294 = arith.addi %mul3A_234, %scan3A_273 : i32
          %get3A_295 = arith.index_cast %add3A_294 : i32 to index
          %get3A_296 = arith.constant 64 : index
          %get3A_297 = tpu.vector_load %arg8[%get3A_295, %get3A_296] {strides = array<i32>} : memref<64x1024xf32, #tpu.memory_space<vmem>>, vector<1x16xf32>,
          %get3A_298 = vector.shape_cast %get3A_297 : vector<1x16xf32> to vector<16xf32>
          %add3A_299 = arith.addi %mul3A_234, %scan3A_273 : i32
          %get3A_300 = arith.index_cast %add3A_299 : i32 to index
          %get3A_301 = arith.constant 80 : index
          %get3A_302 = tpu.vector_load %arg8[%get3A_300, %get3A_301] {strides = array<i32>} : memref<64x1024xf32, #tpu.memory_space<vmem>>, vector<1x16xf32>,
          %get3A_303 = vector.shape_cast %get3A_302 : vector<1x16xf32> to vector<16xf32>
          %add3A_304 = arith.addi %mul3A_234, %scan3A_273 : i32
          %get3A_305 = arith.index_cast %add3A_304 : i32 to index
          %get3A_306 = arith.constant 96 : index
          %get3A_307 = tpu.vector_load %arg8[%get3A_305, %get3A_306] {strides = array<i32>} : memref<64x1024xf32, #tpu.memory_space<vmem>>, vector<1x16xf32>,
          %get3A_308 = vector.shape_cast %get3A_307 : vector<1x16xf32> to vector<16xf32>
          %add3A_309 = arith.addi %mul3A_234, %scan3A_273 : i32
          %get3A_310 = arith.index_cast %add3A_309 : i32 to index
          %get3A_311 = arith.constant 112 : index
          %get3A_312 = tpu.vector_load %arg8[%get3A_310, %get3A_311] {strides = array<i32>} : memref<64x1024xf32, #tpu.memory_space<vmem>>, vector<1x16xf32>,
          %get3A_313 = vector.shape_cast %get3A_312 : vector<1x16xf32> to vector<16xf32>
          %swap3A_314 = arith.index_cast %scan3A_273 : i32 to index
          %swap3A_315 = arith.constant 0 : index
          %swap3A_316 = tpu.vector_load %arg11[%swap3A_314, %swap3A_315] {strides = array<i32>} : memref<16x1024xf32, #tpu.memory_space<vmem>>, vector<1x16xf32>,
          %swap3A_317 = vector.shape_cast %swap3A_316 : vector<1x16xf32> to vector<16xf32>
          %swap3A_318 = vector.shape_cast %get3A_278 : vector<16xf32> to vector<1x16xf32>
          tpu.vector_store %arg11[%swap3A_314, %swap3A_315], %swap3A_318 {add = true, strides = array<i32>} : memref<16x1024xf32, #tpu.memory_space<vmem>>, vector<1x16xf32>,
          %swap3A_319 = arith.index_cast %scan3A_273 : i32 to index
          %swap3A_320 = arith.constant 16 : index
          %swap3A_321 = tpu.vector_load %arg11[%swap3A_319, %swap3A_320] {strides = array<i32>} : memref<16x1024xf32, #tpu.memory_space<vmem>>, vector<1x16xf32>,
          %swap3A_322 = vector.shape_cast %swap3A_321 : vector<1x16xf32> to vector<16xf32>
          %swap3A_323 = vector.shape_cast %get3A_283 : vector<16xf32> to vector<1x16xf32>
          tpu.vector_store %arg11[%swap3A_319, %swap3A_320], %swap3A_323 {add = true, strides = array<i32>} : memref<16x1024xf32, #tpu.memory_space<vmem>>, vector<1x16xf32>,
          %swap3A_324 = arith.index_cast %scan3A_273 : i32 to index
          %swap3A_325 = arith.constant 32 : index
          %swap3A_326 = tpu.vector_load %arg11[%swap3A_324, %swap3A_325] {strides = array<i32>} : memref<16x1024xf32, #tpu.memory_space<vmem>>, vector<1x16xf32>,
          %swap3A_327 = vector.shape_cast %swap3A_326 : vector<1x16xf32> to vector<16xf32>
          %swap3A_328 = vector.shape_cast %get3A_288 : vector<16xf32> to vector<1x16xf32>
          tpu.vector_store %arg11[%swap3A_324, %swap3A_325], %swap3A_328 {add = true, strides = array<i32>} : memref<16x1024xf32, #tpu.memory_space<vmem>>, vector<1x16xf32>,
          %swap3A_329 = arith.index_cast %scan3A_273 : i32 to index
          %swap3A_330 = arith.constant 48 : index
          %swap3A_331 = tpu.vector_load %arg11[%swap3A_329, %swap3A_330] {strides = array<i32>} : memref<16x1024xf32, #tpu.memory_space<vmem>>, vector<1x16xf32>,
          %swap3A_332 = vector.shape_cast %swap3A_331 : vector<1x16xf32> to vector<16xf32>
          %swap3A_333 = vector.shape_cast %get3A_293 : vector<16xf32> to vector<1x16xf32>
          tpu.vector_store %arg11[%swap3A_329, %swap3A_330], %swap3A_333 {add = true, strides = array<i32>} : memref<16x1024xf32, #tpu.memory_space<vmem>>, vector<1x16xf32>,
          %swap3A_334 = arith.index_cast %scan3A_273 : i32 to index
          %swap3A_335 = arith.constant 64 : index
          %swap3A_336 = tpu.vector_load %arg11[%swap3A_334, %swap3A_335] {strides = array<i32>} : memref<16x1024xf32, #tpu.memory_space<vmem>>, vector<1x16xf32>,
          %swap3A_337 = vector.shape_cast %swap3A_336 : vector<1x16xf32> to vector<16xf32>
          %swap3A_338 = vector.shape_cast %get3A_298 : vector<16xf32> to vector<1x16xf32>
          tpu.vector_store %arg11[%swap3A_334, %swap3A_335], %swap3A_338 {add = true, strides = array<i32>} : memref<16x1024xf32, #tpu.memory_space<vmem>>, vector<1x16xf32>,
          %swap3A_339 = arith.index_cast %scan3A_273 : i32 to index
          %swap3A_340 = arith.constant 80 : index
          %swap3A_341 = tpu.vector_load %arg11[%swap3A_339, %swap3A_340] {strides = array<i32>} : memref<16x1024xf32, #tpu.memory_space<vmem>>, vector<1x16xf32>,
          %swap3A_342 = vector.shape_cast %swap3A_341 : vector<1x16xf32> to vector<16xf32>
          %swap3A_343 = vector.shape_cast %get3A_303 : vector<16xf32> to vector<1x16xf32>
          tpu.vector_store %arg11[%swap3A_339, %swap3A_340], %swap3A_343 {add = true, strides = array<i32>} : memref<16x1024xf32, #tpu.memory_space<vmem>>, vector<1x16xf32>,
          %swap3A_344 = arith.index_cast %scan3A_273 : i32 to index
          %swap3A_345 = arith.constant 96 : index
          %swap3A_346 = tpu.vector_load %arg11[%swap3A_344, %swap3A_345] {strides = array<i32>} : memref<16x1024xf32, #tpu.memory_space<vmem>>, vector<1x16xf32>,
          %swap3A_347 = vector.shape_cast %swap3A_346 : vector<1x16xf32> to vector<16xf32>
          %swap3A_348 = vector.shape_cast %get3A_308 : vector<16xf32> to vector<1x16xf32>
          tpu.vector_store %arg11[%swap3A_344, %swap3A_345], %swap3A_348 {add = true, strides = array<i32>} : memref<16x1024xf32, #tpu.memory_space<vmem>>, vector<1x16xf32>,
          %swap3A_349 = arith.index_cast %scan3A_273 : i32 to index
          %swap3A_350 = arith.constant 112 : index
          %swap3A_351 = tpu.vector_load %arg11[%swap3A_349, %swap3A_350] {strides = array<i32>} : memref<16x1024xf32, #tpu.memory_space<vmem>>, vector<1x16xf32>,
          %swap3A_352 = vector.shape_cast %swap3A_351 : vector<1x16xf32> to vector<16xf32>
          %swap3A_353 = vector.shape_cast %get3A_313 : vector<16xf32> to vector<1x16xf32>
          tpu.vector_store %arg11[%swap3A_349, %swap3A_350], %swap3A_353 {add = true, strides = array<i32>} : memref<16x1024xf32, #tpu.memory_space<vmem>>, vector<1x16xf32>,
          %add3A_354 = arith.addi %mul3A_234, %scan3A_273 : i32
          %get3A_355 = arith.index_cast %add3A_354 : i32 to index
          %get3A_356 = arith.constant 128 : index
          %get3A_357 = tpu.vector_load %arg8[%get3A_355, %get3A_356] {strides = array<i32>} : memref<64x1024xf32, #tpu.memory_space<vmem>>, vector<1x16xf32>,
          %get3A_358 = vector.shape_cast %get3A_357 : vector<1x16xf32> to vector<16xf32>
          %add3A_359 = arith.addi %mul3A_234, %scan3A_273 : i32
          %get3A_360 = arith.index_cast %add3A_359 : i32 to index
          %get3A_361 = arith.constant 144 : index
          %get3A_362 = tpu.vector_load %arg8[%get3A_360, %get3A_361] {strides = array<i32>} : memref<64x1024xf32, #tpu.memory_space<vmem>>, vector<1x16xf32>,
          %get3A_363 = vector.shape_cast %get3A_362 : vector<1x16xf32> to vector<16xf32>
          %add3A_364 = arith.addi %mul3A_234, %scan3A_273 : i32
          %get3A_365 = arith.index_cast %add3A_364 : i32 to index
          %get3A_366 = arith.constant 160 : index
          %get3A_367 = tpu.vector_load %arg8[%get3A_365, %get3A_366] {strides = array<i32>} : memref<64x1024xf32, #tpu.memory_space<vmem>>, vector<1x16xf32>,
          %get3A_368 = vector.shape_cast %get3A_367 : vector<1x16xf32> to vector<16xf32>
          %add3A_369 = arith.addi %mul3A_234, %scan3A_273 : i32
          %get3A_370 = arith.index_cast %add3A_369 : i32 to index
          %get3A_371 = arith.constant 176 : index
          %get3A_372 = tpu.vector_load %arg8[%get3A_370, %get3A_371] {strides = array<i32>} : memref<64x1024xf32, #tpu.memory_space<vmem>>, vector<1x16xf32>,
          %get3A_373 = vector.shape_cast %get3A_372 : vector<1x16xf32> to vector<16xf32>
          %add3A_374 = arith.addi %mul3A_234, %scan3A_273 : i32
          %get3A_375 = arith.index_cast %add3A_374 : i32 to index
          %get3A_376 = arith.constant 192 : index
          %get3A_377 = tpu.vector_load %arg8[%get3A_375, %get3A_376] {strides = array<i32>} : memref<64x1024xf32, #tpu.memory_space<vmem>>, vector<1x16xf32>,
          %get3A_378 = vector.shape_cast %get3A_377 : vector<1x16xf32> to vector<16xf32>
          %add3A_379 = arith.addi %mul3A_234, %scan3A_273 : i32
          %get3A_380 = arith.index_cast %add3A_379 : i32 to index
          %get3A_381 = arith.constant 208 : index
          %get3A_382 = tpu.vector_load %arg8[%get3A_380, %get3A_381] {strides = array<i32>} : memref<64x1024xf32, #tpu.memory_space<vmem>>, vector<1x16xf32>,
          %get3A_383 = vector.shape_cast %get3A_382 : vector<1x16xf32> to vector<16xf32>
          %add3A_384 = arith.addi %mul3A_234, %scan3A_273 : i32
          %get3A_385 = arith.index_cast %add3A_384 : i32 to index
          %get3A_386 = arith.constant 224 : index
          %get3A_387 = tpu.vector_load %arg8[%get3A_385, %get3A_386] {strides = array<i32>} : memref<64x1024xf32, #tpu.memory_space<vmem>>, vector<1x16xf32>,
          %get3A_388 = vector.shape_cast %get3A_387 : vector<1x16xf32> to vector<16xf32>
          %add3A_389 = arith.addi %mul3A_234, %scan3A_273 : i32
          %get3A_390 = arith.index_cast %add3A_389 : i32 to index
          %get3A_391 = arith.constant 240 : index
          %get3A_392 = tpu.vector_load %arg8[%get3A_390, %get3A_391] {strides = array<i32>} : memref<64x1024xf32, #tpu.memory_space<vmem>>, vector<1x16xf32>,
          %get3A_393 = vector.shape_cast %get3A_392 : vector<1x16xf32> to vector<16xf32>
          %swap3A_394 = arith.index_cast %scan3A_273 : i32 to index
          %swap3A_395 = arith.constant 128 : index
          %swap3A_396 = tpu.vector_load %arg11[%swap3A_394, %swap3A_395] {strides = array<i32>} : memref<16x1024xf32, #tpu.memory_space<vmem>>, vector<1x16xf32>,
          %swap3A_397 = vector.shape_cast %swap3A_396 : vector<1x16xf32> to vector<16xf32>
          %swap3A_398 = vector.shape_cast %get3A_358 : vector<16xf32> to vector<1x16xf32>
          tpu.vector_store %arg11[%swap3A_394, %swap3A_395], %swap3A_398 {add = true, strides = array<i32>} : memref<16x1024xf32, #tpu.memory_space<vmem>>, vector<1x16xf32>,
          %swap3A_399 = arith.index_cast %scan3A_273 : i32 to index
          %swap3A_400 = arith.constant 144 : index
          %swap3A_401 = tpu.vector_load %arg11[%swap3A_399, %swap3A_400] {strides = array<i32>} : memref<16x1024xf32, #tpu.memory_space<vmem>>, vector<1x16xf32>,
          %swap3A_402 = vector.shape_cast %swap3A_401 : vector<1x16xf32> to vector<16xf32>
          %swap3A_403 = vector.shape_cast %get3A_363 : vector<16xf32> to vector<1x16xf32>
          tpu.vector_store %arg11[%swap3A_399, %swap3A_400], %swap3A_403 {add = true, strides = array<i32>} : memref<16x1024xf32, #tpu.memory_space<vmem>>, vector<1x16xf32>,
          %swap3A_404 = arith.index_cast %scan3A_273 : i32 to index
          %swap3A_405 = arith.constant 160 : index
          %swap3A_406 = tpu.vector_load %arg11[%swap3A_404, %swap3A_405] {strides = array<i32>} : memref<16x1024xf32, #tpu.memory_space<vmem>>, vector<1x16xf32>,
          %swap3A_407 = vector.shape_cast %swap3A_406 : vector<1x16xf32> to vector<16xf32>
          %swap3A_408 = vector.shape_cast %get3A_368 : vector<16xf32> to vector<1x16xf32>
          tpu.vector_store %arg11[%swap3A_404, %swap3A_405], %swap3A_408 {add = true, strides = array<i32>} : memref<16x1024xf32, #tpu.memory_space<vmem>>, vector<1x16xf32>,
          %swap3A_409 = arith.index_cast %scan3A_273 : i32 to index
          %swap3A_410 = arith.constant 176 : index
          %swap3A_411 = tpu.vector_load %arg11[%swap3A_409, %swap3A_410] {strides = array<i32>} : memref<16x1024xf32, #tpu.memory_space<vmem>>, vector<1x16xf32>,
          %swap3A_412 = vector.shape_cast %swap3A_411 : vector<1x16xf32> to vector<16xf32>
          %swap3A_413 = vector.shape_cast %get3A_373 : vector<16xf32> to vector<1x16xf32>
          tpu.vector_store %arg11[%swap3A_409, %swap3A_410], %swap3A_413 {add = true, strides = array<i32>} : memref<16x1024xf32, #tpu.memory_space<vmem>>, vector<1x16xf32>,
          %swap3A_414 = arith.index_cast %scan3A_273 : i32 to index
          %swap3A_415 = arith.constant 192 : index
          %swap3A_416 = tpu.vector_load %arg11[%swap3A_414, %swap3A_415] {strides = array<i32>} : memref<16x1024xf32, #tpu.memory_space<vmem>>, vector<1x16xf32>,
          %swap3A_417 = vector.shape_cast %swap3A_416 : vector<1x16xf32> to vector<16xf32>
          %swap3A_418 = vector.shape_cast %get3A_378 : vector<16xf32> to vector<1x16xf32>
          tpu.vector_store %arg11[%swap3A_414, %swap3A_415], %swap3A_418 {add = true, strides = array<i32>} : memref<16x1024xf32, #tpu.memory_space<vmem>>, vector<1x16xf32>,
          %swap3A_419 = arith.index_cast %scan3A_273 : i32 to index
          %swap3A_420 = arith.constant 208 : index
          %swap3A_421 = tpu.vector_load %arg11[%swap3A_419, %swap3A_420] {strides = array<i32>} : memref<16x1024xf32, #tpu.memory_space<vmem>>, vector<1x16xf32>,
          %swap3A_422 = vector.shape_cast %swap3A_421 : vector<1x16xf32> to vector<16xf32>
          %swap3A_423 = vector.shape_cast %get3A_383 : vector<16xf32> to vector<1x16xf32>
          tpu.vector_store %arg11[%swap3A_419, %swap3A_420], %swap3A_423 {add = true, strides = array<i32>} : memref<16x1024xf32, #tpu.memory_space<vmem>>, vector<1x16xf32>,
          %swap3A_424 = arith.index_cast %scan3A_273 : i32 to index
          %swap3A_425 = arith.constant 224 : index
          %swap3A_426 = tpu.vector_load %arg11[%swap3A_424, %swap3A_425] {strides = array<i32>} : memref<16x1024xf32, #tpu.memory_space<vmem>>, vector<1x16xf32>,
          %swap3A_427 = vector.shape_cast %swap3A_426 : vector<1x16xf32> to vector<16xf32>
          %swap3A_428 = vector.shape_cast %get3A_388 : vector<16xf32> to vector<1x16xf32>
          tpu.vector_store %arg11[%swap3A_424, %swap3A_425], %swap3A_428 {add = true, strides = array<i32>} : memref<16x1024xf32, #tpu.memory_space<vmem>>, vector<1x16xf32>,
          %swap3A_429 = arith.index_cast %scan3A_273 : i32 to index
          %swap3A_430 = arith.constant 240 : index
          %swap3A_431 = tpu.vector_load %arg11[%swap3A_429, %swap3A_430] {strides = array<i32>} : memref<16x1024xf32, #tpu.memory_space<vmem>>, vector<1x16xf32>,
          %swap3A_432 = vector.shape_cast %swap3A_431 : vector<1x16xf32> to vector<16xf32>
          %swap3A_433 = vector.shape_cast %get3A_393 : vector<16xf32> to vector<1x16xf32>
          tpu.vector_store %arg11[%swap3A_429, %swap3A_430], %swap3A_433 {add = true, strides = array<i32>} : memref<16x1024xf32, #tpu.memory_space<vmem>>, vector<1x16xf32>,
          %add3A_434 = arith.addi %mul3A_234, %scan3A_273 : i32
          %get3A_435 = arith.index_cast %add3A_434 : i32 to index
          %get3A_436 = arith.constant 256 : index
          %get3A_437 = tpu.vector_load %arg8[%get3A_435, %get3A_436] {strides = array<i32>} : memref<64x1024xf32, #tpu.memory_space<vmem>>, vector<1x16xf32>,
          %get3A_438 = vector.shape_cast %get3A_437 : vector<1x16xf32> to vector<16xf32>
          %add3A_439 = arith.addi %mul3A_234, %scan3A_273 : i32
          %get3A_440 = arith.index_cast %add3A_439 : i32 to index
          %get3A_441 = arith.constant 272 : index
          %get3A_442 = tpu.vector_load %arg8[%get3A_440, %get3A_441] {strides = array<i32>} : memref<64x1024xf32, #tpu.memory_space<vmem>>, vector<1x16xf32>,
          %get3A_443 = vector.shape_cast %get3A_442 : vector<1x16xf32> to vector<16xf32>
          %add3A_444 = arith.addi %mul3A_234, %scan3A_273 : i32
          %get3A_445 = arith.index_cast %add3A_444 : i32 to index
          %get3A_446 = arith.constant 288 : index
          %get3A_447 = tpu.vector_load %arg8[%get3A_445, %get3A_446] {strides = array<i32>} : memref<64x1024xf32, #tpu.memory_space<vmem>>, vector<1x16xf32>,
          %get3A_448 = vector.shape_cast %get3A_447 : vector<1x16xf32> to vector<16xf32>
          %add3A_449 = arith.addi %mul3A_234, %scan3A_273 : i32
          %get3A_450 = arith.index_cast %add3A_449 : i32 to index
          %get3A_451 = arith.constant 304 : index
          %get3A_452 = tpu.vector_load %arg8[%get3A_450, %get3A_451] {strides = array<i32>} : memref<64x1024xf32, #tpu.memory_space<vmem>>, vector<1x16xf32>,
          %get3A_453 = vector.shape_cast %get3A_452 : vector<1x16xf32> to vector<16xf32>
          %add3A_454 = arith.addi %mul3A_234, %scan3A_273 : i32
          %get3A_455 = arith.index_cast %add3A_454 : i32 to index
          %get3A_456 = arith.constant 320 : index
          %get3A_457 = tpu.vector_load %arg8[%get3A_455, %get3A_456] {strides = array<i32>} : memref<64x1024xf32, #tpu.memory_space<vmem>>, vector<1x16xf32>,
          %get3A_458 = vector.shape_cast %get3A_457 : vector<1x16xf32> to vector<16xf32>
          %add3A_459 = arith.addi %mul3A_234, %scan3A_273 : i32
          %get3A_460 = arith.index_cast %add3A_459 : i32 to index
          %get3A_461 = arith.constant 336 : index
          %get3A_462 = tpu.vector_load %arg8[%get3A_460, %get3A_461] {strides = array<i32>} : memref<64x1024xf32, #tpu.memory_space<vmem>>, vector<1x16xf32>,
          %get3A_463 = vector.shape_cast %get3A_462 : vector<1x16xf32> to vector<16xf32>
          %add3A_464 = arith.addi %mul3A_234, %scan3A_273 : i32
          %get3A_465 = arith.index_cast %add3A_464 : i32 to index
          %get3A_466 = arith.constant 352 : index
          %get3A_467 = tpu.vector_load %arg8[%get3A_465, %get3A_466] {strides = array<i32>} : memref<64x1024xf32, #tpu.memory_space<vmem>>, vector<1x16xf32>,
          %get3A_468 = vector.shape_cast %get3A_467 : vector<1x16xf32> to vector<16xf32>
          %add3A_469 = arith.addi %mul3A_234, %scan3A_273 : i32
          %get3A_470 = arith.index_cast %add3A_469 : i32 to index
          %get3A_471 = arith.constant 368 : index
          %get3A_472 = tpu.vector_load %arg8[%get3A_470, %get3A_471] {strides = array<i32>} : memref<64x1024xf32, #tpu.memory_space<vmem>>, vector<1x16xf32>,
          %get3A_473 = vector.shape_cast %get3A_472 : vector<1x16xf32> to vector<16xf32>
          %swap3A_474 = arith.index_cast %scan3A_273 : i32 to index
          %swap3A_475 = arith.constant 256 : index
          %swap3A_476 = tpu.vector_load %arg11[%swap3A_474, %swap3A_475] {strides = array<i32>} : memref<16x1024xf32, #tpu.memory_space<vmem>>, vector<1x16xf32>,
          %swap3A_477 = vector.shape_cast %swap3A_476 : vector<1x16xf32> to vector<16xf32>
          %swap3A_478 = vector.shape_cast %get3A_438 : vector<16xf32> to vector<1x16xf32>
          tpu.vector_store %arg11[%swap3A_474, %swap3A_475], %swap3A_478 {add = true, strides = array<i32>} : memref<16x1024xf32, #tpu.memory_space<vmem>>, vector<1x16xf32>,
          %swap3A_479 = arith.index_cast %scan3A_273 : i32 to index
          %swap3A_480 = arith.constant 272 : index
          %swap3A_481 = tpu.vector_load %arg11[%swap3A_479, %swap3A_480] {strides = array<i32>} : memref<16x1024xf32, #tpu.memory_space<vmem>>, vector<1x16xf32>,
          %swap3A_482 = vector.shape_cast %swap3A_481 : vector<1x16xf32> to vector<16xf32>
          %swap3A_483 = vector.shape_cast %get3A_443 : vector<16xf32> to vector<1x16xf32>
          tpu.vector_store %arg11[%swap3A_479, %swap3A_480], %swap3A_483 {add = true, strides = array<i32>} : memref<16x1024xf32, #tpu.memory_space<vmem>>, vector<1x16xf32>,
          %swap3A_484 = arith.index_cast %scan3A_273 : i32 to index
          %swap3A_485 = arith.constant 288 : index
          %swap3A_486 = tpu.vector_load %arg11[%swap3A_484, %swap3A_485] {strides = array<i32>} : memref<16x1024xf32, #tpu.memory_space<vmem>>, vector<1x16xf32>,
          %swap3A_487 = vector.shape_cast %swap3A_486 : vector<1x16xf32> to vector<16xf32>
          %swap3A_488 = vector.shape_cast %get3A_448 : vector<16xf32> to vector<1x16xf32>
          tpu.vector_store %arg11[%swap3A_484, %swap3A_485], %swap3A_488 {add = true, strides = array<i32>} : memref<16x1024xf32, #tpu.memory_space<vmem>>, vector<1x16xf32>,
          %swap3A_489 = arith.index_cast %scan3A_273 : i32 to index
          %swap3A_490 = arith.constant 304 : index
          %swap3A_491 = tpu.vector_load %arg11[%swap3A_489, %swap3A_490] {strides = array<i32>} : memref<16x1024xf32, #tpu.memory_space<vmem>>, vector<1x16xf32>,
          %swap3A_492 = vector.shape_cast %swap3A_491 : vector<1x16xf32> to vector<16xf32>
          %swap3A_493 = vector.shape_cast %get3A_453 : vector<16xf32> to vector<1x16xf32>
          tpu.vector_store %arg11[%swap3A_489, %swap3A_490], %swap3A_493 {add = true, strides = array<i32>} : memref<16x1024xf32, #tpu.memory_space<vmem>>, vector<1x16xf32>,
          %swap3A_494 = arith.index_cast %scan3A_273 : i32 to index
          %swap3A_495 = arith.constant 320 : index
          %swap3A_496 = tpu.vector_load %arg11[%swap3A_494, %swap3A_495] {strides = array<i32>} : memref<16x1024xf32, #tpu.memory_space<vmem>>, vector<1x16xf32>,
          %swap3A_497 = vector.shape_cast %swap3A_496 : vector<1x16xf32> to vector<16xf32>
          %swap3A_498 = vector.shape_cast %get3A_458 : vector<16xf32> to vector<1x16xf32>
          tpu.vector_store %arg11[%swap3A_494, %swap3A_495], %swap3A_498 {add = true, strides = array<i32>} : memref<16x1024xf32, #tpu.memory_space<vmem>>, vector<1x16xf32>,
          %swap3A_499 = arith.index_cast %scan3A_273 : i32 to index
          %swap3A_500 = arith.constant 336 : index
          %swap3A_501 = tpu.vector_load %arg11[%swap3A_499, %swap3A_500] {strides = array<i32>} : memref<16x1024xf32, #tpu.memory_space<vmem>>, vector<1x16xf32>,
          %swap3A_502 = vector.shape_cast %swap3A_501 : vector<1x16xf32> to vector<16xf32>
          %swap3A_503 = vector.shape_cast %get3A_463 : vector<16xf32> to vector<1x16xf32>
          tpu.vector_store %arg11[%swap3A_499, %swap3A_500], %swap3A_503 {add = true, strides = array<i32>} : memref<16x1024xf32, #tpu.memory_space<vmem>>, vector<1x16xf32>,
          %swap3A_504 = arith.index_cast %scan3A_273 : i32 to index
          %swap3A_505 = arith.constant 352 : index
          %swap3A_506 = tpu.vector_load %arg11[%swap3A_504, %swap3A_505] {strides = array<i32>} : memref<16x1024xf32, #tpu.memory_space<vmem>>, vector<1x16xf32>,
          %swap3A_507 = vector.shape_cast %swap3A_506 : vector<1x16xf32> to vector<16xf32>
          %swap3A_508 = vector.shape_cast %get3A_468 : vector<16xf32> to vector<1x16xf32>
          tpu.vector_store %arg11[%swap3A_504, %swap3A_505], %swap3A_508 {add = true, strides = array<i32>} : memref<16x1024xf32, #tpu.memory_space<vmem>>, vector<1x16xf32>,
          %swap3A_509 = arith.index_cast %scan3A_273 : i32 to index
          %swap3A_510 = arith.constant 368 : index
          %swap3A_511 = tpu.vector_load %arg11[%swap3A_509, %swap3A_510] {strides = array<i32>} : memref<16x1024xf32, #tpu.memory_space<vmem>>, vector<1x16xf32>,
          %swap3A_512 = vector.shape_cast %swap3A_511 : vector<1x16xf32> to vector<16xf32>
          %swap3A_513 = vector.shape_cast %get3A_473 : vector<16xf32> to vector<1x16xf32>
          tpu.vector_store %arg11[%swap3A_509, %swap3A_510], %swap3A_513 {add = true, strides = array<i32>} : memref<16x1024xf32, #tpu.memory_space<vmem>>, vector<1x16xf32>,
          %add3A_514 = arith.addi %mul3A_234, %scan3A_273 : i32
          %get3A_515 = arith.index_cast %add3A_514 : i32 to index
          %get3A_516 = arith.constant 384 : index
          %get3A_517 = tpu.vector_load %arg8[%get3A_515, %get3A_516] {strides = array<i32>} : memref<64x1024xf32, #tpu.memory_space<vmem>>, vector<1x16xf32>,
          %get3A_518 = vector.shape_cast %get3A_517 : vector<1x16xf32> to vector<16xf32>
          %add3A_519 = arith.addi %mul3A_234, %scan3A_273 : i32
          %get3A_520 = arith.index_cast %add3A_519 : i32 to index
          %get3A_521 = arith.constant 400 : index
          %get3A_522 = tpu.vector_load %arg8[%get3A_520, %get3A_521] {strides = array<i32>} : memref<64x1024xf32, #tpu.memory_space<vmem>>, vector<1x16xf32>,
          %get3A_523 = vector.shape_cast %get3A_522 : vector<1x16xf32> to vector<16xf32>
          %add3A_524 = arith.addi %mul3A_234, %scan3A_273 : i32
          %get3A_525 = arith.index_cast %add3A_524 : i32 to index
          %get3A_526 = arith.constant 416 : index
          %get3A_527 = tpu.vector_load %arg8[%get3A_525, %get3A_526] {strides = array<i32>} : memref<64x1024xf32, #tpu.memory_space<vmem>>, vector<1x16xf32>,
          %get3A_528 = vector.shape_cast %get3A_527 : vector<1x16xf32> to vector<16xf32>
          %add3A_529 = arith.addi %mul3A_234, %scan3A_273 : i32
          %get3A_530 = arith.index_cast %add3A_529 : i32 to index
          %get3A_531 = arith.constant 432 : index
          %get3A_532 = tpu.vector_load %arg8[%get3A_530, %get3A_531] {strides = array<i32>} : memref<64x1024xf32, #tpu.memory_space<vmem>>, vector<1x16xf32>,
          %get3A_533 = vector.shape_cast %get3A_532 : vector<1x16xf32> to vector<16xf32>
          %add3A_534 = arith.addi %mul3A_234, %scan3A_273 : i32
          %get3A_535 = arith.index_cast %add3A_534 : i32 to index
          %get3A_536 = arith.constant 448 : index
          %get3A_537 = tpu.vector_load %arg8[%get3A_535, %get3A_536] {strides = array<i32>} : memref<64x1024xf32, #tpu.memory_space<vmem>>, vector<1x16xf32>,
          %get3A_538 = vector.shape_cast %get3A_537 : vector<1x16xf32> to vector<16xf32>
          %add3A_539 = arith.addi %mul3A_234, %scan3A_273 : i32
          %get3A_540 = arith.index_cast %add3A_539 : i32 to index
          %get3A_541 = arith.constant 464 : index
          %get3A_542 = tpu.vector_load %arg8[%get3A_540, %get3A_541] {strides = array<i32>} : memref<64x1024xf32, #tpu.memory_space<vmem>>, vector<1x16xf32>,
          %get3A_543 = vector.shape_cast %get3A_542 : vector<1x16xf32> to vector<16xf32>
          %add3A_544 = arith.addi %mul3A_234, %scan3A_273 : i32
          %get3A_545 = arith.index_cast %add3A_544 : i32 to index
          %get3A_546 = arith.constant 480 : index
          %get3A_547 = tpu.vector_load %arg8[%get3A_545, %get3A_546] {strides = array<i32>} : memref<64x1024xf32, #tpu.memory_space<vmem>>, vector<1x16xf32>,
          %get3A_548 = vector.shape_cast %get3A_547 : vector<1x16xf32> to vector<16xf32>
          %add3A_549 = arith.addi %mul3A_234, %scan3A_273 : i32
          %get3A_550 = arith.index_cast %add3A_549 : i32 to index
          %get3A_551 = arith.constant 496 : index
          %get3A_552 = tpu.vector_load %arg8[%get3A_550, %get3A_551] {strides = array<i32>} : memref<64x1024xf32, #tpu.memory_space<vmem>>, vector<1x16xf32>,
          %get3A_553 = vector.shape_cast %get3A_552 : vector<1x16xf32> to vector<16xf32>
          %swap3A_554 = arith.index_cast %scan3A_273 : i32 to index
          %swap3A_555 = arith.constant 384 : index
          %swap3A_556 = tpu.vector_load %arg11[%swap3A_554, %swap3A_555] {strides = array<i32>} : memref<16x1024xf32, #tpu.memory_space<vmem>>, vector<1x16xf32>,
          %swap3A_557 = vector.shape_cast %swap3A_556 : vector<1x16xf32> to vector<16xf32>
          %swap3A_558 = vector.shape_cast %get3A_518 : vector<16xf32> to vector<1x16xf32>
          tpu.vector_store %arg11[%swap3A_554, %swap3A_555], %swap3A_558 {add = true, strides = array<i32>} : memref<16x1024xf32, #tpu.memory_space<vmem>>, vector<1x16xf32>,
          %swap3A_559 = arith.index_cast %scan3A_273 : i32 to index
          %swap3A_560 = arith.constant 400 : index
          %swap3A_561 = tpu.vector_load %arg11[%swap3A_559, %swap3A_560] {strides = array<i32>} : memref<16x1024xf32, #tpu.memory_space<vmem>>, vector<1x16xf32>,
          %swap3A_562 = vector.shape_cast %swap3A_561 : vector<1x16xf32> to vector<16xf32>
          %swap3A_563 = vector.shape_cast %get3A_523 : vector<16xf32> to vector<1x16xf32>
          tpu.vector_store %arg11[%swap3A_559, %swap3A_560], %swap3A_563 {add = true, strides = array<i32>} : memref<16x1024xf32, #tpu.memory_space<vmem>>, vector<1x16xf32>,
          %swap3A_564 = arith.index_cast %scan3A_273 : i32 to index
          %swap3A_565 = arith.constant 416 : index
          %swap3A_566 = tpu.vector_load %arg11[%swap3A_564, %swap3A_565] {strides = array<i32>} : memref<16x1024xf32, #tpu.memory_space<vmem>>, vector<1x16xf32>,
          %swap3A_567 = vector.shape_cast %swap3A_566 : vector<1x16xf32> to vector<16xf32>
          %swap3A_568 = vector.shape_cast %get3A_528 : vector<16xf32> to vector<1x16xf32>
          tpu.vector_store %arg11[%swap3A_564, %swap3A_565], %swap3A_568 {add = true, strides = array<i32>} : memref<16x1024xf32, #tpu.memory_space<vmem>>, vector<1x16xf32>,
          %swap3A_569 = arith.index_cast %scan3A_273 : i32 to index
          %swap3A_570 = arith.constant 432 : index
          %swap3A_571 = tpu.vector_load %arg11[%swap3A_569, %swap3A_570] {strides = array<i32>} : memref<16x1024xf32, #tpu.memory_space<vmem>>, vector<1x16xf32>,
          %swap3A_572 = vector.shape_cast %swap3A_571 : vector<1x16xf32> to vector<16xf32>
          %swap3A_573 = vector.shape_cast %get3A_533 : vector<16xf32> to vector<1x16xf32>
          tpu.vector_store %arg11[%swap3A_569, %swap3A_570], %swap3A_573 {add = true, strides = array<i32>} : memref<16x1024xf32, #tpu.memory_space<vmem>>, vector<1x16xf32>,
          %swap3A_574 = arith.index_cast %scan3A_273 : i32 to index
          %swap3A_575 = arith.constant 448 : index
          %swap3A_576 = tpu.vector_load %arg11[%swap3A_574, %swap3A_575] {strides = array<i32>} : memref<16x1024xf32, #tpu.memory_space<vmem>>, vector<1x16xf32>,
          %swap3A_577 = vector.shape_cast %swap3A_576 : vector<1x16xf32> to vector<16xf32>
          %swap3A_578 = vector.shape_cast %get3A_538 : vector<16xf32> to vector<1x16xf32>
          tpu.vector_store %arg11[%swap3A_574, %swap3A_575], %swap3A_578 {add = true, strides = array<i32>} : memref<16x1024xf32, #tpu.memory_space<vmem>>, vector<1x16xf32>,
          %swap3A_579 = arith.index_cast %scan3A_273 : i32 to index
          %swap3A_580 = arith.constant 464 : index
          %swap3A_581 = tpu.vector_load %arg11[%swap3A_579, %swap3A_580] {strides = array<i32>} : memref<16x1024xf32, #tpu.memory_space<vmem>>, vector<1x16xf32>,
          %swap3A_582 = vector.shape_cast %swap3A_581 : vector<1x16xf32> to vector<16xf32>
          %swap3A_583 = vector.shape_cast %get3A_543 : vector<16xf32> to vector<1x16xf32>
          tpu.vector_store %arg11[%swap3A_579, %swap3A_580], %swap3A_583 {add = true, strides = array<i32>} : memref<16x1024xf32, #tpu.memory_space<vmem>>, vector<1x16xf32>,
          %swap3A_584 = arith.index_cast %scan3A_273 : i32 to index
          %swap3A_585 = arith.constant 480 : index
          %swap3A_586 = tpu.vector_load %arg11[%swap3A_584, %swap3A_585] {strides = array<i32>} : memref<16x1024xf32, #tpu.memory_space<vmem>>, vector<1x16xf32>,
          %swap3A_587 = vector.shape_cast %swap3A_586 : vector<1x16xf32> to vector<16xf32>
          %swap3A_588 = vector.shape_cast %get3A_548 : vector<16xf32> to vector<1x16xf32>
          tpu.vector_store %arg11[%swap3A_584, %swap3A_585], %swap3A_588 {add = true, strides = array<i32>} : memref<16x1024xf32, #tpu.memory_space<vmem>>, vector<1x16xf32>,
          %swap3A_589 = arith.index_cast %scan3A_273 : i32 to index
          %swap3A_590 = arith.constant 496 : index
          %swap3A_591 = tpu.vector_load %arg11[%swap3A_589, %swap3A_590] {strides = array<i32>} : memref<16x1024xf32, #tpu.memory_space<vmem>>, vector<1x16xf32>,
          %swap3A_592 = vector.shape_cast %swap3A_591 : vector<1x16xf32> to vector<16xf32>
          %swap3A_593 = vector.shape_cast %get3A_553 : vector<16xf32> to vector<1x16xf32>
          tpu.vector_store %arg11[%swap3A_589, %swap3A_590], %swap3A_593 {add = true, strides = array<i32>} : memref<16x1024xf32, #tpu.memory_space<vmem>>, vector<1x16xf32>,
          %add3A_594 = arith.addi %mul3A_234, %scan3A_273 : i32
          %get3A_595 = arith.index_cast %add3A_594 : i32 to index
          %get3A_596 = arith.constant 512 : index
          %get3A_597 = tpu.vector_load %arg8[%get3A_595, %get3A_596] {strides = array<i32>} : memref<64x1024xf32, #tpu.memory_space<vmem>>, vector<1x16xf32>,
          %get3A_598 = vector.shape_cast %get3A_597 : vector<1x16xf32> to vector<16xf32>
          %add3A_599 = arith.addi %mul3A_234, %scan3A_273 : i32
          %get3A_600 = arith.index_cast %add3A_599 : i32 to index
          %get3A_601 = arith.constant 528 : index
          %get3A_602 = tpu.vector_load %arg8[%get3A_600, %get3A_601] {strides = array<i32>} : memref<64x1024xf32, #tpu.memory_space<vmem>>, vector<1x16xf32>,
          %get3A_603 = vector.shape_cast %get3A_602 : vector<1x16xf32> to vector<16xf32>
          %add3A_604 = arith.addi %mul3A_234, %scan3A_273 : i32
          %get3A_605 = arith.index_cast %add3A_604 : i32 to index
          %get3A_606 = arith.constant 544 : index
          %get3A_607 = tpu.vector_load %arg8[%get3A_605, %get3A_606] {strides = array<i32>} : memref<64x1024xf32, #tpu.memory_space<vmem>>, vector<1x16xf32>,
          %get3A_608 = vector.shape_cast %get3A_607 : vector<1x16xf32> to vector<16xf32>
          %add3A_609 = arith.addi %mul3A_234, %scan3A_273 : i32
          %get3A_610 = arith.index_cast %add3A_609 : i32 to index
          %get3A_611 = arith.constant 560 : index
          %get3A_612 = tpu.vector_load %arg8[%get3A_610, %get3A_611] {strides = array<i32>} : memref<64x1024xf32, #tpu.memory_space<vmem>>, vector<1x16xf32>,
          %get3A_613 = vector.shape_cast %get3A_612 : vector<1x16xf32> to vector<16xf32>
          %add3A_614 = arith.addi %mul3A_234, %scan3A_273 : i32
          %get3A_615 = arith.index_cast %add3A_614 : i32 to index
          %get3A_616 = arith.constant 576 : index
          %get3A_617 = tpu.vector_load %arg8[%get3A_615, %get3A_616] {strides = array<i32>} : memref<64x1024xf32, #tpu.memory_space<vmem>>, vector<1x16xf32>,
          %get3A_618 = vector.shape_cast %get3A_617 : vector<1x16xf32> to vector<16xf32>
          %add3A_619 = arith.addi %mul3A_234, %scan3A_273 : i32
          %get3A_620 = arith.index_cast %add3A_619 : i32 to index
          %get3A_621 = arith.constant 592 : index
          %get3A_622 = tpu.vector_load %arg8[%get3A_620, %get3A_621] {strides = array<i32>} : memref<64x1024xf32, #tpu.memory_space<vmem>>, vector<1x16xf32>,
          %get3A_623 = vector.shape_cast %get3A_622 : vector<1x16xf32> to vector<16xf32>
          %add3A_624 = arith.addi %mul3A_234, %scan3A_273 : i32
          %get3A_625 = arith.index_cast %add3A_624 : i32 to index
          %get3A_626 = arith.constant 608 : index
          %get3A_627 = tpu.vector_load %arg8[%get3A_625, %get3A_626] {strides = array<i32>} : memref<64x1024xf32, #tpu.memory_space<vmem>>, vector<1x16xf32>,
          %get3A_628 = vector.shape_cast %get3A_627 : vector<1x16xf32> to vector<16xf32>
          %add3A_629 = arith.addi %mul3A_234, %scan3A_273 : i32
          %get3A_630 = arith.index_cast %add3A_629 : i32 to index
          %get3A_631 = arith.constant 624 : index
          %get3A_632 = tpu.vector_load %arg8[%get3A_630, %get3A_631] {strides = array<i32>} : memref<64x1024xf32, #tpu.memory_space<vmem>>, vector<1x16xf32>,
          %get3A_633 = vector.shape_cast %get3A_632 : vector<1x16xf32> to vector<16xf32>
          %swap3A_634 = arith.index_cast %scan3A_273 : i32 to index
          %swap3A_635 = arith.constant 512 : index
          %swap3A_636 = tpu.vector_load %arg11[%swap3A_634, %swap3A_635] {strides = array<i32>} : memref<16x1024xf32, #tpu.memory_space<vmem>>, vector<1x16xf32>,
          %swap3A_637 = vector.shape_cast %swap3A_636 : vector<1x16xf32> to vector<16xf32>
          %swap3A_638 = vector.shape_cast %get3A_598 : vector<16xf32> to vector<1x16xf32>
          tpu.vector_store %arg11[%swap3A_634, %swap3A_635], %swap3A_638 {add = true, strides = array<i32>} : memref<16x1024xf32, #tpu.memory_space<vmem>>, vector<1x16xf32>,
          %swap3A_639 = arith.index_cast %scan3A_273 : i32 to index
          %swap3A_640 = arith.constant 528 : index
          %swap3A_641 = tpu.vector_load %arg11[%swap3A_639, %swap3A_640] {strides = array<i32>} : memref<16x1024xf32, #tpu.memory_space<vmem>>, vector<1x16xf32>,
          %swap3A_642 = vector.shape_cast %swap3A_641 : vector<1x16xf32> to vector<16xf32>
          %swap3A_643 = vector.shape_cast %get3A_603 : vector<16xf32> to vector<1x16xf32>
          tpu.vector_store %arg11[%swap3A_639, %swap3A_640], %swap3A_643 {add = true, strides = array<i32>} : memref<16x1024xf32, #tpu.memory_space<vmem>>, vector<1x16xf32>,
          %swap3A_644 = arith.index_cast %scan3A_273 : i32 to index
          %swap3A_645 = arith.constant 544 : index
          %swap3A_646 = tpu.vector_load %arg11[%swap3A_644, %swap3A_645] {strides = array<i32>} : memref<16x1024xf32, #tpu.memory_space<vmem>>, vector<1x16xf32>,
          %swap3A_647 = vector.shape_cast %swap3A_646 : vector<1x16xf32> to vector<16xf32>
          %swap3A_648 = vector.shape_cast %get3A_608 : vector<16xf32> to vector<1x16xf32>
          tpu.vector_store %arg11[%swap3A_644, %swap3A_645], %swap3A_648 {add = true, strides = array<i32>} : memref<16x1024xf32, #tpu.memory_space<vmem>>, vector<1x16xf32>,
          %swap3A_649 = arith.index_cast %scan3A_273 : i32 to index
          %swap3A_650 = arith.constant 560 : index
          %swap3A_651 = tpu.vector_load %arg11[%swap3A_649, %swap3A_650] {strides = array<i32>} : memref<16x1024xf32, #tpu.memory_space<vmem>>, vector<1x16xf32>,
          %swap3A_652 = vector.shape_cast %swap3A_651 : vector<1x16xf32> to vector<16xf32>
          %swap3A_653 = vector.shape_cast %get3A_613 : vector<16xf32> to vector<1x16xf32>
          tpu.vector_store %arg11[%swap3A_649, %swap3A_650], %swap3A_653 {add = true, strides = array<i32>} : memref<16x1024xf32, #tpu.memory_space<vmem>>, vector<1x16xf32>,
          %swap3A_654 = arith.index_cast %scan3A_273 : i32 to index
          %swap3A_655 = arith.constant 576 : index
          %swap3A_656 = tpu.vector_load %arg11[%swap3A_654, %swap3A_655] {strides = array<i32>} : memref<16x1024xf32, #tpu.memory_space<vmem>>, vector<1x16xf32>,
          %swap3A_657 = vector.shape_cast %swap3A_656 : vector<1x16xf32> to vector<16xf32>
          %swap3A_658 = vector.shape_cast %get3A_618 : vector<16xf32> to vector<1x16xf32>
          tpu.vector_store %arg11[%swap3A_654, %swap3A_655], %swap3A_658 {add = true, strides = array<i32>} : memref<16x1024xf32, #tpu.memory_space<vmem>>, vector<1x16xf32>,
          %swap3A_659 = arith.index_cast %scan3A_273 : i32 to index
          %swap3A_660 = arith.constant 592 : index
          %swap3A_661 = tpu.vector_load %arg11[%swap3A_659, %swap3A_660] {strides = array<i32>} : memref<16x1024xf32, #tpu.memory_space<vmem>>, vector<1x16xf32>,
          %swap3A_662 = vector.shape_cast %swap3A_661 : vector<1x16xf32> to vector<16xf32>
          %swap3A_663 = vector.shape_cast %get3A_623 : vector<16xf32> to vector<1x16xf32>
          tpu.vector_store %arg11[%swap3A_659, %swap3A_660], %swap3A_663 {add = true, strides = array<i32>} : memref<16x1024xf32, #tpu.memory_space<vmem>>, vector<1x16xf32>,
          %swap3A_664 = arith.index_cast %scan3A_273 : i32 to index
          %swap3A_665 = arith.constant 608 : index
          %swap3A_666 = tpu.vector_load %arg11[%swap3A_664, %swap3A_665] {strides = array<i32>} : memref<16x1024xf32, #tpu.memory_space<vmem>>, vector<1x16xf32>,
          %swap3A_667 = vector.shape_cast %swap3A_666 : vector<1x16xf32> to vector<16xf32>
          %swap3A_668 = vector.shape_cast %get3A_628 : vector<16xf32> to vector<1x16xf32>
          tpu.vector_store %arg11[%swap3A_664, %swap3A_665], %swap3A_668 {add = true, strides = array<i32>} : memref<16x1024xf32, #tpu.memory_space<vmem>>, vector<1x16xf32>,
          %swap3A_669 = arith.index_cast %scan3A_273 : i32 to index
          %swap3A_670 = arith.constant 624 : index
          %swap3A_671 = tpu.vector_load %arg11[%swap3A_669, %swap3A_670] {strides = array<i32>} : memref<16x1024xf32, #tpu.memory_space<vmem>>, vector<1x16xf32>,
          %swap3A_672 = vector.shape_cast %swap3A_671 : vector<1x16xf32> to vector<16xf32>
          %swap3A_673 = vector.shape_cast %get3A_633 : vector<16xf32> to vector<1x16xf32>
          tpu.vector_store %arg11[%swap3A_669, %swap3A_670], %swap3A_673 {add = true, strides = array<i32>} : memref<16x1024xf32, #tpu.memory_space<vmem>>, vector<1x16xf32>,
          %add3A_674 = arith.addi %mul3A_234, %scan3A_273 : i32
          %get3A_675 = arith.index_cast %add3A_674 : i32 to index
          %get3A_676 = arith.constant 640 : index
          %get3A_677 = tpu.vector_load %arg8[%get3A_675, %get3A_676] {strides = array<i32>} : memref<64x1024xf32, #tpu.memory_space<vmem>>, vector<1x16xf32>,
          %get3A_678 = vector.shape_cast %get3A_677 : vector<1x16xf32> to vector<16xf32>
          %add3A_679 = arith.addi %mul3A_234, %scan3A_273 : i32
          %get3A_680 = arith.index_cast %add3A_679 : i32 to index
          %get3A_681 = arith.constant 656 : index
          %get3A_682 = tpu.vector_load %arg8[%get3A_680, %get3A_681] {strides = array<i32>} : memref<64x1024xf32, #tpu.memory_space<vmem>>, vector<1x16xf32>,
          %get3A_683 = vector.shape_cast %get3A_682 : vector<1x16xf32> to vector<16xf32>
          %add3A_684 = arith.addi %mul3A_234, %scan3A_273 : i32
          %get3A_685 = arith.index_cast %add3A_684 : i32 to index
          %get3A_686 = arith.constant 672 : index
          %get3A_687 = tpu.vector_load %arg8[%get3A_685, %get3A_686] {strides = array<i32>} : memref<64x1024xf32, #tpu.memory_space<vmem>>, vector<1x16xf32>,
          %get3A_688 = vector.shape_cast %get3A_687 : vector<1x16xf32> to vector<16xf32>
          %add3A_689 = arith.addi %mul3A_234, %scan3A_273 : i32
          %get3A_690 = arith.index_cast %add3A_689 : i32 to index
          %get3A_691 = arith.constant 688 : index
          %get3A_692 = tpu.vector_load %arg8[%get3A_690, %get3A_691] {strides = array<i32>} : memref<64x1024xf32, #tpu.memory_space<vmem>>, vector<1x16xf32>,
          %get3A_693 = vector.shape_cast %get3A_692 : vector<1x16xf32> to vector<16xf32>
          %add3A_694 = arith.addi %mul3A_234, %scan3A_273 : i32
          %get3A_695 = arith.index_cast %add3A_694 : i32 to index
          %get3A_696 = arith.constant 704 : index
          %get3A_697 = tpu.vector_load %arg8[%get3A_695, %get3A_696] {strides = array<i32>} : memref<64x1024xf32, #tpu.memory_space<vmem>>, vector<1x16xf32>,
          %get3A_698 = vector.shape_cast %get3A_697 : vector<1x16xf32> to vector<16xf32>
          %add3A_699 = arith.addi %mul3A_234, %scan3A_273 : i32
          %get3A_700 = arith.index_cast %add3A_699 : i32 to index
          %get3A_701 = arith.constant 720 : index
          %get3A_702 = tpu.vector_load %arg8[%get3A_700, %get3A_701] {strides = array<i32>} : memref<64x1024xf32, #tpu.memory_space<vmem>>, vector<1x16xf32>,
          %get3A_703 = vector.shape_cast %get3A_702 : vector<1x16xf32> to vector<16xf32>
          %add3A_704 = arith.addi %mul3A_234, %scan3A_273 : i32
          %get3A_705 = arith.index_cast %add3A_704 : i32 to index
          %get3A_706 = arith.constant 736 : index
          %get3A_707 = tpu.vector_load %arg8[%get3A_705, %get3A_706] {strides = array<i32>} : memref<64x1024xf32, #tpu.memory_space<vmem>>, vector<1x16xf32>,
          %get3A_708 = vector.shape_cast %get3A_707 : vector<1x16xf32> to vector<16xf32>
          %add3A_709 = arith.addi %mul3A_234, %scan3A_273 : i32
          %get3A_710 = arith.index_cast %add3A_709 : i32 to index
          %get3A_711 = arith.constant 752 : index
          %get3A_712 = tpu.vector_load %arg8[%get3A_710, %get3A_711] {strides = array<i32>} : memref<64x1024xf32, #tpu.memory_space<vmem>>, vector<1x16xf32>,
          %get3A_713 = vector.shape_cast %get3A_712 : vector<1x16xf32> to vector<16xf32>
          %swap3A_714 = arith.index_cast %scan3A_273 : i32 to index
          %swap3A_715 = arith.constant 640 : index
          %swap3A_716 = tpu.vector_load %arg11[%swap3A_714, %swap3A_715] {strides = array<i32>} : memref<16x1024xf32, #tpu.memory_space<vmem>>, vector<1x16xf32>,
          %swap3A_717 = vector.shape_cast %swap3A_716 : vector<1x16xf32> to vector<16xf32>
          %swap3A_718 = vector.shape_cast %get3A_678 : vector<16xf32> to vector<1x16xf32>
          tpu.vector_store %arg11[%swap3A_714, %swap3A_715], %swap3A_718 {add = true, strides = array<i32>} : memref<16x1024xf32, #tpu.memory_space<vmem>>, vector<1x16xf32>,
          %swap3A_719 = arith.index_cast %scan3A_273 : i32 to index
          %swap3A_720 = arith.constant 656 : index
          %swap3A_721 = tpu.vector_load %arg11[%swap3A_719, %swap3A_720] {strides = array<i32>} : memref<16x1024xf32, #tpu.memory_space<vmem>>, vector<1x16xf32>,
          %swap3A_722 = vector.shape_cast %swap3A_721 : vector<1x16xf32> to vector<16xf32>
          %swap3A_723 = vector.shape_cast %get3A_683 : vector<16xf32> to vector<1x16xf32>
          tpu.vector_store %arg11[%swap3A_719, %swap3A_720], %swap3A_723 {add = true, strides = array<i32>} : memref<16x1024xf32, #tpu.memory_space<vmem>>, vector<1x16xf32>,
          %swap3A_724 = arith.index_cast %scan3A_273 : i32 to index
          %swap3A_725 = arith.constant 672 : index
          %swap3A_726 = tpu.vector_load %arg11[%swap3A_724, %swap3A_725] {strides = array<i32>} : memref<16x1024xf32, #tpu.memory_space<vmem>>, vector<1x16xf32>,
          %swap3A_727 = vector.shape_cast %swap3A_726 : vector<1x16xf32> to vector<16xf32>
          %swap3A_728 = vector.shape_cast %get3A_688 : vector<16xf32> to vector<1x16xf32>
          tpu.vector_store %arg11[%swap3A_724, %swap3A_725], %swap3A_728 {add = true, strides = array<i32>} : memref<16x1024xf32, #tpu.memory_space<vmem>>, vector<1x16xf32>,
          %swap3A_729 = arith.index_cast %scan3A_273 : i32 to index
          %swap3A_730 = arith.constant 688 : index
          %swap3A_731 = tpu.vector_load %arg11[%swap3A_729, %swap3A_730] {strides = array<i32>} : memref<16x1024xf32, #tpu.memory_space<vmem>>, vector<1x16xf32>,
          %swap3A_732 = vector.shape_cast %swap3A_731 : vector<1x16xf32> to vector<16xf32>
          %swap3A_733 = vector.shape_cast %get3A_693 : vector<16xf32> to vector<1x16xf32>
          tpu.vector_store %arg11[%swap3A_729, %swap3A_730], %swap3A_733 {add = true, strides = array<i32>} : memref<16x1024xf32, #tpu.memory_space<vmem>>, vector<1x16xf32>,
          %swap3A_734 = arith.index_cast %scan3A_273 : i32 to index
          %swap3A_735 = arith.constant 704 : index
          %swap3A_736 = tpu.vector_load %arg11[%swap3A_734, %swap3A_735] {strides = array<i32>} : memref<16x1024xf32, #tpu.memory_space<vmem>>, vector<1x16xf32>,
          %swap3A_737 = vector.shape_cast %swap3A_736 : vector<1x16xf32> to vector<16xf32>
          %swap3A_738 = vector.shape_cast %get3A_698 : vector<16xf32> to vector<1x16xf32>
          tpu.vector_store %arg11[%swap3A_734, %swap3A_735], %swap3A_738 {add = true, strides = array<i32>} : memref<16x1024xf32, #tpu.memory_space<vmem>>, vector<1x16xf32>,
          %swap3A_739 = arith.index_cast %scan3A_273 : i32 to index
          %swap3A_740 = arith.constant 720 : index
          %swap3A_741 = tpu.vector_load %arg11[%swap3A_739, %swap3A_740] {strides = array<i32>} : memref<16x1024xf32, #tpu.memory_space<vmem>>, vector<1x16xf32>,
          %swap3A_742 = vector.shape_cast %swap3A_741 : vector<1x16xf32> to vector<16xf32>
          %swap3A_743 = vector.shape_cast %get3A_703 : vector<16xf32> to vector<1x16xf32>
          tpu.vector_store %arg11[%swap3A_739, %swap3A_740], %swap3A_743 {add = true, strides = array<i32>} : memref<16x1024xf32, #tpu.memory_space<vmem>>, vector<1x16xf32>,
          %swap3A_744 = arith.index_cast %scan3A_273 : i32 to index
          %swap3A_745 = arith.constant 736 : index
          %swap3A_746 = tpu.vector_load %arg11[%swap3A_744, %swap3A_745] {strides = array<i32>} : memref<16x1024xf32, #tpu.memory_space<vmem>>, vector<1x16xf32>,
          %swap3A_747 = vector.shape_cast %swap3A_746 : vector<1x16xf32> to vector<16xf32>
          %swap3A_748 = vector.shape_cast %get3A_708 : vector<16xf32> to vector<1x16xf32>
          tpu.vector_store %arg11[%swap3A_744, %swap3A_745], %swap3A_748 {add = true, strides = array<i32>} : memref<16x1024xf32, #tpu.memory_space<vmem>>, vector<1x16xf32>,
          %swap3A_749 = arith.index_cast %scan3A_273 : i32 to index
          %swap3A_750 = arith.constant 752 : index
          %swap3A_751 = tpu.vector_load %arg11[%swap3A_749, %swap3A_750] {strides = array<i32>} : memref<16x1024xf32, #tpu.memory_space<vmem>>, vector<1x16xf32>,
          %swap3A_752 = vector.shape_cast %swap3A_751 : vector<1x16xf32> to vector<16xf32>
          %swap3A_753 = vector.shape_cast %get3A_713 : vector<16xf32> to vector<1x16xf32>
          tpu.vector_store %arg11[%swap3A_749, %swap3A_750], %swap3A_753 {add = true, strides = array<i32>} : memref<16x1024xf32, #tpu.memory_space<vmem>>, vector<1x16xf32>,
          %add3A_754 = arith.addi %mul3A_234, %scan3A_273 : i32
          %get3A_755 = arith.index_cast %add3A_754 : i32 to index
          %get3A_756 = arith.constant 768 : index
          %get3A_757 = tpu.vector_load %arg8[%get3A_755, %get3A_756] {strides = array<i32>} : memref<64x1024xf32, #tpu.memory_space<vmem>>, vector<1x16xf32>,
          %get3A_758 = vector.shape_cast %get3A_757 : vector<1x16xf32> to vector<16xf32>
          %add3A_759 = arith.addi %mul3A_234, %scan3A_273 : i32
          %get3A_760 = arith.index_cast %add3A_759 : i32 to index
          %get3A_761 = arith.constant 784 : index
          %get3A_762 = tpu.vector_load %arg8[%get3A_760, %get3A_761] {strides = array<i32>} : memref<64x1024xf32, #tpu.memory_space<vmem>>, vector<1x16xf32>,
          %get3A_763 = vector.shape_cast %get3A_762 : vector<1x16xf32> to vector<16xf32>
          %add3A_764 = arith.addi %mul3A_234, %scan3A_273 : i32
          %get3A_765 = arith.index_cast %add3A_764 : i32 to index
          %get3A_766 = arith.constant 800 : index
          %get3A_767 = tpu.vector_load %arg8[%get3A_765, %get3A_766] {strides = array<i32>} : memref<64x1024xf32, #tpu.memory_space<vmem>>, vector<1x16xf32>,
          %get3A_768 = vector.shape_cast %get3A_767 : vector<1x16xf32> to vector<16xf32>
          %add3A_769 = arith.addi %mul3A_234, %scan3A_273 : i32
          %get3A_770 = arith.index_cast %add3A_769 : i32 to index
          %get3A_771 = arith.constant 816 : index
          %get3A_772 = tpu.vector_load %arg8[%get3A_770, %get3A_771] {strides = array<i32>} : memref<64x1024xf32, #tpu.memory_space<vmem>>, vector<1x16xf32>,
          %get3A_773 = vector.shape_cast %get3A_772 : vector<1x16xf32> to vector<16xf32>
          %add3A_774 = arith.addi %mul3A_234, %scan3A_273 : i32
          %get3A_775 = arith.index_cast %add3A_774 : i32 to index
          %get3A_776 = arith.constant 832 : index
          %get3A_777 = tpu.vector_load %arg8[%get3A_775, %get3A_776] {strides = array<i32>} : memref<64x1024xf32, #tpu.memory_space<vmem>>, vector<1x16xf32>,
          %get3A_778 = vector.shape_cast %get3A_777 : vector<1x16xf32> to vector<16xf32>
          %add3A_779 = arith.addi %mul3A_234, %scan3A_273 : i32
          %get3A_780 = arith.index_cast %add3A_779 : i32 to index
          %get3A_781 = arith.constant 848 : index
          %get3A_782 = tpu.vector_load %arg8[%get3A_780, %get3A_781] {strides = array<i32>} : memref<64x1024xf32, #tpu.memory_space<vmem>>, vector<1x16xf32>,
          %get3A_783 = vector.shape_cast %get3A_782 : vector<1x16xf32> to vector<16xf32>
          %add3A_784 = arith.addi %mul3A_234, %scan3A_273 : i32
          %get3A_785 = arith.index_cast %add3A_784 : i32 to index
          %get3A_786 = arith.constant 864 : index
          %get3A_787 = tpu.vector_load %arg8[%get3A_785, %get3A_786] {strides = array<i32>} : memref<64x1024xf32, #tpu.memory_space<vmem>>, vector<1x16xf32>,
          %get3A_788 = vector.shape_cast %get3A_787 : vector<1x16xf32> to vector<16xf32>
          %add3A_789 = arith.addi %mul3A_234, %scan3A_273 : i32
          %get3A_790 = arith.index_cast %add3A_789 : i32 to index
          %get3A_791 = arith.constant 880 : index
          %get3A_792 = tpu.vector_load %arg8[%get3A_790, %get3A_791] {strides = array<i32>} : memref<64x1024xf32, #tpu.memory_space<vmem>>, vector<1x16xf32>,
          %get3A_793 = vector.shape_cast %get3A_792 : vector<1x16xf32> to vector<16xf32>
          %swap3A_794 = arith.index_cast %scan3A_273 : i32 to index
          %swap3A_795 = arith.constant 768 : index
          %swap3A_796 = tpu.vector_load %arg11[%swap3A_794, %swap3A_795] {strides = array<i32>} : memref<16x1024xf32, #tpu.memory_space<vmem>>, vector<1x16xf32>,
          %swap3A_797 = vector.shape_cast %swap3A_796 : vector<1x16xf32> to vector<16xf32>
          %swap3A_798 = vector.shape_cast %get3A_758 : vector<16xf32> to vector<1x16xf32>
          tpu.vector_store %arg11[%swap3A_794, %swap3A_795], %swap3A_798 {add = true, strides = array<i32>} : memref<16x1024xf32, #tpu.memory_space<vmem>>, vector<1x16xf32>,
          %swap3A_799 = arith.index_cast %scan3A_273 : i32 to index
          %swap3A_800 = arith.constant 784 : index
          %swap3A_801 = tpu.vector_load %arg11[%swap3A_799, %swap3A_800] {strides = array<i32>} : memref<16x1024xf32, #tpu.memory_space<vmem>>, vector<1x16xf32>,
          %swap3A_802 = vector.shape_cast %swap3A_801 : vector<1x16xf32> to vector<16xf32>
          %swap3A_803 = vector.shape_cast %get3A_763 : vector<16xf32> to vector<1x16xf32>
          tpu.vector_store %arg11[%swap3A_799, %swap3A_800], %swap3A_803 {add = true, strides = array<i32>} : memref<16x1024xf32, #tpu.memory_space<vmem>>, vector<1x16xf32>,
          %swap3A_804 = arith.index_cast %scan3A_273 : i32 to index
          %swap3A_805 = arith.constant 800 : index
          %swap3A_806 = tpu.vector_load %arg11[%swap3A_804, %swap3A_805] {strides = array<i32>} : memref<16x1024xf32, #tpu.memory_space<vmem>>, vector<1x16xf32>,
          %swap3A_807 = vector.shape_cast %swap3A_806 : vector<1x16xf32> to vector<16xf32>
          %swap3A_808 = vector.shape_cast %get3A_768 : vector<16xf32> to vector<1x16xf32>
          tpu.vector_store %arg11[%swap3A_804, %swap3A_805], %swap3A_808 {add = true, strides = array<i32>} : memref<16x1024xf32, #tpu.memory_space<vmem>>, vector<1x16xf32>,
          %swap3A_809 = arith.index_cast %scan3A_273 : i32 to index
          %swap3A_810 = arith.constant 816 : index
          %swap3A_811 = tpu.vector_load %arg11[%swap3A_809, %swap3A_810] {strides = array<i32>} : memref<16x1024xf32, #tpu.memory_space<vmem>>, vector<1x16xf32>,
          %swap3A_812 = vector.shape_cast %swap3A_811 : vector<1x16xf32> to vector<16xf32>
          %swap3A_813 = vector.shape_cast %get3A_773 : vector<16xf32> to vector<1x16xf32>
          tpu.vector_store %arg11[%swap3A_809, %swap3A_810], %swap3A_813 {add = true, strides = array<i32>} : memref<16x1024xf32, #tpu.memory_space<vmem>>, vector<1x16xf32>,
          %swap3A_814 = arith.index_cast %scan3A_273 : i32 to index
          %swap3A_815 = arith.constant 832 : index
          %swap3A_816 = tpu.vector_load %arg11[%swap3A_814, %swap3A_815] {strides = array<i32>} : memref<16x1024xf32, #tpu.memory_space<vmem>>, vector<1x16xf32>,
          %swap3A_817 = vector.shape_cast %swap3A_816 : vector<1x16xf32> to vector<16xf32>
          %swap3A_818 = vector.shape_cast %get3A_778 : vector<16xf32> to vector<1x16xf32>
          tpu.vector_store %arg11[%swap3A_814, %swap3A_815], %swap3A_818 {add = true, strides = array<i32>} : memref<16x1024xf32, #tpu.memory_space<vmem>>, vector<1x16xf32>,
          %swap3A_819 = arith.index_cast %scan3A_273 : i32 to index
          %swap3A_820 = arith.constant 848 : index
          %swap3A_821 = tpu.vector_load %arg11[%swap3A_819, %swap3A_820] {strides = array<i32>} : memref<16x1024xf32, #tpu.memory_space<vmem>>, vector<1x16xf32>,
          %swap3A_822 = vector.shape_cast %swap3A_821 : vector<1x16xf32> to vector<16xf32>
          %swap3A_823 = vector.shape_cast %get3A_783 : vector<16xf32> to vector<1x16xf32>
          tpu.vector_store %arg11[%swap3A_819, %swap3A_820], %swap3A_823 {add = true, strides = array<i32>} : memref<16x1024xf32, #tpu.memory_space<vmem>>, vector<1x16xf32>,
          %swap3A_824 = arith.index_cast %scan3A_273 : i32 to index
          %swap3A_825 = arith.constant 864 : index
          %swap3A_826 = tpu.vector_load %arg11[%swap3A_824, %swap3A_825] {strides = array<i32>} : memref<16x1024xf32, #tpu.memory_space<vmem>>, vector<1x16xf32>,
          %swap3A_827 = vector.shape_cast %swap3A_826 : vector<1x16xf32> to vector<16xf32>
          %swap3A_828 = vector.shape_cast %get3A_788 : vector<16xf32> to vector<1x16xf32>
          tpu.vector_store %arg11[%swap3A_824, %swap3A_825], %swap3A_828 {add = true, strides = array<i32>} : memref<16x1024xf32, #tpu.memory_space<vmem>>, vector<1x16xf32>,
          %swap3A_829 = arith.index_cast %scan3A_273 : i32 to index
          %swap3A_830 = arith.constant 880 : index
          %swap3A_831 = tpu.vector_load %arg11[%swap3A_829, %swap3A_830] {strides = array<i32>} : memref<16x1024xf32, #tpu.memory_space<vmem>>, vector<1x16xf32>,
          %swap3A_832 = vector.shape_cast %swap3A_831 : vector<1x16xf32> to vector<16xf32>
          %swap3A_833 = vector.shape_cast %get3A_793 : vector<16xf32> to vector<1x16xf32>
          tpu.vector_store %arg11[%swap3A_829, %swap3A_830], %swap3A_833 {add = true, strides = array<i32>} : memref<16x1024xf32, #tpu.memory_space<vmem>>, vector<1x16xf32>,
          %add3A_834 = arith.addi %mul3A_234, %scan3A_273 : i32
          %get3A_835 = arith.index_cast %add3A_834 : i32 to index
          %get3A_836 = arith.constant 896 : index
          %get3A_837 = tpu.vector_load %arg8[%get3A_835, %get3A_836] {strides = array<i32>} : memref<64x1024xf32, #tpu.memory_space<vmem>>, vector<1x16xf32>,
          %get3A_838 = vector.shape_cast %get3A_837 : vector<1x16xf32> to vector<16xf32>
          %add3A_839 = arith.addi %mul3A_234, %scan3A_273 : i32
          %get3A_840 = arith.index_cast %add3A_839 : i32 to index
          %get3A_841 = arith.constant 912 : index
          %get3A_842 = tpu.vector_load %arg8[%get3A_840, %get3A_841] {strides = array<i32>} : memref<64x1024xf32, #tpu.memory_space<vmem>>, vector<1x16xf32>,
          %get3A_843 = vector.shape_cast %get3A_842 : vector<1x16xf32> to vector<16xf32>
          %add3A_844 = arith.addi %mul3A_234, %scan3A_273 : i32
          %get3A_845 = arith.index_cast %add3A_844 : i32 to index
          %get3A_846 = arith.constant 928 : index
          %get3A_847 = tpu.vector_load %arg8[%get3A_845, %get3A_846] {strides = array<i32>} : memref<64x1024xf32, #tpu.memory_space<vmem>>, vector<1x16xf32>,
          %get3A_848 = vector.shape_cast %get3A_847 : vector<1x16xf32> to vector<16xf32>
          %add3A_849 = arith.addi %mul3A_234, %scan3A_273 : i32
          %get3A_850 = arith.index_cast %add3A_849 : i32 to index
          %get3A_851 = arith.constant 944 : index
          %get3A_852 = tpu.vector_load %arg8[%get3A_850, %get3A_851] {strides = array<i32>} : memref<64x1024xf32, #tpu.memory_space<vmem>>, vector<1x16xf32>,
          %get3A_853 = vector.shape_cast %get3A_852 : vector<1x16xf32> to vector<16xf32>
          %add3A_854 = arith.addi %mul3A_234, %scan3A_273 : i32
          %get3A_855 = arith.index_cast %add3A_854 : i32 to index
          %get3A_856 = arith.constant 960 : index
          %get3A_857 = tpu.vector_load %arg8[%get3A_855, %get3A_856] {strides = array<i32>} : memref<64x1024xf32, #tpu.memory_space<vmem>>, vector<1x16xf32>,
          %get3A_858 = vector.shape_cast %get3A_857 : vector<1x16xf32> to vector<16xf32>
          %add3A_859 = arith.addi %mul3A_234, %scan3A_273 : i32
          %get3A_860 = arith.index_cast %add3A_859 : i32 to index
          %get3A_861 = arith.constant 976 : index
          %get3A_862 = tpu.vector_load %arg8[%get3A_860, %get3A_861] {strides = array<i32>} : memref<64x1024xf32, #tpu.memory_space<vmem>>, vector<1x16xf32>,
          %get3A_863 = vector.shape_cast %get3A_862 : vector<1x16xf32> to vector<16xf32>
          %add3A_864 = arith.addi %mul3A_234, %scan3A_273 : i32
          %get3A_865 = arith.index_cast %add3A_864 : i32 to index
          %get3A_866 = arith.constant 992 : index
          %get3A_867 = tpu.vector_load %arg8[%get3A_865, %get3A_866] {strides = array<i32>} : memref<64x1024xf32, #tpu.memory_space<vmem>>, vector<1x16xf32>,
          %get3A_868 = vector.shape_cast %get3A_867 : vector<1x16xf32> to vector<16xf32>
          %add3A_869 = arith.addi %mul3A_234, %scan3A_273 : i32
          %get3A_870 = arith.index_cast %add3A_869 : i32 to index
          %get3A_871 = arith.constant 1008 : index
          %get3A_872 = tpu.vector_load %arg8[%get3A_870, %get3A_871] {strides = array<i32>} : memref<64x1024xf32, #tpu.memory_space<vmem>>, vector<1x16xf32>,
          %get3A_873 = vector.shape_cast %get3A_872 : vector<1x16xf32> to vector<16xf32>
          %swap3A_874 = arith.index_cast %scan3A_273 : i32 to index
          %swap3A_875 = arith.constant 896 : index
          %swap3A_876 = tpu.vector_load %arg11[%swap3A_874, %swap3A_875] {strides = array<i32>} : memref<16x1024xf32, #tpu.memory_space<vmem>>, vector<1x16xf32>,
          %swap3A_877 = vector.shape_cast %swap3A_876 : vector<1x16xf32> to vector<16xf32>
          %swap3A_878 = vector.shape_cast %get3A_838 : vector<16xf32> to vector<1x16xf32>
          tpu.vector_store %arg11[%swap3A_874, %swap3A_875], %swap3A_878 {add = true, strides = array<i32>} : memref<16x1024xf32, #tpu.memory_space<vmem>>, vector<1x16xf32>,
          %swap3A_879 = arith.index_cast %scan3A_273 : i32 to index
          %swap3A_880 = arith.constant 912 : index
          %swap3A_881 = tpu.vector_load %arg11[%swap3A_879, %swap3A_880] {strides = array<i32>} : memref<16x1024xf32, #tpu.memory_space<vmem>>, vector<1x16xf32>,
          %swap3A_882 = vector.shape_cast %swap3A_881 : vector<1x16xf32> to vector<16xf32>
          %swap3A_883 = vector.shape_cast %get3A_843 : vector<16xf32> to vector<1x16xf32>
          tpu.vector_store %arg11[%swap3A_879, %swap3A_880], %swap3A_883 {add = true, strides = array<i32>} : memref<16x1024xf32, #tpu.memory_space<vmem>>, vector<1x16xf32>,
          %swap3A_884 = arith.index_cast %scan3A_273 : i32 to index
          %swap3A_885 = arith.constant 928 : index
          %swap3A_886 = tpu.vector_load %arg11[%swap3A_884, %swap3A_885] {strides = array<i32>} : memref<16x1024xf32, #tpu.memory_space<vmem>>, vector<1x16xf32>,
          %swap3A_887 = vector.shape_cast %swap3A_886 : vector<1x16xf32> to vector<16xf32>
          %swap3A_888 = vector.shape_cast %get3A_848 : vector<16xf32> to vector<1x16xf32>
          tpu.vector_store %arg11[%swap3A_884, %swap3A_885], %swap3A_888 {add = true, strides = array<i32>} : memref<16x1024xf32, #tpu.memory_space<vmem>>, vector<1x16xf32>,
          %swap3A_889 = arith.index_cast %scan3A_273 : i32 to index
          %swap3A_890 = arith.constant 944 : index
          %swap3A_891 = tpu.vector_load %arg11[%swap3A_889, %swap3A_890] {strides = array<i32>} : memref<16x1024xf32, #tpu.memory_space<vmem>>, vector<1x16xf32>,
          %swap3A_892 = vector.shape_cast %swap3A_891 : vector<1x16xf32> to vector<16xf32>
          %swap3A_893 = vector.shape_cast %get3A_853 : vector<16xf32> to vector<1x16xf32>
          tpu.vector_store %arg11[%swap3A_889, %swap3A_890], %swap3A_893 {add = true, strides = array<i32>} : memref<16x1024xf32, #tpu.memory_space<vmem>>, vector<1x16xf32>,
          %swap3A_894 = arith.index_cast %scan3A_273 : i32 to index
          %swap3A_895 = arith.constant 960 : index
          %swap3A_896 = tpu.vector_load %arg11[%swap3A_894, %swap3A_895] {strides = array<i32>} : memref<16x1024xf32, #tpu.memory_space<vmem>>, vector<1x16xf32>,
          %swap3A_897 = vector.shape_cast %swap3A_896 : vector<1x16xf32> to vector<16xf32>
          %swap3A_898 = vector.shape_cast %get3A_858 : vector<16xf32> to vector<1x16xf32>
          tpu.vector_store %arg11[%swap3A_894, %swap3A_895], %swap3A_898 {add = true, strides = array<i32>} : memref<16x1024xf32, #tpu.memory_space<vmem>>, vector<1x16xf32>,
          %swap3A_899 = arith.index_cast %scan3A_273 : i32 to index
          %swap3A_900 = arith.constant 976 : index
          %swap3A_901 = tpu.vector_load %arg11[%swap3A_899, %swap3A_900] {strides = array<i32>} : memref<16x1024xf32, #tpu.memory_space<vmem>>, vector<1x16xf32>,
          %swap3A_902 = vector.shape_cast %swap3A_901 : vector<1x16xf32> to vector<16xf32>
          %swap3A_903 = vector.shape_cast %get3A_863 : vector<16xf32> to vector<1x16xf32>
          tpu.vector_store %arg11[%swap3A_899, %swap3A_900], %swap3A_903 {add = true, strides = array<i32>} : memref<16x1024xf32, #tpu.memory_space<vmem>>, vector<1x16xf32>,
          %swap3A_904 = arith.index_cast %scan3A_273 : i32 to index
          %swap3A_905 = arith.constant 992 : index
          %swap3A_906 = tpu.vector_load %arg11[%swap3A_904, %swap3A_905] {strides = array<i32>} : memref<16x1024xf32, #tpu.memory_space<vmem>>, vector<1x16xf32>,
          %swap3A_907 = vector.shape_cast %swap3A_906 : vector<1x16xf32> to vector<16xf32>
          %swap3A_908 = vector.shape_cast %get3A_868 : vector<16xf32> to vector<1x16xf32>
          tpu.vector_store %arg11[%swap3A_904, %swap3A_905], %swap3A_908 {add = true, strides = array<i32>} : memref<16x1024xf32, #tpu.memory_space<vmem>>, vector<1x16xf32>,
          %swap3A_909 = arith.index_cast %scan3A_273 : i32 to index
          %swap3A_910 = arith.constant 1008 : index
          %swap3A_911 = tpu.vector_load %arg11[%swap3A_909, %swap3A_910] {strides = array<i32>} : memref<16x1024xf32, #tpu.memory_space<vmem>>, vector<1x16xf32>,
          %swap3A_912 = vector.shape_cast %swap3A_911 : vector<1x16xf32> to vector<16xf32>
          %swap3A_913 = vector.shape_cast %get3A_873 : vector<16xf32> to vector<1x16xf32>
          tpu.vector_store %arg11[%swap3A_909, %swap3A_910], %swap3A_913 {add = true, strides = array<i32>} : memref<16x1024xf32, #tpu.memory_space<vmem>>, vector<1x16xf32>,
          %scan3A_914 = arith.constant 0 : i32
          scf.yield %scan3A_914 : i32
        }
        %scan3A_241 = arith.constant 16 : i32
        %jit3A_242 = arith.constant 4 : i32
        %div3A_243 = arith.divsi %add3A_186, %jit3A_242 : i32
        %sign3A_244 = arith.constant 0 : i32
        %sign3A_245 = arith.cmpi sgt, %add3A_186, %sign3A_244 : i32
        %sign3A_246 = arith.extui %sign3A_245 : i1 to i32
        %sign3A_247 = arith.constant 0 : i32
        %sign3A_248 = arith.cmpi slt, %add3A_186, %sign3A_247 : i32
        %sign3A_249 = arith.extui %sign3A_248 : i1 to i32
        %sign3A_250 = arith.subi %sign3A_246, %sign3A_249 : i32
        %sign3A_251 = arith.constant 0 : i32
        %sign3A_252 = arith.cmpi sgt, %jit3A_242, %sign3A_251 : i32
        %sign3A_253 = arith.extui %sign3A_252 : i1 to i32
        %sign3A_254 = arith.constant 0 : i32
        %sign3A_255 = arith.cmpi slt, %jit3A_242, %sign3A_254 : i32
        %sign3A_256 = arith.extui %sign3A_255 : i1 to i32
        %sign3A_257 = arith.subi %sign3A_253, %sign3A_256 : i32
        %ne3A_258 = arith.cmpi ne, %sign3A_250, %sign3A_257 : i32
        %rem3A_259 = arith.remsi %add3A_186, %jit3A_242 : i32
        %ne3A_260 = arith.constant 0 : i32
        %ne3A_261 = arith.cmpi ne, %rem3A_259, %ne3A_260 : i32
        %and3A_262 = arith.andi %ne3A_258, %ne3A_261 : i1
        %sub3A_263 = arith.constant 1 : i32
        %sub3A_264 = arith.subi %div3A_243, %sub3A_263 : i32
        %select_n3A_265 = arith.select %and3A_262, %sub3A_264, %div3A_243 : i32
        %add3A_266 = arith.addi %mul3A_2, %mul3A_234 : i32
        %dma_start3A_267 = arith.constant 0 : i32
        %dma_start3A_268 = tpu.memref_slice %arg5[%select_n3A_265, %add3A_266, %dma_start3A_267] : memref<4x2048x1024xf32, #tpu.memory_space<hbm>> -> memref<1x16x1024xf32, #tpu.memory_space<hbm>>
        %dma_start3A_269 = tpu.memref_squeeze %dma_start3A_268 : memref<1x16x1024xf32, #tpu.memory_space<hbm>> -> memref<16x1024xf32, #tpu.memory_space<hbm>>
        %dma_start3A_270 = arith.constant 0 : i32
        %dma_start3A_271 = tpu.memref_slice %arg5[%select_n3A_265, %add3A_266, %dma_start3A_270] : memref<4x2048x1024xf32, #tpu.memory_space<hbm>> -> memref<1x16x1024xf32, #tpu.memory_space<hbm>>
        %dma_start3A_272 = tpu.memref_squeeze %dma_start3A_271 : memref<1x16x1024xf32, #tpu.memory_space<hbm>> -> memref<16x1024xf32, #tpu.memory_space<hbm>>
        tpu.enqueue_dma source(%arg11 : memref<16x1024xf32, #tpu.memory_space<vmem>>) target(%dma_start3A_272 : memref<16x1024xf32, #tpu.memory_space<hbm>>) target_semaphore(%arg18 : memref<!tpu.dma_semaphore, #tpu.memory_space<semaphore_mem>>)
      } else {
      }
      %ge3A_192 = arith.constant 1 : i32
      %ge3A_193 = arith.cmpi sge, %add3A_186, %ge3A_192 : i32
      %add3A_194 = arith.constant 2 : i32
      %add3A_195 = arith.addi %add3A_186, %add3A_194 : i32
      %lt3A_196 = arith.constant 16 : i32
      %lt3A_197 = arith.cmpi slt, %add3A_195, %lt3A_196 : i32
      %and3A_198 = arith.andi %ge3A_193, %lt3A_197 : i1
      %convert_element_type3A_199 = arith.extui %and3A_198 : i1 to i32
      %cond3A_200 = arith.constant 0 : i32
      %cond3A_201 = arith.cmpi ne, %convert_element_type3A_199, %cond3A_200 : i32
      scf.if %cond3A_201 {
        %dma_wait3A_210 = arith.constant 0 : i32
        %dma_wait3A_211 = arith.constant 0 : i32
        %dma_wait3A_212 = arith.constant 0 : i32
        %dma_wait3A_213 = tpu.memref_slice %arg5[%dma_wait3A_210, %dma_wait3A_211, %dma_wait3A_212] : memref<4x2048x1024xf32, #tpu.memory_space<hbm>> -> memref<1x16x1024xf32, #tpu.memory_space<hbm>>
        %dma_wait3A_214 = tpu.memref_squeeze %dma_wait3A_213 : memref<1x16x1024xf32, #tpu.memory_space<hbm>> -> memref<16x1024xf32, #tpu.memory_space<hbm>>
        %dma_wait3A_215 = arith.constant 0 : i32
        %dma_wait3A_216 = arith.constant 0 : i32
        %dma_wait3A_217 = tpu.memref_slice %arg5[%dma_wait3A_210, %dma_wait3A_215, %dma_wait3A_216] : memref<4x2048x1024xf32, #tpu.memory_space<hbm>> -> memref<1x16x1024xf32, #tpu.memory_space<hbm>>
        %dma_wait3A_218 = tpu.memref_squeeze %dma_wait3A_217 : memref<1x16x1024xf32, #tpu.memory_space<hbm>> -> memref<16x1024xf32, #tpu.memory_space<hbm>>
        tpu.wait_dma2 semaphore(%arg17 : memref<!tpu.dma_semaphore, #tpu.memory_space<semaphore_mem>>) src(%arg10 : memref<16x1024xf32, #tpu.memory_space<vmem>>) dst(%dma_wait3A_218 : memref<16x1024xf32, #tpu.memory_space<hbm>>)
      } else {
      }
      %add3A_202 = arith.constant 2 : i32
      %add3A_203 = arith.addi %add3A_186, %add3A_202 : i32
      %lt3A_204 = arith.constant 16 : i32
      %lt3A_205 = arith.cmpi slt, %add3A_203, %lt3A_204 : i32
      %convert_element_type3A_206 = arith.extui %lt3A_205 : i1 to i32
      %cond3A_207 = arith.constant 0 : i32
      %cond3A_208 = arith.cmpi ne, %convert_element_type3A_206, %cond3A_207 : i32
      scf.if %cond3A_208 {
        %add3A_210 = arith.constant 2 : i32
        %add3A_211 = arith.addi %add3A_186, %add3A_210 : i32
        %jit3A_212 = arith.constant 4 : i32
        %div3A_213 = arith.divsi %add3A_211, %jit3A_212 : i32
        %sign3A_214 = arith.constant 0 : i32
        %sign3A_215 = arith.cmpi sgt, %add3A_211, %sign3A_214 : i32
        %sign3A_216 = arith.extui %sign3A_215 : i1 to i32
        %sign3A_217 = arith.constant 0 : i32
        %sign3A_218 = arith.cmpi slt, %add3A_211, %sign3A_217 : i32
        %sign3A_219 = arith.extui %sign3A_218 : i1 to i32
        %sign3A_220 = arith.subi %sign3A_216, %sign3A_219 : i32
        %sign3A_221 = arith.constant 0 : i32
        %sign3A_222 = arith.cmpi sgt, %jit3A_212, %sign3A_221 : i32
        %sign3A_223 = arith.extui %sign3A_222 : i1 to i32
        %sign3A_224 = arith.constant 0 : i32
        %sign3A_225 = arith.cmpi slt, %jit3A_212, %sign3A_224 : i32
        %sign3A_226 = arith.extui %sign3A_225 : i1 to i32
        %sign3A_227 = arith.subi %sign3A_223, %sign3A_226 : i32
        %ne3A_228 = arith.cmpi ne, %sign3A_220, %sign3A_227 : i32
        %rem3A_229 = arith.remsi %add3A_211, %jit3A_212 : i32
        %ne3A_230 = arith.constant 0 : i32
        %ne3A_231 = arith.cmpi ne, %rem3A_229, %ne3A_230 : i32
        %and3A_232 = arith.andi %ne3A_228, %ne3A_231 : i1
        %sub3A_233 = arith.constant 1 : i32
        %sub3A_234 = arith.subi %div3A_213, %sub3A_233 : i32
        %select_n3A_235 = arith.select %and3A_232, %sub3A_234, %div3A_213 : i32
        %jit3A_236 = arith.constant 4 : i32
        %eq3A_237 = arith.constant 0 : i32
        %eq3A_238 = arith.cmpi eq, %jit3A_236, %eq3A_237 : i32
        %jit3A_239 = arith.constant 1 : i32
        %select_n3A_240 = arith.select %eq3A_238, %jit3A_239, %jit3A_236 : i32
        %rem3A_241 = arith.remsi %add3A_211, %select_n3A_240 : i32
        %ne3A_242 = arith.constant 0 : i32
        %ne3A_243 = arith.cmpi ne, %rem3A_241, %ne3A_242 : i32
        %lt3A_244 = arith.constant 0 : i32
        %lt3A_245 = arith.cmpi slt, %rem3A_241, %lt3A_244 : i32
        %lt3A_246 = arith.constant 0 : i32
        %lt3A_247 = arith.cmpi slt, %select_n3A_240, %lt3A_246 : i32
        %ne3A_248 = arith.xori %lt3A_245, %lt3A_247 : i1
        %and3A_249 = arith.andi %ne3A_248, %ne3A_243 : i1
        %add3A_250 = arith.addi %rem3A_241, %select_n3A_240 : i32
        %select_n3A_251 = arith.select %and3A_249, %add3A_250, %rem3A_241 : i32
        %mul3A_252 = arith.constant 16 : i32
        %mul3A_253 = arith.muli %select_n3A_251, %mul3A_252 : i32
        %add3A_254 = arith.addi %mul3A_80, %mul3A_253 : i32
        %dma_start3A_255 = tpu.memref_slice %arg6[%select_n3A_235, %add3A_254] : memref<4x128xi32, #tpu.memory_space<vmem>> -> memref<1x16xi32, #tpu.memory_space<vmem>>
        %dma_start3A_256 = tpu.memref_squeeze %dma_start3A_255 : memref<1x16xi32, #tpu.memory_space<vmem>> -> memref<16xi32, #tpu.memory_space<vmem>>
        %dma_start3A_257 = arith.constant 0 : i32
        %dma_start3A_258 = arith.constant 0 : i32
        %dma_start3A_259 = tpu.memref_slice %arg3[%dma_start3A_257, %dma_start3A_258] : memref<50272x1024xf32, #tpu.memory_space<hbm>> -> memref<50272x1024xf32, #tpu.memory_space<hbm>>
        tpu.enqueue_indirect_dma source(%dma_start3A_259 : memref<50272x1024xf32, #tpu.memory_space<hbm>>) target(%arg10 : memref<16x1024xf32, #tpu.memory_space<vmem>>) offsets(%dma_start3A_256 : memref<16xi32, #tpu.memory_space<vmem>>) semaphore(%arg14 : memref<!tpu.dma_semaphore, #tpu.memory_space<semaphore_mem>>)
      } else {
      }
      %scan3A_209 = arith.constant 0 : i32
      scf.yield %scan3A_209 : i32
    }
    %scan3A_104 = arith.constant 6 : i32
    %dma_wait3A_105 = arith.constant 0 : i32
    %dma_wait3A_106 = arith.constant 0 : i32
    %dma_wait3A_107 = arith.constant 0 : i32
    %dma_wait3A_108 = tpu.memref_slice %arg5[%dma_wait3A_105, %dma_wait3A_106, %dma_wait3A_107] : memref<4x2048x1024xf32, #tpu.memory_space<hbm>> -> memref<1x16x1024xf32, #tpu.memory_space<hbm>>
    %dma_wait3A_109 = tpu.memref_squeeze %dma_wait3A_108 : memref<1x16x1024xf32, #tpu.memory_space<hbm>> -> memref<16x1024xf32, #tpu.memory_space<hbm>>
    %dma_wait3A_110 = arith.constant 0 : i32
    %dma_wait3A_111 = arith.constant 0 : i32
    %dma_wait3A_112 = tpu.memref_slice %arg5[%dma_wait3A_105, %dma_wait3A_110, %dma_wait3A_111] : memref<4x2048x1024xf32, #tpu.memory_space<hbm>> -> memref<1x16x1024xf32, #tpu.memory_space<hbm>>
    %dma_wait3A_113 = tpu.memref_squeeze %dma_wait3A_112 : memref<1x16x1024xf32, #tpu.memory_space<hbm>> -> memref<16x1024xf32, #tpu.memory_space<hbm>>
    tpu.wait_dma2 semaphore(%arg17 : memref<!tpu.dma_semaphore, #tpu.memory_space<semaphore_mem>>) src(%arg10 : memref<16x1024xf32, #tpu.memory_space<vmem>>) dst(%dma_wait3A_113 : memref<16x1024xf32, #tpu.memory_space<hbm>>)
    %dma_wait3A_114 = arith.constant 0 : i32
    %dma_wait3A_115 = arith.constant 0 : i32
    %dma_wait3A_116 = arith.constant 0 : i32
    %dma_wait3A_117 = tpu.memref_slice %arg5[%dma_wait3A_114, %dma_wait3A_115, %dma_wait3A_116] : memref<4x2048x1024xf32, #tpu.memory_space<hbm>> -> memref<1x16x1024xf32, #tpu.memory_space<hbm>>
    %dma_wait3A_118 = tpu.memref_squeeze %dma_wait3A_117 : memref<1x16x1024xf32, #tpu.memory_space<hbm>> -> memref<16x1024xf32, #tpu.memory_space<hbm>>
    %dma_wait3A_119 = arith.constant 0 : i32
    %dma_wait3A_120 = arith.constant 0 : i32
    %dma_wait3A_121 = tpu.memref_slice %arg5[%dma_wait3A_114, %dma_wait3A_119, %dma_wait3A_120] : memref<4x2048x1024xf32, #tpu.memory_space<hbm>> -> memref<1x16x1024xf32, #tpu.memory_space<hbm>>
    %dma_wait3A_122 = tpu.memref_squeeze %dma_wait3A_121 : memref<1x16x1024xf32, #tpu.memory_space<hbm>> -> memref<16x1024xf32, #tpu.memory_space<hbm>>
    tpu.wait_dma2 semaphore(%arg18 : memref<!tpu.dma_semaphore, #tpu.memory_space<semaphore_mem>>) src(%arg11 : memref<16x1024xf32, #tpu.memory_space<vmem>>) dst(%dma_wait3A_122 : memref<16x1024xf32, #tpu.memory_space<hbm>>)
    %dma_wait3A_123 = arith.constant 0 : i32
    %dma_wait3A_124 = arith.constant 0 : i32
    %dma_wait3A_125 = arith.constant 0 : i32
    %dma_wait3A_126 = tpu.memref_slice %arg5[%dma_wait3A_123, %dma_wait3A_124, %dma_wait3A_125] : memref<4x2048x1024xf32, #tpu.memory_space<hbm>> -> memref<1x16x1024xf32, #tpu.memory_space<hbm>>
    %dma_wait3A_127 = tpu.memref_squeeze %dma_wait3A_126 : memref<1x16x1024xf32, #tpu.memory_space<hbm>> -> memref<16x1024xf32, #tpu.memory_space<hbm>>
    %dma_wait3A_128 = arith.constant 0 : i32
    %dma_wait3A_129 = arith.constant 0 : i32
    %dma_wait3A_130 = tpu.memref_slice %arg5[%dma_wait3A_123, %dma_wait3A_128, %dma_wait3A_129] : memref<4x2048x1024xf32, #tpu.memory_space<hbm>> -> memref<1x16x1024xf32, #tpu.memory_space<hbm>>
    %dma_wait3A_131 = tpu.memref_squeeze %dma_wait3A_130 : memref<1x16x1024xf32, #tpu.memory_space<hbm>> -> memref<16x1024xf32, #tpu.memory_space<hbm>>
    tpu.wait_dma2 semaphore(%arg16 : memref<!tpu.dma_semaphore, #tpu.memory_space<semaphore_mem>>) src(%arg9 : memref<16x1024xf32, #tpu.memory_space<vmem>>) dst(%dma_wait3A_131 : memref<16x1024xf32, #tpu.memory_space<hbm>>)
    return
  }
}

</mosaic_0001>

<sc_bundles>
// kernel: kernel.3.cloned.1.call-start
scs
__scs_entry_jumppad:
0x0: {  	(pc) =	sbr.rel $0x88, $3  }
0x1: {  	(tag) =	ssettag $0x0;
	lr =	simm.s32 $0x1  }
0x2: {  	[smem:$0x3F9E] =	sst lr;
	_ =	strace $0xD0000000  }
0x3: {  	_ = 	snop  }
0x4: {  	_ = 	snop  }
0x5: {  	_ = 	snop  }
0x6: {  	_ = 	snop  }
0x7: {  	_ = 	snop  }
__scs_overlays_trampoline_lowered:
0x8: {  	[smem:$0x3FAD] =	sst s0  }
0x9: {  	[smem:$0x3FAE] =	sst s1  }
0xa: {  	[smem:$0x3FAF] =	sst s2  }
0xb: {  	[smem:$0x3FB0] =	sst s3  }
0xc: {  	[smem:$0x3FB1] =	sst s4  }
0xd: {  	[smem:$0x3FB2] =	sst s5  }
0xe: {  	[smem:$0x3FB3] =	sst s6  }
0xf: {  	[smem:$0x3FB4] =	sst s7  }
0x10: {  	[smem:$0x3FB5] =	sst s8  }
0x11: {  	[smem:$0x3FB6] =	sst s9;
	s0 =	simm.s32 @!p0 $0x0  }
0x12: {  	s1 =	sld [smem:$0x3F9C];
	s0 =	simm.s32 @p0 $0x1  }
0x13: {  	[smem:$0x3FB7] =	sst s0;
	s0 =	simm.s32 @!p1 $0x0  }
0x14: {  	s2 =	sld [smem:$0x3F9B];
	s0 =	simm.s32 @p1 $0x1  }
0x15: {  	[smem:$0x3FB8] =	sst s0;
	s0 =	simm.s32 @!p2 $0x0  }
0x16: {  	s3 =	sld [smem:$0x3FDB];
	s0 =	simm.s32 @p2 $0x1  }
0x17: {  	s4 =	simm.s32 $0x1BF5;
	[smem:$0x3FBA] =	sst s0  }
0x18: {  	s0 =	sld [smem:$0x3F9D];
	_ =	swait.ge [sflag:s4], $0x0  }
0x19: {  	s7 =	sld [smem:$0x3F9E]  }
0x1a: {  	s8 =	sadd.s32 $0xFFFFE003, lr  }
0x1b: {  	s9 =	sadd.s32 $0xFFFFFEF7, lr;
	s5 =	simm.s32 $0xFFFFFFFF;
	p2 =	slt.u32 s8, $0xFFFFF086  }
0x1c: {  	p1 =	slt.u32 s9, $0xF7A;
	s5 =	simm.s32 @!p2 $0x0  }
0x1d: {  	s5 =	simm.s32 @p1 $0x1;
	p0 =	seq.s32 s7, s2  }
0x1e: {  	s7 =	smul.u32 @!p0 $0xF7A, s2;
	p2 =	seq.s32 @!p0 s5, $0x0  }
0x1f: {  	s9 =	smul.u32 $0xF7A, s1;
	s8 =	simm.s32 @!p0 $0x1BF5;
	p2 =	por !p2, p0  }
0x20: {  	[sflag:s8] =	ssyncset.s32 @!p0 $0xFFFFF086;
	s6 =	sadd.s32 @!p0 s3, s7;
	s7 =	simm.s32 @!p0 $0x108  }
0x21: {  	s3 =	sadd.s32 s3, s9;
	s6 =	sadd.s32 @!p0 $0x88, s6;
	s7 =	simm.s32 @p2 $0x1082  }
0x22: {  	[simem:s7], [sflag:s8] =	dma.local @!p0 [hbm:s6], $0xF7A  }
0x23: {  	s9 =	sor.u32 $0xD0000000, s2;
	s6 =	simm.s32 $0x108;
	_ =	swait.ge @!p0 [sflag:s8], $0x0  }
0x24: {  	s3 =	sadd.s32 $0x88, s3;
	s6 =	simm.s32 @!p1 $0x1082;
	[sflag:s4] =	ssyncset.s32 $0xFFFFF086  }
0x25: {  	[simem:s6], [sflag:s4] =	dma.local [hbm:s3], $0xF7A  }
0x26: {  	[smem:$0x3F9E] =	sst s1;
	(tag) =	ssettag s2;
	_ =	strace s9  }
0x27: {  	s1 =	sld [smem:$0x3FAE]  }
0x28: {  	s2 =	sld [smem:$0x3FAF]  }
0x29: {  	s4 =	sld [smem:$0x3FB1]  }
0x2a: {  	p0 =	seq.s32 s5, $0x0;
	s5 =	sld [smem:$0x3FB2]  }
0x2b: {  	s6 =	sld [smem:$0x3FB3]  }
0x2c: {  	s7 =	sld [smem:$0x3FB4]  }
0x2d: {  	s3 =	simm.s32 $0x108;
	s8 =	sld [smem:$0x3FB5]  }
0x2e: {  	s3 =	simm.s32 @!p0 $0x1082;
	s9 =	sld [smem:$0x3FB6]  }
0x2f: {  	lr =	sadd.s32 s0, s3;
	s0 =	sld [smem:$0x3FAD]  }
0x30: {  	s3 =	sld [smem:$0x3FB0]  }
0x31: {  	[smem:$0x3FB9] =	sst s10  }
0x32: {  	s10 =	sld [smem:$0x3FB7];
	_ =	sdelay $0x3  }
0x33: {  	p0 =	seq.s32 s10, $0x1;
	s10 =	sld [smem:$0x3FB9];
	_ =	sdelay $0x3  }
0x34: {  	[smem:$0x3FB9] =	sst s10  }
0x35: {  	s10 =	sld [smem:$0x3FB8];
	_ =	sdelay $0x3  }
0x36: {  	p1 =	seq.s32 s10, $0x1;
	s10 =	sld [smem:$0x3FB9];
	_ =	sdelay $0x3  }
0x37: {  	[smem:$0x3FB9] =	sst s10  }
0x38: {  	s10 =	sld [smem:$0x3FBA]  }
0x39: {  	_ = 	snop;
	(pc) =	sbr.ind lr, $3  }
0x3a: {  	_ = 	snop  }
0x3b: {  	_ = 	snop  }
0x3c: {  	p2 =	seq.s32 s10, $0x1;
	s10 =	sld [smem:$0x3FB9]  }
0x3d: {  	_ =	shalt  }
0x3e: {  	_ =	shalt  }
0x3f: {  	_ =	shalt  }
0x40: {  	_ =	shalt  }
0x41: {  	_ =	shalt  }
0x42: {  	_ =	shalt  }
0x43: {  	_ =	shalt  }
0x44: {  	_ =	shalt  }
0x45: {  	_ =	shalt  }
0x46: {  	_ =	shalt  }
0x47: {  	_ =	shalt  }
0x48: {  	_ =	shalt  }
0x49: {  	_ =	shalt  }
0x4a: {  	_ =	shalt  }
0x4b: {  	_ =	shalt  }
0x4c: {  	_ =	shalt  }
0x4d: {  	_ =	shalt  }
0x4e: {  	_ =	shalt  }
0x4f: {  	_ =	shalt  }
0x50: {  	_ =	shalt  }
0x51: {  	_ =	shalt  }
0x52: {  	_ =	shalt  }
0x53: {  	_ =	shalt  }
0x54: {  	_ =	shalt  }
0x55: {  	_ =	shalt  }
0x56: {  	_ =	shalt  }
0x57: {  	_ =	shalt  }
0x58: {  	_ =	shalt  }
0x59: {  	_ =	shalt  }
0x5a: {  	_ =	shalt  }
0x5b: {  	_ =	shalt  }
0x5c: {  	_ =	shalt  }
0x5d: {  	_ =	shalt  }
0x5e: {  	_ =	shalt  }
0x5f: {  	_ =	shalt  }
0x60: {  	_ =	shalt  }
0x61: {  	_ =	shalt  }
0x62: {  	_ =	shalt  }
0x63: {  	_ =	shalt  }
0x64: {  	_ =	shalt  }
0x65: {  	_ =	shalt  }
0x66: {  	_ =	shalt  }
0x67: {  	_ =	shalt  }
0x68: {  	_ =	shalt  }
0x69: {  	_ =	shalt  }
0x6a: {  	_ =	shalt  }
0x6b: {  	_ =	shalt  }
0x6c: {  	_ =	shalt  }
0x6d: {  	_ =	shalt  }
0x6e: {  	_ =	shalt  }
0x6f: {  	_ =	shalt  }
0x70: {  	_ =	shalt  }
0x71: {  	_ =	shalt  }
0x72: {  	_ =	shalt  }
0x73: {  	_ =	shalt  }
0x74: {  	_ =	shalt  }
0x75: {  	_ =	shalt  }
0x76: {  	_ =	shalt  }
0x77: {  	_ =	shalt  }
0x78: {  	_ =	shalt  }
0x79: {  	_ =	shalt  }
0x7a: {  	_ =	shalt  }
0x7b: {  	_ =	shalt  }
0x7c: {  	_ =	shalt  }
0x7d: {  	_ =	shalt  }
0x7e: {  	_ =	shalt  }
0x7f: {  	_ =	shalt  }
0x80: {  	_ =	shalt  }
0x81: {  	_ =	shalt  }
0x82: {  	_ =	shalt  }
0x83: {  	_ =	shalt  }
0x84: {  	_ =	shalt  }
0x85: {  	_ =	shalt  }
0x86: {  	_ =	shalt  }
0x87: {  	_ =	shalt  }
.Lfunc_end0:
.L_simem_size_0:
called_computation_lowered:
.L_overlay_start_0:
0x88: {  	s2 =	sld [smem:$0x3FD9]  }
0x89: {  	s3 =	sld [smem:$0x3FFE];
	_ =	sdelay $0x1  }
0x8a: {  	s1 =	srdreg.scid  }
0x8b: {  	s0 =	sand.u32 $0x1, s1  }
0x8c: {  	s18 =	sshll.u32 s0, $0xA;
	s2 =	sadd.s32 s3, s2  }
0x8d: {  	s2 =	sadd.s32 s2, s18  }
0x8e: {  	[smem:$0x3FC5] =	sst s2  }
0x8f: {  	_ = 	snop  }
0x90: {  	s2 =	sld [smem:$0x3FC9]  }
0x91: {  	s19 =	sld [smem:$0x3FC8]  }
0x92: {  	s4 =	sld [smem:$0x3FC7]  }
0x93: {  	s5 =	sld [smem:$0x3FD0];
	(tm) =	ssettm $0x1  }
0x94: {  	s6 =	sld [smem:$0x3FFB];
	_ =	sdelay $0x3  }
0x95: {  	_ =	strace s6  }
0x96: {  	s6 =	sld [smem:$0x3FFC];
	_ =	sdelay $0x3  }
0x97: {  	_ =	strace s6  }
0x98: {  	s6 =	sld [smem:$0x3FFD];
	_ =	sdelay $0x3  }
0x99: {  	_ =	strace s6  }
0x9a: {  	_ =	strace $0x8FFFFFFF  }
0x9b: {  	s20 =	sld [smem:$0x3FDB];
	_ =	sdelay $0x1  }
0x9c: {  	s7 =	simm.s32 $_scs_section_size  }
0x9d: {  	s8 =	simm.s32 $_size__tile_overlayer_lowered;
	s9 =	simm.s32 $_tile_overlayer_lowered  }
0x9e: {  	s23 =	simm.s32 $0x1BFF;
	s22 =	sshll.u32 s9, $0x1;
	s6 =	sadd.s32 s7, s20  }
0x9f: {  	s10 =	simm.s32 $0x0;
	s21 =	sshll.u32 s8, $0x1;
	s8 =	sadd.s32 s22, s6  }
0xa0: {  	[timem:s10], [sflag:s23] =	dma.local [hbm:s8], s21  }
0xa1: {  	_ =	swait.ge [sflag:s23], s21  }
0xa2: {  	s7 =	ssub.s32 $0x0, s21;
	[sflag:s23] =	ssyncset.done $0x0  }
0xa3: {  	[sflag:s23] =	ssyncadd.s32 s7;
	_ =	sdelay $0x1  }
0xa4: {  	s24 =	simm.s32 $0x1B8B  }
0xa5: {  	_ =	swait.ge [sflag:s24], $0x1  }
0xa6: {  	[sflag:s24] =	ssyncset.done $0x0  }
0xa7: {  	s25 =	simm.s32 $0x1B8E;
	[sflag:s24] =	ssyncadd.s32 $0xFFFFFFFF  }
0xa8: {  	s26 =	simm.s32 $execute0_lowered;
	[smem:$0x3FD2] =	sst s25  }
0xa9: {  	s7 =	sshll.u32 s26, $0x1;
	_ =	strace $0x80000046;
	[dreg:$0x1] =	wrdreg $0xFFFFFFFF  }
0xaa: {  	s28 =	simm.s32 $_size_execute0_lowered;
	s6 =	sadd.s32 s6, s7;
	[dreg:$0x0] =	wrdreg $0x0  }
0xab: {  	s7 =	sshll.u32 s28, $0x1;
	[dreg:$0x2] =	wrdreg s6  }
0xac: {  	[dreg:$0x3] =	wrdreg s7  }
0xad: {  	[dreg:$0x4] =	wrdreg $0xC0  }
0xae: {  	_ =	task [dreg:s10], $0x5FFFF  }
0xaf: {  	[dreg:$0x1] =	wrdreg $0xFFFFFFFF  }
0xb0: {  	[dreg:$0x0] =	wrdreg $0x60  }
0xb1: {  	[dreg:$0x2] =	wrdreg s2  }
0xb2: {  	[dreg:$0x3] =	wrdreg s19  }
0xb3: {  	[dreg:$0x4] =	wrdreg s4  }
0xb4: {  	[dreg:$0x5] =	wrdreg s5  }
0xb5: {  	[dreg:$0x6] =	wrdreg $0x9  }
0xb6: {  	_ =	task.clear_ibuf [dreg:s10], $0x7FFFF;
	_ =	strace $0x90000046  }
0xb7: {  	s29 =	simm.s32 $0x9;
	_ =	strace $0x80000048  }
0xb8: {  	_ =	swait.ge [sflag:s29], $0x1  }
0xb9: {  	[sflag:s29] =	ssyncadd.s32 $0xFFFFFFFF  }
0xba: {  	_ =	strace $0x90000048  }
0xbb: {  	_ =	sfence  }
0xbc: {  	s30 =	sld [smem:$0x0];
	_ =	sdelay $0x2  }
0xbd: {  	s31 =	sshll.u32 s1, $0xD;
	s1 =	sshrl.u32 s1, $0x2  }
0xbe: {  	s3 =	sand.u32 $0x4000, s31;
	s1 =	sadd.s32 s1, s30  }
0xbf: {  	s0 =	sor.u32 s3, s0;
	s1 =	sshll.u32 s1, $0x11  }
0xc0: {  	s0 =	sor.u32 s1, s0  }
0xc1: {  	s0 =	sadd.s32 $0x8F2B, s0  }
0xc2: {  	[sflag:s0] =	ssyncadd.remote.s32 $0x1  }
0xc3: {  	_ =	sfence.sel $0xFFFF  }
0xc4: {  	[dreg:$0x0] =	wrdreg $0xFFFFFFFF;
	(pc) =	sbr.abs _section_cstart, $3  }
0xc5: {  	[dreg:$0x1] =	wrdreg $0xFFFFFFFF  }
0xc6: {  	_ =	task.clear_ibuf [dreg:s10], $0x2FFFF;
	_ =	strace $0x9FFFFFFF  }
0xc7: {  	(tm) =	ssettm $0x7FFFFFFF  }
tec
execute0_lowered:
.L_overlay_start_1:
0x0: {  	(tag) =	ssettag $0x1  }
0x1: {  	s7 =	rddreg [dreg:$0x0]  }
0x2: {  	s1 =	rddreg [dreg:$0x1]  }
0x3: {  	s4 =	rddreg [dreg:$0x2]  }
0x4: {  	s26 =	rddreg [dreg:$0x3];
	s5 =	simm.s32 $0x0;
	s0 =	srdreg.scid  }
0x5: {  	s12 =	stileid.u32;
	s11 =	simm.s32 $0x1;
	s17 =	simm.s32 $0x10280  }
0x6: {  	s29 =	simm.s32 $0x2;
	s18 =	simm.s32 $0x18280;
	[smem:$0x7FF] =	sst s5  }
0x7: {  	s8 =	sand.u32 $0x1, s0;
	s22 =	sshll.u32 s12, $0x1;
	s13 =	sadd.s32 $0x100, s4  }
0x8: {  	s25 =	sadd.s32 $0x200, s4;
	s4 =	sadd.s32 $0x300, s4;
	s14 =	sadd.s32 $0x200, s1  }
0x9: {  	s15 =	sadd.s32 $0x300, s1;
	_ =	strace $0x80000047;
	s2 =	ssub.s32 $0x2, s8  }
0xa: {  	s0 =	sor.u32 s8, s22;
	p1 =	seq.s32 s8, $0x1;
	[dreg:$0x8] =	wrdreg s13  }
0xb: {  	[dreg:$0x9] =	wrdreg s25;
	p0 =	seq.s32 s0, $0x0;
	s6 =	sshll.u32 s0, $0x6  }
0xc: {  	v6 =	vlaneseq.u32;
	[dreg:$0xa] =	wrdreg s4;
	p0 =	por !p0, !p1;
	s10 =	sor.u32 $0x2, s6  }
0xd: {  	s28 =	sshll.u32 s8, $0x6;
	s13 =	sadd.s32 $0x100, s1;
	p0 =	por !p0, !p0;
	v0 =	vadd.s32 s10, v6  }
0xe: {  	vm0 =	vmmov $0xffff;
	s3 =	sshrl.u32 s2, $0x1;
	[dreg:$0xb] =	wrdreg s28;
	s11 =	simm.s32 @!p0 $0x0;
	v1 =	vshll.u32 v0, $0x3  }
.Ltmp0:
0xf: {  	v3 =	vor.u32 $0x8, v6;
	s9 =	ssub.s32 s2, s3;
	v2 =	vand.u32 $0x7, v0;
	s11 =	ssub.s32 s12, s11;
	v1 =	vand.u32 $0xFFFFFEC0, v1;
	(pc) =	sbr.rel .LBB2_1-.Ltmp0, $4  }
0x10: {  	s23 =	sor.u32 $0x12, s6;
	s0 =	sor.u32 $0x22, s6;
	s11 =	sshll.u32 s11, $0x6;
	v5 =	vor.u32 v2, v1;
	v1 =	vand.u32 $0x7, v6;
	v2 =	vshrl.u32 v6, $0x3  }
0x11: {  	s24 =	sor.u32 $0x32, s6;
	s31 =	smax.u32 s9, $0x1;
	s30 =	sand.u32 $0x1FFFFFC0, s11;
	v7 =	vperm.xlane v5, v1;
	v2 =	vmul.u32 $0x8, v2;
	v8 =	vperm.xlane v5, v3  }
0x12: {  	v9 =	vmov s28;
	s2 =	simm.s32 $0x4;
	v4 =	vadd.s32 s23, v6;
	[dreg:$0xd] =	wrdreg s31;
	v5 =	vadd.s32 s0, v6;
	s7 =	sadd.s32 s7, s30  }
0x13: {  	s3 =	simm.s32 $0x0;
	s10 =	simm.s32 $0x5;
	v6 =	vadd.s32 s24, v6;
	[dreg:$0xc] =	wrdreg s7;
	v7 =	vadd.s32 v2, v7;
	v8 =	vadd.s32 v2, v8  }
.LBB2_12:
0x14: {  	s0 =	simm.s32 $0x6  }
0x15: {  	_ =	swait.ge [sflag:s0], $0x4000  }
0x16: {  	[sflag:s0] =	ssyncset.done $0x0  }
0x17: {  	s30 =	simm.s32 $0x7;
	[sflag:s0] =	ssyncadd.s32 $0xFFFFC000  }
0x18: {  	_ =	swait.ge [sflag:s30], $0x4000  }
0x19: {  	[sflag:s30] =	ssyncset.done $0x0  }
0x1a: {  	[sflag:s30] =	ssyncadd.s32 $0xFFFFC000  }
0x1b: {  	_ =	swait.ge [sflag:s10], $0x4000  }
0x1c: {  	s3 =	rddreg [dreg:$0xe]  }
0x1d: {  	s31 =	rddreg [dreg:$0xd];
	s3 =	sadd.s32 $0x1, s3  }
0x1e: {  	p0 =	sne.s32 s3, s31  }
.Ltmp1:
0x1f: {  	_ = 	snop;
	(pc) =	sbr.rel @!p0 .LBB2_13-.Ltmp1, $3  }
0x20: {  	_ =	sdelay $0x1  }
0x21: {  	[sflag:s10] =	ssyncset.done $0x0  }
0x22: {  	[sflag:s10] =	ssyncadd.s32 $0xFFFFC000  }
.LBB2_1:
0x23: {  	[tilespmem:$0x200] =	vst v0  }
0x24: {  	[tilespmem:$0x210] =	vst v4  }
0x25: {  	[dreg:$0xe] =	wrdreg s3;
	[tilespmem:$0x220] =	vst v5  }
0x26: {  	[tilespmem:$0x230] =	vst v6;
	s0 =	rddreg [dreg:$0x2];
	s22 =	simm.s32 $0x280  }
0x27: {  	[tilespmem:s22], [sflag:$0x1] =	stream.indirect_vreg.gather [hbm4b:s0+s5], $0x80, v7, vm0, $0xb8;
	[tilespmem:$0x1C280] =	vst v63  }
0x28: {  	s3 =	rddreg [dreg:$0x8];
	s4 =	simm.s32 $0xA80  }
0x29: {  	[tilespmem:s4], [sflag:$0x1] =	stream.indirect_vreg.gather [hbm4b:s3+s5], $0x80, v7, vm0, $0xb8;
	[tilespmem:$0x1C280] =	vst v63  }
0x2a: {  	s7 =	simm.s32 $0x1280;
	s4 =	rddreg [dreg:$0x9]  }
0x2b: {  	[tilespmem:s7], [sflag:$0x1] =	stream.indirect_vreg.gather [hbm4b:s4+s5], $0x80, v7, vm0, $0xb8;
	[tilespmem:$0x1C280] =	vst v63  }
0x2c: {  	s8 =	simm.s32 $0x1A80;
	s7 =	rddreg [dreg:$0xa]  }
0x2d: {  	[tilespmem:s8], [sflag:$0x1] =	stream.indirect_vreg.gather [hbm4b:s7+s5], $0x80, v7, vm0, $0xb8;
	[tilespmem:$0x1C280] =	vst v63  }
0x2e: {  	s23 =	simm.s32 $0x2280  }
0x2f: {  	[tilespmem:s23], [sflag:$0x1] =	stream.indirect_vreg.gather [hbm4b:s0+s5], $0x80, v8, vm0, $0xb8;
	[tilespmem:$0x1C280] =	vst v63  }
0x30: {  	s24 =	simm.s32 $0x2A80  }
0x31: {  	[tilespmem:s24], [sflag:$0x1] =	stream.indirect_vreg.gather [hbm4b:s3+s5], $0x80, v8, vm0, $0xb8;
	[tilespmem:$0x1C280] =	vst v63  }
0x32: {  	s25 =	simm.s32 $0x3280  }
0x33: {  	[tilespmem:s25], [sflag:$0x1] =	stream.indirect_vreg.gather [hbm4b:s4+s5], $0x80, v8, vm0, $0xb8;
	[tilespmem:$0x1C280] =	vst v63  }
0x34: {  	s28 =	simm.s32 $0x3A80  }
0x35: {  	[tilespmem:s28], [sflag:$0x1] =	stream.indirect_vreg.gather [hbm4b:s7+s5], $0x80, v8, vm0, $0xb8;
	[tilespmem:$0x1C280] =	vst v63  }
0x36: {  	v10 =	vld [tilespmem:$0x210];
	_ =	sdelay $0x4  }
0x37: {  	v11 =	vshll.u32 v10, $0x3  }
0x38: {  	v10 =	vand.u32 $0x7, v10;
	v11 =	vand.u32 $0xFFFFFFC0, v11  }
0x39: {  	v10 =	vor.u32 v10, v11  }
0x3a: {  	v11 =	vperm.xlane v10, v1;
	_ =	sdelay $0x1  }
0x3b: {  	v11 =	vadd.s32 v2, v11;
	_ =	sdelay $0x3  }
0x3c: {  	s30 =	simm.s32 $0x4280  }
0x3d: {  	[tilespmem:s30], [sflag:$0x1] =	stream.indirect_vreg.gather [hbm4b:s0+s5], $0x80, v11, vm0, $0xb8;
	[tilespmem:$0x1C280] =	vst v63  }
0x3e: {  	s9 =	simm.s32 $0x4A80;
	v10 =	vperm.xlane v10, v3  }
0x3f: {  	[tilespmem:s9], [sflag:$0x1] =	stream.indirect_vreg.gather [hbm4b:s3+s5], $0x80, v11, vm0, $0xb8;
	[tilespmem:$0x1C280] =	vst v63  }
0x40: {  	s11 =	simm.s32 $0x5280;
	v10 =	vadd.s32 v2, v10  }
0x41: {  	[tilespmem:s11], [sflag:$0x1] =	stream.indirect_vreg.gather [hbm4b:s4+s5], $0x80, v11, vm0, $0xb8;
	[tilespmem:$0x1C280] =	vst v63  }
0x42: {  	s12 =	simm.s32 $0x5A80  }
0x43: {  	[tilespmem:s12], [sflag:$0x1] =	stream.indirect_vreg.gather [hbm4b:s7+s5], $0x80, v11, vm0, $0xb8;
	[tilespmem:$0x1C280] =	vst v63  }
0x44: {  	s16 =	simm.s32 $0x6280  }
0x45: {  	[tilespmem:s16], [sflag:$0x1] =	stream.indirect_vreg.gather [hbm4b:s0+s5], $0x80, v10, vm0, $0xb8;
	[tilespmem:$0x1C280] =	vst v63  }
0x46: {  	s19 =	simm.s32 $0x6A80  }
0x47: {  	[tilespmem:s19], [sflag:$0x1] =	stream.indirect_vreg.gather [hbm4b:s3+s5], $0x80, v10, vm0, $0xb8;
	[tilespmem:$0x1C280] =	vst v63  }
0x48: {  	s20 =	simm.s32 $0x7280  }
0x49: {  	[tilespmem:s20], [sflag:$0x1] =	stream.indirect_vreg.gather [hbm4b:s4+s5], $0x80, v10, vm0, $0xb8;
	[tilespmem:$0x1C280] =	vst v63  }
0x4a: {  	s21 =	simm.s32 $0x7A80  }
0x4b: {  	[tilespmem:s21], [sflag:$0x1] =	stream.indirect_vreg.gather [hbm4b:s7+s5], $0x80, v10, vm0, $0xb8;
	[tilespmem:$0x1C280] =	vst v63  }
0x4c: {  	v10 =	vld [tilespmem:$0x220];
	_ =	sdelay $0x4  }
0x4d: {  	v11 =	vshll.u32 v10, $0x3  }
0x4e: {  	v10 =	vand.u32 $0x7, v10;
	v11 =	vand.u32 $0xFFFFFFC0, v11  }
0x4f: {  	v10 =	vor.u32 v10, v11  }
0x50: {  	v11 =	vperm.xlane v10, v1;
	_ =	sdelay $0x1  }
0x51: {  	v11 =	vadd.s32 v2, v11;
	_ =	sdelay $0x3  }
0x52: {  	s22 =	simm.s32 $0x8280  }
0x53: {  	[tilespmem:s22], [sflag:$0x1] =	stream.indirect_vreg.gather [hbm4b:s0+s5], $0x80, v11, vm0, $0xb8;
	[tilespmem:$0x1C280] =	vst v63  }
0x54: {  	s23 =	simm.s32 $0x8A80;
	v10 =	vperm.xlane v10, v3  }
0x55: {  	[tilespmem:s23], [sflag:$0x1] =	stream.indirect_vreg.gather [hbm4b:s3+s5], $0x80, v11, vm0, $0xb8;
	[tilespmem:$0x1C280] =	vst v63  }
0x56: {  	s24 =	simm.s32 $0x9280;
	v10 =	vadd.s32 v2, v10  }
0x57: {  	[tilespmem:s24], [sflag:$0x1] =	stream.indirect_vreg.gather [hbm4b:s4+s5], $0x80, v11, vm0, $0xb8;
	[tilespmem:$0x1C280] =	vst v63  }
0x58: {  	s25 =	simm.s32 $0x9A80  }
0x59: {  	[tilespmem:s25], [sflag:$0x1] =	stream.indirect_vreg.gather [hbm4b:s7+s5], $0x80, v11, vm0, $0xb8;
	[tilespmem:$0x1C280] =	vst v63  }
0x5a: {  	s28 =	simm.s32 $0xA280  }
0x5b: {  	[tilespmem:s28], [sflag:$0x1] =	stream.indirect_vreg.gather [hbm4b:s0+s5], $0x80, v10, vm0, $0xb8;
	[tilespmem:$0x1C280] =	vst v63  }
0x5c: {  	s30 =	simm.s32 $0xAA80  }
0x5d: {  	[tilespmem:s30], [sflag:$0x1] =	stream.indirect_vreg.gather [hbm4b:s3+s5], $0x80, v10, vm0, $0xb8;
	[tilespmem:$0x1C280] =	vst v63  }
0x5e: {  	s9 =	simm.s32 $0xB280  }
0x5f: {  	[tilespmem:s9], [sflag:$0x1] =	stream.indirect_vreg.gather [hbm4b:s4+s5], $0x80, v10, vm0, $0xb8;
	[tilespmem:$0x1C280] =	vst v63  }
0x60: {  	s11 =	simm.s32 $0xBA80  }
0x61: {  	[tilespmem:s11], [sflag:$0x1] =	stream.indirect_vreg.gather [hbm4b:s7+s5], $0x80, v10, vm0, $0xb8;
	[tilespmem:$0x1C280] =	vst v63  }
0x62: {  	v10 =	vld [tilespmem:$0x230];
	_ =	sdelay $0x4  }
0x63: {  	v11 =	vshll.u32 v10, $0x3  }
0x64: {  	v10 =	vand.u32 $0x7, v10;
	v11 =	vand.u32 $0xFFFFFFC0, v11  }
0x65: {  	v10 =	vor.u32 v10, v11  }
0x66: {  	v11 =	vperm.xlane v10, v1;
	_ =	sdelay $0x1  }
0x67: {  	v11 =	vadd.s32 v2, v11;
	_ =	sdelay $0x3  }
0x68: {  	s12 =	simm.s32 $0xC280  }
0x69: {  	[tilespmem:s12], [sflag:$0x1] =	stream.indirect_vreg.gather [hbm4b:s0+s5], $0x80, v11, vm0, $0xb8;
	[tilespmem:$0x1C280] =	vst v63  }
0x6a: {  	s16 =	simm.s32 $0xCA80;
	v10 =	vperm.xlane v10, v3  }
0x6b: {  	[tilespmem:s16], [sflag:$0x1] =	stream.indirect_vreg.gather [hbm4b:s3+s5], $0x80, v11, vm0, $0xb8;
	[tilespmem:$0x1C280] =	vst v63  }
0x6c: {  	s19 =	simm.s32 $0xD280;
	v10 =	vadd.s32 v2, v10  }
0x6d: {  	[tilespmem:s19], [sflag:$0x1] =	stream.indirect_vreg.gather [hbm4b:s4+s5], $0x80, v11, vm0, $0xb8;
	[tilespmem:$0x1C280] =	vst v63  }
0x6e: {  	s20 =	simm.s32 $0xDA80  }
0x6f: {  	[tilespmem:s20], [sflag:$0x1] =	stream.indirect_vreg.gather [hbm4b:s7+s5], $0x80, v11, vm0, $0xb8;
	[tilespmem:$0x1C280] =	vst v63  }
0x70: {  	s21 =	simm.s32 $0xE280  }
0x71: {  	[tilespmem:s21], [sflag:$0x1] =	stream.indirect_vreg.gather [hbm4b:s0+s5], $0x80, v10, vm0, $0xb8;
	[tilespmem:$0x1C280] =	vst v63  }
0x72: {  	s22 =	simm.s32 $0xEA80  }
0x73: {  	[tilespmem:s22], [sflag:$0x1] =	stream.indirect_vreg.gather [hbm4b:s3+s5], $0x80, v10, vm0, $0xb8;
	[tilespmem:$0x1C280] =	vst v63  }
0x74: {  	s23 =	simm.s32 $0xF280  }
0x75: {  	[tilespmem:s23], [sflag:$0x1] =	stream.indirect_vreg.gather [hbm4b:s4+s5], $0x80, v10, vm0, $0xb8;
	[tilespmem:$0x1C280] =	vst v63  }
0x76: {  	s24 =	simm.s32 $0xFA80  }
0x77: {  	[tilespmem:s24], [sflag:$0x1] =	stream.indirect_vreg.gather [hbm4b:s7+s5], $0x80, v10, vm0, $0xb8;
	[tilespmem:$0x1C280] =	vst v63  }
0x78: {  	s25 =	rddreg [dreg:$0xc];
	s28 =	simm.s32 $0x8  }
0x79: {  	[tilespmem:s5], [sflag:$0x8] =	stream.linear.gather [hbm4b:s25+s5], $0x200, $0x38;
	[tilespmem:$0x1C280] =	vst v63  }
0x7a: {  	_ =	swait.ge [sflag:s28], $0x200  }
0x7b: {  	[sflag:s28] =	ssyncset.done $0x0  }
0x7c: {  	s30 =	rddreg [dreg:$0xb];
	[sflag:s28] =	ssyncadd.s32 $0xFFFFFE00  }
0x7d: {  	v10 =	vld [tilespmem:s30+$0x0];
	_ =	sdelay $0x4  }
0x7e: {  	v11 =	vshll.u32 v10, $0x3  }
0x7f: {  	v10 =	vand.u32 $0x7, v10;
	v11 =	vand.u32 $0xFFFFFFC0, v11  }
0x80: {  	v10 =	vor.u32 v10, v11  }
0x81: {  	v11 =	vperm.xlane v10, v1;
	_ =	sdelay $0x1  }
0x82: {  	v11 =	vadd.s32 v2, v11;
	_ =	sdelay $0x4  }
0x83: {  	[tilespmem:s17], [sflag:$0x2] =	stream.indirect_vreg.gather [hbm4b:s1+s5], $0x80, v11, vm0, $0xb8;
	[tilespmem:$0x1C280] =	vst v63  }
0x84: {  	s4 =	simm.s32 $0x10A80;
	v10 =	vperm.xlane v10, v3  }
0x85: {  	[tilespmem:s4], [sflag:$0x2] =	stream.indirect_vreg.gather [hbm4b:s13+s5], $0x80, v11, vm0, $0xb8;
	[tilespmem:$0x1C280] =	vst v63  }
0x86: {  	s7 =	simm.s32 $0x11280;
	v10 =	vadd.s32 v2, v10  }
0x87: {  	[tilespmem:s7], [sflag:$0x2] =	stream.indirect_vreg.gather [hbm4b:s14+s5], $0x80, v11, vm0, $0xb8;
	[tilespmem:$0x1C280] =	vst v63  }
0x88: {  	s8 =	simm.s32 $0x11A80  }
0x89: {  	[tilespmem:s8], [sflag:$0x2] =	stream.indirect_vreg.gather [hbm4b:s15+s5], $0x80, v11, vm0, $0xb8;
	[tilespmem:$0x1C280] =	vst v63  }
0x8a: {  	s9 =	simm.s32 $0x12280  }
0x8b: {  	[tilespmem:s9], [sflag:$0x2] =	stream.indirect_vreg.gather [hbm4b:s1+s5], $0x80, v10, vm0, $0xb8;
	[tilespmem:$0x1C280] =	vst v63  }
0x8c: {  	s11 =	simm.s32 $0x12A80  }
0x8d: {  	[tilespmem:s11], [sflag:$0x2] =	stream.indirect_vreg.gather [hbm4b:s13+s5], $0x80, v10, vm0, $0xb8;
	[tilespmem:$0x1C280] =	vst v63  }
0x8e: {  	s12 =	simm.s32 $0x13280  }
0x8f: {  	[tilespmem:s12], [sflag:$0x2] =	stream.indirect_vreg.gather [hbm4b:s14+s5], $0x80, v10, vm0, $0xb8;
	[tilespmem:$0x1C280] =	vst v63  }
0x90: {  	s16 =	simm.s32 $0x13A80  }
0x91: {  	[tilespmem:s16], [sflag:$0x2] =	stream.indirect_vreg.gather [hbm4b:s15+s5], $0x80, v10, vm0, $0xb8;
	[tilespmem:$0x1C280] =	vst v63  }
0x92: {  	v10 =	vld [tilespmem:s30+$0x10];
	_ =	sdelay $0x4  }
0x93: {  	v11 =	vshll.u32 v10, $0x3  }
0x94: {  	v10 =	vand.u32 $0x7, v10;
	v11 =	vand.u32 $0xFFFFFFC0, v11  }
0x95: {  	v10 =	vor.u32 v10, v11  }
0x96: {  	v11 =	vperm.xlane v10, v1;
	_ =	sdelay $0x1  }
0x97: {  	v11 =	vadd.s32 v2, v11;
	_ =	sdelay $0x3  }
0x98: {  	s19 =	simm.s32 $0x14280  }
0x99: {  	[tilespmem:s19], [sflag:$0x3] =	stream.indirect_vreg.gather [hbm4b:s1+s5], $0x80, v11, vm0, $0xb8;
	[tilespmem:$0x1C280] =	vst v63  }
0x9a: {  	s20 =	simm.s32 $0x14A80;
	v10 =	vperm.xlane v10, v3  }
0x9b: {  	[tilespmem:s20], [sflag:$0x3] =	stream.indirect_vreg.gather [hbm4b:s13+s5], $0x80, v11, vm0, $0xb8;
	[tilespmem:$0x1C280] =	vst v63  }
0x9c: {  	s21 =	simm.s32 $0x15280;
	v10 =	vadd.s32 v2, v10  }
0x9d: {  	[tilespmem:s21], [sflag:$0x3] =	stream.indirect_vreg.gather [hbm4b:s14+s5], $0x80, v11, vm0, $0xb8;
	[tilespmem:$0x1C280] =	vst v63  }
0x9e: {  	s22 =	simm.s32 $0x15A80  }
0x9f: {  	[tilespmem:s22], [sflag:$0x3] =	stream.indirect_vreg.gather [hbm4b:s15+s5], $0x80, v11, vm0, $0xb8;
	[tilespmem:$0x1C280] =	vst v63  }
0xa0: {  	s23 =	simm.s32 $0x16280  }
0xa1: {  	[tilespmem:s23], [sflag:$0x3] =	stream.indirect_vreg.gather [hbm4b:s1+s5], $0x80, v10, vm0, $0xb8;
	[tilespmem:$0x1C280] =	vst v63  }
0xa2: {  	s24 =	simm.s32 $0x16A80  }
0xa3: {  	[tilespmem:s24], [sflag:$0x3] =	stream.indirect_vreg.gather [hbm4b:s13+s5], $0x80, v10, vm0, $0xb8;
	[tilespmem:$0x1C280] =	vst v63  }
0xa4: {  	s25 =	simm.s32 $0x17280  }
0xa5: {  	[tilespmem:s25], [sflag:$0x3] =	stream.indirect_vreg.gather [hbm4b:s14+s5], $0x80, v10, vm0, $0xb8;
	[tilespmem:$0x1C280] =	vst v63  }
0xa6: {  	s28 =	simm.s32 $0x17A80;
	s30 =	simm.s32 $0x1  }
0xa7: {  	[tilespmem:s28], [sflag:$0x3] =	stream.indirect_vreg.gather [hbm4b:s15+s5], $0x80, v10, vm0, $0xb8;
	[tilespmem:$0x1C280] =	vst v63  }
0xa8: {  	_ =	swait.ge [sflag:s30], $0x10000  }
0xa9: {  	s31 =	simm.s32 $0x0;
	s0 =	simm.s32 $0x0;
	[sflag:s30] =	ssyncset.done $0x0  }
0xaa: {  	s8 =	simm.s32 $0x2;
	s9 =	simm.s32 $0x1;
	[sflag:s30] =	ssyncadd.s32 $0xFFFF0000  }
.LBB2_2:
0xab: {  	s3 =	sand.u32 $0x3, s8  }
0xac: {  	s7 =	sand.u32 $0x3, s9;
	s3 =	sshll.u32 s3, $0xE  }
0xad: {  	s23 =	sand.u32 $0x3, s31;
	s22 =	sshll.u32 s7, $0xE;
	[dreg:$0x7] =	wrdreg s3  }
0xae: {  	s24 =	sshll.u32 s23, $0xE;
	[dreg:$0x6] =	wrdreg s22  }
0xaf: {  	[dreg:$0x5] =	wrdreg s24  }
0xb0: {  	_ =	swait.ge [sflag:s29], $0x4000  }
0xb1: {  	s25 =	rddreg [dreg:$0x5]  }
0xb2: {  	s11 =	simm.s32 $0x0;
	s3 =	sadd.s32 $0x0, s25  }
0xb3: {  	s16 =	sand.u32 $0x380, s11;
	[sflag:s29] =	ssyncset.done $0x0;
	s28 =	sand.u32 $0xE000, s3  }
0xb4: {  	[sflag:s29] =	ssyncadd.s32 $0xFFFFC000;
	s12 =	sor.u32 s16, s28  }
0xb5: {  	v10 =	vld [tilespmem:s12+$0x2B0]  }
0xb6: {  	v11 =	vld [tilespmem:s12+$0x2A0]  }
0xb7: {  	v12 =	vld [tilespmem:s12+$0x290]  }
0xb8: {  	v13 =	vld [tilespmem:s12+$0x280]  }
0xb9: {  	v14 =	vld [tilespmem:s12+$0x2C0]  }
0xba: {  	s30 =	sand.u32 $0x2000, s11;
	v15 =	vld [tilespmem:s12+$0x2E0]  }
0xbb: {  	s16 =	sor.u32 s16, s30;
	v16 =	vld [tilespmem:s12+$0x2D0]  }
0xbc: {  	s7 =	sadd.s32 $0x10280, s16;
	v17 =	vld [tilespmem:s12+$0x2F0]  }
0xbd: {  	s19 =	sor.u32 $0x10, s7;
	[tilespmem:s16+$0x10280] =	vst.add.f32.msk $0xffff, v13  }
0xbe: {  	s4 =	sor.u32 $0x20, s7;
	[tilespmem:s19+$0x0] =	vst.add.f32.msk $0xffff, v12  }
0xbf: {  	s20 =	sor.u32 $0x30, s7;
	[tilespmem:s4+$0x0] =	vst.add.f32.msk $0xffff, v11  }
0xc0: {  	s21 =	sor.u32 $0x40, s7;
	[tilespmem:s20+$0x0] =	vst.add.f32.msk $0xffff, v10  }
0xc1: {  	s22 =	sor.u32 $0x50, s7;
	[tilespmem:s21+$0x0] =	vst.add.f32.msk $0xffff, v14  }
0xc2: {  	s23 =	sor.u32 $0x60, s7;
	[tilespmem:s22+$0x0] =	vst.add.f32.msk $0xffff, v16  }
0xc3: {  	s24 =	sor.u32 $0x70, s7;
	[tilespmem:s23+$0x0] =	vst.add.f32.msk $0xffff, v15  }
0xc4: {  	[tilespmem:s24+$0x0] =	vst.add.f32.msk $0xffff, v17  }
0xc5: {  	v10 =	vld [tilespmem:s12+$0x6E0]  }
0xc6: {  	v11 =	vld [tilespmem:s12+$0x6F0]  }
0xc7: {  	v12 =	vld [tilespmem:s12+$0x6D0]  }
0xc8: {  	v13 =	vld [tilespmem:s12+$0x6A0]  }
0xc9: {  	v14 =	vld [tilespmem:s12+$0x6B0]  }
0xca: {  	v15 =	vld [tilespmem:s12+$0x690]  }
0xcb: {  	v16 =	vld [tilespmem:s12+$0x6C0]  }
0xcc: {  	v17 =	vld [tilespmem:s12+$0x680]  }
0xcd: {  	[tilespmem:s7+$0x470] =	vst.add.f32.msk $0xffff, v11  }
0xce: {  	[tilespmem:s7+$0x420] =	vst.add.f32.msk $0xffff, v13  }
0xcf: {  	[tilespmem:s7+$0x430] =	vst.add.f32.msk $0xffff, v14  }
0xd0: {  	[tilespmem:s7+$0x410] =	vst.add.f32.msk $0xffff, v15  }
0xd1: {  	[tilespmem:s7+$0x400] =	vst.add.f32.msk $0xffff, v17  }
0xd2: {  	[tilespmem:s7+$0x460] =	vst.add.f32.msk $0xffff, v10  }
0xd3: {  	[tilespmem:s7+$0x440] =	vst.add.f32.msk $0xffff, v16  }
0xd4: {  	[tilespmem:s7+$0x450] =	vst.add.f32.msk $0xffff, v12  }
0xd5: {  	v10 =	vld [tilespmem:s12+$0xAB0]  }
0xd6: {  	v11 =	vld [tilespmem:s12+$0xAA0]  }
0xd7: {  	v12 =	vld [tilespmem:s12+$0xA90]  }
0xd8: {  	v13 =	vld [tilespmem:s12+$0xA80]  }
0xd9: {  	v14 =	vld [tilespmem:s12+$0xAC0]  }
0xda: {  	v15 =	vld [tilespmem:s12+$0xAE0]  }
0xdb: {  	v16 =	vld [tilespmem:s12+$0xAF0]  }
0xdc: {  	s25 =	sor.u32 $0x800, s7;
	v17 =	vld [tilespmem:s12+$0xAD0]  }
0xdd: {  	s28 =	sor.u32 $0x810, s7;
	[tilespmem:s25+$0x0] =	vst.add.f32.msk $0xffff, v13  }
0xde: {  	s30 =	sor.u32 $0x820, s7;
	[tilespmem:s28+$0x0] =	vst.add.f32.msk $0xffff, v12  }
0xdf: {  	s4 =	sor.u32 $0x830, s7;
	[tilespmem:s30+$0x0] =	vst.add.f32.msk $0xffff, v11  }
0xe0: {  	s19 =	sor.u32 $0x840, s7;
	[tilespmem:s4+$0x0] =	vst.add.f32.msk $0xffff, v10  }
0xe1: {  	s20 =	sor.u32 $0x850, s7;
	[tilespmem:s19+$0x0] =	vst.add.f32.msk $0xffff, v14  }
0xe2: {  	s21 =	sor.u32 $0x860, s7;
	[tilespmem:s20+$0x0] =	vst.add.f32.msk $0xffff, v17  }
0xe3: {  	s22 =	sor.u32 $0x870, s7;
	[tilespmem:s21+$0x0] =	vst.add.f32.msk $0xffff, v15  }
0xe4: {  	[tilespmem:s22+$0x0] =	vst.add.f32.msk $0xffff, v16  }
0xe5: {  	v10 =	vld [tilespmem:s12+$0xEF0]  }
0xe6: {  	v11 =	vld [tilespmem:s12+$0xEE0]  }
0xe7: {  	v12 =	vld [tilespmem:s12+$0xEB0]  }
0xe8: {  	v13 =	vld [tilespmem:s12+$0xE90]  }
0xe9: {  	v14 =	vld [tilespmem:s12+$0xEA0]  }
0xea: {  	v15 =	vld [tilespmem:s12+$0xE80]  }
0xeb: {  	v16 =	vld [tilespmem:s12+$0xED0]  }
0xec: {  	v17 =	vld [tilespmem:s12+$0xEC0]  }
0xed: {  	[tilespmem:s7+$0xC60] =	vst.add.f32.msk $0xffff, v11  }
0xee: {  	[tilespmem:s7+$0xC10] =	vst.add.f32.msk $0xffff, v13  }
0xef: {  	[tilespmem:s7+$0xC20] =	vst.add.f32.msk $0xffff, v14  }
0xf0: {  	[tilespmem:s7+$0xC70] =	vst.add.f32.msk $0xffff, v10  }
0xf1: {  	[tilespmem:s7+$0xC30] =	vst.add.f32.msk $0xffff, v12  }
0xf2: {  	[tilespmem:s7+$0xC40] =	vst.add.f32.msk $0xffff, v17  }
0xf3: {  	[tilespmem:s7+$0xC00] =	vst.add.f32.msk $0xffff, v15  }
0xf4: {  	[tilespmem:s7+$0xC50] =	vst.add.f32.msk $0xffff, v16  }
0xf5: {  	v10 =	vld [tilespmem:s12+$0x12B0]  }
0xf6: {  	v11 =	vld [tilespmem:s12+$0x12A0]  }
0xf7: {  	v12 =	vld [tilespmem:s12+$0x1290]  }
0xf8: {  	v13 =	vld [tilespmem:s12+$0x1280]  }
0xf9: {  	v14 =	vld [tilespmem:s12+$0x12C0]  }
0xfa: {  	v15 =	vld [tilespmem:s12+$0x12D0]  }
0xfb: {  	v16 =	vld [tilespmem:s12+$0x12E0]  }
0xfc: {  	s23 =	sor.u32 $0x1000, s7;
	v17 =	vld [tilespmem:s12+$0x12F0]  }
0xfd: {  	s24 =	sor.u32 $0x1010, s7;
	[tilespmem:s23+$0x0] =	vst.add.f32.msk $0xffff, v13  }
0xfe: {  	s25 =	sor.u32 $0x1020, s7;
	[tilespmem:s24+$0x0] =	vst.add.f32.msk $0xffff, v12  }
0xff: {  	s28 =	sor.u32 $0x1030, s7;
	[tilespmem:s25+$0x0] =	vst.add.f32.msk $0xffff, v11  }
0x100: {  	s30 =	sor.u32 $0x1040, s7;
	[tilespmem:s28+$0x0] =	vst.add.f32.msk $0xffff, v10  }
0x101: {  	s4 =	sor.u32 $0x1050, s7;
	[tilespmem:s30+$0x0] =	vst.add.f32.msk $0xffff, v14  }
0x102: {  	s19 =	sor.u32 $0x1060, s7;
	[tilespmem:s4+$0x0] =	vst.add.f32.msk $0xffff, v15  }
0x103: {  	s20 =	sor.u32 $0x1070, s7;
	[tilespmem:s19+$0x0] =	vst.add.f32.msk $0xffff, v16  }
0x104: {  	[tilespmem:s20+$0x0] =	vst.add.f32.msk $0xffff, v17  }
0x105: {  	v10 =	vld [tilespmem:s12+$0x16E0]  }
0x106: {  	v11 =	vld [tilespmem:s12+$0x16F0]  }
0x107: {  	v12 =	vld [tilespmem:s12+$0x16D0]  }
0x108: {  	v13 =	vld [tilespmem:s12+$0x16B0]  }
0x109: {  	v14 =	vld [tilespmem:s12+$0x1690]  }
0x10a: {  	v15 =	vld [tilespmem:s12+$0x16C0]  }
0x10b: {  	v16 =	vld [tilespmem:s12+$0x16A0]  }
0x10c: {  	v17 =	vld [tilespmem:s12+$0x1680]  }
0x10d: {  	[tilespmem:s7+$0x1430] =	vst.add.f32.msk $0xffff, v13  }
0x10e: {  	[tilespmem:s7+$0x1410] =	vst.add.f32.msk $0xffff, v14  }
0x10f: {  	[tilespmem:s7+$0x1450] =	vst.add.f32.msk $0xffff, v12  }
0x110: {  	[tilespmem:s7+$0x1460] =	vst.add.f32.msk $0xffff, v10  }
0x111: {  	[tilespmem:s7+$0x1400] =	vst.add.f32.msk $0xffff, v17  }
0x112: {  	[tilespmem:s7+$0x1440] =	vst.add.f32.msk $0xffff, v15  }
0x113: {  	[tilespmem:s7+$0x1470] =	vst.add.f32.msk $0xffff, v11  }
0x114: {  	[tilespmem:s7+$0x1420] =	vst.add.f32.msk $0xffff, v16  }
0x115: {  	v10 =	vld [tilespmem:s12+$0x1AE0]  }
0x116: {  	v11 =	vld [tilespmem:s12+$0x1AC0]  }
0x117: {  	v12 =	vld [tilespmem:s12+$0x1AA0]  }
0x118: {  	v13 =	vld [tilespmem:s12+$0x1A80]  }
0x119: {  	v14 =	vld [tilespmem:s12+$0x1A90]  }
0x11a: {  	v15 =	vld [tilespmem:s12+$0x1AB0]  }
0x11b: {  	v16 =	vld [tilespmem:s12+$0x1AD0]  }
0x11c: {  	s21 =	sor.u32 $0x1800, s7;
	v17 =	vld [tilespmem:s12+$0x1AF0]  }
0x11d: {  	s22 =	sor.u32 $0x1810, s7;
	[tilespmem:s21+$0x0] =	vst.add.f32.msk $0xffff, v13  }
0x11e: {  	s23 =	sor.u32 $0x1820, s7;
	[tilespmem:s22+$0x0] =	vst.add.f32.msk $0xffff, v14  }
0x11f: {  	s24 =	sor.u32 $0x1830, s7;
	[tilespmem:s23+$0x0] =	vst.add.f32.msk $0xffff, v12  }
0x120: {  	s25 =	sor.u32 $0x1840, s7;
	[tilespmem:s24+$0x0] =	vst.add.f32.msk $0xffff, v15  }
0x121: {  	s28 =	simm.s32 $0x0;
	s30 =	sor.u32 $0x1850, s7;
	[tilespmem:s25+$0x0] =	vst.add.f32.msk $0xffff, v11  }
0x122: {  	s16 =	sand.u32 $0x380, s28;
	s4 =	sor.u32 $0x1860, s7;
	[tilespmem:s30+$0x0] =	vst.add.f32.msk $0xffff, v16  }
0x123: {  	s3 =	sadd.s32 s16, s3;
	s7 =	sor.u32 $0x1870, s7;
	[tilespmem:s4+$0x0] =	vst.add.f32.msk $0xffff, v10  }
0x124: {  	s12 =	sor.u32 $0x1C40, s3;
	[tilespmem:s7+$0x0] =	vst.add.f32.msk $0xffff, v17  }
0x125: {  	s19 =	sor.u32 $0x1C20, s3;
	v10 =	vld [tilespmem:s12+$0x280]  }
0x126: {  	s20 =	sor.u32 $0x1C50, s3;
	v14 =	vld [tilespmem:s19+$0x280]  }
0x127: {  	s21 =	sor.u32 $0x1C00, s3;
	v11 =	vld [tilespmem:s20+$0x280]  }
0x128: {  	s22 =	sor.u32 $0x1C10, s3;
	v16 =	vld [tilespmem:s21+$0x280]  }
0x129: {  	s23 =	sor.u32 $0x1C30, s3;
	v17 =	vld [tilespmem:s22+$0x280]  }
0x12a: {  	s24 =	sor.u32 $0x1C60, s3;
	v15 =	vld [tilespmem:s23+$0x280]  }
0x12b: {  	s3 =	sor.u32 $0x1C70, s3;
	s25 =	smul.u32 $0x30, s0;
	s12 =	sadd.s32 $0x0, s16;
	v13 =	vld [tilespmem:s24+$0x280]  }
0x12c: {  	v12 =	vld [tilespmem:s3+$0x280];
	s28 =	sor.u32 $0x1C00, s12  }
0x12d: {  	s3 =	sand.u32 $0x30, s25;
	s16 =	simm.s32 $0x80;
	s30 =	sor.u32 $0x1C10, s12;
	[tilespmem:s28+$0x10280] =	vst.add.f32.msk $0xffff, v16  }
0x12e: {  	s19 =	simm.s32 $0x0;
	s20 =	sor.u32 $0x1C30, s12;
	s7 =	sor.u32 $0x1C20, s12;
	[tilespmem:s30+$0x10280] =	vst.add.f32.msk $0xffff, v17  }
.LBB2_3:
0x12f: {  	[tilespmem:s7+$0x10280] =	vst.add.f32.msk $0xffff, v14  }
0x130: {  	s30 =	sor.u32 $0x1C40, s12;
	[tilespmem:s20+$0x10280] =	vst.add.f32.msk $0xffff, v15  }
0x131: {  	s21 =	rddreg [dreg:$0x5];
	s11 =	sadd.s32 $0x400, s11;
	s4 =	sor.u32 $0x1C50, s12;
	[tilespmem:s30+$0x10280] =	vst.add.f32.msk $0xffff, v10  }
0x132: {  	s28 =	smov.u32 s16;
	s21 =	sadd.s32 s11, s21;
	s20 =	sor.u32 $0x1C60, s12;
	[tilespmem:s4+$0x10280] =	vst.add.f32.msk $0xffff, v11  }
0x133: {  	s24 =	sor.u32 $0x1C70, s12;
	s23 =	sand.u32 $0xE000, s21;
	s7 =	sand.u32 $0x380, s28;
	[tilespmem:s20+$0x10280] =	vst.add.f32.msk $0xffff, v13  }
0x134: {  	s23 =	sor.u32 s7, s23;
	[tilespmem:s24+$0x10280] =	vst.add.f32.msk $0xffff, v12  }
0x135: {  	v10 =	vld [tilespmem:s23+$0x2B0]  }
0x136: {  	v11 =	vld [tilespmem:s23+$0x2A0]  }
0x137: {  	v12 =	vld [tilespmem:s23+$0x290]  }
0x138: {  	v13 =	vld [tilespmem:s23+$0x280]  }
0x139: {  	s19 =	sadd.s32 $0x1, s19;
	v14 =	vld [tilespmem:s23+$0x2C0]  }
0x13a: {  	s22 =	sshll.u32 s19, $0x7;
	s25 =	sand.u32 $0x2000, s11;
	v15 =	vld [tilespmem:s23+$0x2E0]  }
0x13b: {  	s22 =	sand.u32 $0x380, s22;
	s7 =	sor.u32 s7, s25;
	v16 =	vld [tilespmem:s23+$0x2D0]  }
0x13c: {  	s21 =	sadd.s32 s22, s21;
	s12 =	sadd.s32 s22, s11;
	s22 =	sadd.s32 $0x10280, s7;
	v17 =	vld [tilespmem:s23+$0x2F0]  }
0x13d: {  	s25 =	sor.u32 $0x10, s22;
	[tilespmem:s7+$0x10280] =	vst.add.f32.msk $0xffff, v13  }
0x13e: {  	s28 =	sor.u32 $0x20, s22;
	[tilespmem:s25+$0x0] =	vst.add.f32.msk $0xffff, v12  }
0x13f: {  	s30 =	sor.u32 $0x30, s22;
	[tilespmem:s28+$0x0] =	vst.add.f32.msk $0xffff, v11  }
0x140: {  	s4 =	sor.u32 $0x40, s22;
	[tilespmem:s30+$0x0] =	vst.add.f32.msk $0xffff, v10  }
0x141: {  	s24 =	sor.u32 $0x50, s22;
	[tilespmem:s4+$0x0] =	vst.add.f32.msk $0xffff, v14  }
0x142: {  	s25 =	sor.u32 $0x60, s22;
	[tilespmem:s24+$0x0] =	vst.add.f32.msk $0xffff, v16  }
0x143: {  	s28 =	sor.u32 $0x70, s22;
	[tilespmem:s25+$0x0] =	vst.add.f32.msk $0xffff, v15  }
0x144: {  	[tilespmem:s28+$0x0] =	vst.add.f32.msk $0xffff, v17  }
0x145: {  	v10 =	vld [tilespmem:s23+$0x6E0]  }
0x146: {  	v11 =	vld [tilespmem:s23+$0x6F0]  }
0x147: {  	v12 =	vld [tilespmem:s23+$0x6D0]  }
0x148: {  	v13 =	vld [tilespmem:s23+$0x6A0]  }
0x149: {  	v14 =	vld [tilespmem:s23+$0x6B0]  }
0x14a: {  	v15 =	vld [tilespmem:s23+$0x690]  }
0x14b: {  	v16 =	vld [tilespmem:s23+$0x6C0]  }
0x14c: {  	v17 =	vld [tilespmem:s23+$0x680]  }
0x14d: {  	[tilespmem:s22+$0x470] =	vst.add.f32.msk $0xffff, v11  }
0x14e: {  	[tilespmem:s22+$0x420] =	vst.add.f32.msk $0xffff, v13  }
0x14f: {  	[tilespmem:s22+$0x430] =	vst.add.f32.msk $0xffff, v14  }
0x150: {  	[tilespmem:s22+$0x410] =	vst.add.f32.msk $0xffff, v15  }
0x151: {  	[tilespmem:s22+$0x400] =	vst.add.f32.msk $0xffff, v17  }
0x152: {  	[tilespmem:s22+$0x460] =	vst.add.f32.msk $0xffff, v10  }
0x153: {  	[tilespmem:s22+$0x440] =	vst.add.f32.msk $0xffff, v16  }
0x154: {  	[tilespmem:s22+$0x450] =	vst.add.f32.msk $0xffff, v12  }
0x155: {  	v10 =	vld [tilespmem:s23+$0xAB0]  }
0x156: {  	v11 =	vld [tilespmem:s23+$0xAA0]  }
0x157: {  	v12 =	vld [tilespmem:s23+$0xA90]  }
0x158: {  	v13 =	vld [tilespmem:s23+$0xA80]  }
0x159: {  	v14 =	vld [tilespmem:s23+$0xAC0]  }
0x15a: {  	v15 =	vld [tilespmem:s23+$0xAE0]  }
0x15b: {  	v16 =	vld [tilespmem:s23+$0xAF0]  }
0x15c: {  	s30 =	sor.u32 $0x800, s22;
	v17 =	vld [tilespmem:s23+$0xAD0]  }
0x15d: {  	s4 =	sor.u32 $0x810, s22;
	[tilespmem:s30+$0x0] =	vst.add.f32.msk $0xffff, v13  }
0x15e: {  	s24 =	sor.u32 $0x820, s22;
	[tilespmem:s4+$0x0] =	vst.add.f32.msk $0xffff, v12  }
0x15f: {  	s25 =	sor.u32 $0x830, s22;
	[tilespmem:s24+$0x0] =	vst.add.f32.msk $0xffff, v11  }
0x160: {  	s28 =	sor.u32 $0x840, s22;
	[tilespmem:s25+$0x0] =	vst.add.f32.msk $0xffff, v10  }
0x161: {  	s30 =	sor.u32 $0x850, s22;
	[tilespmem:s28+$0x0] =	vst.add.f32.msk $0xffff, v14  }
0x162: {  	s4 =	sor.u32 $0x860, s22;
	[tilespmem:s30+$0x0] =	vst.add.f32.msk $0xffff, v17  }
0x163: {  	s24 =	sor.u32 $0x870, s22;
	[tilespmem:s4+$0x0] =	vst.add.f32.msk $0xffff, v15  }
0x164: {  	[tilespmem:s24+$0x0] =	vst.add.f32.msk $0xffff, v16  }
0x165: {  	v10 =	vld [tilespmem:s23+$0xEF0]  }
0x166: {  	v11 =	vld [tilespmem:s23+$0xEE0]  }
0x167: {  	v12 =	vld [tilespmem:s23+$0xEB0]  }
0x168: {  	v13 =	vld [tilespmem:s23+$0xE90]  }
0x169: {  	v14 =	vld [tilespmem:s23+$0xEA0]  }
0x16a: {  	v15 =	vld [tilespmem:s23+$0xE80]  }
0x16b: {  	v16 =	vld [tilespmem:s23+$0xED0]  }
0x16c: {  	v17 =	vld [tilespmem:s23+$0xEC0]  }
0x16d: {  	[tilespmem:s22+$0xC60] =	vst.add.f32.msk $0xffff, v11  }
0x16e: {  	[tilespmem:s22+$0xC10] =	vst.add.f32.msk $0xffff, v13  }
0x16f: {  	[tilespmem:s22+$0xC20] =	vst.add.f32.msk $0xffff, v14  }
0x170: {  	[tilespmem:s22+$0xC70] =	vst.add.f32.msk $0xffff, v10  }
0x171: {  	[tilespmem:s22+$0xC30] =	vst.add.f32.msk $0xffff, v12  }
0x172: {  	[tilespmem:s22+$0xC40] =	vst.add.f32.msk $0xffff, v17  }
0x173: {  	[tilespmem:s22+$0xC00] =	vst.add.f32.msk $0xffff, v15  }
0x174: {  	[tilespmem:s22+$0xC50] =	vst.add.f32.msk $0xffff, v16  }
0x175: {  	v10 =	vld [tilespmem:s23+$0x12B0]  }
0x176: {  	v11 =	vld [tilespmem:s23+$0x12A0]  }
0x177: {  	v12 =	vld [tilespmem:s23+$0x1290]  }
0x178: {  	v13 =	vld [tilespmem:s23+$0x1280]  }
0x179: {  	v14 =	vld [tilespmem:s23+$0x12C0]  }
0x17a: {  	v15 =	vld [tilespmem:s23+$0x12D0]  }
0x17b: {  	v16 =	vld [tilespmem:s23+$0x12E0]  }
0x17c: {  	s25 =	sor.u32 $0x1000, s22;
	v17 =	vld [tilespmem:s23+$0x12F0]  }
0x17d: {  	s28 =	sor.u32 $0x1010, s22;
	[tilespmem:s25+$0x0] =	vst.add.f32.msk $0xffff, v13  }
0x17e: {  	s30 =	sor.u32 $0x1020, s22;
	[tilespmem:s28+$0x0] =	vst.add.f32.msk $0xffff, v12  }
0x17f: {  	s4 =	sor.u32 $0x1030, s22;
	[tilespmem:s30+$0x0] =	vst.add.f32.msk $0xffff, v11  }
0x180: {  	s24 =	sor.u32 $0x1040, s22;
	[tilespmem:s4+$0x0] =	vst.add.f32.msk $0xffff, v10  }
0x181: {  	s25 =	sor.u32 $0x1050, s22;
	[tilespmem:s24+$0x0] =	vst.add.f32.msk $0xffff, v14  }
0x182: {  	s28 =	sor.u32 $0x1060, s22;
	[tilespmem:s25+$0x0] =	vst.add.f32.msk $0xffff, v15  }
0x183: {  	s30 =	sor.u32 $0x1070, s22;
	[tilespmem:s28+$0x0] =	vst.add.f32.msk $0xffff, v16  }
0x184: {  	[tilespmem:s30+$0x0] =	vst.add.f32.msk $0xffff, v17  }
0x185: {  	v10 =	vld [tilespmem:s23+$0x16E0]  }
0x186: {  	v11 =	vld [tilespmem:s23+$0x16F0]  }
0x187: {  	v12 =	vld [tilespmem:s23+$0x16D0]  }
0x188: {  	v13 =	vld [tilespmem:s23+$0x16B0]  }
0x189: {  	v14 =	vld [tilespmem:s23+$0x1690]  }
0x18a: {  	v15 =	vld [tilespmem:s23+$0x16C0]  }
0x18b: {  	v16 =	vld [tilespmem:s23+$0x16A0]  }
0x18c: {  	v17 =	vld [tilespmem:s23+$0x1680]  }
0x18d: {  	[tilespmem:s22+$0x1430] =	vst.add.f32.msk $0xffff, v13  }
0x18e: {  	[tilespmem:s22+$0x1410] =	vst.add.f32.msk $0xffff, v14  }
0x18f: {  	[tilespmem:s22+$0x1450] =	vst.add.f32.msk $0xffff, v12  }
0x190: {  	[tilespmem:s22+$0x1460] =	vst.add.f32.msk $0xffff, v10  }
0x191: {  	[tilespmem:s22+$0x1400] =	vst.add.f32.msk $0xffff, v17  }
0x192: {  	[tilespmem:s22+$0x1440] =	vst.add.f32.msk $0xffff, v15  }
0x193: {  	[tilespmem:s22+$0x1470] =	vst.add.f32.msk $0xffff, v11  }
0x194: {  	[tilespmem:s22+$0x1420] =	vst.add.f32.msk $0xffff, v16  }
0x195: {  	v10 =	vld [tilespmem:s23+$0x1AE0]  }
0x196: {  	v11 =	vld [tilespmem:s23+$0x1AC0]  }
0x197: {  	v12 =	vld [tilespmem:s23+$0x1AA0]  }
0x198: {  	v13 =	vld [tilespmem:s23+$0x1A80]  }
0x199: {  	v14 =	vld [tilespmem:s23+$0x1A90]  }
0x19a: {  	v15 =	vld [tilespmem:s23+$0x1AB0]  }
0x19b: {  	v16 =	vld [tilespmem:s23+$0x1AD0]  }
0x19c: {  	s4 =	sor.u32 $0x1800, s22;
	v17 =	vld [tilespmem:s23+$0x1AF0]  }
0x19d: {  	s23 =	sor.u32 $0x1810, s22;
	[tilespmem:s4+$0x0] =	vst.add.f32.msk $0xffff, v13  }
0x19e: {  	s24 =	sor.u32 $0x1820, s22;
	[tilespmem:s23+$0x0] =	vst.add.f32.msk $0xffff, v14  }
0x19f: {  	s25 =	sor.u32 $0x1830, s22;
	[tilespmem:s24+$0x0] =	vst.add.f32.msk $0xffff, v12  }
0x1a0: {  	s28 =	sor.u32 $0x1840, s22;
	[tilespmem:s25+$0x0] =	vst.add.f32.msk $0xffff, v15  }
0x1a1: {  	s30 =	sor.u32 $0x1850, s22;
	[tilespmem:s28+$0x0] =	vst.add.f32.msk $0xffff, v11  }
0x1a2: {  	s4 =	sor.u32 $0x1860, s22;
	[tilespmem:s30+$0x0] =	vst.add.f32.msk $0xffff, v16  }
0x1a3: {  	s23 =	sor.u32 $0x1870, s22;
	[tilespmem:s4+$0x0] =	vst.add.f32.msk $0xffff, v10  }
0x1a4: {  	s24 =	sor.u32 $0x1C40, s21;
	[tilespmem:s23+$0x0] =	vst.add.f32.msk $0xffff, v17  }
0x1a5: {  	s25 =	sor.u32 $0x1C20, s21;
	v10 =	vld [tilespmem:s24+$0x280]  }
0x1a6: {  	s28 =	sor.u32 $0x1C50, s21;
	v14 =	vld [tilespmem:s25+$0x280]  }
0x1a7: {  	s30 =	sor.u32 $0x1C00, s21;
	v11 =	vld [tilespmem:s28+$0x280]  }
0x1a8: {  	s4 =	sor.u32 $0x1C10, s21;
	v16 =	vld [tilespmem:s30+$0x280]  }
0x1a9: {  	p0 =	sne.s32 s16, $0x780;
	s23 =	sor.u32 $0x1C30, s21;
	v17 =	vld [tilespmem:s4+$0x280]  }
.Ltmp2:
0x1aa: {  	v15 =	vld [tilespmem:s23+$0x280];
	s24 =	sor.u32 $0x1C60, s21;
	(pc) =	sbr.rel @p0 .LBB2_3-.Ltmp2, $4  }
0x1ab: {  	s25 =	sor.u32 $0x1C70, s21;
	v13 =	vld [tilespmem:s24+$0x280]  }
0x1ac: {  	s28 =	sor.u32 $0x1C00, s12;
	v12 =	vld [tilespmem:s25+$0x280]  }
0x1ad: {  	s30 =	sor.u32 $0x1C10, s12;
	[tilespmem:s28+$0x10280] =	vst.add.f32.msk $0xffff, v16  }
0x1ae: {  	s16 =	sadd.s32 $0x80, s16;
	s20 =	sor.u32 $0x1C30, s12;
	s7 =	sor.u32 $0x1C20, s12;
	[tilespmem:s30+$0x10280] =	vst.add.f32.msk $0xffff, v17  }
0x1af: {  	[tilespmem:s7+$0x10280] =	vst.add.f32.msk $0xffff, v14;
	s24 =	smul.u32 $0x180000, s0;
	s11 =	sor.u32 $0x1C40, s12  }
0x1b0: {  	s16 =	sor.u32 s6, s3;
	s25 =	sor.u32 $0x1C50, s12;
	p0 =	seq.s32 s0, $0x0;
	[tilespmem:s20+$0x10280] =	vst.add.f32.msk $0xffff, v15  }
.Ltmp3:
0x1b1: {  	s16 =	sshll.u32 s16, $0xA;
	[tilespmem:s11+$0x10280] =	vst.add.f32.msk $0xffff, v10;
	s7 =	sand.u32 $0xE00000, s24;
	(pc) =	sbr.rel @p0 .LBB2_7-.Ltmp3, $4  }
0x1b2: {  	s28 =	sor.u32 $0x1C60, s12;
	[tilespmem:s25+$0x10280] =	vst.add.f32.msk $0xffff, v11;
	s7 =	sor.u32 s7, s16  }
0x1b3: {  	s30 =	sor.u32 $0x1C70, s12;
	[tilespmem:s28+$0x10280] =	vst.add.f32.msk $0xffff, v13;
	s7 =	sshrl.u32 s7, $0x3  }
0x1b4: {  	[tilespmem:s30+$0x10280] =	vst.add.f32.msk $0xffff, v12;
	s7 =	sadd.s32 s26, s7  }
0x1b5: {  	[hbm4b:s7+s5] =	stream.linear.scatter [tilespmem:s17], [sflag:$0x5], $0x4000, $0x38;
	[tilespmem:$0x1C280] =	vst v63  }
0x1b6: {  	p0 =	seq.s32 s0, $0x5  }
.Ltmp4:
0x1b7: {  	_ = 	snop;
	(pc) =	sbr.rel @p0 .LBB2_12-.Ltmp4, $1  }
0x1b8: {  	_ =	sdelay $0x3  }
0x1b9: {  	s4 =	simm.s32 $0x7  }
0x1ba: {  	_ =	swait.ge [sflag:s4], $0x4000  }
0x1bb: {  	[sflag:s4] =	ssyncset.done $0x0  }
0x1bc: {  	[sflag:s4] =	ssyncadd.s32 $0xFFFFC000  }
.LBB2_7:
0x1bd: {  	s16 =	smul.u32 $0x3, s0;
	_ =	sdelay $0x1  }
0x1be: {  	s12 =	sadd.s32 $0x2, s16  }
0x1bf: {  	s7 =	sshll.u32 s12, $0x4;
	s11 =	sshll.u32 s12, $0x5  }
0x1c0: {  	s28 =	sand.u32 $0x30, s7;
	s19 =	sand.u32 $0x780, s11  }
0x1c1: {  	s7 =	sor.u32 s19, s28  }
0x1c2: {  	v10 =	vld.idx.msk [tilespmem:v9+s7+$0x0 ss:$0x1], $0xffff;
	_ =	sdelay $0x4  }
0x1c3: {  	v11 =	vshll.u32 v10, $0x3  }
0x1c4: {  	v10 =	vand.u32 $0x7, v10;
	v11 =	vand.u32 $0xFFFFFFC0, v11  }
0x1c5: {  	v10 =	vor.u32 v10, v11  }
0x1c6: {  	v11 =	vperm.xlane v10, v1;
	_ =	sdelay $0x1  }
0x1c7: {  	v11 =	vadd.s32 v2, v11;
	_ =	sdelay $0x3  }
0x1c8: {  	s11 =	simm.s32 $0x0  }
0x1c9: {  	[tilespmem:s18], [sflag:$0x4] =	stream.indirect_vreg.gather [hbm4b:s1+s11], $0x80, v11, vm0, $0xb8;
	[tilespmem:$0x1C280] =	vst v63  }
0x1ca: {  	s4 =	simm.s32 $0x18A80;
	v10 =	vperm.xlane v10, v3  }
0x1cb: {  	[tilespmem:s4], [sflag:$0x4] =	stream.indirect_vreg.gather [hbm4b:s13+s11], $0x80, v11, vm0, $0xb8;
	[tilespmem:$0x1C280] =	vst v63  }
0x1cc: {  	s20 =	simm.s32 $0x19280;
	v10 =	vadd.s32 v2, v10  }
0x1cd: {  	[tilespmem:s20], [sflag:$0x4] =	stream.indirect_vreg.gather [hbm4b:s14+s11], $0x80, v11, vm0, $0xb8;
	[tilespmem:$0x1C280] =	vst v63  }
0x1ce: {  	s21 =	simm.s32 $0x19A80  }
0x1cf: {  	[tilespmem:s21], [sflag:$0x4] =	stream.indirect_vreg.gather [hbm4b:s15+s11], $0x80, v11, vm0, $0xb8;
	[tilespmem:$0x1C280] =	vst v63  }
0x1d0: {  	s22 =	simm.s32 $0x1A280  }
0x1d1: {  	[tilespmem:s22], [sflag:$0x4] =	stream.indirect_vreg.gather [hbm4b:s1+s11], $0x80, v10, vm0, $0xb8;
	[tilespmem:$0x1C280] =	vst v63  }
0x1d2: {  	s23 =	simm.s32 $0x1AA80  }
0x1d3: {  	[tilespmem:s23], [sflag:$0x4] =	stream.indirect_vreg.gather [hbm4b:s13+s11], $0x80, v10, vm0, $0xb8;
	[tilespmem:$0x1C280] =	vst v63  }
0x1d4: {  	s24 =	simm.s32 $0x1B280  }
0x1d5: {  	[tilespmem:s24], [sflag:$0x4] =	stream.indirect_vreg.gather [hbm4b:s14+s11], $0x80, v10, vm0, $0xb8;
	[tilespmem:$0x1C280] =	vst v63  }
0x1d6: {  	s17 =	smov.u32 s26;
	s25 =	simm.s32 $0x1BA80;
	s26 =	simm.s32 $0x3  }
0x1d7: {  	[tilespmem:s25], [sflag:$0x4] =	stream.indirect_vreg.gather [hbm4b:s15+s11], $0x80, v10, vm0, $0xb8;
	[tilespmem:$0x1C280] =	vst v63  }
0x1d8: {  	_ =	swait.ge [sflag:s26], $0x4000  }
0x1d9: {  	s30 =	rddreg [dreg:$0x6]  }
0x1da: {  	s7 =	sadd.s32 $0x0, s30  }
0x1db: {  	s21 =	sand.u32 $0x380, s11;
	[sflag:s26] =	ssyncset.done $0x0;
	s19 =	sand.u32 $0xE000, s7  }
0x1dc: {  	[sflag:s26] =	ssyncadd.s32 $0xFFFFC000;
	s20 =	sor.u32 s21, s19  }
0x1dd: {  	v10 =	vld [tilespmem:s20+$0x2B0]  }
0x1de: {  	v11 =	vld [tilespmem:s20+$0x2A0]  }
0x1df: {  	v12 =	vld [tilespmem:s20+$0x290]  }
0x1e0: {  	v13 =	vld [tilespmem:s20+$0x280]  }
0x1e1: {  	v14 =	vld [tilespmem:s20+$0x2C0]  }
0x1e2: {  	s4 =	sand.u32 $0x2000, s11;
	v15 =	vld [tilespmem:s20+$0x2E0]  }
0x1e3: {  	s21 =	sor.u32 s21, s4;
	v16 =	vld [tilespmem:s20+$0x2D0]  }
0x1e4: {  	s19 =	sadd.s32 $0x14280, s21;
	v17 =	vld [tilespmem:s20+$0x2F0]  }
0x1e5: {  	s22 =	sor.u32 $0x10, s19;
	[tilespmem:s21+$0x14280] =	vst.add.f32.msk $0xffff, v13  }
0x1e6: {  	s18 =	sor.u32 $0x20, s19;
	[tilespmem:s22+$0x0] =	vst.add.f32.msk $0xffff, v12  }
0x1e7: {  	s22 =	sor.u32 $0x30, s19;
	[tilespmem:s18+$0x0] =	vst.add.f32.msk $0xffff, v11  }
0x1e8: {  	s23 =	sor.u32 $0x40, s19;
	[tilespmem:s22+$0x0] =	vst.add.f32.msk $0xffff, v10  }
0x1e9: {  	s24 =	sor.u32 $0x50, s19;
	[tilespmem:s23+$0x0] =	vst.add.f32.msk $0xffff, v14  }
0x1ea: {  	s25 =	sor.u32 $0x60, s19;
	[tilespmem:s24+$0x0] =	vst.add.f32.msk $0xffff, v16  }
0x1eb: {  	s26 =	sor.u32 $0x70, s19;
	[tilespmem:s25+$0x0] =	vst.add.f32.msk $0xffff, v15  }
0x1ec: {  	[tilespmem:s26+$0x0] =	vst.add.f32.msk $0xffff, v17  }
0x1ed: {  	v10 =	vld [tilespmem:s20+$0x6E0]  }
0x1ee: {  	v11 =	vld [tilespmem:s20+$0x6F0]  }
0x1ef: {  	v12 =	vld [tilespmem:s20+$0x6D0]  }
0x1f0: {  	v13 =	vld [tilespmem:s20+$0x6A0]  }
0x1f1: {  	v14 =	vld [tilespmem:s20+$0x6B0]  }
0x1f2: {  	v15 =	vld [tilespmem:s20+$0x690]  }
0x1f3: {  	v16 =	vld [tilespmem:s20+$0x6C0]  }
0x1f4: {  	v17 =	vld [tilespmem:s20+$0x680]  }
0x1f5: {  	[tilespmem:s19+$0x470] =	vst.add.f32.msk $0xffff, v11  }
0x1f6: {  	[tilespmem:s19+$0x420] =	vst.add.f32.msk $0xffff, v13  }
0x1f7: {  	[tilespmem:s19+$0x430] =	vst.add.f32.msk $0xffff, v14  }
0x1f8: {  	[tilespmem:s19+$0x410] =	vst.add.f32.msk $0xffff, v15  }
0x1f9: {  	[tilespmem:s19+$0x400] =	vst.add.f32.msk $0xffff, v17  }
0x1fa: {  	[tilespmem:s19+$0x460] =	vst.add.f32.msk $0xffff, v10  }
0x1fb: {  	[tilespmem:s19+$0x440] =	vst.add.f32.msk $0xffff, v16  }
0x1fc: {  	[tilespmem:s19+$0x450] =	vst.add.f32.msk $0xffff, v12  }
0x1fd: {  	v10 =	vld [tilespmem:s20+$0xAB0]  }
0x1fe: {  	v11 =	vld [tilespmem:s20+$0xAA0]  }
0x1ff: {  	v12 =	vld [tilespmem:s20+$0xA90]  }
0x200: {  	v13 =	vld [tilespmem:s20+$0xA80]  }
0x201: {  	v14 =	vld [tilespmem:s20+$0xAC0]  }
0x202: {  	v15 =	vld [tilespmem:s20+$0xAE0]  }
0x203: {  	v16 =	vld [tilespmem:s20+$0xAF0]  }
0x204: {  	s30 =	sor.u32 $0x800, s19;
	v17 =	vld [tilespmem:s20+$0xAD0]  }
0x205: {  	s4 =	sor.u32 $0x810, s19;
	[tilespmem:s30+$0x0] =	vst.add.f32.msk $0xffff, v13  }
0x206: {  	s18 =	sor.u32 $0x820, s19;
	[tilespmem:s4+$0x0] =	vst.add.f32.msk $0xffff, v12  }
0x207: {  	s22 =	sor.u32 $0x830, s19;
	[tilespmem:s18+$0x0] =	vst.add.f32.msk $0xffff, v11  }
0x208: {  	s23 =	sor.u32 $0x840, s19;
	[tilespmem:s22+$0x0] =	vst.add.f32.msk $0xffff, v10  }
0x209: {  	s24 =	sor.u32 $0x850, s19;
	[tilespmem:s23+$0x0] =	vst.add.f32.msk $0xffff, v14  }
0x20a: {  	s25 =	sor.u32 $0x860, s19;
	[tilespmem:s24+$0x0] =	vst.add.f32.msk $0xffff, v17  }
0x20b: {  	s26 =	sor.u32 $0x870, s19;
	[tilespmem:s25+$0x0] =	vst.add.f32.msk $0xffff, v15  }
0x20c: {  	[tilespmem:s26+$0x0] =	vst.add.f32.msk $0xffff, v16  }
0x20d: {  	v10 =	vld [tilespmem:s20+$0xEF0]  }
0x20e: {  	v11 =	vld [tilespmem:s20+$0xEE0]  }
0x20f: {  	v12 =	vld [tilespmem:s20+$0xEB0]  }
0x210: {  	v13 =	vld [tilespmem:s20+$0xE90]  }
0x211: {  	v14 =	vld [tilespmem:s20+$0xEA0]  }
0x212: {  	v15 =	vld [tilespmem:s20+$0xE80]  }
0x213: {  	v16 =	vld [tilespmem:s20+$0xED0]  }
0x214: {  	v17 =	vld [tilespmem:s20+$0xEC0]  }
0x215: {  	[tilespmem:s19+$0xC60] =	vst.add.f32.msk $0xffff, v11  }
0x216: {  	[tilespmem:s19+$0xC10] =	vst.add.f32.msk $0xffff, v13  }
0x217: {  	[tilespmem:s19+$0xC20] =	vst.add.f32.msk $0xffff, v14  }
0x218: {  	[tilespmem:s19+$0xC70] =	vst.add.f32.msk $0xffff, v10  }
0x219: {  	[tilespmem:s19+$0xC30] =	vst.add.f32.msk $0xffff, v12  }
0x21a: {  	[tilespmem:s19+$0xC40] =	vst.add.f32.msk $0xffff, v17  }
0x21b: {  	[tilespmem:s19+$0xC00] =	vst.add.f32.msk $0xffff, v15  }
0x21c: {  	[tilespmem:s19+$0xC50] =	vst.add.f32.msk $0xffff, v16  }
0x21d: {  	v10 =	vld [tilespmem:s20+$0x12B0]  }
0x21e: {  	v11 =	vld [tilespmem:s20+$0x12A0]  }
0x21f: {  	v12 =	vld [tilespmem:s20+$0x1290]  }
0x220: {  	v13 =	vld [tilespmem:s20+$0x1280]  }
0x221: {  	v14 =	vld [tilespmem:s20+$0x12C0]  }
0x222: {  	v15 =	vld [tilespmem:s20+$0x12D0]  }
0x223: {  	v16 =	vld [tilespmem:s20+$0x12E0]  }
0x224: {  	s30 =	sor.u32 $0x1000, s19;
	v17 =	vld [tilespmem:s20+$0x12F0]  }
0x225: {  	s4 =	sor.u32 $0x1010, s19;
	[tilespmem:s30+$0x0] =	vst.add.f32.msk $0xffff, v13  }
0x226: {  	s18 =	sor.u32 $0x1020, s19;
	[tilespmem:s4+$0x0] =	vst.add.f32.msk $0xffff, v12  }
0x227: {  	s22 =	sor.u32 $0x1030, s19;
	[tilespmem:s18+$0x0] =	vst.add.f32.msk $0xffff, v11  }
0x228: {  	s23 =	sor.u32 $0x1040, s19;
	[tilespmem:s22+$0x0] =	vst.add.f32.msk $0xffff, v10  }
0x229: {  	s24 =	sor.u32 $0x1050, s19;
	[tilespmem:s23+$0x0] =	vst.add.f32.msk $0xffff, v14  }
0x22a: {  	s25 =	sor.u32 $0x1060, s19;
	[tilespmem:s24+$0x0] =	vst.add.f32.msk $0xffff, v15  }
0x22b: {  	s26 =	sor.u32 $0x1070, s19;
	[tilespmem:s25+$0x0] =	vst.add.f32.msk $0xffff, v16  }
0x22c: {  	[tilespmem:s26+$0x0] =	vst.add.f32.msk $0xffff, v17  }
0x22d: {  	v10 =	vld [tilespmem:s20+$0x16E0]  }
0x22e: {  	v11 =	vld [tilespmem:s20+$0x16F0]  }
0x22f: {  	v12 =	vld [tilespmem:s20+$0x16D0]  }
0x230: {  	v13 =	vld [tilespmem:s20+$0x16B0]  }
0x231: {  	v14 =	vld [tilespmem:s20+$0x1690]  }
0x232: {  	v15 =	vld [tilespmem:s20+$0x16C0]  }
0x233: {  	v16 =	vld [tilespmem:s20+$0x16A0]  }
0x234: {  	v17 =	vld [tilespmem:s20+$0x1680]  }
0x235: {  	[tilespmem:s19+$0x1430] =	vst.add.f32.msk $0xffff, v13  }
0x236: {  	[tilespmem:s19+$0x1410] =	vst.add.f32.msk $0xffff, v14  }
0x237: {  	[tilespmem:s19+$0x1450] =	vst.add.f32.msk $0xffff, v12  }
0x238: {  	[tilespmem:s19+$0x1460] =	vst.add.f32.msk $0xffff, v10  }
0x239: {  	[tilespmem:s19+$0x1400] =	vst.add.f32.msk $0xffff, v17  }
0x23a: {  	[tilespmem:s19+$0x1440] =	vst.add.f32.msk $0xffff, v15  }
0x23b: {  	[tilespmem:s19+$0x1470] =	vst.add.f32.msk $0xffff, v11  }
0x23c: {  	[tilespmem:s19+$0x1420] =	vst.add.f32.msk $0xffff, v16  }
0x23d: {  	v10 =	vld [tilespmem:s20+$0x1AE0]  }
0x23e: {  	v11 =	vld [tilespmem:s20+$0x1AC0]  }
0x23f: {  	v12 =	vld [tilespmem:s20+$0x1AA0]  }
0x240: {  	v13 =	vld [tilespmem:s20+$0x1A80]  }
0x241: {  	v14 =	vld [tilespmem:s20+$0x1A90]  }
0x242: {  	v15 =	vld [tilespmem:s20+$0x1AB0]  }
0x243: {  	v16 =	vld [tilespmem:s20+$0x1AD0]  }
0x244: {  	s30 =	sor.u32 $0x1800, s19;
	v17 =	vld [tilespmem:s20+$0x1AF0]  }
0x245: {  	s4 =	sor.u32 $0x1810, s19;
	[tilespmem:s30+$0x0] =	vst.add.f32.msk $0xffff, v13  }
0x246: {  	s18 =	sor.u32 $0x1820, s19;
	[tilespmem:s4+$0x0] =	vst.add.f32.msk $0xffff, v14  }
0x247: {  	s21 =	sor.u32 $0x1830, s19;
	[tilespmem:s18+$0x0] =	vst.add.f32.msk $0xffff, v12  }
0x248: {  	s22 =	sor.u32 $0x1840, s19;
	[tilespmem:s21+$0x0] =	vst.add.f32.msk $0xffff, v15  }
0x249: {  	s23 =	simm.s32 $0x0;
	s24 =	sor.u32 $0x1850, s19;
	[tilespmem:s22+$0x0] =	vst.add.f32.msk $0xffff, v11  }
0x24a: {  	s25 =	sor.u32 $0x1860, s19;
	s21 =	sand.u32 $0x380, s23;
	[tilespmem:s24+$0x0] =	vst.add.f32.msk $0xffff, v16  }
0x24b: {  	s19 =	sor.u32 $0x1870, s19;
	s7 =	sadd.s32 s21, s7;
	[tilespmem:s25+$0x0] =	vst.add.f32.msk $0xffff, v10  }
0x24c: {  	s26 =	sor.u32 $0x1C40, s7;
	[tilespmem:s19+$0x0] =	vst.add.f32.msk $0xffff, v17  }
0x24d: {  	s30 =	sor.u32 $0x1C20, s7;
	v10 =	vld [tilespmem:s26+$0x280]  }
0x24e: {  	s4 =	sor.u32 $0x1C50, s7;
	v14 =	vld [tilespmem:s30+$0x280]  }
0x24f: {  	s18 =	sor.u32 $0x1C00, s7;
	v11 =	vld [tilespmem:s4+$0x280]  }
0x250: {  	s22 =	sor.u32 $0x1C10, s7;
	v16 =	vld [tilespmem:s18+$0x280]  }
0x251: {  	s23 =	sor.u32 $0x1C30, s7;
	v17 =	vld [tilespmem:s22+$0x280]  }
0x252: {  	s24 =	sor.u32 $0x1C60, s7;
	v15 =	vld [tilespmem:s23+$0x280]  }
0x253: {  	s21 =	sadd.s32 $0x0, s21;
	s7 =	sor.u32 $0x1C70, s7;
	s19 =	sadd.s32 $0x1, s16;
	v13 =	vld [tilespmem:s24+$0x280]  }
0x254: {  	s25 =	sshll.u32 s19, $0x4;
	v12 =	vld [tilespmem:s7+$0x280];
	s26 =	sor.u32 $0x1C00, s21  }
0x255: {  	s22 =	simm.s32 $0x80;
	s30 =	sor.u32 $0x1C10, s21;
	s24 =	sor.u32 $0x1C30, s21;
	[tilespmem:s26+$0x14280] =	vst.add.f32.msk $0xffff, v16  }
0x256: {  	s7 =	sor.u32 $0x1C20, s21;
	s23 =	simm.s32 $0x0;
	s20 =	sand.u32 $0x30, s25;
	[tilespmem:s30+$0x14280] =	vst.add.f32.msk $0xffff, v17  }
.LBB2_8:
0x257: {  	[tilespmem:s7+$0x14280] =	vst.add.f32.msk $0xffff, v14  }
0x258: {  	s25 =	rddreg [dreg:$0x6];
	s4 =	sor.u32 $0x1C40, s21;
	[tilespmem:s24+$0x14280] =	vst.add.f32.msk $0xffff, v15  }
0x259: {  	s11 =	sadd.s32 $0x400, s11;
	s7 =	smov.u32 s22;
	s18 =	sor.u32 $0x1C50, s21;
	[tilespmem:s4+$0x14280] =	vst.add.f32.msk $0xffff, v10  }
0x25a: {  	s30 =	sor.u32 $0x1C70, s21;
	s21 =	sor.u32 $0x1C60, s21;
	s25 =	sadd.s32 s11, s25;
	[tilespmem:s18+$0x14280] =	vst.add.f32.msk $0xffff, v11  }
0x25b: {  	s24 =	sand.u32 $0xE000, s25;
	s18 =	sand.u32 $0x380, s7;
	[tilespmem:s21+$0x14280] =	vst.add.f32.msk $0xffff, v13  }
0x25c: {  	s7 =	sor.u32 s18, s24;
	[tilespmem:s30+$0x14280] =	vst.add.f32.msk $0xffff, v12  }
0x25d: {  	v10 =	vld [tilespmem:s7+$0x2B0]  }
0x25e: {  	v11 =	vld [tilespmem:s7+$0x2A0]  }
0x25f: {  	v12 =	vld [tilespmem:s7+$0x290]  }
0x260: {  	v13 =	vld [tilespmem:s7+$0x280]  }
0x261: {  	s23 =	sadd.s32 $0x1, s23;
	v14 =	vld [tilespmem:s7+$0x2C0]  }
0x262: {  	s26 =	sshll.u32 s23, $0x7;
	s4 =	sand.u32 $0x2000, s11;
	v15 =	vld [tilespmem:s7+$0x2E0]  }
0x263: {  	s26 =	sand.u32 $0x380, s26;
	s4 =	sor.u32 s18, s4;
	v16 =	vld [tilespmem:s7+$0x2D0]  }
0x264: {  	s25 =	sadd.s32 s26, s25;
	s21 =	sadd.s32 s26, s11;
	s26 =	sadd.s32 $0x14280, s4;
	v17 =	vld [tilespmem:s7+$0x2F0]  }
0x265: {  	s18 =	sor.u32 $0x10, s26;
	[tilespmem:s4+$0x14280] =	vst.add.f32.msk $0xffff, v13  }
0x266: {  	s30 =	sor.u32 $0x20, s26;
	[tilespmem:s18+$0x0] =	vst.add.f32.msk $0xffff, v12  }
0x267: {  	[tilespmem:s30+$0x0] =	vst.add.f32.msk $0xffff, v11;
	s30 =	sor.u32 $0x30, s26  }
0x268: {  	s18 =	sor.u32 $0x40, s26;
	[tilespmem:s30+$0x0] =	vst.add.f32.msk $0xffff, v10  }
0x269: {  	s30 =	sor.u32 $0x50, s26;
	[tilespmem:s18+$0x0] =	vst.add.f32.msk $0xffff, v14  }
0x26a: {  	s18 =	sor.u32 $0x60, s26;
	[tilespmem:s30+$0x0] =	vst.add.f32.msk $0xffff, v16  }
0x26b: {  	s30 =	sor.u32 $0x70, s26;
	[tilespmem:s18+$0x0] =	vst.add.f32.msk $0xffff, v15  }
0x26c: {  	[tilespmem:s30+$0x0] =	vst.add.f32.msk $0xffff, v17  }
0x26d: {  	v10 =	vld [tilespmem:s7+$0x6E0]  }
0x26e: {  	v11 =	vld [tilespmem:s7+$0x6F0]  }
0x26f: {  	v12 =	vld [tilespmem:s7+$0x6D0]  }
0x270: {  	v13 =	vld [tilespmem:s7+$0x6A0]  }
0x271: {  	v14 =	vld [tilespmem:s7+$0x6B0]  }
0x272: {  	v15 =	vld [tilespmem:s7+$0x690]  }
0x273: {  	v16 =	vld [tilespmem:s7+$0x6C0]  }
0x274: {  	v17 =	vld [tilespmem:s7+$0x680]  }
0x275: {  	[tilespmem:s26+$0x470] =	vst.add.f32.msk $0xffff, v11  }
0x276: {  	[tilespmem:s26+$0x420] =	vst.add.f32.msk $0xffff, v13  }
0x277: {  	[tilespmem:s26+$0x430] =	vst.add.f32.msk $0xffff, v14  }
0x278: {  	[tilespmem:s26+$0x410] =	vst.add.f32.msk $0xffff, v15  }
0x279: {  	[tilespmem:s26+$0x400] =	vst.add.f32.msk $0xffff, v17  }
0x27a: {  	[tilespmem:s26+$0x460] =	vst.add.f32.msk $0xffff, v10  }
0x27b: {  	[tilespmem:s26+$0x440] =	vst.add.f32.msk $0xffff, v16  }
0x27c: {  	[tilespmem:s26+$0x450] =	vst.add.f32.msk $0xffff, v12  }
0x27d: {  	v10 =	vld [tilespmem:s7+$0xAB0]  }
0x27e: {  	v11 =	vld [tilespmem:s7+$0xAA0]  }
0x27f: {  	v12 =	vld [tilespmem:s7+$0xA90]  }
0x280: {  	v13 =	vld [tilespmem:s7+$0xA80]  }
0x281: {  	v14 =	vld [tilespmem:s7+$0xAC0]  }
0x282: {  	v15 =	vld [tilespmem:s7+$0xAE0]  }
0x283: {  	v16 =	vld [tilespmem:s7+$0xAF0]  }
0x284: {  	s18 =	sor.u32 $0x800, s26;
	v17 =	vld [tilespmem:s7+$0xAD0]  }
0x285: {  	s30 =	sor.u32 $0x810, s26;
	[tilespmem:s18+$0x0] =	vst.add.f32.msk $0xffff, v13  }
0x286: {  	s18 =	sor.u32 $0x820, s26;
	[tilespmem:s30+$0x0] =	vst.add.f32.msk $0xffff, v12  }
0x287: {  	s30 =	sor.u32 $0x830, s26;
	[tilespmem:s18+$0x0] =	vst.add.f32.msk $0xffff, v11  }
0x288: {  	s18 =	sor.u32 $0x840, s26;
	[tilespmem:s30+$0x0] =	vst.add.f32.msk $0xffff, v10  }
0x289: {  	s30 =	sor.u32 $0x850, s26;
	[tilespmem:s18+$0x0] =	vst.add.f32.msk $0xffff, v14  }
0x28a: {  	s18 =	sor.u32 $0x860, s26;
	[tilespmem:s30+$0x0] =	vst.add.f32.msk $0xffff, v17  }
0x28b: {  	s30 =	sor.u32 $0x870, s26;
	[tilespmem:s18+$0x0] =	vst.add.f32.msk $0xffff, v15  }
0x28c: {  	[tilespmem:s30+$0x0] =	vst.add.f32.msk $0xffff, v16  }
0x28d: {  	v10 =	vld [tilespmem:s7+$0xEF0]  }
0x28e: {  	v11 =	vld [tilespmem:s7+$0xEE0]  }
0x28f: {  	v12 =	vld [tilespmem:s7+$0xEB0]  }
0x290: {  	v13 =	vld [tilespmem:s7+$0xE90]  }
0x291: {  	v14 =	vld [tilespmem:s7+$0xEA0]  }
0x292: {  	v15 =	vld [tilespmem:s7+$0xE80]  }
0x293: {  	v16 =	vld [tilespmem:s7+$0xED0]  }
0x294: {  	v17 =	vld [tilespmem:s7+$0xEC0]  }
0x295: {  	[tilespmem:s26+$0xC60] =	vst.add.f32.msk $0xffff, v11  }
0x296: {  	[tilespmem:s26+$0xC10] =	vst.add.f32.msk $0xffff, v13  }
0x297: {  	[tilespmem:s26+$0xC20] =	vst.add.f32.msk $0xffff, v14  }
0x298: {  	[tilespmem:s26+$0xC70] =	vst.add.f32.msk $0xffff, v10  }
0x299: {  	[tilespmem:s26+$0xC30] =	vst.add.f32.msk $0xffff, v12  }
0x29a: {  	[tilespmem:s26+$0xC40] =	vst.add.f32.msk $0xffff, v17  }
0x29b: {  	[tilespmem:s26+$0xC00] =	vst.add.f32.msk $0xffff, v15  }
0x29c: {  	[tilespmem:s26+$0xC50] =	vst.add.f32.msk $0xffff, v16  }
0x29d: {  	v10 =	vld [tilespmem:s7+$0x12B0]  }
0x29e: {  	v11 =	vld [tilespmem:s7+$0x12A0]  }
0x29f: {  	v12 =	vld [tilespmem:s7+$0x1290]  }
0x2a0: {  	v13 =	vld [tilespmem:s7+$0x1280]  }
0x2a1: {  	v14 =	vld [tilespmem:s7+$0x12C0]  }
0x2a2: {  	v15 =	vld [tilespmem:s7+$0x12D0]  }
0x2a3: {  	v16 =	vld [tilespmem:s7+$0x12E0]  }
0x2a4: {  	s18 =	sor.u32 $0x1000, s26;
	v17 =	vld [tilespmem:s7+$0x12F0]  }
0x2a5: {  	s30 =	sor.u32 $0x1010, s26;
	[tilespmem:s18+$0x0] =	vst.add.f32.msk $0xffff, v13  }
0x2a6: {  	s18 =	sor.u32 $0x1020, s26;
	[tilespmem:s30+$0x0] =	vst.add.f32.msk $0xffff, v12  }
0x2a7: {  	s30 =	sor.u32 $0x1030, s26;
	[tilespmem:s18+$0x0] =	vst.add.f32.msk $0xffff, v11  }
0x2a8: {  	s18 =	sor.u32 $0x1040, s26;
	[tilespmem:s30+$0x0] =	vst.add.f32.msk $0xffff, v10  }
0x2a9: {  	s30 =	sor.u32 $0x1050, s26;
	[tilespmem:s18+$0x0] =	vst.add.f32.msk $0xffff, v14  }
0x2aa: {  	s18 =	sor.u32 $0x1060, s26;
	[tilespmem:s30+$0x0] =	vst.add.f32.msk $0xffff, v15  }
0x2ab: {  	s30 =	sor.u32 $0x1070, s26;
	[tilespmem:s18+$0x0] =	vst.add.f32.msk $0xffff, v16  }
0x2ac: {  	[tilespmem:s30+$0x0] =	vst.add.f32.msk $0xffff, v17  }
0x2ad: {  	v10 =	vld [tilespmem:s7+$0x16E0]  }
0x2ae: {  	v11 =	vld [tilespmem:s7+$0x16F0]  }
0x2af: {  	v12 =	vld [tilespmem:s7+$0x16D0]  }
0x2b0: {  	v13 =	vld [tilespmem:s7+$0x16B0]  }
0x2b1: {  	v14 =	vld [tilespmem:s7+$0x1690]  }
0x2b2: {  	v15 =	vld [tilespmem:s7+$0x16C0]  }
0x2b3: {  	v16 =	vld [tilespmem:s7+$0x16A0]  }
0x2b4: {  	v17 =	vld [tilespmem:s7+$0x1680]  }
0x2b5: {  	[tilespmem:s26+$0x1430] =	vst.add.f32.msk $0xffff, v13  }
0x2b6: {  	[tilespmem:s26+$0x1410] =	vst.add.f32.msk $0xffff, v14  }
0x2b7: {  	[tilespmem:s26+$0x1450] =	vst.add.f32.msk $0xffff, v12  }
0x2b8: {  	[tilespmem:s26+$0x1460] =	vst.add.f32.msk $0xffff, v10  }
0x2b9: {  	[tilespmem:s26+$0x1400] =	vst.add.f32.msk $0xffff, v17  }
0x2ba: {  	[tilespmem:s26+$0x1440] =	vst.add.f32.msk $0xffff, v15  }
0x2bb: {  	[tilespmem:s26+$0x1470] =	vst.add.f32.msk $0xffff, v11  }
0x2bc: {  	[tilespmem:s26+$0x1420] =	vst.add.f32.msk $0xffff, v16  }
0x2bd: {  	v10 =	vld [tilespmem:s7+$0x1AE0]  }
0x2be: {  	v11 =	vld [tilespmem:s7+$0x1AC0]  }
0x2bf: {  	v12 =	vld [tilespmem:s7+$0x1AA0]  }
0x2c0: {  	v13 =	vld [tilespmem:s7+$0x1A80]  }
0x2c1: {  	v14 =	vld [tilespmem:s7+$0x1A90]  }
0x2c2: {  	v15 =	vld [tilespmem:s7+$0x1AB0]  }
0x2c3: {  	v16 =	vld [tilespmem:s7+$0x1AD0]  }
0x2c4: {  	v17 =	vld [tilespmem:s7+$0x1AF0];
	s7 =	sor.u32 $0x1800, s26  }
0x2c5: {  	s18 =	sor.u32 $0x1810, s26;
	[tilespmem:s7+$0x0] =	vst.add.f32.msk $0xffff, v13  }
0x2c6: {  	s30 =	sor.u32 $0x1820, s26;
	[tilespmem:s18+$0x0] =	vst.add.f32.msk $0xffff, v14  }
0x2c7: {  	s7 =	sor.u32 $0x1830, s26;
	[tilespmem:s30+$0x0] =	vst.add.f32.msk $0xffff, v12  }
0x2c8: {  	s18 =	sor.u32 $0x1840, s26;
	[tilespmem:s7+$0x0] =	vst.add.f32.msk $0xffff, v15  }
0x2c9: {  	s30 =	sor.u32 $0x1850, s26;
	[tilespmem:s18+$0x0] =	vst.add.f32.msk $0xffff, v11  }
0x2ca: {  	s7 =	sor.u32 $0x1860, s26;
	[tilespmem:s30+$0x0] =	vst.add.f32.msk $0xffff, v16  }
0x2cb: {  	s18 =	sor.u32 $0x1870, s26;
	[tilespmem:s7+$0x0] =	vst.add.f32.msk $0xffff, v10  }
0x2cc: {  	s26 =	sor.u32 $0x1C40, s25;
	[tilespmem:s18+$0x0] =	vst.add.f32.msk $0xffff, v17  }
0x2cd: {  	s30 =	sor.u32 $0x1C20, s25;
	v10 =	vld [tilespmem:s26+$0x280]  }
0x2ce: {  	s18 =	sor.u32 $0x1C50, s25;
	v14 =	vld [tilespmem:s30+$0x280]  }
0x2cf: {  	s26 =	sor.u32 $0x1C00, s25;
	v11 =	vld [tilespmem:s18+$0x280]  }
0x2d0: {  	s30 =	sor.u32 $0x1C10, s25;
	v16 =	vld [tilespmem:s26+$0x280]  }
0x2d1: {  	p0 =	sne.s32 s22, $0x780;
	s7 =	sor.u32 $0x1C30, s25;
	v17 =	vld [tilespmem:s30+$0x280]  }
.Ltmp5:
0x2d2: {  	v15 =	vld [tilespmem:s7+$0x280];
	s18 =	sor.u32 $0x1C60, s25;
	(pc) =	sbr.rel @p0 .LBB2_8-.Ltmp5, $4  }
0x2d3: {  	s25 =	sor.u32 $0x1C70, s25;
	v13 =	vld [tilespmem:s18+$0x280]  }
0x2d4: {  	v12 =	vld [tilespmem:s25+$0x280];
	s26 =	sor.u32 $0x1C00, s21  }
0x2d5: {  	s30 =	sor.u32 $0x1C10, s21;
	[tilespmem:s26+$0x14280] =	vst.add.f32.msk $0xffff, v16  }
0x2d6: {  	s22 =	sadd.s32 $0x80, s22;
	s24 =	sor.u32 $0x1C30, s21;
	s7 =	sor.u32 $0x1C20, s21;
	[tilespmem:s30+$0x14280] =	vst.add.f32.msk $0xffff, v17  }
0x2d7: {  	[tilespmem:s7+$0x14280] =	vst.add.f32.msk $0xffff, v14  }
0x2d8: {  	s4 =	sor.u32 $0x1C40, s21;
	[tilespmem:s24+$0x14280] =	vst.add.f32.msk $0xffff, v15  }
0x2d9: {  	s11 =	sor.u32 $0x1C50, s21;
	s18 =	sshll.u32 s19, $0x10;
	s19 =	sor.u32 $0x1C60, s21;
	[tilespmem:s4+$0x14280] =	vst.add.f32.msk $0xffff, v10  }
0x2da: {  	s23 =	simm.s32 $0x14280;
	s7 =	sand.u32 $0x3C0000, s18;
	[tilespmem:s11+$0x14280] =	vst.add.f32.msk $0xffff, v11;
	s11 =	sor.u32 s6, s20  }
0x2db: {  	s18 =	sor.u32 $0x1C70, s21;
	s7 =	sadd.s32 s17, s7;
	[tilespmem:s19+$0x14280] =	vst.add.f32.msk $0xffff, v13;
	s22 =	sshll.u32 s11, $0x7  }
0x2dc: {  	s24 =	sadd.s32 $0x3, s16;
	s11 =	simm.s32 $0x0;
	[tilespmem:s18+$0x14280] =	vst.add.f32.msk $0xffff, v12;
	s4 =	sadd.s32 s22, s7  }
0x2dd: {  	[hbm4b:s4+s11] =	stream.linear.scatter [tilespmem:s23], [sflag:$0x6], $0x4000, $0x38;
	[tilespmem:$0x1C280] =	vst v63  }
0x2de: {  	s25 =	sshll.u32 s24, $0x4;
	s4 =	sshll.u32 s24, $0x5;
	_ =	swait.ge [sflag:s10], $0x4000  }
0x2df: {  	s7 =	sand.u32 $0x30, s25;
	s4 =	sand.u32 $0x780, s4;
	[sflag:s10] =	ssyncset.done $0x0  }
0x2e0: {  	s4 =	sor.u32 s4, s7;
	[sflag:s10] =	ssyncadd.s32 $0xFFFFC000  }
0x2e1: {  	v10 =	vld.idx.msk [tilespmem:v9+s4+$0x0 ss:$0x1], $0xffff;
	_ =	sdelay $0x4  }
0x2e2: {  	v11 =	vshll.u32 v10, $0x3  }
0x2e3: {  	v10 =	vand.u32 $0x7, v10;
	v11 =	vand.u32 $0xFFFFFFC0, v11  }
0x2e4: {  	v10 =	vor.u32 v10, v11  }
0x2e5: {  	v11 =	vperm.xlane v10, v1;
	_ =	sdelay $0x1  }
0x2e6: {  	v11 =	vadd.s32 v2, v11;
	_ =	sdelay $0x3  }
0x2e7: {  	s26 =	smov.u32 s17;
	s17 =	simm.s32 $0x10280  }
0x2e8: {  	[tilespmem:s17], [sflag:$0x2] =	stream.indirect_vreg.gather [hbm4b:s1+s11], $0x80, v11, vm0, $0xb8;
	[tilespmem:$0x1C280] =	vst v63  }
0x2e9: {  	s30 =	simm.s32 $0x10A80;
	v10 =	vperm.xlane v10, v3  }
0x2ea: {  	[tilespmem:s30], [sflag:$0x2] =	stream.indirect_vreg.gather [hbm4b:s13+s11], $0x80, v11, vm0, $0xb8;
	[tilespmem:$0x1C280] =	vst v63  }
0x2eb: {  	s7 =	simm.s32 $0x11280;
	v10 =	vadd.s32 v2, v10  }
0x2ec: {  	[tilespmem:s7], [sflag:$0x2] =	stream.indirect_vreg.gather [hbm4b:s14+s11], $0x80, v11, vm0, $0xb8;
	[tilespmem:$0x1C280] =	vst v63  }
0x2ed: {  	s16 =	simm.s32 $0x11A80  }
0x2ee: {  	[tilespmem:s16], [sflag:$0x2] =	stream.indirect_vreg.gather [hbm4b:s15+s11], $0x80, v11, vm0, $0xb8;
	[tilespmem:$0x1C280] =	vst v63  }
0x2ef: {  	s18 =	simm.s32 $0x12280  }
0x2f0: {  	[tilespmem:s18], [sflag:$0x2] =	stream.indirect_vreg.gather [hbm4b:s1+s11], $0x80, v10, vm0, $0xb8;
	[tilespmem:$0x1C280] =	vst v63  }
0x2f1: {  	s19 =	simm.s32 $0x12A80  }
0x2f2: {  	[tilespmem:s19], [sflag:$0x2] =	stream.indirect_vreg.gather [hbm4b:s13+s11], $0x80, v10, vm0, $0xb8;
	[tilespmem:$0x1C280] =	vst v63  }
0x2f3: {  	s20 =	simm.s32 $0x13280  }
0x2f4: {  	[tilespmem:s20], [sflag:$0x2] =	stream.indirect_vreg.gather [hbm4b:s14+s11], $0x80, v10, vm0, $0xb8;
	[tilespmem:$0x1C280] =	vst v63  }
0x2f5: {  	s21 =	simm.s32 $0x13A80  }
0x2f6: {  	[tilespmem:s21], [sflag:$0x2] =	stream.indirect_vreg.gather [hbm4b:s15+s11], $0x80, v10, vm0, $0xb8;
	[tilespmem:$0x1C280] =	vst v63  }
0x2f7: {  	_ =	swait.ge [sflag:s2], $0x4000  }
0x2f8: {  	s22 =	rddreg [dreg:$0x7]  }
0x2f9: {  	s7 =	sadd.s32 $0x0, s22  }
0x2fa: {  	s23 =	sand.u32 $0x380, s11;
	[sflag:s2] =	ssyncset.done $0x0;
	s4 =	sand.u32 $0xE000, s7  }
0x2fb: {  	[sflag:s2] =	ssyncadd.s32 $0xFFFFC000;
	s19 =	sor.u32 s23, s4  }
0x2fc: {  	v10 =	vld [tilespmem:s19+$0x2B0]  }
0x2fd: {  	v11 =	vld [tilespmem:s19+$0x2A0]  }
0x2fe: {  	v12 =	vld [tilespmem:s19+$0x290]  }
0x2ff: {  	v13 =	vld [tilespmem:s19+$0x280]  }
0x300: {  	v14 =	vld [tilespmem:s19+$0x2C0]  }
0x301: {  	s24 =	sand.u32 $0x2000, s11;
	v15 =	vld [tilespmem:s19+$0x2E0]  }
0x302: {  	s4 =	sor.u32 s23, s24;
	v16 =	vld [tilespmem:s19+$0x2D0]  }
0x303: {  	s16 =	sadd.s32 $0x18280, s4;
	v17 =	vld [tilespmem:s19+$0x2F0]  }
0x304: {  	s25 =	sor.u32 $0x10, s16;
	[tilespmem:s4+$0x18280] =	vst.add.f32.msk $0xffff, v13  }
0x305: {  	s30 =	sor.u32 $0x20, s16;
	[tilespmem:s25+$0x0] =	vst.add.f32.msk $0xffff, v12  }
0x306: {  	s20 =	sor.u32 $0x30, s16;
	[tilespmem:s30+$0x0] =	vst.add.f32.msk $0xffff, v11  }
0x307: {  	s21 =	sor.u32 $0x40, s16;
	[tilespmem:s20+$0x0] =	vst.add.f32.msk $0xffff, v10  }
0x308: {  	s22 =	sor.u32 $0x50, s16;
	[tilespmem:s21+$0x0] =	vst.add.f32.msk $0xffff, v14  }
0x309: {  	s23 =	sor.u32 $0x60, s16;
	[tilespmem:s22+$0x0] =	vst.add.f32.msk $0xffff, v16  }
0x30a: {  	s24 =	sor.u32 $0x70, s16;
	[tilespmem:s23+$0x0] =	vst.add.f32.msk $0xffff, v15  }
0x30b: {  	[tilespmem:s24+$0x0] =	vst.add.f32.msk $0xffff, v17  }
0x30c: {  	v10 =	vld [tilespmem:s19+$0x6E0]  }
0x30d: {  	v11 =	vld [tilespmem:s19+$0x6F0]  }
0x30e: {  	v12 =	vld [tilespmem:s19+$0x6D0]  }
0x30f: {  	v13 =	vld [tilespmem:s19+$0x6A0]  }
0x310: {  	v14 =	vld [tilespmem:s19+$0x6B0]  }
0x311: {  	v15 =	vld [tilespmem:s19+$0x690]  }
0x312: {  	v16 =	vld [tilespmem:s19+$0x6C0]  }
0x313: {  	v17 =	vld [tilespmem:s19+$0x680]  }
0x314: {  	[tilespmem:s16+$0x470] =	vst.add.f32.msk $0xffff, v11  }
0x315: {  	[tilespmem:s16+$0x420] =	vst.add.f32.msk $0xffff, v13  }
0x316: {  	[tilespmem:s16+$0x430] =	vst.add.f32.msk $0xffff, v14  }
0x317: {  	[tilespmem:s16+$0x410] =	vst.add.f32.msk $0xffff, v15  }
0x318: {  	[tilespmem:s16+$0x400] =	vst.add.f32.msk $0xffff, v17  }
0x319: {  	[tilespmem:s16+$0x460] =	vst.add.f32.msk $0xffff, v10  }
0x31a: {  	[tilespmem:s16+$0x440] =	vst.add.f32.msk $0xffff, v16  }
0x31b: {  	[tilespmem:s16+$0x450] =	vst.add.f32.msk $0xffff, v12  }
0x31c: {  	v10 =	vld [tilespmem:s19+$0xAB0]  }
0x31d: {  	v11 =	vld [tilespmem:s19+$0xAA0]  }
0x31e: {  	v12 =	vld [tilespmem:s19+$0xA90]  }
0x31f: {  	v13 =	vld [tilespmem:s19+$0xA80]  }
0x320: {  	v14 =	vld [tilespmem:s19+$0xAC0]  }
0x321: {  	v15 =	vld [tilespmem:s19+$0xAE0]  }
0x322: {  	v16 =	vld [tilespmem:s19+$0xAF0]  }
0x323: {  	s25 =	sor.u32 $0x800, s16;
	v17 =	vld [tilespmem:s19+$0xAD0]  }
0x324: {  	s30 =	sor.u32 $0x810, s16;
	[tilespmem:s25+$0x0] =	vst.add.f32.msk $0xffff, v13  }
0x325: {  	s18 =	sor.u32 $0x820, s16;
	[tilespmem:s30+$0x0] =	vst.add.f32.msk $0xffff, v12  }
0x326: {  	s20 =	sor.u32 $0x830, s16;
	[tilespmem:s18+$0x0] =	vst.add.f32.msk $0xffff, v11  }
0x327: {  	s21 =	sor.u32 $0x840, s16;
	[tilespmem:s20+$0x0] =	vst.add.f32.msk $0xffff, v10  }
0x328: {  	s22 =	sor.u32 $0x850, s16;
	[tilespmem:s21+$0x0] =	vst.add.f32.msk $0xffff, v14  }
0x329: {  	s23 =	sor.u32 $0x860, s16;
	[tilespmem:s22+$0x0] =	vst.add.f32.msk $0xffff, v17  }
0x32a: {  	s24 =	sor.u32 $0x870, s16;
	[tilespmem:s23+$0x0] =	vst.add.f32.msk $0xffff, v15  }
0x32b: {  	[tilespmem:s24+$0x0] =	vst.add.f32.msk $0xffff, v16  }
0x32c: {  	v10 =	vld [tilespmem:s19+$0xEF0]  }
0x32d: {  	v11 =	vld [tilespmem:s19+$0xEE0]  }
0x32e: {  	v12 =	vld [tilespmem:s19+$0xEB0]  }
0x32f: {  	v13 =	vld [tilespmem:s19+$0xE90]  }
0x330: {  	v14 =	vld [tilespmem:s19+$0xEA0]  }
0x331: {  	v15 =	vld [tilespmem:s19+$0xE80]  }
0x332: {  	v16 =	vld [tilespmem:s19+$0xED0]  }
0x333: {  	v17 =	vld [tilespmem:s19+$0xEC0]  }
0x334: {  	[tilespmem:s16+$0xC60] =	vst.add.f32.msk $0xffff, v11  }
0x335: {  	[tilespmem:s16+$0xC10] =	vst.add.f32.msk $0xffff, v13  }
0x336: {  	[tilespmem:s16+$0xC20] =	vst.add.f32.msk $0xffff, v14  }
0x337: {  	[tilespmem:s16+$0xC70] =	vst.add.f32.msk $0xffff, v10  }
0x338: {  	[tilespmem:s16+$0xC30] =	vst.add.f32.msk $0xffff, v12  }
0x339: {  	[tilespmem:s16+$0xC40] =	vst.add.f32.msk $0xffff, v17  }
0x33a: {  	[tilespmem:s16+$0xC00] =	vst.add.f32.msk $0xffff, v15  }
0x33b: {  	[tilespmem:s16+$0xC50] =	vst.add.f32.msk $0xffff, v16  }
0x33c: {  	v10 =	vld [tilespmem:s19+$0x12B0]  }
0x33d: {  	v11 =	vld [tilespmem:s19+$0x12A0]  }
0x33e: {  	v12 =	vld [tilespmem:s19+$0x1290]  }
0x33f: {  	v13 =	vld [tilespmem:s19+$0x1280]  }
0x340: {  	v14 =	vld [tilespmem:s19+$0x12C0]  }
0x341: {  	v15 =	vld [tilespmem:s19+$0x12D0]  }
0x342: {  	v16 =	vld [tilespmem:s19+$0x12E0]  }
0x343: {  	s25 =	sor.u32 $0x1000, s16;
	v17 =	vld [tilespmem:s19+$0x12F0]  }
0x344: {  	s30 =	sor.u32 $0x1010, s16;
	[tilespmem:s25+$0x0] =	vst.add.f32.msk $0xffff, v13  }
0x345: {  	s18 =	sor.u32 $0x1020, s16;
	[tilespmem:s30+$0x0] =	vst.add.f32.msk $0xffff, v12  }
0x346: {  	s20 =	sor.u32 $0x1030, s16;
	[tilespmem:s18+$0x0] =	vst.add.f32.msk $0xffff, v11  }
0x347: {  	s21 =	sor.u32 $0x1040, s16;
	[tilespmem:s20+$0x0] =	vst.add.f32.msk $0xffff, v10  }
0x348: {  	s22 =	sor.u32 $0x1050, s16;
	[tilespmem:s21+$0x0] =	vst.add.f32.msk $0xffff, v14  }
0x349: {  	s23 =	sor.u32 $0x1060, s16;
	[tilespmem:s22+$0x0] =	vst.add.f32.msk $0xffff, v15  }
0x34a: {  	s24 =	sor.u32 $0x1070, s16;
	[tilespmem:s23+$0x0] =	vst.add.f32.msk $0xffff, v16  }
0x34b: {  	[tilespmem:s24+$0x0] =	vst.add.f32.msk $0xffff, v17  }
0x34c: {  	v10 =	vld [tilespmem:s19+$0x16E0]  }
0x34d: {  	v11 =	vld [tilespmem:s19+$0x16F0]  }
0x34e: {  	v12 =	vld [tilespmem:s19+$0x16D0]  }
0x34f: {  	v13 =	vld [tilespmem:s19+$0x16B0]  }
0x350: {  	v14 =	vld [tilespmem:s19+$0x1690]  }
0x351: {  	v15 =	vld [tilespmem:s19+$0x16C0]  }
0x352: {  	v16 =	vld [tilespmem:s19+$0x16A0]  }
0x353: {  	v17 =	vld [tilespmem:s19+$0x1680]  }
0x354: {  	[tilespmem:s16+$0x1430] =	vst.add.f32.msk $0xffff, v13  }
0x355: {  	[tilespmem:s16+$0x1410] =	vst.add.f32.msk $0xffff, v14  }
0x356: {  	[tilespmem:s16+$0x1450] =	vst.add.f32.msk $0xffff, v12  }
0x357: {  	[tilespmem:s16+$0x1460] =	vst.add.f32.msk $0xffff, v10  }
0x358: {  	[tilespmem:s16+$0x1400] =	vst.add.f32.msk $0xffff, v17  }
0x359: {  	[tilespmem:s16+$0x1440] =	vst.add.f32.msk $0xffff, v15  }
0x35a: {  	[tilespmem:s16+$0x1470] =	vst.add.f32.msk $0xffff, v11  }
0x35b: {  	[tilespmem:s16+$0x1420] =	vst.add.f32.msk $0xffff, v16  }
0x35c: {  	v10 =	vld [tilespmem:s19+$0x1AE0]  }
0x35d: {  	v11 =	vld [tilespmem:s19+$0x1AC0]  }
0x35e: {  	v12 =	vld [tilespmem:s19+$0x1AA0]  }
0x35f: {  	v13 =	vld [tilespmem:s19+$0x1A80]  }
0x360: {  	v14 =	vld [tilespmem:s19+$0x1A90]  }
0x361: {  	v15 =	vld [tilespmem:s19+$0x1AB0]  }
0x362: {  	v16 =	vld [tilespmem:s19+$0x1AD0]  }
0x363: {  	s25 =	sor.u32 $0x1800, s16;
	v17 =	vld [tilespmem:s19+$0x1AF0]  }
0x364: {  	s30 =	sor.u32 $0x1810, s16;
	[tilespmem:s25+$0x0] =	vst.add.f32.msk $0xffff, v13  }
0x365: {  	s18 =	sor.u32 $0x1820, s16;
	[tilespmem:s30+$0x0] =	vst.add.f32.msk $0xffff, v14  }
0x366: {  	s19 =	sor.u32 $0x1830, s16;
	[tilespmem:s18+$0x0] =	vst.add.f32.msk $0xffff, v12  }
0x367: {  	s20 =	sor.u32 $0x1840, s16;
	[tilespmem:s19+$0x0] =	vst.add.f32.msk $0xffff, v15  }
0x368: {  	s21 =	simm.s32 $0x0;
	s22 =	sor.u32 $0x1850, s16;
	[tilespmem:s20+$0x0] =	vst.add.f32.msk $0xffff, v11  }
0x369: {  	s23 =	sor.u32 $0x1860, s16;
	s18 =	sand.u32 $0x380, s21;
	[tilespmem:s22+$0x0] =	vst.add.f32.msk $0xffff, v16  }
0x36a: {  	s24 =	sor.u32 $0x1870, s16;
	s7 =	sadd.s32 s18, s7;
	[tilespmem:s23+$0x0] =	vst.add.f32.msk $0xffff, v10  }
0x36b: {  	s25 =	sor.u32 $0x1C40, s7;
	[tilespmem:s24+$0x0] =	vst.add.f32.msk $0xffff, v17  }
0x36c: {  	s30 =	sor.u32 $0x1C20, s7;
	v10 =	vld [tilespmem:s25+$0x280]  }
0x36d: {  	s19 =	sor.u32 $0x1C50, s7;
	v14 =	vld [tilespmem:s30+$0x280]  }
0x36e: {  	s20 =	sor.u32 $0x1C00, s7;
	v11 =	vld [tilespmem:s19+$0x280]  }
0x36f: {  	s21 =	sor.u32 $0x1C10, s7;
	v16 =	vld [tilespmem:s20+$0x280]  }
0x370: {  	s22 =	sor.u32 $0x1C30, s7;
	v17 =	vld [tilespmem:s21+$0x280]  }
0x371: {  	s23 =	sor.u32 $0x1C60, s7;
	v15 =	vld [tilespmem:s22+$0x280]  }
0x372: {  	s16 =	sadd.s32 $0x0, s18;
	s24 =	sor.u32 $0x1C70, s7;
	v13 =	vld [tilespmem:s23+$0x280]  }
0x373: {  	v12 =	vld [tilespmem:s24+$0x280];
	s25 =	sor.u32 $0x1C00, s16  }
0x374: {  	s7 =	sor.u32 $0x1C20, s16;
	s30 =	sor.u32 $0x1C10, s16;
	[tilespmem:s25+$0x18280] =	vst.add.f32.msk $0xffff, v16  }
0x375: {  	s19 =	simm.s32 $0x80;
	s21 =	sor.u32 $0x1C30, s16;
	s20 =	simm.s32 $0x0;
	[tilespmem:s30+$0x18280] =	vst.add.f32.msk $0xffff, v17  }
.LBB2_10:
0x376: {  	s4 =	rddreg [dreg:$0x7];
	[tilespmem:s7+$0x18280] =	vst.add.f32.msk $0xffff, v14  }
0x377: {  	s11 =	sadd.s32 $0x400, s11;
	s20 =	sadd.s32 $0x1, s20;
	s18 =	sor.u32 $0x1C40, s16;
	[tilespmem:s21+$0x18280] =	vst.add.f32.msk $0xffff, v15  }
0x378: {  	s24 =	sor.u32 $0x1C50, s16;
	s23 =	sor.u32 $0x1C70, s16;
	s25 =	sor.u32 $0x1C60, s16;
	[tilespmem:s18+$0x18280] =	vst.add.f32.msk $0xffff, v10  }
0x379: {  	s22 =	sshll.u32 s20, $0x7;
	s4 =	sadd.s32 s11, s4;
	s7 =	smov.u32 s19;
	[tilespmem:s24+$0x18280] =	vst.add.f32.msk $0xffff, v11  }
0x37a: {  	s30 =	sand.u32 $0xE000, s4;
	s21 =	sand.u32 $0x380, s22;
	s22 =	sand.u32 $0x380, s7;
	[tilespmem:s25+$0x18280] =	vst.add.f32.msk $0xffff, v13  }
0x37b: {  	s7 =	sor.u32 s22, s30;
	[tilespmem:s23+$0x18280] =	vst.add.f32.msk $0xffff, v12  }
0x37c: {  	v10 =	vld [tilespmem:s7+$0x2B0]  }
0x37d: {  	v11 =	vld [tilespmem:s7+$0x2A0]  }
0x37e: {  	v12 =	vld [tilespmem:s7+$0x290]  }
0x37f: {  	v13 =	vld [tilespmem:s7+$0x280]  }
0x380: {  	v14 =	vld [tilespmem:s7+$0x2C0]  }
0x381: {  	s24 =	sand.u32 $0x2000, s11;
	v15 =	vld [tilespmem:s7+$0x2E0]  }
0x382: {  	s24 =	sor.u32 s22, s24;
	v16 =	vld [tilespmem:s7+$0x2D0]  }
0x383: {  	s23 =	sadd.s32 $0x18280, s24;
	v17 =	vld [tilespmem:s7+$0x2F0]  }
0x384: {  	s25 =	sor.u32 $0x10, s23;
	[tilespmem:s24+$0x18280] =	vst.add.f32.msk $0xffff, v13  }
0x385: {  	s30 =	sor.u32 $0x20, s23;
	[tilespmem:s25+$0x0] =	vst.add.f32.msk $0xffff, v12  }
0x386: {  	s24 =	sor.u32 $0x30, s23;
	[tilespmem:s30+$0x0] =	vst.add.f32.msk $0xffff, v11  }
0x387: {  	s25 =	sor.u32 $0x40, s23;
	[tilespmem:s24+$0x0] =	vst.add.f32.msk $0xffff, v10  }
0x388: {  	s30 =	sor.u32 $0x50, s23;
	[tilespmem:s25+$0x0] =	vst.add.f32.msk $0xffff, v14  }
0x389: {  	s18 =	sor.u32 $0x60, s23;
	[tilespmem:s30+$0x0] =	vst.add.f32.msk $0xffff, v16  }
0x38a: {  	s24 =	sor.u32 $0x70, s23;
	[tilespmem:s18+$0x0] =	vst.add.f32.msk $0xffff, v15  }
0x38b: {  	[tilespmem:s24+$0x0] =	vst.add.f32.msk $0xffff, v17  }
0x38c: {  	v10 =	vld [tilespmem:s7+$0x6E0]  }
0x38d: {  	v11 =	vld [tilespmem:s7+$0x6F0]  }
0x38e: {  	v12 =	vld [tilespmem:s7+$0x6D0]  }
0x38f: {  	v13 =	vld [tilespmem:s7+$0x6A0]  }
0x390: {  	v14 =	vld [tilespmem:s7+$0x6B0]  }
0x391: {  	v15 =	vld [tilespmem:s7+$0x690]  }
0x392: {  	v16 =	vld [tilespmem:s7+$0x6C0]  }
0x393: {  	v17 =	vld [tilespmem:s7+$0x680]  }
0x394: {  	[tilespmem:s23+$0x470] =	vst.add.f32.msk $0xffff, v11  }
0x395: {  	[tilespmem:s23+$0x420] =	vst.add.f32.msk $0xffff, v13  }
0x396: {  	[tilespmem:s23+$0x430] =	vst.add.f32.msk $0xffff, v14  }
0x397: {  	[tilespmem:s23+$0x410] =	vst.add.f32.msk $0xffff, v15  }
0x398: {  	[tilespmem:s23+$0x400] =	vst.add.f32.msk $0xffff, v17  }
0x399: {  	[tilespmem:s23+$0x460] =	vst.add.f32.msk $0xffff, v10  }
0x39a: {  	[tilespmem:s23+$0x440] =	vst.add.f32.msk $0xffff, v16  }
0x39b: {  	[tilespmem:s23+$0x450] =	vst.add.f32.msk $0xffff, v12  }
0x39c: {  	v10 =	vld [tilespmem:s7+$0xAB0]  }
0x39d: {  	v11 =	vld [tilespmem:s7+$0xAA0]  }
0x39e: {  	v12 =	vld [tilespmem:s7+$0xA90]  }
0x39f: {  	v13 =	vld [tilespmem:s7+$0xA80]  }
0x3a0: {  	v14 =	vld [tilespmem:s7+$0xAC0]  }
0x3a1: {  	v15 =	vld [tilespmem:s7+$0xAE0]  }
0x3a2: {  	v16 =	vld [tilespmem:s7+$0xAF0]  }
0x3a3: {  	s25 =	sor.u32 $0x800, s23;
	v17 =	vld [tilespmem:s7+$0xAD0]  }
0x3a4: {  	s30 =	sor.u32 $0x810, s23;
	[tilespmem:s25+$0x0] =	vst.add.f32.msk $0xffff, v13  }
0x3a5: {  	s18 =	sor.u32 $0x820, s23;
	[tilespmem:s30+$0x0] =	vst.add.f32.msk $0xffff, v12  }
0x3a6: {  	s24 =	sor.u32 $0x830, s23;
	[tilespmem:s18+$0x0] =	vst.add.f32.msk $0xffff, v11  }
0x3a7: {  	s25 =	sor.u32 $0x840, s23;
	[tilespmem:s24+$0x0] =	vst.add.f32.msk $0xffff, v10  }
0x3a8: {  	s30 =	sor.u32 $0x850, s23;
	[tilespmem:s25+$0x0] =	vst.add.f32.msk $0xffff, v14  }
0x3a9: {  	s18 =	sor.u32 $0x860, s23;
	[tilespmem:s30+$0x0] =	vst.add.f32.msk $0xffff, v17  }
0x3aa: {  	s24 =	sor.u32 $0x870, s23;
	[tilespmem:s18+$0x0] =	vst.add.f32.msk $0xffff, v15  }
0x3ab: {  	[tilespmem:s24+$0x0] =	vst.add.f32.msk $0xffff, v16  }
0x3ac: {  	v10 =	vld [tilespmem:s7+$0xEF0]  }
0x3ad: {  	v11 =	vld [tilespmem:s7+$0xEE0]  }
0x3ae: {  	v12 =	vld [tilespmem:s7+$0xEB0]  }
0x3af: {  	v13 =	vld [tilespmem:s7+$0xE90]  }
0x3b0: {  	v14 =	vld [tilespmem:s7+$0xEA0]  }
0x3b1: {  	v15 =	vld [tilespmem:s7+$0xE80]  }
0x3b2: {  	v16 =	vld [tilespmem:s7+$0xED0]  }
0x3b3: {  	v17 =	vld [tilespmem:s7+$0xEC0]  }
0x3b4: {  	[tilespmem:s23+$0xC60] =	vst.add.f32.msk $0xffff, v11  }
0x3b5: {  	[tilespmem:s23+$0xC10] =	vst.add.f32.msk $0xffff, v13  }
0x3b6: {  	[tilespmem:s23+$0xC20] =	vst.add.f32.msk $0xffff, v14  }
0x3b7: {  	[tilespmem:s23+$0xC70] =	vst.add.f32.msk $0xffff, v10  }
0x3b8: {  	[tilespmem:s23+$0xC30] =	vst.add.f32.msk $0xffff, v12  }
0x3b9: {  	[tilespmem:s23+$0xC40] =	vst.add.f32.msk $0xffff, v17  }
0x3ba: {  	[tilespmem:s23+$0xC00] =	vst.add.f32.msk $0xffff, v15  }
0x3bb: {  	[tilespmem:s23+$0xC50] =	vst.add.f32.msk $0xffff, v16  }
0x3bc: {  	v10 =	vld [tilespmem:s7+$0x12B0]  }
0x3bd: {  	v11 =	vld [tilespmem:s7+$0x12A0]  }
0x3be: {  	v12 =	vld [tilespmem:s7+$0x1290]  }
0x3bf: {  	v13 =	vld [tilespmem:s7+$0x1280]  }
0x3c0: {  	v14 =	vld [tilespmem:s7+$0x12C0]  }
0x3c1: {  	v15 =	vld [tilespmem:s7+$0x12D0]  }
0x3c2: {  	v16 =	vld [tilespmem:s7+$0x12E0]  }
0x3c3: {  	s25 =	sor.u32 $0x1000, s23;
	v17 =	vld [tilespmem:s7+$0x12F0]  }
0x3c4: {  	s30 =	sor.u32 $0x1010, s23;
	[tilespmem:s25+$0x0] =	vst.add.f32.msk $0xffff, v13  }
0x3c5: {  	s18 =	sor.u32 $0x1020, s23;
	[tilespmem:s30+$0x0] =	vst.add.f32.msk $0xffff, v12  }
0x3c6: {  	s24 =	sor.u32 $0x1030, s23;
	[tilespmem:s18+$0x0] =	vst.add.f32.msk $0xffff, v11  }
0x3c7: {  	s25 =	sor.u32 $0x1040, s23;
	[tilespmem:s24+$0x0] =	vst.add.f32.msk $0xffff, v10  }
0x3c8: {  	s30 =	sor.u32 $0x1050, s23;
	[tilespmem:s25+$0x0] =	vst.add.f32.msk $0xffff, v14  }
0x3c9: {  	s18 =	sor.u32 $0x1060, s23;
	[tilespmem:s30+$0x0] =	vst.add.f32.msk $0xffff, v15  }
0x3ca: {  	s24 =	sor.u32 $0x1070, s23;
	[tilespmem:s18+$0x0] =	vst.add.f32.msk $0xffff, v16  }
0x3cb: {  	[tilespmem:s24+$0x0] =	vst.add.f32.msk $0xffff, v17  }
0x3cc: {  	v10 =	vld [tilespmem:s7+$0x16E0]  }
0x3cd: {  	v11 =	vld [tilespmem:s7+$0x16F0]  }
0x3ce: {  	v12 =	vld [tilespmem:s7+$0x16D0]  }
0x3cf: {  	v13 =	vld [tilespmem:s7+$0x16B0]  }
0x3d0: {  	v14 =	vld [tilespmem:s7+$0x1690]  }
0x3d1: {  	v15 =	vld [tilespmem:s7+$0x16C0]  }
0x3d2: {  	v16 =	vld [tilespmem:s7+$0x16A0]  }
0x3d3: {  	v17 =	vld [tilespmem:s7+$0x1680]  }
0x3d4: {  	[tilespmem:s23+$0x1430] =	vst.add.f32.msk $0xffff, v13  }
0x3d5: {  	[tilespmem:s23+$0x1410] =	vst.add.f32.msk $0xffff, v14  }
0x3d6: {  	[tilespmem:s23+$0x1450] =	vst.add.f32.msk $0xffff, v12  }
0x3d7: {  	[tilespmem:s23+$0x1460] =	vst.add.f32.msk $0xffff, v10  }
0x3d8: {  	[tilespmem:s23+$0x1400] =	vst.add.f32.msk $0xffff, v17  }
0x3d9: {  	[tilespmem:s23+$0x1440] =	vst.add.f32.msk $0xffff, v15  }
0x3da: {  	[tilespmem:s23+$0x1470] =	vst.add.f32.msk $0xffff, v11  }
0x3db: {  	[tilespmem:s23+$0x1420] =	vst.add.f32.msk $0xffff, v16  }
0x3dc: {  	v10 =	vld [tilespmem:s7+$0x1AE0]  }
0x3dd: {  	v11 =	vld [tilespmem:s7+$0x1AC0]  }
0x3de: {  	v12 =	vld [tilespmem:s7+$0x1AA0]  }
0x3df: {  	v13 =	vld [tilespmem:s7+$0x1A80]  }
0x3e0: {  	v14 =	vld [tilespmem:s7+$0x1A90]  }
0x3e1: {  	v15 =	vld [tilespmem:s7+$0x1AB0]  }
0x3e2: {  	v16 =	vld [tilespmem:s7+$0x1AD0]  }
0x3e3: {  	s25 =	sor.u32 $0x1800, s23;
	v17 =	vld [tilespmem:s7+$0x1AF0]  }
0x3e4: {  	s30 =	sor.u32 $0x1810, s23;
	[tilespmem:s25+$0x0] =	vst.add.f32.msk $0xffff, v13  }
0x3e5: {  	s7 =	sor.u32 $0x1820, s23;
	[tilespmem:s30+$0x0] =	vst.add.f32.msk $0xffff, v14  }
0x3e6: {  	s18 =	sor.u32 $0x1830, s23;
	[tilespmem:s7+$0x0] =	vst.add.f32.msk $0xffff, v12  }
0x3e7: {  	s24 =	sor.u32 $0x1840, s23;
	[tilespmem:s18+$0x0] =	vst.add.f32.msk $0xffff, v15  }
0x3e8: {  	s25 =	sor.u32 $0x1850, s23;
	[tilespmem:s24+$0x0] =	vst.add.f32.msk $0xffff, v11  }
0x3e9: {  	s30 =	sor.u32 $0x1860, s23;
	[tilespmem:s25+$0x0] =	vst.add.f32.msk $0xffff, v16  }
0x3ea: {  	s22 =	sadd.s32 s21, s4;
	s7 =	sor.u32 $0x1870, s23;
	[tilespmem:s30+$0x0] =	vst.add.f32.msk $0xffff, v10  }
0x3eb: {  	s18 =	sor.u32 $0x1C40, s22;
	[tilespmem:s7+$0x0] =	vst.add.f32.msk $0xffff, v17  }
0x3ec: {  	s23 =	sor.u32 $0x1C20, s22;
	v10 =	vld [tilespmem:s18+$0x280]  }
0x3ed: {  	s24 =	sor.u32 $0x1C50, s22;
	v14 =	vld [tilespmem:s23+$0x280]  }
0x3ee: {  	s25 =	sor.u32 $0x1C00, s22;
	v11 =	vld [tilespmem:s24+$0x280]  }
0x3ef: {  	s30 =	sor.u32 $0x1C10, s22;
	v16 =	vld [tilespmem:s25+$0x280]  }
0x3f0: {  	p0 =	sne.s32 s19, $0x780;
	v17 =	vld [tilespmem:s30+$0x280];
	s18 =	sor.u32 $0x1C30, s22  }
.Ltmp6:
0x3f1: {  	s23 =	sor.u32 $0x1C60, s22;
	v15 =	vld [tilespmem:s18+$0x280];
	(pc) =	sbr.rel @p0 .LBB2_10-.Ltmp6, $4  }
0x3f2: {  	s16 =	sadd.s32 s21, s11;
	s24 =	sor.u32 $0x1C70, s22;
	v13 =	vld [tilespmem:s23+$0x280]  }
0x3f3: {  	s25 =	sor.u32 $0x1C00, s16;
	v12 =	vld [tilespmem:s24+$0x280]  }
0x3f4: {  	s30 =	sor.u32 $0x1C10, s16;
	[tilespmem:s25+$0x18280] =	vst.add.f32.msk $0xffff, v16  }
0x3f5: {  	s19 =	sadd.s32 $0x80, s19;
	s21 =	sor.u32 $0x1C30, s16;
	s7 =	sor.u32 $0x1C20, s16;
	[tilespmem:s30+$0x18280] =	vst.add.f32.msk $0xffff, v17  }
0x3f6: {  	[tilespmem:s7+$0x18280] =	vst.add.f32.msk $0xffff, v14  }
0x3f7: {  	s4 =	sor.u32 $0x1C40, s16;
	[tilespmem:s21+$0x18280] =	vst.add.f32.msk $0xffff, v15  }
0x3f8: {  	s23 =	sor.u32 $0x1C50, s16;
	s24 =	sor.u32 $0x1C70, s16;
	s11 =	sshll.u32 s12, $0x10;
	[tilespmem:s4+$0x18280] =	vst.add.f32.msk $0xffff, v10  }
0x3f9: {  	s25 =	sor.u32 $0x1C60, s16;
	s28 =	sor.u32 s6, s28;
	s11 =	sand.u32 $0x3C0000, s11;
	[tilespmem:s23+$0x18280] =	vst.add.f32.msk $0xffff, v11  }
0x3fa: {  	p0 =	sgt.u32 s0, $0x3;
	s30 =	sshll.u32 s28, $0x7;
	s11 =	sadd.s32 s26, s11;
	[tilespmem:s25+$0x18280] =	vst.add.f32.msk $0xffff, v13  }
0x3fb: {  	s18 =	simm.s32 $0x18280;
	s7 =	smul.u32 @!p0 $0x180, s0;
	s4 =	sadd.s32 s30, s11;
	[tilespmem:s24+$0x18280] =	vst.add.f32.msk $0xffff, v12  }
0x3fc: {  	[hbm4b:s4+s5] =	stream.linear.scatter [tilespmem:s18], [sflag:$0x7], $0x4000, $0x38;
	[tilespmem:$0x1C280] =	vst v63  }
0x3fd: {  	s7 =	sadd.s32 @!p0 $0x200, s7;
	s4 =	simm.s32 @!p0 $0x6  }
0x3fe: {  	s7 =	sand.u32 @!p0 $0xE00, s7;
	_ =	swait.ge @!p0 [sflag:s4], $0x4000  }
0x3ff: {  	s7 =	sshrl.u32 @!p0 s7, $0x2;
	[sflag:s4] =	ssyncset.done @!p0 $0x0  }
0x400: {  	s3 =	sor.u32 @!p0 s7, s3;
	[sflag:s4] =	ssyncadd.s32 @!p0 $0xFFFFC000  }
0x401: {  	v10 =	vld.idx.msk @!p0 [tilespmem:v9+s3+$0x0 ss:$0x1], $0xffff;
	_ =	sdelay $0x4  }
0x402: {  	v11 =	vshll.u32 @!p0 v10, $0x3  }
0x403: {  	v12 =	vlaneseq.u32 @!p0;
	v10 =	vand.u32 @!p0 $0x7, v10;
	v11 =	vand.u32 @!p0 $0xFFFFFFC0, v11  }
0x404: {  	v13 =	vshrl.u32 @!p0 v12, $0x3;
	v10 =	vor.u32 @!p0 v10, v11;
	v11 =	vand.u32 @!p0 $0x7, v12  }
0x405: {  	v13 =	vmul.u32 @!p0 $0x8, v13;
	v11 =	vperm.xlane @!p0 v10, v11;
	_ =	sdelay $0x1  }
0x406: {  	v11 =	vadd.s32 @!p0 v13, v11;
	_ =	sdelay $0x3  }
0x407: {  	vm1 =	vmmov @!p0 $0xffff;
	s4 =	simm.s32 @!p0 $0x14280;
	s3 =	simm.s32 @!p0 $0x0  }
0x408: {  	v12 =	vor.u32 @!p0 $0x8, v12;
	[tilespmem:s4], [sflag:$0x3] =	stream.indirect_vreg.gather @!p0 [hbm4b:s1+s3], $0x80, v11, vm1, $0xb8;
	[tilespmem:$0x1C280] =	vst v63  }
0x409: {  	v10 =	vperm.xlane @!p0 v10, v12;
	s4 =	simm.s32 @!p0 $0x14A80  }
0x40a: {  	[tilespmem:s4], [sflag:$0x3] =	stream.indirect_vreg.gather @!p0 [hbm4b:s13+s3], $0x80, v11, vm1, $0xb8;
	[tilespmem:$0x1C280] =	vst v63  }
0x40b: {  	v10 =	vadd.s32 @!p0 v13, v10;
	s4 =	simm.s32 @!p0 $0x15280  }
0x40c: {  	[tilespmem:s4], [sflag:$0x3] =	stream.indirect_vreg.gather @!p0 [hbm4b:s14+s3], $0x80, v11, vm1, $0xb8;
	[tilespmem:$0x1C280] =	vst v63  }
0x40d: {  	s4 =	simm.s32 @!p0 $0x15A80  }
0x40e: {  	[tilespmem:s4], [sflag:$0x3] =	stream.indirect_vreg.gather @!p0 [hbm4b:s15+s3], $0x80, v11, vm1, $0xb8;
	[tilespmem:$0x1C280] =	vst v63  }
0x40f: {  	s4 =	simm.s32 @!p0 $0x16280  }
0x410: {  	[tilespmem:s4], [sflag:$0x3] =	stream.indirect_vreg.gather @!p0 [hbm4b:s1+s3], $0x80, v10, vm1, $0xb8;
	[tilespmem:$0x1C280] =	vst v63  }
0x411: {  	s4 =	simm.s32 @!p0 $0x16A80  }
0x412: {  	[tilespmem:s4], [sflag:$0x3] =	stream.indirect_vreg.gather @!p0 [hbm4b:s13+s3], $0x80, v10, vm1, $0xb8;
	[tilespmem:$0x1C280] =	vst v63  }
0x413: {  	s4 =	simm.s32 @!p0 $0x17280  }
0x414: {  	[tilespmem:s4], [sflag:$0x3] =	stream.indirect_vreg.gather @!p0 [hbm4b:s14+s3], $0x80, v10, vm1, $0xb8;
	[tilespmem:$0x1C280] =	vst v63  }
0x415: {  	s0 =	sadd.s32 $0x1, s0;
	s4 =	simm.s32 @!p0 $0x17A80  }
0x416: {  	[tilespmem:s4], [sflag:$0x3] =	stream.indirect_vreg.gather @!p0 [hbm4b:s15+s3], $0x80, v10, vm1, $0xb8;
	[tilespmem:$0x1C280] =	vst v63  }
0x417: {  	p0 =	sne.s32 s0, $0x6  }
.Ltmp7:
0x418: {  	_ = 	snop;
	(pc) =	sbr.rel @p0 .LBB2_2-.Ltmp7, $4  }
.Ltmp8:
0x419: {  	_ = 	snop;
	(pc) =	sbr.rel @!p0 .LBB2_12-.Ltmp8, $4  }
0x41a: {  	_ = 	snop  }
0x41b: {  	_ = 	snop  }
0x41c: {  	s31 =	sadd.s32 $0x3, s31;
	s9 =	sadd.s32 $0x3, s9;
	s8 =	sadd.s32 $0x3, s8  }
0x41d: {  	_ = 	snop  }
.LBB2_13:
0x41e: {  	_ =	sfence.sel $0x180000  }
0x41f: {  	[bflag:$0x0] =	sbarrier.arrive $0xFFFF  }
0x420: {  	_ =	strace $0x90000047  }
0x421: {  	s0 =	stileid.u32;
	[bflag:$0x2] =	sbarrier.arrive $0xFFFF  }
0x422: {  	p0 =	sne.s32 s0, $0x0;
	s0 =	rddreg [dreg:$0x4]  }
0x423: {  	s0 =	sadd.s32 @!p0 $0x100000, s0  }
0x424: {  	[sflag:s0] =	ssyncadd.tile.s32 @!p0 $0x1;
	_ =	shalt  }
.Lfunc_end2:
_tile_overlayer_lowered:
.L_overlay_start_2:
0x425: {  	(tag) =	ssettag $0x2  }
0x426: {  	s0 =	rddreg [dreg:$0x0];
	s2 =	stileid.u32  }
0x427: {  	s1 =	rddreg [dreg:$0x1];
	p0 =	sne.s32 s2, $0x0  }
0x428: {  	s3 =	rddreg [dreg:$0x2];
	[bflag:$0x3] =	sbarrier.arrive $0xFFFF;
	s2 =	simm.s32 @!p0 $0x1C08  }
0x429: {  	[timem:s3], [sflag:s2] =	dma.local @!p0 [hbm:s0], s1  }
0x42a: {  	s0 =	simm.s32 @!p0 $0x8  }
0x42b: {  	_ =	swait.ge @!p0 [sflag:s0], s1  }
0x42c: {  	s1 =	ssub.s32 @!p0 $0x0, s1;
	[sflag:s0] =	ssyncset.done @!p0 $0x0  }
0x42d: {  	[sflag:s0] =	ssyncadd.s32 @!p0 s1  }
0x42e: {  	[bflag:$0x3] =	sbarrier.arrive $0xFFFF  }
0x42f: {  	_ =	shalt  }

</sc_bundles>
